<compile_context>
chip_gen: v7x
topology: tpu7x:2x2x1
jax: 0.10.2.dev20260603
libtpu: 0.0.44.dev20260713+nightly
codegen_flags: <defaults>
</compile_context>

<pallas_src>
import functools
import math

import jax
import jax.numpy as jnp
from jax import lax
from jax.experimental import pallas as pl
from jax.experimental.pallas import tpu as pltpu
from jax.experimental.pallas import tpu_sc as plsc

T = 2048
D = 768
E = 8
K = 2
F = 2048

TILE = 128
NP = T * K + E * TILE
NT = NP // TILE

NWK = 32
CROWS = T // NWK


def _router_body(x_ref, wr_ref, pos1_ref, pos2_ref, p1_ref, p2_ref, te_ref,
                 nu_ref):
    x = x_ref[...]
    wr = wr_ref[...]
    logits = lax.dot_general(x, wr, (((1,), (1,)), ((), ())),
                             preferred_element_type=jnp.float32)
    iota = lax.broadcasted_iota(jnp.int32, (T, E), 1)
    m1 = jnp.max(logits, axis=1, keepdims=True)
    ex = jnp.exp(logits - m1)
    p = ex / jnp.sum(ex, axis=1, keepdims=True)
    a1 = jnp.min(jnp.where(logits == m1, iota, E), axis=1, keepdims=True)
    p1 = jnp.sum(jnp.where(iota == a1, p, 0.0), axis=1, keepdims=True)
    l2 = jnp.where(iota == a1, -jnp.inf, logits)
    m2 = jnp.max(l2, axis=1, keepdims=True)
    a2 = jnp.min(jnp.where(l2 == m2, iota, E), axis=1, keepdims=True)
    p2 = jnp.sum(jnp.where(iota == a2, p, 0.0), axis=1, keepdims=True)
    s = p1 + p2

    oh1 = (iota == a1).astype(jnp.float32)
    oh2 = (iota == a2).astype(jnp.float32)
    cnt1 = jnp.sum(oh1, axis=0, keepdims=True)
    cnt2 = jnp.sum(oh2, axis=0, keepdims=True)
    counts = cnt1 + cnt2
    def excl_prefix(oh):
        pre = oh
        k = 1
        while k < T:
            pre = pre + jnp.concatenate(
                [jnp.zeros((k, E), oh.dtype), pre[:T - k]], axis=0)
            k *= 2
        return pre - oh

    pre1 = excl_prefix(oh1)
    pre2 = excl_prefix(oh2)
    cap = jnp.floor((counts + (TILE - 1)) * (1.0 / TILE)) * TILE
    tri = (lax.broadcasted_iota(jnp.int32, (E, E), 0)
           <= lax.broadcasted_iota(jnp.int32, (E, E), 1)).astype(jnp.float32)
    end_pad = lax.dot_general(cap, tri, (((1,), (0,)), ((), ())),
                              preferred_element_type=jnp.float32)
    start_pad = end_pad - cap
    b1 = jnp.sum(jnp.where(iota == a1, start_pad + pre1, 0.0),
                 axis=1, keepdims=True)
    b2 = jnp.sum(jnp.where(iota == a2, start_pad + cnt1 + pre2, 0.0),
                 axis=1, keepdims=True)
    pos1_ref[...] = b1.astype(jnp.int32).reshape(NWK, CROWS)
    pos2_ref[...] = b2.astype(jnp.int32).reshape(NWK, CROWS)
    p1_ref[...] = jnp.broadcast_to(p1 / s, (T, 16))
    p2_ref[...] = jnp.broadcast_to(p2 / s, (T, 16))
    ts = lax.broadcasted_iota(jnp.int32, (NT, E), 0) * TILE
    te = jnp.sum((ts >= end_pad.astype(jnp.int32)).astype(jnp.int32),
                 axis=1, keepdims=True)
    te_ref[...] = jnp.minimum(te, E - 1)
    lane = lax.broadcasted_iota(jnp.int32, (1, E), 1)
    total = jnp.sum(jnp.where(lane == E - 1, end_pad, 0.0),
                    axis=1, keepdims=True)
    nu_ref[...] = (total * (1.0 / TILE)).astype(jnp.int32)


def _router(x2d, Wr):
    return pl.pallas_call(
        _router_body,
        out_shape=(
            jax.ShapeDtypeStruct((NWK, CROWS), jnp.int32),
            jax.ShapeDtypeStruct((NWK, CROWS), jnp.int32),
            jax.ShapeDtypeStruct((T, 16), jnp.float32),
            jax.ShapeDtypeStruct((T, 16), jnp.float32),
            jax.ShapeDtypeStruct((NT, 1), jnp.int32),
            jax.ShapeDtypeStruct((1, 1), jnp.int32),
        ),
    )(x2d, Wr)


@functools.cache
def _sc_mesh():
    return plsc.VectorSubcoreMesh(core_axis_name="c", subcore_axis_name="s")


@functools.cache
def _sc_dispatch():
    @functools.partial(
        pl.kernel,
        mesh=_sc_mesh(),
        out_type=jax.ShapeDtypeStruct((NP, D), jnp.float32),
        scratch_types=[
            pltpu.VMEM((CROWS,), jnp.int32),
            pltpu.VMEM((CROWS,), jnp.int32),
            pltpu.VMEM((CROWS, D), jnp.float32),
            pltpu.SemaphoreType.DMA,
            pltpu.SemaphoreType.DMA,
            pltpu.SemaphoreType.DMA,
        ],
    )
    def dispatch(x_hbm, pos1_hbm, pos2_hbm, xg_hbm, i1v, i2v, rows_v,
                 s0, s1, s2):
        wid = lax.axis_index("s") * 2 + lax.axis_index("c")
        base = wid * CROWS
        pltpu.sync_copy(pos1_hbm.at[wid], i1v)
        pltpu.sync_copy(pos2_hbm.at[wid], i2v)
        pltpu.async_copy(x_hbm.at[pl.ds(base, CROWS)], rows_v, s0).wait()
        c1 = pltpu.async_copy(rows_v, xg_hbm.at[i1v], s1)
        c2 = pltpu.async_copy(rows_v, xg_hbm.at[i2v], s2)
        c1.wait()
        c2.wait()

    return dispatch


def _ffn_body(te_ref, nu_ref, xg_ref, w1_ref, w2_ref, og_ref, w1b, w2b):
    i = pl.program_id(0)
    active = i < nu_ref[0, 0]
    changed = jnp.logical_and(
        active,
        jnp.logical_or(i == 0,
                       te_ref[i, 0] != te_ref[jnp.maximum(i - 1, 0), 0]))

    @pl.when(changed)
    def _():
        w1b[...] = w1_ref[0].astype(jnp.bfloat16)
        w2b[...] = w2_ref[0].astype(jnp.bfloat16)

    @pl.when(active)
    def _():
        xg = xg_ref[...].astype(jnp.bfloat16)
        h = lax.dot_general(xg, w1b[...], (((1,), (1,)), ((), ())),
                            preferred_element_type=jnp.float32)
        h = 0.5 * h * (1.0 + lax.erf(h * (1.0 / math.sqrt(2.0))))
        og_ref[...] = lax.dot_general(h.astype(jnp.bfloat16), w2b[...],
                                      (((1,), (1,)), ((), ())),
                                      preferred_element_type=jnp.float32)


def _ffn(te, nu, xg, W1, W2):
    grid_spec = pltpu.PrefetchScalarGridSpec(
        num_scalar_prefetch=2,
        grid=(NT,),
        in_specs=[
            pl.BlockSpec((TILE, D), lambda i, te, nu: (i, 0)),
            pl.BlockSpec((1, F, D), lambda i, te, nu: (te[i, 0], 0, 0)),
            pl.BlockSpec((1, D, F), lambda i, te, nu: (te[i, 0], 0, 0)),
        ],
        out_specs=pl.BlockSpec((TILE, D), lambda i, te, nu: (i, 0)),
        scratch_shapes=[
            pltpu.VMEM((F, D), jnp.bfloat16),
            pltpu.VMEM((D, F), jnp.bfloat16),
        ],
    )
    return pl.pallas_call(
        _ffn_body,
        grid_spec=grid_spec,
        out_shape=jax.ShapeDtypeStruct((NP, D), jnp.float32),
    )(te, nu, xg, W1, W2)


@functools.cache
def _sc_combine():
    @functools.partial(
        pl.kernel,
        mesh=_sc_mesh(),
        out_type=jax.ShapeDtypeStruct((T, D), jnp.float32),
        scratch_types=[
            pltpu.VMEM((CROWS,), jnp.int32),
            pltpu.VMEM((CROWS,), jnp.int32),
            pltpu.VMEM((CROWS, 16), jnp.float32),
            pltpu.VMEM((CROWS, 16), jnp.float32),
            pltpu.VMEM((CROWS, D), jnp.float32),
            pltpu.VMEM((CROWS, D), jnp.float32),
            pltpu.SemaphoreType.DMA,
            pltpu.SemaphoreType.DMA,
            pltpu.SemaphoreType.DMA,
        ],
    )
    def combine(og_hbm, i1_hbm, i2_hbm, p1_hbm, p2_hbm, out_hbm,
                i1v, i2v, pv1, pv2, av, bv, sa, sb, sc):
        wid = lax.axis_index("s") * 2 + lax.axis_index("c")
        base = wid * CROWS
        pltpu.sync_copy(i1_hbm.at[wid], i1v)
        pltpu.sync_copy(i2_hbm.at[wid], i2v)
        pltpu.sync_copy(p1_hbm.at[pl.ds(base, CROWS)], pv1)
        pltpu.sync_copy(p2_hbm.at[pl.ds(base, CROWS)], pv2)
        half = CROWS // 2
        c0 = pltpu.async_copy(og_hbm.at[i1v.at[pl.ds(0, half)]],
                              av.at[pl.ds(0, half)], sa)
        c1 = pltpu.async_copy(og_hbm.at[i2v.at[pl.ds(0, half)]],
                              bv.at[pl.ds(0, half)], sb)
        c2 = pltpu.async_copy(og_hbm.at[i1v.at[pl.ds(half, half)]],
                              av.at[pl.ds(half, half)], sa)
        c3 = pltpu.async_copy(og_hbm.at[i2v.at[pl.ds(half, half)]],
                              bv.at[pl.ds(half, half)], sb)

        def fma(lo, hi):
            @plsc.parallel_loop(lo, hi, 1, unroll=4)
            def body(r):
                pa = pv1[r]
                pb = pv2[r]
                for j in range(D // 16):
                    av[r, pl.ds(j * 16, 16)] = (
                        av[r, pl.ds(j * 16, 16)] * pa
                        + bv[r, pl.ds(j * 16, 16)] * pb)

        c0.wait()
        c1.wait()
        fma(0, half)
        p0 = pltpu.async_copy(av.at[pl.ds(0, half)],
                              out_hbm.at[pl.ds(base, half)], sc)
        c2.wait()
        c3.wait()
        fma(half, CROWS)
        pltpu.sync_copy(av.at[pl.ds(half, half)],
                        out_hbm.at[pl.ds(base + half, half)])
        p0.wait()

    return combine


def kernel(x, Wr, W1, W2):
    b, s, d = x.shape
    x2d = x.reshape(T, D)
    pos1, pos2, p1b, p2b, te, nu = _router(x2d, Wr)
    xg = _sc_dispatch()(x2d, pos1, pos2)
    og = _ffn(te, nu, xg, W1, W2)
    out = _sc_combine()(og, pos1, pos2, p1b, p2b)
    return out.reshape(b, s, d)

# --- scband reference (transcript-rebuilt; emitter-appended) ---
"""Pipeline reference for scband-mixture-of-experts-2731599200634 (READ-ONLY COPY).

The authoritative reference and input builder live on the scoring server;
editing this copy changes nothing except your own understanding.
"""

import jax, jax.numpy as jnp
import numpy as np

B, S, D = 1, 2048, 768
E, K, F = 8, 2, 2048

def setup_inputs(seed: int = 0):
    key = jax.random.key(seed)
    k1, k2, k3, k4 = jax.random.split(key, 4)
    x = jax.random.normal(k1, (B, S, D), dtype=jnp.float32)
    Wr = jax.random.normal(k2, (E, D), dtype=jnp.float32) * 0.02
    W1 = jax.random.normal(k3, (E, F, D), dtype=jnp.float32) * 0.02
    W2 = jax.random.normal(k4, (E, D, F), dtype=jnp.float32) * 0.02
    return {"x": x, "Wr": Wr, "W1": W1, "W2": W2}

def reference(x, Wr, W1, W2):
    b, s, d = x.shape
    xf = x.reshape(-1, d)
    # router (nn.Linear, bias=False): logits = x @ Wr.T
    router_logits = xf @ Wr.T
    router_probs = jax.nn.softmax(router_logits, axis=-1)
    top_k_probs, top_k_indices = jax.lax.top_k(router_probs, K)
    top_k_probs = top_k_probs / jnp.sum(top_k_probs, axis=-1, keepdims=True)
    # per-token per-expert combine weight: sum_k where(top_k_indices == e, top_k_probs, 0)
    onehot = jax.nn.one_hot(top_k_indices, E, dtype=xf.dtype)  # [T, K, E]
    w = jnp.einsum('tke,tk->te', onehot, top_k_probs)  # [T, E]
    # dense expert computation (mathematically identical: zero-weight tokens contribute 0)
    # Expert: w2(gelu(w1(x))), torch Linear weights are [out, in]
    h = jnp.einsum('td,efd->tef', xf, W1)  # [T, E, F]
    h = jax.nn.gelu(h, approximate=False)  # torch F.gelu default is exact erf gelu
    o = jnp.einsum('tef,edf->ted', h, W2)  # [T, E, D]
    out = jnp.sum(o * w[:, :, None], axis=1)  # [T, D]
    return out.reshape(b, s, d)

if __name__ == "__main__":
    import jax
    _d = setup_inputs()
    print(jax.jit(kernel)(*tuple(_d.values())))

</pallas_src>

<mosaic_0001>
#map = affine_map<(d0, d1) -> (0, 0)>
module attributes {stable_mosaic.version = 14 : i64} {
  func.func @combine(%arg0: i32, %arg1: i32, %arg2: memref<5120x768xf32, #tpu.memory_space<hbm>>, %arg3: memref<32x64xi32, #tpu.memory_space<hbm>>, %arg4: memref<32x64xi32, #tpu.memory_space<hbm>>, %arg5: memref<2048x16xf32, #tpu.memory_space<hbm>>, %arg6: memref<2048x16xf32, #tpu.memory_space<hbm>>, %arg7: memref<2048x768xf32, #tpu.memory_space<hbm>>, %arg8: memref<64xi32, #tpu.memory_space<vmem>>, %arg9: memref<64xi32, #tpu.memory_space<vmem>>, %arg10: memref<64x16xf32, #tpu.memory_space<vmem>>, %arg11: memref<64x16xf32, #tpu.memory_space<vmem>>, %arg12: memref<64x768xf32, #tpu.memory_space<vmem>>, %arg13: memref<64x768xf32, #tpu.memory_space<vmem>>, %arg14: memref<!tpu.dma_semaphore, #tpu.memory_space<semaphore_mem>>, %arg15: memref<!tpu.dma_semaphore, #tpu.memory_space<semaphore_mem>>, %arg16: memref<!tpu.dma_semaphore, #tpu.memory_space<semaphore_mem>>) attributes {dimension_semantics = [#tpu.dimension_semantics<core_parallel>, #tpu.dimension_semantics<subcore_parallel>], iteration_bounds = array<i64: 2, 16>, scalar_prefetch = 0 : i64, scratch_operands = 9 : i64, tpu.core_type = #tpu.core_type<sc_vector_subcore>, window_params = [{transform_indices = #map}, {transform_indices = #map}, {transform_indices = #map}, {transform_indices = #map}, {transform_indices = #map}, {transform_indices = #map}]} {
    %mul3A = arith.constant 2 : i32
    %mul3A_0 = arith.muli %arg1, %mul3A : i32
    %add3A = arith.addi %mul3A_0, %arg0 : i32
    %mul3A_1 = arith.constant 64 : i32
    %mul3A_2 = arith.muli %add3A, %mul3A_1 : i32
    "tpu.region"() ({
      %run_scoped3A = tpu.sem_alloc : memref<!tpu.dma_semaphore, #tpu.memory_space<semaphore_mem>>
      %dma_start3A_92 = arith.constant 0 : i32
      %dma_start3A_93 = tpu.memref_slice %arg3[%add3A, %dma_start3A_92] : memref<32x64xi32, #tpu.memory_space<hbm>> -> memref<1x64xi32, #tpu.memory_space<hbm>>
      %dma_start3A_94 = tpu.memref_squeeze %dma_start3A_93 : memref<1x64xi32, #tpu.memory_space<hbm>> -> memref<64xi32, #tpu.memory_space<hbm>>
      %dma_start3A_95 = arith.constant 0 : i32
      %dma_start3A_96 = tpu.memref_slice %arg3[%add3A, %dma_start3A_95] : memref<32x64xi32, #tpu.memory_space<hbm>> -> memref<1x64xi32, #tpu.memory_space<hbm>>
      %dma_start3A_97 = tpu.memref_squeeze %dma_start3A_96 : memref<1x64xi32, #tpu.memory_space<hbm>> -> memref<64xi32, #tpu.memory_space<hbm>>
      tpu.enqueue_dma source(%dma_start3A_97 : memref<64xi32, #tpu.memory_space<hbm>>) target(%arg8 : memref<64xi32, #tpu.memory_space<vmem>>) target_semaphore(%run_scoped3A : memref<!tpu.dma_semaphore, #tpu.memory_space<semaphore_mem>>)
      %dma_wait3A_98 = arith.constant 0 : i32
      %dma_wait3A_99 = tpu.memref_slice %arg3[%add3A, %dma_wait3A_98] : memref<32x64xi32, #tpu.memory_space<hbm>> -> memref<1x64xi32, #tpu.memory_space<hbm>>
      %dma_wait3A_100 = tpu.memref_squeeze %dma_wait3A_99 : memref<1x64xi32, #tpu.memory_space<hbm>> -> memref<64xi32, #tpu.memory_space<hbm>>
      %dma_wait3A_101 = arith.constant 0 : i32
      %dma_wait3A_102 = tpu.memref_slice %arg3[%add3A, %dma_wait3A_101] : memref<32x64xi32, #tpu.memory_space<hbm>> -> memref<1x64xi32, #tpu.memory_space<hbm>>
      %dma_wait3A_103 = tpu.memref_squeeze %dma_wait3A_102 : memref<1x64xi32, #tpu.memory_space<hbm>> -> memref<64xi32, #tpu.memory_space<hbm>>
      tpu.wait_dma2 semaphore(%run_scoped3A : memref<!tpu.dma_semaphore, #tpu.memory_space<semaphore_mem>>) src(%dma_wait3A_103 : memref<64xi32, #tpu.memory_space<hbm>>) dst(%arg8 : memref<64xi32, #tpu.memory_space<vmem>>)
      tpu.yield
    }) : () -> ()
    "tpu.region"() ({
      %run_scoped3A = tpu.sem_alloc : memref<!tpu.dma_semaphore, #tpu.memory_space<semaphore_mem>>
      %dma_start3A_92 = arith.constant 0 : i32
      %dma_start3A_93 = tpu.memref_slice %arg4[%add3A, %dma_start3A_92] : memref<32x64xi32, #tpu.memory_space<hbm>> -> memref<1x64xi32, #tpu.memory_space<hbm>>
      %dma_start3A_94 = tpu.memref_squeeze %dma_start3A_93 : memref<1x64xi32, #tpu.memory_space<hbm>> -> memref<64xi32, #tpu.memory_space<hbm>>
      %dma_start3A_95 = arith.constant 0 : i32
      %dma_start3A_96 = tpu.memref_slice %arg4[%add3A, %dma_start3A_95] : memref<32x64xi32, #tpu.memory_space<hbm>> -> memref<1x64xi32, #tpu.memory_space<hbm>>
      %dma_start3A_97 = tpu.memref_squeeze %dma_start3A_96 : memref<1x64xi32, #tpu.memory_space<hbm>> -> memref<64xi32, #tpu.memory_space<hbm>>
      tpu.enqueue_dma source(%dma_start3A_97 : memref<64xi32, #tpu.memory_space<hbm>>) target(%arg9 : memref<64xi32, #tpu.memory_space<vmem>>) target_semaphore(%run_scoped3A : memref<!tpu.dma_semaphore, #tpu.memory_space<semaphore_mem>>)
      %dma_wait3A_98 = arith.constant 0 : i32
      %dma_wait3A_99 = tpu.memref_slice %arg4[%add3A, %dma_wait3A_98] : memref<32x64xi32, #tpu.memory_space<hbm>> -> memref<1x64xi32, #tpu.memory_space<hbm>>
      %dma_wait3A_100 = tpu.memref_squeeze %dma_wait3A_99 : memref<1x64xi32, #tpu.memory_space<hbm>> -> memref<64xi32, #tpu.memory_space<hbm>>
      %dma_wait3A_101 = arith.constant 0 : i32
      %dma_wait3A_102 = tpu.memref_slice %arg4[%add3A, %dma_wait3A_101] : memref<32x64xi32, #tpu.memory_space<hbm>> -> memref<1x64xi32, #tpu.memory_space<hbm>>
      %dma_wait3A_103 = tpu.memref_squeeze %dma_wait3A_102 : memref<1x64xi32, #tpu.memory_space<hbm>> -> memref<64xi32, #tpu.memory_space<hbm>>
      tpu.wait_dma2 semaphore(%run_scoped3A : memref<!tpu.dma_semaphore, #tpu.memory_space<semaphore_mem>>) src(%dma_wait3A_103 : memref<64xi32, #tpu.memory_space<hbm>>) dst(%arg9 : memref<64xi32, #tpu.memory_space<vmem>>)
      tpu.yield
    }) : () -> ()
    "tpu.region"() ({
      %run_scoped3A = tpu.sem_alloc : memref<!tpu.dma_semaphore, #tpu.memory_space<semaphore_mem>>
      %dma_start3A_92 = arith.constant 0 : i32
      %dma_start3A_93 = tpu.memref_slice %arg5[%mul3A_2, %dma_start3A_92] : memref<2048x16xf32, #tpu.memory_space<hbm>> -> memref<64x16xf32, #tpu.memory_space<hbm>>
      %dma_start3A_94 = arith.constant 0 : i32
      %dma_start3A_95 = tpu.memref_slice %arg5[%mul3A_2, %dma_start3A_94] : memref<2048x16xf32, #tpu.memory_space<hbm>> -> memref<64x16xf32, #tpu.memory_space<hbm>>
      tpu.enqueue_dma source(%dma_start3A_95 : memref<64x16xf32, #tpu.memory_space<hbm>>) target(%arg10 : memref<64x16xf32, #tpu.memory_space<vmem>>) target_semaphore(%run_scoped3A : memref<!tpu.dma_semaphore, #tpu.memory_space<semaphore_mem>>)
      %dma_wait3A_96 = arith.constant 0 : i32
      %dma_wait3A_97 = tpu.memref_slice %arg5[%mul3A_2, %dma_wait3A_96] : memref<2048x16xf32, #tpu.memory_space<hbm>> -> memref<64x16xf32, #tpu.memory_space<hbm>>
      %dma_wait3A_98 = arith.constant 0 : i32
      %dma_wait3A_99 = tpu.memref_slice %arg5[%mul3A_2, %dma_wait3A_98] : memref<2048x16xf32, #tpu.memory_space<hbm>> -> memref<64x16xf32, #tpu.memory_space<hbm>>
      tpu.wait_dma2 semaphore(%run_scoped3A : memref<!tpu.dma_semaphore, #tpu.memory_space<semaphore_mem>>) src(%dma_wait3A_99 : memref<64x16xf32, #tpu.memory_space<hbm>>) dst(%arg10 : memref<64x16xf32, #tpu.memory_space<vmem>>)
      tpu.yield
    }) : () -> ()
    "tpu.region"() ({
      %run_scoped3A = tpu.sem_alloc : memref<!tpu.dma_semaphore, #tpu.memory_space<semaphore_mem>>
      %dma_start3A_92 = arith.constant 0 : i32
      %dma_start3A_93 = tpu.memref_slice %arg6[%mul3A_2, %dma_start3A_92] : memref<2048x16xf32, #tpu.memory_space<hbm>> -> memref<64x16xf32, #tpu.memory_space<hbm>>
      %dma_start3A_94 = arith.constant 0 : i32
      %dma_start3A_95 = tpu.memref_slice %arg6[%mul3A_2, %dma_start3A_94] : memref<2048x16xf32, #tpu.memory_space<hbm>> -> memref<64x16xf32, #tpu.memory_space<hbm>>
      tpu.enqueue_dma source(%dma_start3A_95 : memref<64x16xf32, #tpu.memory_space<hbm>>) target(%arg11 : memref<64x16xf32, #tpu.memory_space<vmem>>) target_semaphore(%run_scoped3A : memref<!tpu.dma_semaphore, #tpu.memory_space<semaphore_mem>>)
      %dma_wait3A_96 = arith.constant 0 : i32
      %dma_wait3A_97 = tpu.memref_slice %arg6[%mul3A_2, %dma_wait3A_96] : memref<2048x16xf32, #tpu.memory_space<hbm>> -> memref<64x16xf32, #tpu.memory_space<hbm>>
      %dma_wait3A_98 = arith.constant 0 : i32
      %dma_wait3A_99 = tpu.memref_slice %arg6[%mul3A_2, %dma_wait3A_98] : memref<2048x16xf32, #tpu.memory_space<hbm>> -> memref<64x16xf32, #tpu.memory_space<hbm>>
      tpu.wait_dma2 semaphore(%run_scoped3A : memref<!tpu.dma_semaphore, #tpu.memory_space<semaphore_mem>>) src(%dma_wait3A_99 : memref<64x16xf32, #tpu.memory_space<hbm>>) dst(%arg11 : memref<64x16xf32, #tpu.memory_space<vmem>>)
      tpu.yield
    }) : () -> ()
    %dma_start3A = arith.constant 0 : i32
    %dma_start3A_3 = arith.constant 0 : i32
    %dma_start3A_4 = tpu.memref_slice %arg12[%dma_start3A, %dma_start3A_3] : memref<64x768xf32, #tpu.memory_space<vmem>> -> memref<32x768xf32, #tpu.memory_space<vmem>>
    %dma_start3A_5 = arith.constant 0 : i32
    %dma_start3A_6 = tpu.memref_slice %arg8[%dma_start3A_5] : memref<64xi32, #tpu.memory_space<vmem>> -> memref<32xi32, #tpu.memory_space<vmem>>
    %dma_start3A_7 = arith.constant 0 : i32
    %dma_start3A_8 = arith.constant 0 : i32
    %dma_start3A_9 = tpu.memref_slice %arg2[%dma_start3A_7, %dma_start3A_8] : memref<5120x768xf32, #tpu.memory_space<hbm>> -> memref<5120x768xf32, #tpu.memory_space<hbm>>
    tpu.enqueue_indirect_dma source(%dma_start3A_9 : memref<5120x768xf32, #tpu.memory_space<hbm>>) target(%dma_start3A_4 : memref<32x768xf32, #tpu.memory_space<vmem>>) offsets(%dma_start3A_6 : memref<32xi32, #tpu.memory_space<vmem>>) semaphore(%arg14 : memref<!tpu.dma_semaphore, #tpu.memory_space<semaphore_mem>>)
    %dma_start3A_10 = arith.constant 0 : i32
    %dma_start3A_11 = arith.constant 0 : i32
    %dma_start3A_12 = tpu.memref_slice %arg13[%dma_start3A_10, %dma_start3A_11] : memref<64x768xf32, #tpu.memory_space<vmem>> -> memref<32x768xf32, #tpu.memory_space<vmem>>
    %dma_start3A_13 = arith.constant 0 : i32
    %dma_start3A_14 = tpu.memref_slice %arg9[%dma_start3A_13] : memref<64xi32, #tpu.memory_space<vmem>> -> memref<32xi32, #tpu.memory_space<vmem>>
    %dma_start3A_15 = arith.constant 0 : i32
    %dma_start3A_16 = arith.constant 0 : i32
    %dma_start3A_17 = tpu.memref_slice %arg2[%dma_start3A_15, %dma_start3A_16] : memref<5120x768xf32, #tpu.memory_space<hbm>> -> memref<5120x768xf32, #tpu.memory_space<hbm>>
    tpu.enqueue_indirect_dma source(%dma_start3A_17 : memref<5120x768xf32, #tpu.memory_space<hbm>>) target(%dma_start3A_12 : memref<32x768xf32, #tpu.memory_space<vmem>>) offsets(%dma_start3A_14 : memref<32xi32, #tpu.memory_space<vmem>>) semaphore(%arg15 : memref<!tpu.dma_semaphore, #tpu.memory_space<semaphore_mem>>)
    %dma_start3A_18 = arith.constant 32 : i32
    %dma_start3A_19 = arith.constant 0 : i32
    %dma_start3A_20 = tpu.memref_slice %arg12[%dma_start3A_18, %dma_start3A_19] : memref<64x768xf32, #tpu.memory_space<vmem>> -> memref<32x768xf32, #tpu.memory_space<vmem>>
    %dma_start3A_21 = arith.constant 32 : i32
    %dma_start3A_22 = tpu.memref_slice %arg8[%dma_start3A_21] : memref<64xi32, #tpu.memory_space<vmem>> -> memref<32xi32, #tpu.memory_space<vmem>>
    %dma_start3A_23 = arith.constant 0 : i32
    %dma_start3A_24 = arith.constant 0 : i32
    %dma_start3A_25 = tpu.memref_slice %arg2[%dma_start3A_23, %dma_start3A_24] : memref<5120x768xf32, #tpu.memory_space<hbm>> -> memref<5120x768xf32, #tpu.memory_space<hbm>>
    tpu.enqueue_indirect_dma source(%dma_start3A_25 : memref<5120x768xf32, #tpu.memory_space<hbm>>) target(%dma_start3A_20 : memref<32x768xf32, #tpu.memory_space<vmem>>) offsets(%dma_start3A_22 : memref<32xi32, #tpu.memory_space<vmem>>) semaphore(%arg14 : memref<!tpu.dma_semaphore, #tpu.memory_space<semaphore_mem>>)
    %dma_start3A_26 = arith.constant 32 : i32
    %dma_start3A_27 = arith.constant 0 : i32
    %dma_start3A_28 = tpu.memref_slice %arg13[%dma_start3A_26, %dma_start3A_27] : memref<64x768xf32, #tpu.memory_space<vmem>> -> memref<32x768xf32, #tpu.memory_space<vmem>>
    %dma_start3A_29 = arith.constant 32 : i32
    %dma_start3A_30 = tpu.memref_slice %arg9[%dma_start3A_29] : memref<64xi32, #tpu.memory_space<vmem>> -> memref<32xi32, #tpu.memory_space<vmem>>
    %dma_start3A_31 = arith.constant 0 : i32
    %dma_start3A_32 = arith.constant 0 : i32
    %dma_start3A_33 = tpu.memref_slice %arg2[%dma_start3A_31, %dma_start3A_32] : memref<5120x768xf32, #tpu.memory_space<hbm>> -> memref<5120x768xf32, #tpu.memory_space<hbm>>
    tpu.enqueue_indirect_dma source(%dma_start3A_33 : memref<5120x768xf32, #tpu.memory_space<hbm>>) target(%dma_start3A_28 : memref<32x768xf32, #tpu.memory_space<vmem>>) offsets(%dma_start3A_30 : memref<32xi32, #tpu.memory_space<vmem>>) semaphore(%arg15 : memref<!tpu.dma_semaphore, #tpu.memory_space<semaphore_mem>>)
    %dma_wait3A = arith.constant 0 : i32
    %dma_wait3A_34 = arith.constant 0 : i32
    %dma_wait3A_35 = tpu.memref_slice %arg12[%dma_wait3A, %dma_wait3A_34] : memref<64x768xf32, #tpu.memory_space<vmem>> -> memref<32x768xf32, #tpu.memory_space<vmem>>
    %dma_wait3A_36 = arith.constant 0 : i32
    %dma_wait3A_37 = tpu.memref_slice %arg8[%dma_wait3A_36] : memref<64xi32, #tpu.memory_space<vmem>> -> memref<32xi32, #tpu.memory_space<vmem>>
    %dma_wait3A_38 = arith.constant 0 : i32
    %dma_wait3A_39 = arith.constant 0 : i32
    %dma_wait3A_40 = tpu.memref_slice %arg2[%dma_wait3A_38, %dma_wait3A_39] : memref<5120x768xf32, #tpu.memory_space<hbm>> -> memref<5120x768xf32, #tpu.memory_space<hbm>>
    tpu.wait_indirect_dma semaphore(%arg14 : memref<!tpu.dma_semaphore, #tpu.memory_space<semaphore_mem>>) src(%dma_wait3A_40 : memref<5120x768xf32, #tpu.memory_space<hbm>>) dst(%dma_wait3A_35 : memref<32x768xf32, #tpu.memory_space<vmem>>)
    %dma_wait3A_41 = arith.constant 0 : i32
    %dma_wait3A_42 = arith.constant 0 : i32
    %dma_wait3A_43 = tpu.memref_slice %arg13[%dma_wait3A_41, %dma_wait3A_42] : memref<64x768xf32, #tpu.memory_space<vmem>> -> memref<32x768xf32, #tpu.memory_space<vmem>>
    %dma_wait3A_44 = arith.constant 0 : i32
    %dma_wait3A_45 = tpu.memref_slice %arg9[%dma_wait3A_44] : memref<64xi32, #tpu.memory_space<vmem>> -> memref<32xi32, #tpu.memory_space<vmem>>
    %dma_wait3A_46 = arith.constant 0 : i32
    %dma_wait3A_47 = arith.constant 0 : i32
    %dma_wait3A_48 = tpu.memref_slice %arg2[%dma_wait3A_46, %dma_wait3A_47] : memref<5120x768xf32, #tpu.memory_space<hbm>> -> memref<5120x768xf32, #tpu.memory_space<hbm>>
    tpu.wait_indirect_dma semaphore(%arg15 : memref<!tpu.dma_semaphore, #tpu.memory_space<semaphore_mem>>) src(%dma_wait3A_48 : memref<5120x768xf32, #tpu.memory_space<hbm>>) dst(%dma_wait3A_43 : memref<32x768xf32, #tpu.memory_space<vmem>>)
    %parallel_loop3A = arith.constant 0 : i32
    %parallel_loop3A_49 = arith.constant 32 : i32
    %parallel_loop3A_50 = arith.constant 1 : i32
    scf.for %parallel_loop3A_92 = %parallel_loop3A to %parallel_loop3A_49 step %parallel_loop3A_50  : i32 {
      %parallel_loop3A_93 = arith.index_cast %parallel_loop3A_92 : i32 to index
      %parallel_loop3A_94 = arith.constant 0 : index
      %parallel_loop3A_95 = tpu.vector_load %arg10[%parallel_loop3A_93, %parallel_loop3A_94] {strides = array<i32>} : memref<64x16xf32, #tpu.memory_space<vmem>>, vector<1x16xf32>,
      %parallel_loop3A_96 = vector.shape_cast %parallel_loop3A_95 : vector<1x16xf32> to vector<16xf32>
      %parallel_loop3A_97 = arith.index_cast %parallel_loop3A_92 : i32 to index
      %parallel_loop3A_98 = arith.constant 0 : index
      %parallel_loop3A_99 = tpu.vector_load %arg11[%parallel_loop3A_97, %parallel_loop3A_98] {strides = array<i32>} : memref<64x16xf32, #tpu.memory_space<vmem>>, vector<1x16xf32>,
      %parallel_loop3A_100 = vector.shape_cast %parallel_loop3A_99 : vector<1x16xf32> to vector<16xf32>
      %parallel_loop3A_101 = arith.index_cast %parallel_loop3A_92 : i32 to index
      %parallel_loop3A_102 = arith.constant 0 : index
      %parallel_loop3A_103 = tpu.vector_load %arg12[%parallel_loop3A_101, %parallel_loop3A_102] {strides = array<i32>} : memref<64x768xf32, #tpu.memory_space<vmem>>, vector<1x16xf32>,
      %parallel_loop3A_104 = vector.shape_cast %parallel_loop3A_103 : vector<1x16xf32> to vector<16xf32>
      %parallel_loop3A_105 = arith.mulf %parallel_loop3A_104, %parallel_loop3A_96 : vector<16xf32>
      %parallel_loop3A_106 = arith.index_cast %parallel_loop3A_92 : i32 to index
      %parallel_loop3A_107 = arith.constant 0 : index
      %parallel_loop3A_108 = tpu.vector_load %arg13[%parallel_loop3A_106, %parallel_loop3A_107] {strides = array<i32>} : memref<64x768xf32, #tpu.memory_space<vmem>>, vector<1x16xf32>,
      %parallel_loop3A_109 = vector.shape_cast %parallel_loop3A_108 : vector<1x16xf32> to vector<16xf32>
      %parallel_loop3A_110 = arith.mulf %parallel_loop3A_109, %parallel_loop3A_100 : vector<16xf32>
      %parallel_loop3A_111 = arith.addf %parallel_loop3A_105, %parallel_loop3A_110 : vector<16xf32>
      %parallel_loop3A_112 = arith.index_cast %parallel_loop3A_92 : i32 to index
      %parallel_loop3A_113 = arith.constant 0 : index
      %parallel_loop3A_114 = tpu.vector_load %arg12[%parallel_loop3A_112, %parallel_loop3A_113] {strides = array<i32>} : memref<64x768xf32, #tpu.memory_space<vmem>>, vector<1x16xf32>,
      %parallel_loop3A_115 = vector.shape_cast %parallel_loop3A_114 : vector<1x16xf32> to vector<16xf32>
      %parallel_loop3A_116 = vector.shape_cast %parallel_loop3A_111 : vector<16xf32> to vector<1x16xf32>
      tpu.vector_store %arg12[%parallel_loop3A_112, %parallel_loop3A_113], %parallel_loop3A_116 {strides = array<i32>} : memref<64x768xf32, #tpu.memory_space<vmem>>, vector<1x16xf32>,
      %parallel_loop3A_117 = arith.index_cast %parallel_loop3A_92 : i32 to index
      %parallel_loop3A_118 = arith.constant 16 : index
      %parallel_loop3A_119 = tpu.vector_load %arg12[%parallel_loop3A_117, %parallel_loop3A_118] {strides = array<i32>} : memref<64x768xf32, #tpu.memory_space<vmem>>, vector<1x16xf32>,
      %parallel_loop3A_120 = vector.shape_cast %parallel_loop3A_119 : vector<1x16xf32> to vector<16xf32>
      %parallel_loop3A_121 = arith.mulf %parallel_loop3A_120, %parallel_loop3A_96 : vector<16xf32>
      %parallel_loop3A_122 = arith.index_cast %parallel_loop3A_92 : i32 to index
      %parallel_loop3A_123 = arith.constant 16 : index
      %parallel_loop3A_124 = tpu.vector_load %arg13[%parallel_loop3A_122, %parallel_loop3A_123] {strides = array<i32>} : memref<64x768xf32, #tpu.memory_space<vmem>>, vector<1x16xf32>,
      %parallel_loop3A_125 = vector.shape_cast %parallel_loop3A_124 : vector<1x16xf32> to vector<16xf32>
      %parallel_loop3A_126 = arith.mulf %parallel_loop3A_125, %parallel_loop3A_100 : vector<16xf32>
      %parallel_loop3A_127 = arith.addf %parallel_loop3A_121, %parallel_loop3A_126 : vector<16xf32>
      %parallel_loop3A_128 = arith.index_cast %parallel_loop3A_92 : i32 to index
      %parallel_loop3A_129 = arith.constant 16 : index
      %parallel_loop3A_130 = tpu.vector_load %arg12[%parallel_loop3A_128, %parallel_loop3A_129] {strides = array<i32>} : memref<64x768xf32, #tpu.memory_space<vmem>>, vector<1x16xf32>,
      %parallel_loop3A_131 = vector.shape_cast %parallel_loop3A_130 : vector<1x16xf32> to vector<16xf32>
      %parallel_loop3A_132 = vector.shape_cast %parallel_loop3A_127 : vector<16xf32> to vector<1x16xf32>
      tpu.vector_store %arg12[%parallel_loop3A_128, %parallel_loop3A_129], %parallel_loop3A_132 {strides = array<i32>} : memref<64x768xf32, #tpu.memory_space<vmem>>, vector<1x16xf32>,
      %parallel_loop3A_133 = arith.index_cast %parallel_loop3A_92 : i32 to index
      %parallel_loop3A_134 = arith.constant 32 : index
      %parallel_loop3A_135 = tpu.vector_load %arg12[%parallel_loop3A_133, %parallel_loop3A_134] {strides = array<i32>} : memref<64x768xf32, #tpu.memory_space<vmem>>, vector<1x16xf32>,
      %parallel_loop3A_136 = vector.shape_cast %parallel_loop3A_135 : vector<1x16xf32> to vector<16xf32>
      %parallel_loop3A_137 = arith.mulf %parallel_loop3A_136, %parallel_loop3A_96 : vector<16xf32>
      %parallel_loop3A_138 = arith.index_cast %parallel_loop3A_92 : i32 to index
      %parallel_loop3A_139 = arith.constant 32 : index
      %parallel_loop3A_140 = tpu.vector_load %arg13[%parallel_loop3A_138, %parallel_loop3A_139] {strides = array<i32>} : memref<64x768xf32, #tpu.memory_space<vmem>>, vector<1x16xf32>,
      %parallel_loop3A_141 = vector.shape_cast %parallel_loop3A_140 : vector<1x16xf32> to vector<16xf32>
      %parallel_loop3A_142 = arith.mulf %parallel_loop3A_141, %parallel_loop3A_100 : vector<16xf32>
      %parallel_loop3A_143 = arith.addf %parallel_loop3A_137, %parallel_loop3A_142 : vector<16xf32>
      %parallel_loop3A_144 = arith.index_cast %parallel_loop3A_92 : i32 to index
      %parallel_loop3A_145 = arith.constant 32 : index
      %parallel_loop3A_146 = tpu.vector_load %arg12[%parallel_loop3A_144, %parallel_loop3A_145] {strides = array<i32>} : memref<64x768xf32, #tpu.memory_space<vmem>>, vector<1x16xf32>,
      %parallel_loop3A_147 = vector.shape_cast %parallel_loop3A_146 : vector<1x16xf32> to vector<16xf32>
      %parallel_loop3A_148 = vector.shape_cast %parallel_loop3A_143 : vector<16xf32> to vector<1x16xf32>
      tpu.vector_store %arg12[%parallel_loop3A_144, %parallel_loop3A_145], %parallel_loop3A_148 {strides = array<i32>} : memref<64x768xf32, #tpu.memory_space<vmem>>, vector<1x16xf32>,
      %parallel_loop3A_149 = arith.index_cast %parallel_loop3A_92 : i32 to index
      %parallel_loop3A_150 = arith.constant 48 : index
      %parallel_loop3A_151 = tpu.vector_load %arg12[%parallel_loop3A_149, %parallel_loop3A_150] {strides = array<i32>} : memref<64x768xf32, #tpu.memory_space<vmem>>, vector<1x16xf32>,
      %parallel_loop3A_152 = vector.shape_cast %parallel_loop3A_151 : vector<1x16xf32> to vector<16xf32>
      %parallel_loop3A_153 = arith.mulf %parallel_loop3A_152, %parallel_loop3A_96 : vector<16xf32>
      %parallel_loop3A_154 = arith.index_cast %parallel_loop3A_92 : i32 to index
      %parallel_loop3A_155 = arith.constant 48 : index
      %parallel_loop3A_156 = tpu.vector_load %arg13[%parallel_loop3A_154, %parallel_loop3A_155] {strides = array<i32>} : memref<64x768xf32, #tpu.memory_space<vmem>>, vector<1x16xf32>,
      %parallel_loop3A_157 = vector.shape_cast %parallel_loop3A_156 : vector<1x16xf32> to vector<16xf32>
      %parallel_loop3A_158 = arith.mulf %parallel_loop3A_157, %parallel_loop3A_100 : vector<16xf32>
      %parallel_loop3A_159 = arith.addf %parallel_loop3A_153, %parallel_loop3A_158 : vector<16xf32>
      %parallel_loop3A_160 = arith.index_cast %parallel_loop3A_92 : i32 to index
      %parallel_loop3A_161 = arith.constant 48 : index
      %parallel_loop3A_162 = tpu.vector_load %arg12[%parallel_loop3A_160, %parallel_loop3A_161] {strides = array<i32>} : memref<64x768xf32, #tpu.memory_space<vmem>>, vector<1x16xf32>,
      %parallel_loop3A_163 = vector.shape_cast %parallel_loop3A_162 : vector<1x16xf32> to vector<16xf32>
      %parallel_loop3A_164 = vector.shape_cast %parallel_loop3A_159 : vector<16xf32> to vector<1x16xf32>
      tpu.vector_store %arg12[%parallel_loop3A_160, %parallel_loop3A_161], %parallel_loop3A_164 {strides = array<i32>} : memref<64x768xf32, #tpu.memory_space<vmem>>, vector<1x16xf32>,
      %parallel_loop3A_165 = arith.index_cast %parallel_loop3A_92 : i32 to index
      %parallel_loop3A_166 = arith.constant 64 : index
      %parallel_loop3A_167 = tpu.vector_load %arg12[%parallel_loop3A_165, %parallel_loop3A_166] {strides = array<i32>} : memref<64x768xf32, #tpu.memory_space<vmem>>, vector<1x16xf32>,
      %parallel_loop3A_168 = vector.shape_cast %parallel_loop3A_167 : vector<1x16xf32> to vector<16xf32>
      %parallel_loop3A_169 = arith.mulf %parallel_loop3A_168, %parallel_loop3A_96 : vector<16xf32>
      %parallel_loop3A_170 = arith.index_cast %parallel_loop3A_92 : i32 to index
      %parallel_loop3A_171 = arith.constant 64 : index
      %parallel_loop3A_172 = tpu.vector_load %arg13[%parallel_loop3A_170, %parallel_loop3A_171] {strides = array<i32>} : memref<64x768xf32, #tpu.memory_space<vmem>>, vector<1x16xf32>,
      %parallel_loop3A_173 = vector.shape_cast %parallel_loop3A_172 : vector<1x16xf32> to vector<16xf32>
      %parallel_loop3A_174 = arith.mulf %parallel_loop3A_173, %parallel_loop3A_100 : vector<16xf32>
      %parallel_loop3A_175 = arith.addf %parallel_loop3A_169, %parallel_loop3A_174 : vector<16xf32>
      %parallel_loop3A_176 = arith.index_cast %parallel_loop3A_92 : i32 to index
      %parallel_loop3A_177 = arith.constant 64 : index
      %parallel_loop3A_178 = tpu.vector_load %arg12[%parallel_loop3A_176, %parallel_loop3A_177] {strides = array<i32>} : memref<64x768xf32, #tpu.memory_space<vmem>>, vector<1x16xf32>,
      %parallel_loop3A_179 = vector.shape_cast %parallel_loop3A_178 : vector<1x16xf32> to vector<16xf32>
      %parallel_loop3A_180 = vector.shape_cast %parallel_loop3A_175 : vector<16xf32> to vector<1x16xf32>
      tpu.vector_store %arg12[%parallel_loop3A_176, %parallel_loop3A_177], %parallel_loop3A_180 {strides = array<i32>} : memref<64x768xf32, #tpu.memory_space<vmem>>, vector<1x16xf32>,
      %parallel_loop3A_181 = arith.index_cast %parallel_loop3A_92 : i32 to index
      %parallel_loop3A_182 = arith.constant 80 : index
      %parallel_loop3A_183 = tpu.vector_load %arg12[%parallel_loop3A_181, %parallel_loop3A_182] {strides = array<i32>} : memref<64x768xf32, #tpu.memory_space<vmem>>, vector<1x16xf32>,
      %parallel_loop3A_184 = vector.shape_cast %parallel_loop3A_183 : vector<1x16xf32> to vector<16xf32>
      %parallel_loop3A_185 = arith.mulf %parallel_loop3A_184, %parallel_loop3A_96 : vector<16xf32>
      %parallel_loop3A_186 = arith.index_cast %parallel_loop3A_92 : i32 to index
      %parallel_loop3A_187 = arith.constant 80 : index
      %parallel_loop3A_188 = tpu.vector_load %arg13[%parallel_loop3A_186, %parallel_loop3A_187] {strides = array<i32>} : memref<64x768xf32, #tpu.memory_space<vmem>>, vector<1x16xf32>,
      %parallel_loop3A_189 = vector.shape_cast %parallel_loop3A_188 : vector<1x16xf32> to vector<16xf32>
      %parallel_loop3A_190 = arith.mulf %parallel_loop3A_189, %parallel_loop3A_100 : vector<16xf32>
      %parallel_loop3A_191 = arith.addf %parallel_loop3A_185, %parallel_loop3A_190 : vector<16xf32>
      %parallel_loop3A_192 = arith.index_cast %parallel_loop3A_92 : i32 to index
      %parallel_loop3A_193 = arith.constant 80 : index
      %parallel_loop3A_194 = tpu.vector_load %arg12[%parallel_loop3A_192, %parallel_loop3A_193] {strides = array<i32>} : memref<64x768xf32, #tpu.memory_space<vmem>>, vector<1x16xf32>,
      %parallel_loop3A_195 = vector.shape_cast %parallel_loop3A_194 : vector<1x16xf32> to vector<16xf32>
      %parallel_loop3A_196 = vector.shape_cast %parallel_loop3A_191 : vector<16xf32> to vector<1x16xf32>
      tpu.vector_store %arg12[%parallel_loop3A_192, %parallel_loop3A_193], %parallel_loop3A_196 {strides = array<i32>} : memref<64x768xf32, #tpu.memory_space<vmem>>, vector<1x16xf32>,
      %parallel_loop3A_197 = arith.index_cast %parallel_loop3A_92 : i32 to index
      %parallel_loop3A_198 = arith.constant 96 : index
      %parallel_loop3A_199 = tpu.vector_load %arg12[%parallel_loop3A_197, %parallel_loop3A_198] {strides = array<i32>} : memref<64x768xf32, #tpu.memory_space<vmem>>, vector<1x16xf32>,
      %parallel_loop3A_200 = vector.shape_cast %parallel_loop3A_199 : vector<1x16xf32> to vector<16xf32>
      %parallel_loop3A_201 = arith.mulf %parallel_loop3A_200, %parallel_loop3A_96 : vector<16xf32>
      %parallel_loop3A_202 = arith.index_cast %parallel_loop3A_92 : i32 to index
      %parallel_loop3A_203 = arith.constant 96 : index
      %parallel_loop3A_204 = tpu.vector_load %arg13[%parallel_loop3A_202, %parallel_loop3A_203] {strides = array<i32>} : memref<64x768xf32, #tpu.memory_space<vmem>>, vector<1x16xf32>,
      %parallel_loop3A_205 = vector.shape_cast %parallel_loop3A_204 : vector<1x16xf32> to vector<16xf32>
      %parallel_loop3A_206 = arith.mulf %parallel_loop3A_205, %parallel_loop3A_100 : vector<16xf32>
      %parallel_loop3A_207 = arith.addf %parallel_loop3A_201, %parallel_loop3A_206 : vector<16xf32>
      %parallel_loop3A_208 = arith.index_cast %parallel_loop3A_92 : i32 to index
      %parallel_loop3A_209 = arith.constant 96 : index
      %parallel_loop3A_210 = tpu.vector_load %arg12[%parallel_loop3A_208, %parallel_loop3A_209] {strides = array<i32>} : memref<64x768xf32, #tpu.memory_space<vmem>>, vector<1x16xf32>,
      %parallel_loop3A_211 = vector.shape_cast %parallel_loop3A_210 : vector<1x16xf32> to vector<16xf32>
      %parallel_loop3A_212 = vector.shape_cast %parallel_loop3A_207 : vector<16xf32> to vector<1x16xf32>
      tpu.vector_store %arg12[%parallel_loop3A_208, %parallel_loop3A_209], %parallel_loop3A_212 {strides = array<i32>} : memref<64x768xf32, #tpu.memory_space<vmem>>, vector<1x16xf32>,
      %parallel_loop3A_213 = arith.index_cast %parallel_loop3A_92 : i32 to index
      %parallel_loop3A_214 = arith.constant 112 : index
      %parallel_loop3A_215 = tpu.vector_load %arg12[%parallel_loop3A_213, %parallel_loop3A_214] {strides = array<i32>} : memref<64x768xf32, #tpu.memory_space<vmem>>, vector<1x16xf32>,
      %parallel_loop3A_216 = vector.shape_cast %parallel_loop3A_215 : vector<1x16xf32> to vector<16xf32>
      %parallel_loop3A_217 = arith.mulf %parallel_loop3A_216, %parallel_loop3A_96 : vector<16xf32>
      %parallel_loop3A_218 = arith.index_cast %parallel_loop3A_92 : i32 to index
      %parallel_loop3A_219 = arith.constant 112 : index
      %parallel_loop3A_220 = tpu.vector_load %arg13[%parallel_loop3A_218, %parallel_loop3A_219] {strides = array<i32>} : memref<64x768xf32, #tpu.memory_space<vmem>>, vector<1x16xf32>,
      %parallel_loop3A_221 = vector.shape_cast %parallel_loop3A_220 : vector<1x16xf32> to vector<16xf32>
      %parallel_loop3A_222 = arith.mulf %parallel_loop3A_221, %parallel_loop3A_100 : vector<16xf32>
      %parallel_loop3A_223 = arith.addf %parallel_loop3A_217, %parallel_loop3A_222 : vector<16xf32>
      %parallel_loop3A_224 = arith.index_cast %parallel_loop3A_92 : i32 to index
      %parallel_loop3A_225 = arith.constant 112 : index
      %parallel_loop3A_226 = tpu.vector_load %arg12[%parallel_loop3A_224, %parallel_loop3A_225] {strides = array<i32>} : memref<64x768xf32, #tpu.memory_space<vmem>>, vector<1x16xf32>,
      %parallel_loop3A_227 = vector.shape_cast %parallel_loop3A_226 : vector<1x16xf32> to vector<16xf32>
      %parallel_loop3A_228 = vector.shape_cast %parallel_loop3A_223 : vector<16xf32> to vector<1x16xf32>
      tpu.vector_store %arg12[%parallel_loop3A_224, %parallel_loop3A_225], %parallel_loop3A_228 {strides = array<i32>} : memref<64x768xf32, #tpu.memory_space<vmem>>, vector<1x16xf32>,
      %parallel_loop3A_229 = arith.index_cast %parallel_loop3A_92 : i32 to index
      %parallel_loop3A_230 = arith.constant 128 : index
      %parallel_loop3A_231 = tpu.vector_load %arg12[%parallel_loop3A_229, %parallel_loop3A_230] {strides = array<i32>} : memref<64x768xf32, #tpu.memory_space<vmem>>, vector<1x16xf32>,
      %parallel_loop3A_232 = vector.shape_cast %parallel_loop3A_231 : vector<1x16xf32> to vector<16xf32>
      %parallel_loop3A_233 = arith.mulf %parallel_loop3A_232, %parallel_loop3A_96 : vector<16xf32>
      %parallel_loop3A_234 = arith.index_cast %parallel_loop3A_92 : i32 to index
      %parallel_loop3A_235 = arith.constant 128 : index
      %parallel_loop3A_236 = tpu.vector_load %arg13[%parallel_loop3A_234, %parallel_loop3A_235] {strides = array<i32>} : memref<64x768xf32, #tpu.memory_space<vmem>>, vector<1x16xf32>,
      %parallel_loop3A_237 = vector.shape_cast %parallel_loop3A_236 : vector<1x16xf32> to vector<16xf32>
      %parallel_loop3A_238 = arith.mulf %parallel_loop3A_237, %parallel_loop3A_100 : vector<16xf32>
      %parallel_loop3A_239 = arith.addf %parallel_loop3A_233, %parallel_loop3A_238 : vector<16xf32>
      %parallel_loop3A_240 = arith.index_cast %parallel_loop3A_92 : i32 to index
      %parallel_loop3A_241 = arith.constant 128 : index
      %parallel_loop3A_242 = tpu.vector_load %arg12[%parallel_loop3A_240, %parallel_loop3A_241] {strides = array<i32>} : memref<64x768xf32, #tpu.memory_space<vmem>>, vector<1x16xf32>,
      %parallel_loop3A_243 = vector.shape_cast %parallel_loop3A_242 : vector<1x16xf32> to vector<16xf32>
      %parallel_loop3A_244 = vector.shape_cast %parallel_loop3A_239 : vector<16xf32> to vector<1x16xf32>
      tpu.vector_store %arg12[%parallel_loop3A_240, %parallel_loop3A_241], %parallel_loop3A_244 {strides = array<i32>} : memref<64x768xf32, #tpu.memory_space<vmem>>, vector<1x16xf32>,
      %parallel_loop3A_245 = arith.index_cast %parallel_loop3A_92 : i32 to index
      %parallel_loop3A_246 = arith.constant 144 : index
      %parallel_loop3A_247 = tpu.vector_load %arg12[%parallel_loop3A_245, %parallel_loop3A_246] {strides = array<i32>} : memref<64x768xf32, #tpu.memory_space<vmem>>, vector<1x16xf32>,
      %parallel_loop3A_248 = vector.shape_cast %parallel_loop3A_247 : vector<1x16xf32> to vector<16xf32>
      %parallel_loop3A_249 = arith.mulf %parallel_loop3A_248, %parallel_loop3A_96 : vector<16xf32>
      %parallel_loop3A_250 = arith.index_cast %parallel_loop3A_92 : i32 to index
      %parallel_loop3A_251 = arith.constant 144 : index
      %parallel_loop3A_252 = tpu.vector_load %arg13[%parallel_loop3A_250, %parallel_loop3A_251] {strides = array<i32>} : memref<64x768xf32, #tpu.memory_space<vmem>>, vector<1x16xf32>,
      %parallel_loop3A_253 = vector.shape_cast %parallel_loop3A_252 : vector<1x16xf32> to vector<16xf32>
      %parallel_loop3A_254 = arith.mulf %parallel_loop3A_253, %parallel_loop3A_100 : vector<16xf32>
      %parallel_loop3A_255 = arith.addf %parallel_loop3A_249, %parallel_loop3A_254 : vector<16xf32>
      %parallel_loop3A_256 = arith.index_cast %parallel_loop3A_92 : i32 to index
      %parallel_loop3A_257 = arith.constant 144 : index
      %parallel_loop3A_258 = tpu.vector_load %arg12[%parallel_loop3A_256, %parallel_loop3A_257] {strides = array<i32>} : memref<64x768xf32, #tpu.memory_space<vmem>>, vector<1x16xf32>,
      %parallel_loop3A_259 = vector.shape_cast %parallel_loop3A_258 : vector<1x16xf32> to vector<16xf32>
      %parallel_loop3A_260 = vector.shape_cast %parallel_loop3A_255 : vector<16xf32> to vector<1x16xf32>
      tpu.vector_store %arg12[%parallel_loop3A_256, %parallel_loop3A_257], %parallel_loop3A_260 {strides = array<i32>} : memref<64x768xf32, #tpu.memory_space<vmem>>, vector<1x16xf32>,
      %parallel_loop3A_261 = arith.index_cast %parallel_loop3A_92 : i32 to index
      %parallel_loop3A_262 = arith.constant 160 : index
      %parallel_loop3A_263 = tpu.vector_load %arg12[%parallel_loop3A_261, %parallel_loop3A_262] {strides = array<i32>} : memref<64x768xf32, #tpu.memory_space<vmem>>, vector<1x16xf32>,
      %parallel_loop3A_264 = vector.shape_cast %parallel_loop3A_263 : vector<1x16xf32> to vector<16xf32>
      %parallel_loop3A_265 = arith.mulf %parallel_loop3A_264, %parallel_loop3A_96 : vector<16xf32>
      %parallel_loop3A_266 = arith.index_cast %parallel_loop3A_92 : i32 to index
      %parallel_loop3A_267 = arith.constant 160 : index
      %parallel_loop3A_268 = tpu.vector_load %arg13[%parallel_loop3A_266, %parallel_loop3A_267] {strides = array<i32>} : memref<64x768xf32, #tpu.memory_space<vmem>>, vector<1x16xf32>,
      %parallel_loop3A_269 = vector.shape_cast %parallel_loop3A_268 : vector<1x16xf32> to vector<16xf32>
      %parallel_loop3A_270 = arith.mulf %parallel_loop3A_269, %parallel_loop3A_100 : vector<16xf32>
      %parallel_loop3A_271 = arith.addf %parallel_loop3A_265, %parallel_loop3A_270 : vector<16xf32>
      %parallel_loop3A_272 = arith.index_cast %parallel_loop3A_92 : i32 to index
      %parallel_loop3A_273 = arith.constant 160 : index
      %parallel_loop3A_274 = tpu.vector_load %arg12[%parallel_loop3A_272, %parallel_loop3A_273] {strides = array<i32>} : memref<64x768xf32, #tpu.memory_space<vmem>>, vector<1x16xf32>,
      %parallel_loop3A_275 = vector.shape_cast %parallel_loop3A_274 : vector<1x16xf32> to vector<16xf32>
      %parallel_loop3A_276 = vector.shape_cast %parallel_loop3A_271 : vector<16xf32> to vector<1x16xf32>
      tpu.vector_store %arg12[%parallel_loop3A_272, %parallel_loop3A_273], %parallel_loop3A_276 {strides = array<i32>} : memref<64x768xf32, #tpu.memory_space<vmem>>, vector<1x16xf32>,
      %parallel_loop3A_277 = arith.index_cast %parallel_loop3A_92 : i32 to index
      %parallel_loop3A_278 = arith.constant 176 : index
      %parallel_loop3A_279 = tpu.vector_load %arg12[%parallel_loop3A_277, %parallel_loop3A_278] {strides = array<i32>} : memref<64x768xf32, #tpu.memory_space<vmem>>, vector<1x16xf32>,
      %parallel_loop3A_280 = vector.shape_cast %parallel_loop3A_279 : vector<1x16xf32> to vector<16xf32>
      %parallel_loop3A_281 = arith.mulf %parallel_loop3A_280, %parallel_loop3A_96 : vector<16xf32>
      %parallel_loop3A_282 = arith.index_cast %parallel_loop3A_92 : i32 to index
      %parallel_loop3A_283 = arith.constant 176 : index
      %parallel_loop3A_284 = tpu.vector_load %arg13[%parallel_loop3A_282, %parallel_loop3A_283] {strides = array<i32>} : memref<64x768xf32, #tpu.memory_space<vmem>>, vector<1x16xf32>,
      %parallel_loop3A_285 = vector.shape_cast %parallel_loop3A_284 : vector<1x16xf32> to vector<16xf32>
      %parallel_loop3A_286 = arith.mulf %parallel_loop3A_285, %parallel_loop3A_100 : vector<16xf32>
      %parallel_loop3A_287 = arith.addf %parallel_loop3A_281, %parallel_loop3A_286 : vector<16xf32>
      %parallel_loop3A_288 = arith.index_cast %parallel_loop3A_92 : i32 to index
      %parallel_loop3A_289 = arith.constant 176 : index
      %parallel_loop3A_290 = tpu.vector_load %arg12[%parallel_loop3A_288, %parallel_loop3A_289] {strides = array<i32>} : memref<64x768xf32, #tpu.memory_space<vmem>>, vector<1x16xf32>,
      %parallel_loop3A_291 = vector.shape_cast %parallel_loop3A_290 : vector<1x16xf32> to vector<16xf32>
      %parallel_loop3A_292 = vector.shape_cast %parallel_loop3A_287 : vector<16xf32> to vector<1x16xf32>
      tpu.vector_store %arg12[%parallel_loop3A_288, %parallel_loop3A_289], %parallel_loop3A_292 {strides = array<i32>} : memref<64x768xf32, #tpu.memory_space<vmem>>, vector<1x16xf32>,
      %parallel_loop3A_293 = arith.index_cast %parallel_loop3A_92 : i32 to index
      %parallel_loop3A_294 = arith.constant 192 : index
      %parallel_loop3A_295 = tpu.vector_load %arg12[%parallel_loop3A_293, %parallel_loop3A_294] {strides = array<i32>} : memref<64x768xf32, #tpu.memory_space<vmem>>, vector<1x16xf32>,
      %parallel_loop3A_296 = vector.shape_cast %parallel_loop3A_295 : vector<1x16xf32> to vector<16xf32>
      %parallel_loop3A_297 = arith.mulf %parallel_loop3A_296, %parallel_loop3A_96 : vector<16xf32>
      %parallel_loop3A_298 = arith.index_cast %parallel_loop3A_92 : i32 to index
      %parallel_loop3A_299 = arith.constant 192 : index
      %parallel_loop3A_300 = tpu.vector_load %arg13[%parallel_loop3A_298, %parallel_loop3A_299] {strides = array<i32>} : memref<64x768xf32, #tpu.memory_space<vmem>>, vector<1x16xf32>,
      %parallel_loop3A_301 = vector.shape_cast %parallel_loop3A_300 : vector<1x16xf32> to vector<16xf32>
      %parallel_loop3A_302 = arith.mulf %parallel_loop3A_301, %parallel_loop3A_100 : vector<16xf32>
      %parallel_loop3A_303 = arith.addf %parallel_loop3A_297, %parallel_loop3A_302 : vector<16xf32>
      %parallel_loop3A_304 = arith.index_cast %parallel_loop3A_92 : i32 to index
      %parallel_loop3A_305 = arith.constant 192 : index
      %parallel_loop3A_306 = tpu.vector_load %arg12[%parallel_loop3A_304, %parallel_loop3A_305] {strides = array<i32>} : memref<64x768xf32, #tpu.memory_space<vmem>>, vector<1x16xf32>,
      %parallel_loop3A_307 = vector.shape_cast %parallel_loop3A_306 : vector<1x16xf32> to vector<16xf32>
      %parallel_loop3A_308 = vector.shape_cast %parallel_loop3A_303 : vector<16xf32> to vector<1x16xf32>
      tpu.vector_store %arg12[%parallel_loop3A_304, %parallel_loop3A_305], %parallel_loop3A_308 {strides = array<i32>} : memref<64x768xf32, #tpu.memory_space<vmem>>, vector<1x16xf32>,
      %parallel_loop3A_309 = arith.index_cast %parallel_loop3A_92 : i32 to index
      %parallel_loop3A_310 = arith.constant 208 : index
      %parallel_loop3A_311 = tpu.vector_load %arg12[%parallel_loop3A_309, %parallel_loop3A_310] {strides = array<i32>} : memref<64x768xf32, #tpu.memory_space<vmem>>, vector<1x16xf32>,
      %parallel_loop3A_312 = vector.shape_cast %parallel_loop3A_311 : vector<1x16xf32> to vector<16xf32>
      %parallel_loop3A_313 = arith.mulf %parallel_loop3A_312, %parallel_loop3A_96 : vector<16xf32>
      %parallel_loop3A_314 = arith.index_cast %parallel_loop3A_92 : i32 to index
      %parallel_loop3A_315 = arith.constant 208 : index
      %parallel_loop3A_316 = tpu.vector_load %arg13[%parallel_loop3A_314, %parallel_loop3A_315] {strides = array<i32>} : memref<64x768xf32, #tpu.memory_space<vmem>>, vector<1x16xf32>,
      %parallel_loop3A_317 = vector.shape_cast %parallel_loop3A_316 : vector<1x16xf32> to vector<16xf32>
      %parallel_loop3A_318 = arith.mulf %parallel_loop3A_317, %parallel_loop3A_100 : vector<16xf32>
      %parallel_loop3A_319 = arith.addf %parallel_loop3A_313, %parallel_loop3A_318 : vector<16xf32>
      %parallel_loop3A_320 = arith.index_cast %parallel_loop3A_92 : i32 to index
      %parallel_loop3A_321 = arith.constant 208 : index
      %parallel_loop3A_322 = tpu.vector_load %arg12[%parallel_loop3A_320, %parallel_loop3A_321] {strides = array<i32>} : memref<64x768xf32, #tpu.memory_space<vmem>>, vector<1x16xf32>,
      %parallel_loop3A_323 = vector.shape_cast %parallel_loop3A_322 : vector<1x16xf32> to vector<16xf32>
      %parallel_loop3A_324 = vector.shape_cast %parallel_loop3A_319 : vector<16xf32> to vector<1x16xf32>
      tpu.vector_store %arg12[%parallel_loop3A_320, %parallel_loop3A_321], %parallel_loop3A_324 {strides = array<i32>} : memref<64x768xf32, #tpu.memory_space<vmem>>, vector<1x16xf32>,
      %parallel_loop3A_325 = arith.index_cast %parallel_loop3A_92 : i32 to index
      %parallel_loop3A_326 = arith.constant 224 : index
      %parallel_loop3A_327 = tpu.vector_load %arg12[%parallel_loop3A_325, %parallel_loop3A_326] {strides = array<i32>} : memref<64x768xf32, #tpu.memory_space<vmem>>, vector<1x16xf32>,
      %parallel_loop3A_328 = vector.shape_cast %parallel_loop3A_327 : vector<1x16xf32> to vector<16xf32>
      %parallel_loop3A_329 = arith.mulf %parallel_loop3A_328, %parallel_loop3A_96 : vector<16xf32>
      %parallel_loop3A_330 = arith.index_cast %parallel_loop3A_92 : i32 to index
      %parallel_loop3A_331 = arith.constant 224 : index
      %parallel_loop3A_332 = tpu.vector_load %arg13[%parallel_loop3A_330, %parallel_loop3A_331] {strides = array<i32>} : memref<64x768xf32, #tpu.memory_space<vmem>>, vector<1x16xf32>,
      %parallel_loop3A_333 = vector.shape_cast %parallel_loop3A_332 : vector<1x16xf32> to vector<16xf32>
      %parallel_loop3A_334 = arith.mulf %parallel_loop3A_333, %parallel_loop3A_100 : vector<16xf32>
      %parallel_loop3A_335 = arith.addf %parallel_loop3A_329, %parallel_loop3A_334 : vector<16xf32>
      %parallel_loop3A_336 = arith.index_cast %parallel_loop3A_92 : i32 to index
      %parallel_loop3A_337 = arith.constant 224 : index
      %parallel_loop3A_338 = tpu.vector_load %arg12[%parallel_loop3A_336, %parallel_loop3A_337] {strides = array<i32>} : memref<64x768xf32, #tpu.memory_space<vmem>>, vector<1x16xf32>,
      %parallel_loop3A_339 = vector.shape_cast %parallel_loop3A_338 : vector<1x16xf32> to vector<16xf32>
      %parallel_loop3A_340 = vector.shape_cast %parallel_loop3A_335 : vector<16xf32> to vector<1x16xf32>
      tpu.vector_store %arg12[%parallel_loop3A_336, %parallel_loop3A_337], %parallel_loop3A_340 {strides = array<i32>} : memref<64x768xf32, #tpu.memory_space<vmem>>, vector<1x16xf32>,
      %parallel_loop3A_341 = arith.index_cast %parallel_loop3A_92 : i32 to index
      %parallel_loop3A_342 = arith.constant 240 : index
      %parallel_loop3A_343 = tpu.vector_load %arg12[%parallel_loop3A_341, %parallel_loop3A_342] {strides = array<i32>} : memref<64x768xf32, #tpu.memory_space<vmem>>, vector<1x16xf32>,
      %parallel_loop3A_344 = vector.shape_cast %parallel_loop3A_343 : vector<1x16xf32> to vector<16xf32>
      %parallel_loop3A_345 = arith.mulf %parallel_loop3A_344, %parallel_loop3A_96 : vector<16xf32>
      %parallel_loop3A_346 = arith.index_cast %parallel_loop3A_92 : i32 to index
      %parallel_loop3A_347 = arith.constant 240 : index
      %parallel_loop3A_348 = tpu.vector_load %arg13[%parallel_loop3A_346, %parallel_loop3A_347] {strides = array<i32>} : memref<64x768xf32, #tpu.memory_space<vmem>>, vector<1x16xf32>,
      %parallel_loop3A_349 = vector.shape_cast %parallel_loop3A_348 : vector<1x16xf32> to vector<16xf32>
      %parallel_loop3A_350 = arith.mulf %parallel_loop3A_349, %parallel_loop3A_100 : vector<16xf32>
      %parallel_loop3A_351 = arith.addf %parallel_loop3A_345, %parallel_loop3A_350 : vector<16xf32>
      %parallel_loop3A_352 = arith.index_cast %parallel_loop3A_92 : i32 to index
      %parallel_loop3A_353 = arith.constant 240 : index
      %parallel_loop3A_354 = tpu.vector_load %arg12[%parallel_loop3A_352, %parallel_loop3A_353] {strides = array<i32>} : memref<64x768xf32, #tpu.memory_space<vmem>>, vector<1x16xf32>,
      %parallel_loop3A_355 = vector.shape_cast %parallel_loop3A_354 : vector<1x16xf32> to vector<16xf32>
      %parallel_loop3A_356 = vector.shape_cast %parallel_loop3A_351 : vector<16xf32> to vector<1x16xf32>
      tpu.vector_store %arg12[%parallel_loop3A_352, %parallel_loop3A_353], %parallel_loop3A_356 {strides = array<i32>} : memref<64x768xf32, #tpu.memory_space<vmem>>, vector<1x16xf32>,
      %parallel_loop3A_357 = arith.index_cast %parallel_loop3A_92 : i32 to index
      %parallel_loop3A_358 = arith.constant 256 : index
      %parallel_loop3A_359 = tpu.vector_load %arg12[%parallel_loop3A_357, %parallel_loop3A_358] {strides = array<i32>} : memref<64x768xf32, #tpu.memory_space<vmem>>, vector<1x16xf32>,
      %parallel_loop3A_360 = vector.shape_cast %parallel_loop3A_359 : vector<1x16xf32> to vector<16xf32>
      %parallel_loop3A_361 = arith.mulf %parallel_loop3A_360, %parallel_loop3A_96 : vector<16xf32>
      %parallel_loop3A_362 = arith.index_cast %parallel_loop3A_92 : i32 to index
      %parallel_loop3A_363 = arith.constant 256 : index
      %parallel_loop3A_364 = tpu.vector_load %arg13[%parallel_loop3A_362, %parallel_loop3A_363] {strides = array<i32>} : memref<64x768xf32, #tpu.memory_space<vmem>>, vector<1x16xf32>,
      %parallel_loop3A_365 = vector.shape_cast %parallel_loop3A_364 : vector<1x16xf32> to vector<16xf32>
      %parallel_loop3A_366 = arith.mulf %parallel_loop3A_365, %parallel_loop3A_100 : vector<16xf32>
      %parallel_loop3A_367 = arith.addf %parallel_loop3A_361, %parallel_loop3A_366 : vector<16xf32>
      %parallel_loop3A_368 = arith.index_cast %parallel_loop3A_92 : i32 to index
      %parallel_loop3A_369 = arith.constant 256 : index
      %parallel_loop3A_370 = tpu.vector_load %arg12[%parallel_loop3A_368, %parallel_loop3A_369] {strides = array<i32>} : memref<64x768xf32, #tpu.memory_space<vmem>>, vector<1x16xf32>,
      %parallel_loop3A_371 = vector.shape_cast %parallel_loop3A_370 : vector<1x16xf32> to vector<16xf32>
      %parallel_loop3A_372 = vector.shape_cast %parallel_loop3A_367 : vector<16xf32> to vector<1x16xf32>
      tpu.vector_store %arg12[%parallel_loop3A_368, %parallel_loop3A_369], %parallel_loop3A_372 {strides = array<i32>} : memref<64x768xf32, #tpu.memory_space<vmem>>, vector<1x16xf32>,
      %parallel_loop3A_373 = arith.index_cast %parallel_loop3A_92 : i32 to index
      %parallel_loop3A_374 = arith.constant 272 : index
      %parallel_loop3A_375 = tpu.vector_load %arg12[%parallel_loop3A_373, %parallel_loop3A_374] {strides = array<i32>} : memref<64x768xf32, #tpu.memory_space<vmem>>, vector<1x16xf32>,
      %parallel_loop3A_376 = vector.shape_cast %parallel_loop3A_375 : vector<1x16xf32> to vector<16xf32>
      %parallel_loop3A_377 = arith.mulf %parallel_loop3A_376, %parallel_loop3A_96 : vector<16xf32>
      %parallel_loop3A_378 = arith.index_cast %parallel_loop3A_92 : i32 to index
      %parallel_loop3A_379 = arith.constant 272 : index
      %parallel_loop3A_380 = tpu.vector_load %arg13[%parallel_loop3A_378, %parallel_loop3A_379] {strides = array<i32>} : memref<64x768xf32, #tpu.memory_space<vmem>>, vector<1x16xf32>,
      %parallel_loop3A_381 = vector.shape_cast %parallel_loop3A_380 : vector<1x16xf32> to vector<16xf32>
      %parallel_loop3A_382 = arith.mulf %parallel_loop3A_381, %parallel_loop3A_100 : vector<16xf32>
      %parallel_loop3A_383 = arith.addf %parallel_loop3A_377, %parallel_loop3A_382 : vector<16xf32>
      %parallel_loop3A_384 = arith.index_cast %parallel_loop3A_92 : i32 to index
      %parallel_loop3A_385 = arith.constant 272 : index
      %parallel_loop3A_386 = tpu.vector_load %arg12[%parallel_loop3A_384, %parallel_loop3A_385] {strides = array<i32>} : memref<64x768xf32, #tpu.memory_space<vmem>>, vector<1x16xf32>,
      %parallel_loop3A_387 = vector.shape_cast %parallel_loop3A_386 : vector<1x16xf32> to vector<16xf32>
      %parallel_loop3A_388 = vector.shape_cast %parallel_loop3A_383 : vector<16xf32> to vector<1x16xf32>
      tpu.vector_store %arg12[%parallel_loop3A_384, %parallel_loop3A_385], %parallel_loop3A_388 {strides = array<i32>} : memref<64x768xf32, #tpu.memory_space<vmem>>, vector<1x16xf32>,
      %parallel_loop3A_389 = arith.index_cast %parallel_loop3A_92 : i32 to index
      %parallel_loop3A_390 = arith.constant 288 : index
      %parallel_loop3A_391 = tpu.vector_load %arg12[%parallel_loop3A_389, %parallel_loop3A_390] {strides = array<i32>} : memref<64x768xf32, #tpu.memory_space<vmem>>, vector<1x16xf32>,
      %parallel_loop3A_392 = vector.shape_cast %parallel_loop3A_391 : vector<1x16xf32> to vector<16xf32>
      %parallel_loop3A_393 = arith.mulf %parallel_loop3A_392, %parallel_loop3A_96 : vector<16xf32>
      %parallel_loop3A_394 = arith.index_cast %parallel_loop3A_92 : i32 to index
      %parallel_loop3A_395 = arith.constant 288 : index
      %parallel_loop3A_396 = tpu.vector_load %arg13[%parallel_loop3A_394, %parallel_loop3A_395] {strides = array<i32>} : memref<64x768xf32, #tpu.memory_space<vmem>>, vector<1x16xf32>,
      %parallel_loop3A_397 = vector.shape_cast %parallel_loop3A_396 : vector<1x16xf32> to vector<16xf32>
      %parallel_loop3A_398 = arith.mulf %parallel_loop3A_397, %parallel_loop3A_100 : vector<16xf32>
      %parallel_loop3A_399 = arith.addf %parallel_loop3A_393, %parallel_loop3A_398 : vector<16xf32>
      %parallel_loop3A_400 = arith.index_cast %parallel_loop3A_92 : i32 to index
      %parallel_loop3A_401 = arith.constant 288 : index
      %parallel_loop3A_402 = tpu.vector_load %arg12[%parallel_loop3A_400, %parallel_loop3A_401] {strides = array<i32>} : memref<64x768xf32, #tpu.memory_space<vmem>>, vector<1x16xf32>,
      %parallel_loop3A_403 = vector.shape_cast %parallel_loop3A_402 : vector<1x16xf32> to vector<16xf32>
      %parallel_loop3A_404 = vector.shape_cast %parallel_loop3A_399 : vector<16xf32> to vector<1x16xf32>
      tpu.vector_store %arg12[%parallel_loop3A_400, %parallel_loop3A_401], %parallel_loop3A_404 {strides = array<i32>} : memref<64x768xf32, #tpu.memory_space<vmem>>, vector<1x16xf32>,
      %parallel_loop3A_405 = arith.index_cast %parallel_loop3A_92 : i32 to index
      %parallel_loop3A_406 = arith.constant 304 : index
      %parallel_loop3A_407 = tpu.vector_load %arg12[%parallel_loop3A_405, %parallel_loop3A_406] {strides = array<i32>} : memref<64x768xf32, #tpu.memory_space<vmem>>, vector<1x16xf32>,
      %parallel_loop3A_408 = vector.shape_cast %parallel_loop3A_407 : vector<1x16xf32> to vector<16xf32>
      %parallel_loop3A_409 = arith.mulf %parallel_loop3A_408, %parallel_loop3A_96 : vector<16xf32>
      %parallel_loop3A_410 = arith.index_cast %parallel_loop3A_92 : i32 to index
      %parallel_loop3A_411 = arith.constant 304 : index
      %parallel_loop3A_412 = tpu.vector_load %arg13[%parallel_loop3A_410, %parallel_loop3A_411] {strides = array<i32>} : memref<64x768xf32, #tpu.memory_space<vmem>>, vector<1x16xf32>,
      %parallel_loop3A_413 = vector.shape_cast %parallel_loop3A_412 : vector<1x16xf32> to vector<16xf32>
      %parallel_loop3A_414 = arith.mulf %parallel_loop3A_413, %parallel_loop3A_100 : vector<16xf32>
      %parallel_loop3A_415 = arith.addf %parallel_loop3A_409, %parallel_loop3A_414 : vector<16xf32>
      %parallel_loop3A_416 = arith.index_cast %parallel_loop3A_92 : i32 to index
      %parallel_loop3A_417 = arith.constant 304 : index
      %parallel_loop3A_418 = tpu.vector_load %arg12[%parallel_loop3A_416, %parallel_loop3A_417] {strides = array<i32>} : memref<64x768xf32, #tpu.memory_space<vmem>>, vector<1x16xf32>,
      %parallel_loop3A_419 = vector.shape_cast %parallel_loop3A_418 : vector<1x16xf32> to vector<16xf32>
      %parallel_loop3A_420 = vector.shape_cast %parallel_loop3A_415 : vector<16xf32> to vector<1x16xf32>
      tpu.vector_store %arg12[%parallel_loop3A_416, %parallel_loop3A_417], %parallel_loop3A_420 {strides = array<i32>} : memref<64x768xf32, #tpu.memory_space<vmem>>, vector<1x16xf32>,
      %parallel_loop3A_421 = arith.index_cast %parallel_loop3A_92 : i32 to index
      %parallel_loop3A_422 = arith.constant 320 : index
      %parallel_loop3A_423 = tpu.vector_load %arg12[%parallel_loop3A_421, %parallel_loop3A_422] {strides = array<i32>} : memref<64x768xf32, #tpu.memory_space<vmem>>, vector<1x16xf32>,
      %parallel_loop3A_424 = vector.shape_cast %parallel_loop3A_423 : vector<1x16xf32> to vector<16xf32>
      %parallel_loop3A_425 = arith.mulf %parallel_loop3A_424, %parallel_loop3A_96 : vector<16xf32>
      %parallel_loop3A_426 = arith.index_cast %parallel_loop3A_92 : i32 to index
      %parallel_loop3A_427 = arith.constant 320 : index
      %parallel_loop3A_428 = tpu.vector_load %arg13[%parallel_loop3A_426, %parallel_loop3A_427] {strides = array<i32>} : memref<64x768xf32, #tpu.memory_space<vmem>>, vector<1x16xf32>,
      %parallel_loop3A_429 = vector.shape_cast %parallel_loop3A_428 : vector<1x16xf32> to vector<16xf32>
      %parallel_loop3A_430 = arith.mulf %parallel_loop3A_429, %parallel_loop3A_100 : vector<16xf32>
      %parallel_loop3A_431 = arith.addf %parallel_loop3A_425, %parallel_loop3A_430 : vector<16xf32>
      %parallel_loop3A_432 = arith.index_cast %parallel_loop3A_92 : i32 to index
      %parallel_loop3A_433 = arith.constant 320 : index
      %parallel_loop3A_434 = tpu.vector_load %arg12[%parallel_loop3A_432, %parallel_loop3A_433] {strides = array<i32>} : memref<64x768xf32, #tpu.memory_space<vmem>>, vector<1x16xf32>,
      %parallel_loop3A_435 = vector.shape_cast %parallel_loop3A_434 : vector<1x16xf32> to vector<16xf32>
      %parallel_loop3A_436 = vector.shape_cast %parallel_loop3A_431 : vector<16xf32> to vector<1x16xf32>
      tpu.vector_store %arg12[%parallel_loop3A_432, %parallel_loop3A_433], %parallel_loop3A_436 {strides = array<i32>} : memref<64x768xf32, #tpu.memory_space<vmem>>, vector<1x16xf32>,
      %parallel_loop3A_437 = arith.index_cast %parallel_loop3A_92 : i32 to index
      %parallel_loop3A_438 = arith.constant 336 : index
      %parallel_loop3A_439 = tpu.vector_load %arg12[%parallel_loop3A_437, %parallel_loop3A_438] {strides = array<i32>} : memref<64x768xf32, #tpu.memory_space<vmem>>, vector<1x16xf32>,
      %parallel_loop3A_440 = vector.shape_cast %parallel_loop3A_439 : vector<1x16xf32> to vector<16xf32>
      %parallel_loop3A_441 = arith.mulf %parallel_loop3A_440, %parallel_loop3A_96 : vector<16xf32>
      %parallel_loop3A_442 = arith.index_cast %parallel_loop3A_92 : i32 to index
      %parallel_loop3A_443 = arith.constant 336 : index
      %parallel_loop3A_444 = tpu.vector_load %arg13[%parallel_loop3A_442, %parallel_loop3A_443] {strides = array<i32>} : memref<64x768xf32, #tpu.memory_space<vmem>>, vector<1x16xf32>,
      %parallel_loop3A_445 = vector.shape_cast %parallel_loop3A_444 : vector<1x16xf32> to vector<16xf32>
      %parallel_loop3A_446 = arith.mulf %parallel_loop3A_445, %parallel_loop3A_100 : vector<16xf32>
      %parallel_loop3A_447 = arith.addf %parallel_loop3A_441, %parallel_loop3A_446 : vector<16xf32>
      %parallel_loop3A_448 = arith.index_cast %parallel_loop3A_92 : i32 to index
      %parallel_loop3A_449 = arith.constant 336 : index
      %parallel_loop3A_450 = tpu.vector_load %arg12[%parallel_loop3A_448, %parallel_loop3A_449] {strides = array<i32>} : memref<64x768xf32, #tpu.memory_space<vmem>>, vector<1x16xf32>,
      %parallel_loop3A_451 = vector.shape_cast %parallel_loop3A_450 : vector<1x16xf32> to vector<16xf32>
      %parallel_loop3A_452 = vector.shape_cast %parallel_loop3A_447 : vector<16xf32> to vector<1x16xf32>
      tpu.vector_store %arg12[%parallel_loop3A_448, %parallel_loop3A_449], %parallel_loop3A_452 {strides = array<i32>} : memref<64x768xf32, #tpu.memory_space<vmem>>, vector<1x16xf32>,
      %parallel_loop3A_453 = arith.index_cast %parallel_loop3A_92 : i32 to index
      %parallel_loop3A_454 = arith.constant 352 : index
      %parallel_loop3A_455 = tpu.vector_load %arg12[%parallel_loop3A_453, %parallel_loop3A_454] {strides = array<i32>} : memref<64x768xf32, #tpu.memory_space<vmem>>, vector<1x16xf32>,
      %parallel_loop3A_456 = vector.shape_cast %parallel_loop3A_455 : vector<1x16xf32> to vector<16xf32>
      %parallel_loop3A_457 = arith.mulf %parallel_loop3A_456, %parallel_loop3A_96 : vector<16xf32>
      %parallel_loop3A_458 = arith.index_cast %parallel_loop3A_92 : i32 to index
      %parallel_loop3A_459 = arith.constant 352 : index
      %parallel_loop3A_460 = tpu.vector_load %arg13[%parallel_loop3A_458, %parallel_loop3A_459] {strides = array<i32>} : memref<64x768xf32, #tpu.memory_space<vmem>>, vector<1x16xf32>,
      %parallel_loop3A_461 = vector.shape_cast %parallel_loop3A_460 : vector<1x16xf32> to vector<16xf32>
      %parallel_loop3A_462 = arith.mulf %parallel_loop3A_461, %parallel_loop3A_100 : vector<16xf32>
      %parallel_loop3A_463 = arith.addf %parallel_loop3A_457, %parallel_loop3A_462 : vector<16xf32>
      %parallel_loop3A_464 = arith.index_cast %parallel_loop3A_92 : i32 to index
      %parallel_loop3A_465 = arith.constant 352 : index
      %parallel_loop3A_466 = tpu.vector_load %arg12[%parallel_loop3A_464, %parallel_loop3A_465] {strides = array<i32>} : memref<64x768xf32, #tpu.memory_space<vmem>>, vector<1x16xf32>,
      %parallel_loop3A_467 = vector.shape_cast %parallel_loop3A_466 : vector<1x16xf32> to vector<16xf32>
      %parallel_loop3A_468 = vector.shape_cast %parallel_loop3A_463 : vector<16xf32> to vector<1x16xf32>
      tpu.vector_store %arg12[%parallel_loop3A_464, %parallel_loop3A_465], %parallel_loop3A_468 {strides = array<i32>} : memref<64x768xf32, #tpu.memory_space<vmem>>, vector<1x16xf32>,
      %parallel_loop3A_469 = arith.index_cast %parallel_loop3A_92 : i32 to index
      %parallel_loop3A_470 = arith.constant 368 : index
      %parallel_loop3A_471 = tpu.vector_load %arg12[%parallel_loop3A_469, %parallel_loop3A_470] {strides = array<i32>} : memref<64x768xf32, #tpu.memory_space<vmem>>, vector<1x16xf32>,
      %parallel_loop3A_472 = vector.shape_cast %parallel_loop3A_471 : vector<1x16xf32> to vector<16xf32>
      %parallel_loop3A_473 = arith.mulf %parallel_loop3A_472, %parallel_loop3A_96 : vector<16xf32>
      %parallel_loop3A_474 = arith.index_cast %parallel_loop3A_92 : i32 to index
      %parallel_loop3A_475 = arith.constant 368 : index
      %parallel_loop3A_476 = tpu.vector_load %arg13[%parallel_loop3A_474, %parallel_loop3A_475] {strides = array<i32>} : memref<64x768xf32, #tpu.memory_space<vmem>>, vector<1x16xf32>,
      %parallel_loop3A_477 = vector.shape_cast %parallel_loop3A_476 : vector<1x16xf32> to vector<16xf32>
      %parallel_loop3A_478 = arith.mulf %parallel_loop3A_477, %parallel_loop3A_100 : vector<16xf32>
      %parallel_loop3A_479 = arith.addf %parallel_loop3A_473, %parallel_loop3A_478 : vector<16xf32>
      %parallel_loop3A_480 = arith.index_cast %parallel_loop3A_92 : i32 to index
      %parallel_loop3A_481 = arith.constant 368 : index
      %parallel_loop3A_482 = tpu.vector_load %arg12[%parallel_loop3A_480, %parallel_loop3A_481] {strides = array<i32>} : memref<64x768xf32, #tpu.memory_space<vmem>>, vector<1x16xf32>,
      %parallel_loop3A_483 = vector.shape_cast %parallel_loop3A_482 : vector<1x16xf32> to vector<16xf32>
      %parallel_loop3A_484 = vector.shape_cast %parallel_loop3A_479 : vector<16xf32> to vector<1x16xf32>
      tpu.vector_store %arg12[%parallel_loop3A_480, %parallel_loop3A_481], %parallel_loop3A_484 {strides = array<i32>} : memref<64x768xf32, #tpu.memory_space<vmem>>, vector<1x16xf32>,
      %parallel_loop3A_485 = arith.index_cast %parallel_loop3A_92 : i32 to index
      %parallel_loop3A_486 = arith.constant 384 : index
      %parallel_loop3A_487 = tpu.vector_load %arg12[%parallel_loop3A_485, %parallel_loop3A_486] {strides = array<i32>} : memref<64x768xf32, #tpu.memory_space<vmem>>, vector<1x16xf32>,
      %parallel_loop3A_488 = vector.shape_cast %parallel_loop3A_487 : vector<1x16xf32> to vector<16xf32>
      %parallel_loop3A_489 = arith.mulf %parallel_loop3A_488, %parallel_loop3A_96 : vector<16xf32>
      %parallel_loop3A_490 = arith.index_cast %parallel_loop3A_92 : i32 to index
      %parallel_loop3A_491 = arith.constant 384 : index
      %parallel_loop3A_492 = tpu.vector_load %arg13[%parallel_loop3A_490, %parallel_loop3A_491] {strides = array<i32>} : memref<64x768xf32, #tpu.memory_space<vmem>>, vector<1x16xf32>,
      %parallel_loop3A_493 = vector.shape_cast %parallel_loop3A_492 : vector<1x16xf32> to vector<16xf32>
      %parallel_loop3A_494 = arith.mulf %parallel_loop3A_493, %parallel_loop3A_100 : vector<16xf32>
      %parallel_loop3A_495 = arith.addf %parallel_loop3A_489, %parallel_loop3A_494 : vector<16xf32>
      %parallel_loop3A_496 = arith.index_cast %parallel_loop3A_92 : i32 to index
      %parallel_loop3A_497 = arith.constant 384 : index
      %parallel_loop3A_498 = tpu.vector_load %arg12[%parallel_loop3A_496, %parallel_loop3A_497] {strides = array<i32>} : memref<64x768xf32, #tpu.memory_space<vmem>>, vector<1x16xf32>,
      %parallel_loop3A_499 = vector.shape_cast %parallel_loop3A_498 : vector<1x16xf32> to vector<16xf32>
      %parallel_loop3A_500 = vector.shape_cast %parallel_loop3A_495 : vector<16xf32> to vector<1x16xf32>
      tpu.vector_store %arg12[%parallel_loop3A_496, %parallel_loop3A_497], %parallel_loop3A_500 {strides = array<i32>} : memref<64x768xf32, #tpu.memory_space<vmem>>, vector<1x16xf32>,
      %parallel_loop3A_501 = arith.index_cast %parallel_loop3A_92 : i32 to index
      %parallel_loop3A_502 = arith.constant 400 : index
      %parallel_loop3A_503 = tpu.vector_load %arg12[%parallel_loop3A_501, %parallel_loop3A_502] {strides = array<i32>} : memref<64x768xf32, #tpu.memory_space<vmem>>, vector<1x16xf32>,
      %parallel_loop3A_504 = vector.shape_cast %parallel_loop3A_503 : vector<1x16xf32> to vector<16xf32>
      %parallel_loop3A_505 = arith.mulf %parallel_loop3A_504, %parallel_loop3A_96 : vector<16xf32>
      %parallel_loop3A_506 = arith.index_cast %parallel_loop3A_92 : i32 to index
      %parallel_loop3A_507 = arith.constant 400 : index
      %parallel_loop3A_508 = tpu.vector_load %arg13[%parallel_loop3A_506, %parallel_loop3A_507] {strides = array<i32>} : memref<64x768xf32, #tpu.memory_space<vmem>>, vector<1x16xf32>,
      %parallel_loop3A_509 = vector.shape_cast %parallel_loop3A_508 : vector<1x16xf32> to vector<16xf32>
      %parallel_loop3A_510 = arith.mulf %parallel_loop3A_509, %parallel_loop3A_100 : vector<16xf32>
      %parallel_loop3A_511 = arith.addf %parallel_loop3A_505, %parallel_loop3A_510 : vector<16xf32>
      %parallel_loop3A_512 = arith.index_cast %parallel_loop3A_92 : i32 to index
      %parallel_loop3A_513 = arith.constant 400 : index
      %parallel_loop3A_514 = tpu.vector_load %arg12[%parallel_loop3A_512, %parallel_loop3A_513] {strides = array<i32>} : memref<64x768xf32, #tpu.memory_space<vmem>>, vector<1x16xf32>,
      %parallel_loop3A_515 = vector.shape_cast %parallel_loop3A_514 : vector<1x16xf32> to vector<16xf32>
      %parallel_loop3A_516 = vector.shape_cast %parallel_loop3A_511 : vector<16xf32> to vector<1x16xf32>
      tpu.vector_store %arg12[%parallel_loop3A_512, %parallel_loop3A_513], %parallel_loop3A_516 {strides = array<i32>} : memref<64x768xf32, #tpu.memory_space<vmem>>, vector<1x16xf32>,
      %parallel_loop3A_517 = arith.index_cast %parallel_loop3A_92 : i32 to index
      %parallel_loop3A_518 = arith.constant 416 : index
      %parallel_loop3A_519 = tpu.vector_load %arg12[%parallel_loop3A_517, %parallel_loop3A_518] {strides = array<i32>} : memref<64x768xf32, #tpu.memory_space<vmem>>, vector<1x16xf32>,
      %parallel_loop3A_520 = vector.shape_cast %parallel_loop3A_519 : vector<1x16xf32> to vector<16xf32>
      %parallel_loop3A_521 = arith.mulf %parallel_loop3A_520, %parallel_loop3A_96 : vector<16xf32>
      %parallel_loop3A_522 = arith.index_cast %parallel_loop3A_92 : i32 to index
      %parallel_loop3A_523 = arith.constant 416 : index
      %parallel_loop3A_524 = tpu.vector_load %arg13[%parallel_loop3A_522, %parallel_loop3A_523] {strides = array<i32>} : memref<64x768xf32, #tpu.memory_space<vmem>>, vector<1x16xf32>,
      %parallel_loop3A_525 = vector.shape_cast %parallel_loop3A_524 : vector<1x16xf32> to vector<16xf32>
      %parallel_loop3A_526 = arith.mulf %parallel_loop3A_525, %parallel_loop3A_100 : vector<16xf32>
      %parallel_loop3A_527 = arith.addf %parallel_loop3A_521, %parallel_loop3A_526 : vector<16xf32>
      %parallel_loop3A_528 = arith.index_cast %parallel_loop3A_92 : i32 to index
      %parallel_loop3A_529 = arith.constant 416 : index
      %parallel_loop3A_530 = tpu.vector_load %arg12[%parallel_loop3A_528, %parallel_loop3A_529] {strides = array<i32>} : memref<64x768xf32, #tpu.memory_space<vmem>>, vector<1x16xf32>,
      %parallel_loop3A_531 = vector.shape_cast %parallel_loop3A_530 : vector<1x16xf32> to vector<16xf32>
      %parallel_loop3A_532 = vector.shape_cast %parallel_loop3A_527 : vector<16xf32> to vector<1x16xf32>
      tpu.vector_store %arg12[%parallel_loop3A_528, %parallel_loop3A_529], %parallel_loop3A_532 {strides = array<i32>} : memref<64x768xf32, #tpu.memory_space<vmem>>, vector<1x16xf32>,
      %parallel_loop3A_533 = arith.index_cast %parallel_loop3A_92 : i32 to index
      %parallel_loop3A_534 = arith.constant 432 : index
      %parallel_loop3A_535 = tpu.vector_load %arg12[%parallel_loop3A_533, %parallel_loop3A_534] {strides = array<i32>} : memref<64x768xf32, #tpu.memory_space<vmem>>, vector<1x16xf32>,
      %parallel_loop3A_536 = vector.shape_cast %parallel_loop3A_535 : vector<1x16xf32> to vector<16xf32>
      %parallel_loop3A_537 = arith.mulf %parallel_loop3A_536, %parallel_loop3A_96 : vector<16xf32>
      %parallel_loop3A_538 = arith.index_cast %parallel_loop3A_92 : i32 to index
      %parallel_loop3A_539 = arith.constant 432 : index
      %parallel_loop3A_540 = tpu.vector_load %arg13[%parallel_loop3A_538, %parallel_loop3A_539] {strides = array<i32>} : memref<64x768xf32, #tpu.memory_space<vmem>>, vector<1x16xf32>,
      %parallel_loop3A_541 = vector.shape_cast %parallel_loop3A_540 : vector<1x16xf32> to vector<16xf32>
      %parallel_loop3A_542 = arith.mulf %parallel_loop3A_541, %parallel_loop3A_100 : vector<16xf32>
      %parallel_loop3A_543 = arith.addf %parallel_loop3A_537, %parallel_loop3A_542 : vector<16xf32>
      %parallel_loop3A_544 = arith.index_cast %parallel_loop3A_92 : i32 to index
      %parallel_loop3A_545 = arith.constant 432 : index
      %parallel_loop3A_546 = tpu.vector_load %arg12[%parallel_loop3A_544, %parallel_loop3A_545] {strides = array<i32>} : memref<64x768xf32, #tpu.memory_space<vmem>>, vector<1x16xf32>,
      %parallel_loop3A_547 = vector.shape_cast %parallel_loop3A_546 : vector<1x16xf32> to vector<16xf32>
      %parallel_loop3A_548 = vector.shape_cast %parallel_loop3A_543 : vector<16xf32> to vector<1x16xf32>
      tpu.vector_store %arg12[%parallel_loop3A_544, %parallel_loop3A_545], %parallel_loop3A_548 {strides = array<i32>} : memref<64x768xf32, #tpu.memory_space<vmem>>, vector<1x16xf32>,
      %parallel_loop3A_549 = arith.index_cast %parallel_loop3A_92 : i32 to index
      %parallel_loop3A_550 = arith.constant 448 : index
      %parallel_loop3A_551 = tpu.vector_load %arg12[%parallel_loop3A_549, %parallel_loop3A_550] {strides = array<i32>} : memref<64x768xf32, #tpu.memory_space<vmem>>, vector<1x16xf32>,
      %parallel_loop3A_552 = vector.shape_cast %parallel_loop3A_551 : vector<1x16xf32> to vector<16xf32>
      %parallel_loop3A_553 = arith.mulf %parallel_loop3A_552, %parallel_loop3A_96 : vector<16xf32>
      %parallel_loop3A_554 = arith.index_cast %parallel_loop3A_92 : i32 to index
      %parallel_loop3A_555 = arith.constant 448 : index
      %parallel_loop3A_556 = tpu.vector_load %arg13[%parallel_loop3A_554, %parallel_loop3A_555] {strides = array<i32>} : memref<64x768xf32, #tpu.memory_space<vmem>>, vector<1x16xf32>,
      %parallel_loop3A_557 = vector.shape_cast %parallel_loop3A_556 : vector<1x16xf32> to vector<16xf32>
      %parallel_loop3A_558 = arith.mulf %parallel_loop3A_557, %parallel_loop3A_100 : vector<16xf32>
      %parallel_loop3A_559 = arith.addf %parallel_loop3A_553, %parallel_loop3A_558 : vector<16xf32>
      %parallel_loop3A_560 = arith.index_cast %parallel_loop3A_92 : i32 to index
      %parallel_loop3A_561 = arith.constant 448 : index
      %parallel_loop3A_562 = tpu.vector_load %arg12[%parallel_loop3A_560, %parallel_loop3A_561] {strides = array<i32>} : memref<64x768xf32, #tpu.memory_space<vmem>>, vector<1x16xf32>,
      %parallel_loop3A_563 = vector.shape_cast %parallel_loop3A_562 : vector<1x16xf32> to vector<16xf32>
      %parallel_loop3A_564 = vector.shape_cast %parallel_loop3A_559 : vector<16xf32> to vector<1x16xf32>
      tpu.vector_store %arg12[%parallel_loop3A_560, %parallel_loop3A_561], %parallel_loop3A_564 {strides = array<i32>} : memref<64x768xf32, #tpu.memory_space<vmem>>, vector<1x16xf32>,
      %parallel_loop3A_565 = arith.index_cast %parallel_loop3A_92 : i32 to index
      %parallel_loop3A_566 = arith.constant 464 : index
      %parallel_loop3A_567 = tpu.vector_load %arg12[%parallel_loop3A_565, %parallel_loop3A_566] {strides = array<i32>} : memref<64x768xf32, #tpu.memory_space<vmem>>, vector<1x16xf32>,
      %parallel_loop3A_568 = vector.shape_cast %parallel_loop3A_567 : vector<1x16xf32> to vector<16xf32>
      %parallel_loop3A_569 = arith.mulf %parallel_loop3A_568, %parallel_loop3A_96 : vector<16xf32>
      %parallel_loop3A_570 = arith.index_cast %parallel_loop3A_92 : i32 to index
      %parallel_loop3A_571 = arith.constant 464 : index
      %parallel_loop3A_572 = tpu.vector_load %arg13[%parallel_loop3A_570, %parallel_loop3A_571] {strides = array<i32>} : memref<64x768xf32, #tpu.memory_space<vmem>>, vector<1x16xf32>,
      %parallel_loop3A_573 = vector.shape_cast %parallel_loop3A_572 : vector<1x16xf32> to vector<16xf32>
      %parallel_loop3A_574 = arith.mulf %parallel_loop3A_573, %parallel_loop3A_100 : vector<16xf32>
      %parallel_loop3A_575 = arith.addf %parallel_loop3A_569, %parallel_loop3A_574 : vector<16xf32>
      %parallel_loop3A_576 = arith.index_cast %parallel_loop3A_92 : i32 to index
      %parallel_loop3A_577 = arith.constant 464 : index
      %parallel_loop3A_578 = tpu.vector_load %arg12[%parallel_loop3A_576, %parallel_loop3A_577] {strides = array<i32>} : memref<64x768xf32, #tpu.memory_space<vmem>>, vector<1x16xf32>,
      %parallel_loop3A_579 = vector.shape_cast %parallel_loop3A_578 : vector<1x16xf32> to vector<16xf32>
      %parallel_loop3A_580 = vector.shape_cast %parallel_loop3A_575 : vector<16xf32> to vector<1x16xf32>
      tpu.vector_store %arg12[%parallel_loop3A_576, %parallel_loop3A_577], %parallel_loop3A_580 {strides = array<i32>} : memref<64x768xf32, #tpu.memory_space<vmem>>, vector<1x16xf32>,
      %parallel_loop3A_581 = arith.index_cast %parallel_loop3A_92 : i32 to index
      %parallel_loop3A_582 = arith.constant 480 : index
      %parallel_loop3A_583 = tpu.vector_load %arg12[%parallel_loop3A_581, %parallel_loop3A_582] {strides = array<i32>} : memref<64x768xf32, #tpu.memory_space<vmem>>, vector<1x16xf32>,
      %parallel_loop3A_584 = vector.shape_cast %parallel_loop3A_583 : vector<1x16xf32> to vector<16xf32>
      %parallel_loop3A_585 = arith.mulf %parallel_loop3A_584, %parallel_loop3A_96 : vector<16xf32>
      %parallel_loop3A_586 = arith.index_cast %parallel_loop3A_92 : i32 to index
      %parallel_loop3A_587 = arith.constant 480 : index
      %parallel_loop3A_588 = tpu.vector_load %arg13[%parallel_loop3A_586, %parallel_loop3A_587] {strides = array<i32>} : memref<64x768xf32, #tpu.memory_space<vmem>>, vector<1x16xf32>,
      %parallel_loop3A_589 = vector.shape_cast %parallel_loop3A_588 : vector<1x16xf32> to vector<16xf32>
      %parallel_loop3A_590 = arith.mulf %parallel_loop3A_589, %parallel_loop3A_100 : vector<16xf32>
      %parallel_loop3A_591 = arith.addf %parallel_loop3A_585, %parallel_loop3A_590 : vector<16xf32>
      %parallel_loop3A_592 = arith.index_cast %parallel_loop3A_92 : i32 to index
      %parallel_loop3A_593 = arith.constant 480 : index
      %parallel_loop3A_594 = tpu.vector_load %arg12[%parallel_loop3A_592, %parallel_loop3A_593] {strides = array<i32>} : memref<64x768xf32, #tpu.memory_space<vmem>>, vector<1x16xf32>,
      %parallel_loop3A_595 = vector.shape_cast %parallel_loop3A_594 : vector<1x16xf32> to vector<16xf32>
      %parallel_loop3A_596 = vector.shape_cast %parallel_loop3A_591 : vector<16xf32> to vector<1x16xf32>
      tpu.vector_store %arg12[%parallel_loop3A_592, %parallel_loop3A_593], %parallel_loop3A_596 {strides = array<i32>} : memref<64x768xf32, #tpu.memory_space<vmem>>, vector<1x16xf32>,
      %parallel_loop3A_597 = arith.index_cast %parallel_loop3A_92 : i32 to index
      %parallel_loop3A_598 = arith.constant 496 : index
      %parallel_loop3A_599 = tpu.vector_load %arg12[%parallel_loop3A_597, %parallel_loop3A_598] {strides = array<i32>} : memref<64x768xf32, #tpu.memory_space<vmem>>, vector<1x16xf32>,
      %parallel_loop3A_600 = vector.shape_cast %parallel_loop3A_599 : vector<1x16xf32> to vector<16xf32>
      %parallel_loop3A_601 = arith.mulf %parallel_loop3A_600, %parallel_loop3A_96 : vector<16xf32>
      %parallel_loop3A_602 = arith.index_cast %parallel_loop3A_92 : i32 to index
      %parallel_loop3A_603 = arith.constant 496 : index
      %parallel_loop3A_604 = tpu.vector_load %arg13[%parallel_loop3A_602, %parallel_loop3A_603] {strides = array<i32>} : memref<64x768xf32, #tpu.memory_space<vmem>>, vector<1x16xf32>,
      %parallel_loop3A_605 = vector.shape_cast %parallel_loop3A_604 : vector<1x16xf32> to vector<16xf32>
      %parallel_loop3A_606 = arith.mulf %parallel_loop3A_605, %parallel_loop3A_100 : vector<16xf32>
      %parallel_loop3A_607 = arith.addf %parallel_loop3A_601, %parallel_loop3A_606 : vector<16xf32>
      %parallel_loop3A_608 = arith.index_cast %parallel_loop3A_92 : i32 to index
      %parallel_loop3A_609 = arith.constant 496 : index
      %parallel_loop3A_610 = tpu.vector_load %arg12[%parallel_loop3A_608, %parallel_loop3A_609] {strides = array<i32>} : memref<64x768xf32, #tpu.memory_space<vmem>>, vector<1x16xf32>,
      %parallel_loop3A_611 = vector.shape_cast %parallel_loop3A_610 : vector<1x16xf32> to vector<16xf32>
      %parallel_loop3A_612 = vector.shape_cast %parallel_loop3A_607 : vector<16xf32> to vector<1x16xf32>
      tpu.vector_store %arg12[%parallel_loop3A_608, %parallel_loop3A_609], %parallel_loop3A_612 {strides = array<i32>} : memref<64x768xf32, #tpu.memory_space<vmem>>, vector<1x16xf32>,
      %parallel_loop3A_613 = arith.index_cast %parallel_loop3A_92 : i32 to index
      %parallel_loop3A_614 = arith.constant 512 : index
      %parallel_loop3A_615 = tpu.vector_load %arg12[%parallel_loop3A_613, %parallel_loop3A_614] {strides = array<i32>} : memref<64x768xf32, #tpu.memory_space<vmem>>, vector<1x16xf32>,
      %parallel_loop3A_616 = vector.shape_cast %parallel_loop3A_615 : vector<1x16xf32> to vector<16xf32>
      %parallel_loop3A_617 = arith.mulf %parallel_loop3A_616, %parallel_loop3A_96 : vector<16xf32>
      %parallel_loop3A_618 = arith.index_cast %parallel_loop3A_92 : i32 to index
      %parallel_loop3A_619 = arith.constant 512 : index
      %parallel_loop3A_620 = tpu.vector_load %arg13[%parallel_loop3A_618, %parallel_loop3A_619] {strides = array<i32>} : memref<64x768xf32, #tpu.memory_space<vmem>>, vector<1x16xf32>,
      %parallel_loop3A_621 = vector.shape_cast %parallel_loop3A_620 : vector<1x16xf32> to vector<16xf32>
      %parallel_loop3A_622 = arith.mulf %parallel_loop3A_621, %parallel_loop3A_100 : vector<16xf32>
      %parallel_loop3A_623 = arith.addf %parallel_loop3A_617, %parallel_loop3A_622 : vector<16xf32>
      %parallel_loop3A_624 = arith.index_cast %parallel_loop3A_92 : i32 to index
      %parallel_loop3A_625 = arith.constant 512 : index
      %parallel_loop3A_626 = tpu.vector_load %arg12[%parallel_loop3A_624, %parallel_loop3A_625] {strides = array<i32>} : memref<64x768xf32, #tpu.memory_space<vmem>>, vector<1x16xf32>,
      %parallel_loop3A_627 = vector.shape_cast %parallel_loop3A_626 : vector<1x16xf32> to vector<16xf32>
      %parallel_loop3A_628 = vector.shape_cast %parallel_loop3A_623 : vector<16xf32> to vector<1x16xf32>
      tpu.vector_store %arg12[%parallel_loop3A_624, %parallel_loop3A_625], %parallel_loop3A_628 {strides = array<i32>} : memref<64x768xf32, #tpu.memory_space<vmem>>, vector<1x16xf32>,
      %parallel_loop3A_629 = arith.index_cast %parallel_loop3A_92 : i32 to index
      %parallel_loop3A_630 = arith.constant 528 : index
      %parallel_loop3A_631 = tpu.vector_load %arg12[%parallel_loop3A_629, %parallel_loop3A_630] {strides = array<i32>} : memref<64x768xf32, #tpu.memory_space<vmem>>, vector<1x16xf32>,
      %parallel_loop3A_632 = vector.shape_cast %parallel_loop3A_631 : vector<1x16xf32> to vector<16xf32>
      %parallel_loop3A_633 = arith.mulf %parallel_loop3A_632, %parallel_loop3A_96 : vector<16xf32>
      %parallel_loop3A_634 = arith.index_cast %parallel_loop3A_92 : i32 to index
      %parallel_loop3A_635 = arith.constant 528 : index
      %parallel_loop3A_636 = tpu.vector_load %arg13[%parallel_loop3A_634, %parallel_loop3A_635] {strides = array<i32>} : memref<64x768xf32, #tpu.memory_space<vmem>>, vector<1x16xf32>,
      %parallel_loop3A_637 = vector.shape_cast %parallel_loop3A_636 : vector<1x16xf32> to vector<16xf32>
      %parallel_loop3A_638 = arith.mulf %parallel_loop3A_637, %parallel_loop3A_100 : vector<16xf32>
      %parallel_loop3A_639 = arith.addf %parallel_loop3A_633, %parallel_loop3A_638 : vector<16xf32>
      %parallel_loop3A_640 = arith.index_cast %parallel_loop3A_92 : i32 to index
      %parallel_loop3A_641 = arith.constant 528 : index
      %parallel_loop3A_642 = tpu.vector_load %arg12[%parallel_loop3A_640, %parallel_loop3A_641] {strides = array<i32>} : memref<64x768xf32, #tpu.memory_space<vmem>>, vector<1x16xf32>,
      %parallel_loop3A_643 = vector.shape_cast %parallel_loop3A_642 : vector<1x16xf32> to vector<16xf32>
      %parallel_loop3A_644 = vector.shape_cast %parallel_loop3A_639 : vector<16xf32> to vector<1x16xf32>
      tpu.vector_store %arg12[%parallel_loop3A_640, %parallel_loop3A_641], %parallel_loop3A_644 {strides = array<i32>} : memref<64x768xf32, #tpu.memory_space<vmem>>, vector<1x16xf32>,
      %parallel_loop3A_645 = arith.index_cast %parallel_loop3A_92 : i32 to index
      %parallel_loop3A_646 = arith.constant 544 : index
      %parallel_loop3A_647 = tpu.vector_load %arg12[%parallel_loop3A_645, %parallel_loop3A_646] {strides = array<i32>} : memref<64x768xf32, #tpu.memory_space<vmem>>, vector<1x16xf32>,
      %parallel_loop3A_648 = vector.shape_cast %parallel_loop3A_647 : vector<1x16xf32> to vector<16xf32>
      %parallel_loop3A_649 = arith.mulf %parallel_loop3A_648, %parallel_loop3A_96 : vector<16xf32>
      %parallel_loop3A_650 = arith.index_cast %parallel_loop3A_92 : i32 to index
      %parallel_loop3A_651 = arith.constant 544 : index
      %parallel_loop3A_652 = tpu.vector_load %arg13[%parallel_loop3A_650, %parallel_loop3A_651] {strides = array<i32>} : memref<64x768xf32, #tpu.memory_space<vmem>>, vector<1x16xf32>,
      %parallel_loop3A_653 = vector.shape_cast %parallel_loop3A_652 : vector<1x16xf32> to vector<16xf32>
      %parallel_loop3A_654 = arith.mulf %parallel_loop3A_653, %parallel_loop3A_100 : vector<16xf32>
      %parallel_loop3A_655 = arith.addf %parallel_loop3A_649, %parallel_loop3A_654 : vector<16xf32>
      %parallel_loop3A_656 = arith.index_cast %parallel_loop3A_92 : i32 to index
      %parallel_loop3A_657 = arith.constant 544 : index
      %parallel_loop3A_658 = tpu.vector_load %arg12[%parallel_loop3A_656, %parallel_loop3A_657] {strides = array<i32>} : memref<64x768xf32, #tpu.memory_space<vmem>>, vector<1x16xf32>,
      %parallel_loop3A_659 = vector.shape_cast %parallel_loop3A_658 : vector<1x16xf32> to vector<16xf32>
      %parallel_loop3A_660 = vector.shape_cast %parallel_loop3A_655 : vector<16xf32> to vector<1x16xf32>
      tpu.vector_store %arg12[%parallel_loop3A_656, %parallel_loop3A_657], %parallel_loop3A_660 {strides = array<i32>} : memref<64x768xf32, #tpu.memory_space<vmem>>, vector<1x16xf32>,
      %parallel_loop3A_661 = arith.index_cast %parallel_loop3A_92 : i32 to index
      %parallel_loop3A_662 = arith.constant 560 : index
      %parallel_loop3A_663 = tpu.vector_load %arg12[%parallel_loop3A_661, %parallel_loop3A_662] {strides = array<i32>} : memref<64x768xf32, #tpu.memory_space<vmem>>, vector<1x16xf32>,
      %parallel_loop3A_664 = vector.shape_cast %parallel_loop3A_663 : vector<1x16xf32> to vector<16xf32>
      %parallel_loop3A_665 = arith.mulf %parallel_loop3A_664, %parallel_loop3A_96 : vector<16xf32>
      %parallel_loop3A_666 = arith.index_cast %parallel_loop3A_92 : i32 to index
      %parallel_loop3A_667 = arith.constant 560 : index
      %parallel_loop3A_668 = tpu.vector_load %arg13[%parallel_loop3A_666, %parallel_loop3A_667] {strides = array<i32>} : memref<64x768xf32, #tpu.memory_space<vmem>>, vector<1x16xf32>,
      %parallel_loop3A_669 = vector.shape_cast %parallel_loop3A_668 : vector<1x16xf32> to vector<16xf32>
      %parallel_loop3A_670 = arith.mulf %parallel_loop3A_669, %parallel_loop3A_100 : vector<16xf32>
      %parallel_loop3A_671 = arith.addf %parallel_loop3A_665, %parallel_loop3A_670 : vector<16xf32>
      %parallel_loop3A_672 = arith.index_cast %parallel_loop3A_92 : i32 to index
      %parallel_loop3A_673 = arith.constant 560 : index
      %parallel_loop3A_674 = tpu.vector_load %arg12[%parallel_loop3A_672, %parallel_loop3A_673] {strides = array<i32>} : memref<64x768xf32, #tpu.memory_space<vmem>>, vector<1x16xf32>,
      %parallel_loop3A_675 = vector.shape_cast %parallel_loop3A_674 : vector<1x16xf32> to vector<16xf32>
      %parallel_loop3A_676 = vector.shape_cast %parallel_loop3A_671 : vector<16xf32> to vector<1x16xf32>
      tpu.vector_store %arg12[%parallel_loop3A_672, %parallel_loop3A_673], %parallel_loop3A_676 {strides = array<i32>} : memref<64x768xf32, #tpu.memory_space<vmem>>, vector<1x16xf32>,
      %parallel_loop3A_677 = arith.index_cast %parallel_loop3A_92 : i32 to index
      %parallel_loop3A_678 = arith.constant 576 : index
      %parallel_loop3A_679 = tpu.vector_load %arg12[%parallel_loop3A_677, %parallel_loop3A_678] {strides = array<i32>} : memref<64x768xf32, #tpu.memory_space<vmem>>, vector<1x16xf32>,
      %parallel_loop3A_680 = vector.shape_cast %parallel_loop3A_679 : vector<1x16xf32> to vector<16xf32>
      %parallel_loop3A_681 = arith.mulf %parallel_loop3A_680, %parallel_loop3A_96 : vector<16xf32>
      %parallel_loop3A_682 = arith.index_cast %parallel_loop3A_92 : i32 to index
      %parallel_loop3A_683 = arith.constant 576 : index
      %parallel_loop3A_684 = tpu.vector_load %arg13[%parallel_loop3A_682, %parallel_loop3A_683] {strides = array<i32>} : memref<64x768xf32, #tpu.memory_space<vmem>>, vector<1x16xf32>,
      %parallel_loop3A_685 = vector.shape_cast %parallel_loop3A_684 : vector<1x16xf32> to vector<16xf32>
      %parallel_loop3A_686 = arith.mulf %parallel_loop3A_685, %parallel_loop3A_100 : vector<16xf32>
      %parallel_loop3A_687 = arith.addf %parallel_loop3A_681, %parallel_loop3A_686 : vector<16xf32>
      %parallel_loop3A_688 = arith.index_cast %parallel_loop3A_92 : i32 to index
      %parallel_loop3A_689 = arith.constant 576 : index
      %parallel_loop3A_690 = tpu.vector_load %arg12[%parallel_loop3A_688, %parallel_loop3A_689] {strides = array<i32>} : memref<64x768xf32, #tpu.memory_space<vmem>>, vector<1x16xf32>,
      %parallel_loop3A_691 = vector.shape_cast %parallel_loop3A_690 : vector<1x16xf32> to vector<16xf32>
      %parallel_loop3A_692 = vector.shape_cast %parallel_loop3A_687 : vector<16xf32> to vector<1x16xf32>
      tpu.vector_store %arg12[%parallel_loop3A_688, %parallel_loop3A_689], %parallel_loop3A_692 {strides = array<i32>} : memref<64x768xf32, #tpu.memory_space<vmem>>, vector<1x16xf32>,
      %parallel_loop3A_693 = arith.index_cast %parallel_loop3A_92 : i32 to index
      %parallel_loop3A_694 = arith.constant 592 : index
      %parallel_loop3A_695 = tpu.vector_load %arg12[%parallel_loop3A_693, %parallel_loop3A_694] {strides = array<i32>} : memref<64x768xf32, #tpu.memory_space<vmem>>, vector<1x16xf32>,
      %parallel_loop3A_696 = vector.shape_cast %parallel_loop3A_695 : vector<1x16xf32> to vector<16xf32>
      %parallel_loop3A_697 = arith.mulf %parallel_loop3A_696, %parallel_loop3A_96 : vector<16xf32>
      %parallel_loop3A_698 = arith.index_cast %parallel_loop3A_92 : i32 to index
      %parallel_loop3A_699 = arith.constant 592 : index
      %parallel_loop3A_700 = tpu.vector_load %arg13[%parallel_loop3A_698, %parallel_loop3A_699] {strides = array<i32>} : memref<64x768xf32, #tpu.memory_space<vmem>>, vector<1x16xf32>,
      %parallel_loop3A_701 = vector.shape_cast %parallel_loop3A_700 : vector<1x16xf32> to vector<16xf32>
      %parallel_loop3A_702 = arith.mulf %parallel_loop3A_701, %parallel_loop3A_100 : vector<16xf32>
      %parallel_loop3A_703 = arith.addf %parallel_loop3A_697, %parallel_loop3A_702 : vector<16xf32>
      %parallel_loop3A_704 = arith.index_cast %parallel_loop3A_92 : i32 to index
      %parallel_loop3A_705 = arith.constant 592 : index
      %parallel_loop3A_706 = tpu.vector_load %arg12[%parallel_loop3A_704, %parallel_loop3A_705] {strides = array<i32>} : memref<64x768xf32, #tpu.memory_space<vmem>>, vector<1x16xf32>,
      %parallel_loop3A_707 = vector.shape_cast %parallel_loop3A_706 : vector<1x16xf32> to vector<16xf32>
      %parallel_loop3A_708 = vector.shape_cast %parallel_loop3A_703 : vector<16xf32> to vector<1x16xf32>
      tpu.vector_store %arg12[%parallel_loop3A_704, %parallel_loop3A_705], %parallel_loop3A_708 {strides = array<i32>} : memref<64x768xf32, #tpu.memory_space<vmem>>, vector<1x16xf32>,
      %parallel_loop3A_709 = arith.index_cast %parallel_loop3A_92 : i32 to index
      %parallel_loop3A_710 = arith.constant 608 : index
      %parallel_loop3A_711 = tpu.vector_load %arg12[%parallel_loop3A_709, %parallel_loop3A_710] {strides = array<i32>} : memref<64x768xf32, #tpu.memory_space<vmem>>, vector<1x16xf32>,
      %parallel_loop3A_712 = vector.shape_cast %parallel_loop3A_711 : vector<1x16xf32> to vector<16xf32>
      %parallel_loop3A_713 = arith.mulf %parallel_loop3A_712, %parallel_loop3A_96 : vector<16xf32>
      %parallel_loop3A_714 = arith.index_cast %parallel_loop3A_92 : i32 to index
      %parallel_loop3A_715 = arith.constant 608 : index
      %parallel_loop3A_716 = tpu.vector_load %arg13[%parallel_loop3A_714, %parallel_loop3A_715] {strides = array<i32>} : memref<64x768xf32, #tpu.memory_space<vmem>>, vector<1x16xf32>,
      %parallel_loop3A_717 = vector.shape_cast %parallel_loop3A_716 : vector<1x16xf32> to vector<16xf32>
      %parallel_loop3A_718 = arith.mulf %parallel_loop3A_717, %parallel_loop3A_100 : vector<16xf32>
      %parallel_loop3A_719 = arith.addf %parallel_loop3A_713, %parallel_loop3A_718 : vector<16xf32>
      %parallel_loop3A_720 = arith.index_cast %parallel_loop3A_92 : i32 to index
      %parallel_loop3A_721 = arith.constant 608 : index
      %parallel_loop3A_722 = tpu.vector_load %arg12[%parallel_loop3A_720, %parallel_loop3A_721] {strides = array<i32>} : memref<64x768xf32, #tpu.memory_space<vmem>>, vector<1x16xf32>,
      %parallel_loop3A_723 = vector.shape_cast %parallel_loop3A_722 : vector<1x16xf32> to vector<16xf32>
      %parallel_loop3A_724 = vector.shape_cast %parallel_loop3A_719 : vector<16xf32> to vector<1x16xf32>
      tpu.vector_store %arg12[%parallel_loop3A_720, %parallel_loop3A_721], %parallel_loop3A_724 {strides = array<i32>} : memref<64x768xf32, #tpu.memory_space<vmem>>, vector<1x16xf32>,
      %parallel_loop3A_725 = arith.index_cast %parallel_loop3A_92 : i32 to index
      %parallel_loop3A_726 = arith.constant 624 : index
      %parallel_loop3A_727 = tpu.vector_load %arg12[%parallel_loop3A_725, %parallel_loop3A_726] {strides = array<i32>} : memref<64x768xf32, #tpu.memory_space<vmem>>, vector<1x16xf32>,
      %parallel_loop3A_728 = vector.shape_cast %parallel_loop3A_727 : vector<1x16xf32> to vector<16xf32>
      %parallel_loop3A_729 = arith.mulf %parallel_loop3A_728, %parallel_loop3A_96 : vector<16xf32>
      %parallel_loop3A_730 = arith.index_cast %parallel_loop3A_92 : i32 to index
      %parallel_loop3A_731 = arith.constant 624 : index
      %parallel_loop3A_732 = tpu.vector_load %arg13[%parallel_loop3A_730, %parallel_loop3A_731] {strides = array<i32>} : memref<64x768xf32, #tpu.memory_space<vmem>>, vector<1x16xf32>,
      %parallel_loop3A_733 = vector.shape_cast %parallel_loop3A_732 : vector<1x16xf32> to vector<16xf32>
      %parallel_loop3A_734 = arith.mulf %parallel_loop3A_733, %parallel_loop3A_100 : vector<16xf32>
      %parallel_loop3A_735 = arith.addf %parallel_loop3A_729, %parallel_loop3A_734 : vector<16xf32>
      %parallel_loop3A_736 = arith.index_cast %parallel_loop3A_92 : i32 to index
      %parallel_loop3A_737 = arith.constant 624 : index
      %parallel_loop3A_738 = tpu.vector_load %arg12[%parallel_loop3A_736, %parallel_loop3A_737] {strides = array<i32>} : memref<64x768xf32, #tpu.memory_space<vmem>>, vector<1x16xf32>,
      %parallel_loop3A_739 = vector.shape_cast %parallel_loop3A_738 : vector<1x16xf32> to vector<16xf32>
      %parallel_loop3A_740 = vector.shape_cast %parallel_loop3A_735 : vector<16xf32> to vector<1x16xf32>
      tpu.vector_store %arg12[%parallel_loop3A_736, %parallel_loop3A_737], %parallel_loop3A_740 {strides = array<i32>} : memref<64x768xf32, #tpu.memory_space<vmem>>, vector<1x16xf32>,
      %parallel_loop3A_741 = arith.index_cast %parallel_loop3A_92 : i32 to index
      %parallel_loop3A_742 = arith.constant 640 : index
      %parallel_loop3A_743 = tpu.vector_load %arg12[%parallel_loop3A_741, %parallel_loop3A_742] {strides = array<i32>} : memref<64x768xf32, #tpu.memory_space<vmem>>, vector<1x16xf32>,
      %parallel_loop3A_744 = vector.shape_cast %parallel_loop3A_743 : vector<1x16xf32> to vector<16xf32>
      %parallel_loop3A_745 = arith.mulf %parallel_loop3A_744, %parallel_loop3A_96 : vector<16xf32>
      %parallel_loop3A_746 = arith.index_cast %parallel_loop3A_92 : i32 to index
      %parallel_loop3A_747 = arith.constant 640 : index
      %parallel_loop3A_748 = tpu.vector_load %arg13[%parallel_loop3A_746, %parallel_loop3A_747] {strides = array<i32>} : memref<64x768xf32, #tpu.memory_space<vmem>>, vector<1x16xf32>,
      %parallel_loop3A_749 = vector.shape_cast %parallel_loop3A_748 : vector<1x16xf32> to vector<16xf32>
      %parallel_loop3A_750 = arith.mulf %parallel_loop3A_749, %parallel_loop3A_100 : vector<16xf32>
      %parallel_loop3A_751 = arith.addf %parallel_loop3A_745, %parallel_loop3A_750 : vector<16xf32>
      %parallel_loop3A_752 = arith.index_cast %parallel_loop3A_92 : i32 to index
      %parallel_loop3A_753 = arith.constant 640 : index
      %parallel_loop3A_754 = tpu.vector_load %arg12[%parallel_loop3A_752, %parallel_loop3A_753] {strides = array<i32>} : memref<64x768xf32, #tpu.memory_space<vmem>>, vector<1x16xf32>,
      %parallel_loop3A_755 = vector.shape_cast %parallel_loop3A_754 : vector<1x16xf32> to vector<16xf32>
      %parallel_loop3A_756 = vector.shape_cast %parallel_loop3A_751 : vector<16xf32> to vector<1x16xf32>
      tpu.vector_store %arg12[%parallel_loop3A_752, %parallel_loop3A_753], %parallel_loop3A_756 {strides = array<i32>} : memref<64x768xf32, #tpu.memory_space<vmem>>, vector<1x16xf32>,
      %parallel_loop3A_757 = arith.index_cast %parallel_loop3A_92 : i32 to index
      %parallel_loop3A_758 = arith.constant 656 : index
      %parallel_loop3A_759 = tpu.vector_load %arg12[%parallel_loop3A_757, %parallel_loop3A_758] {strides = array<i32>} : memref<64x768xf32, #tpu.memory_space<vmem>>, vector<1x16xf32>,
      %parallel_loop3A_760 = vector.shape_cast %parallel_loop3A_759 : vector<1x16xf32> to vector<16xf32>
      %parallel_loop3A_761 = arith.mulf %parallel_loop3A_760, %parallel_loop3A_96 : vector<16xf32>
      %parallel_loop3A_762 = arith.index_cast %parallel_loop3A_92 : i32 to index
      %parallel_loop3A_763 = arith.constant 656 : index
      %parallel_loop3A_764 = tpu.vector_load %arg13[%parallel_loop3A_762, %parallel_loop3A_763] {strides = array<i32>} : memref<64x768xf32, #tpu.memory_space<vmem>>, vector<1x16xf32>,
      %parallel_loop3A_765 = vector.shape_cast %parallel_loop3A_764 : vector<1x16xf32> to vector<16xf32>
      %parallel_loop3A_766 = arith.mulf %parallel_loop3A_765, %parallel_loop3A_100 : vector<16xf32>
      %parallel_loop3A_767 = arith.addf %parallel_loop3A_761, %parallel_loop3A_766 : vector<16xf32>
      %parallel_loop3A_768 = arith.index_cast %parallel_loop3A_92 : i32 to index
      %parallel_loop3A_769 = arith.constant 656 : index
      %parallel_loop3A_770 = tpu.vector_load %arg12[%parallel_loop3A_768, %parallel_loop3A_769] {strides = array<i32>} : memref<64x768xf32, #tpu.memory_space<vmem>>, vector<1x16xf32>,
      %parallel_loop3A_771 = vector.shape_cast %parallel_loop3A_770 : vector<1x16xf32> to vector<16xf32>
      %parallel_loop3A_772 = vector.shape_cast %parallel_loop3A_767 : vector<16xf32> to vector<1x16xf32>
      tpu.vector_store %arg12[%parallel_loop3A_768, %parallel_loop3A_769], %parallel_loop3A_772 {strides = array<i32>} : memref<64x768xf32, #tpu.memory_space<vmem>>, vector<1x16xf32>,
      %parallel_loop3A_773 = arith.index_cast %parallel_loop3A_92 : i32 to index
      %parallel_loop3A_774 = arith.constant 672 : index
      %parallel_loop3A_775 = tpu.vector_load %arg12[%parallel_loop3A_773, %parallel_loop3A_774] {strides = array<i32>} : memref<64x768xf32, #tpu.memory_space<vmem>>, vector<1x16xf32>,
      %parallel_loop3A_776 = vector.shape_cast %parallel_loop3A_775 : vector<1x16xf32> to vector<16xf32>
      %parallel_loop3A_777 = arith.mulf %parallel_loop3A_776, %parallel_loop3A_96 : vector<16xf32>
      %parallel_loop3A_778 = arith.index_cast %parallel_loop3A_92 : i32 to index
      %parallel_loop3A_779 = arith.constant 672 : index
      %parallel_loop3A_780 = tpu.vector_load %arg13[%parallel_loop3A_778, %parallel_loop3A_779] {strides = array<i32>} : memref<64x768xf32, #tpu.memory_space<vmem>>, vector<1x16xf32>,
      %parallel_loop3A_781 = vector.shape_cast %parallel_loop3A_780 : vector<1x16xf32> to vector<16xf32>
      %parallel_loop3A_782 = arith.mulf %parallel_loop3A_781, %parallel_loop3A_100 : vector<16xf32>
      %parallel_loop3A_783 = arith.addf %parallel_loop3A_777, %parallel_loop3A_782 : vector<16xf32>
      %parallel_loop3A_784 = arith.index_cast %parallel_loop3A_92 : i32 to index
      %parallel_loop3A_785 = arith.constant 672 : index
      %parallel_loop3A_786 = tpu.vector_load %arg12[%parallel_loop3A_784, %parallel_loop3A_785] {strides = array<i32>} : memref<64x768xf32, #tpu.memory_space<vmem>>, vector<1x16xf32>,
      %parallel_loop3A_787 = vector.shape_cast %parallel_loop3A_786 : vector<1x16xf32> to vector<16xf32>
      %parallel_loop3A_788 = vector.shape_cast %parallel_loop3A_783 : vector<16xf32> to vector<1x16xf32>
      tpu.vector_store %arg12[%parallel_loop3A_784, %parallel_loop3A_785], %parallel_loop3A_788 {strides = array<i32>} : memref<64x768xf32, #tpu.memory_space<vmem>>, vector<1x16xf32>,
      %parallel_loop3A_789 = arith.index_cast %parallel_loop3A_92 : i32 to index
      %parallel_loop3A_790 = arith.constant 688 : index
      %parallel_loop3A_791 = tpu.vector_load %arg12[%parallel_loop3A_789, %parallel_loop3A_790] {strides = array<i32>} : memref<64x768xf32, #tpu.memory_space<vmem>>, vector<1x16xf32>,
      %parallel_loop3A_792 = vector.shape_cast %parallel_loop3A_791 : vector<1x16xf32> to vector<16xf32>
      %parallel_loop3A_793 = arith.mulf %parallel_loop3A_792, %parallel_loop3A_96 : vector<16xf32>
      %parallel_loop3A_794 = arith.index_cast %parallel_loop3A_92 : i32 to index
      %parallel_loop3A_795 = arith.constant 688 : index
      %parallel_loop3A_796 = tpu.vector_load %arg13[%parallel_loop3A_794, %parallel_loop3A_795] {strides = array<i32>} : memref<64x768xf32, #tpu.memory_space<vmem>>, vector<1x16xf32>,
      %parallel_loop3A_797 = vector.shape_cast %parallel_loop3A_796 : vector<1x16xf32> to vector<16xf32>
      %parallel_loop3A_798 = arith.mulf %parallel_loop3A_797, %parallel_loop3A_100 : vector<16xf32>
      %parallel_loop3A_799 = arith.addf %parallel_loop3A_793, %parallel_loop3A_798 : vector<16xf32>
      %parallel_loop3A_800 = arith.index_cast %parallel_loop3A_92 : i32 to index
      %parallel_loop3A_801 = arith.constant 688 : index
      %parallel_loop3A_802 = tpu.vector_load %arg12[%parallel_loop3A_800, %parallel_loop3A_801] {strides = array<i32>} : memref<64x768xf32, #tpu.memory_space<vmem>>, vector<1x16xf32>,
      %parallel_loop3A_803 = vector.shape_cast %parallel_loop3A_802 : vector<1x16xf32> to vector<16xf32>
      %parallel_loop3A_804 = vector.shape_cast %parallel_loop3A_799 : vector<16xf32> to vector<1x16xf32>
      tpu.vector_store %arg12[%parallel_loop3A_800, %parallel_loop3A_801], %parallel_loop3A_804 {strides = array<i32>} : memref<64x768xf32, #tpu.memory_space<vmem>>, vector<1x16xf32>,
      %parallel_loop3A_805 = arith.index_cast %parallel_loop3A_92 : i32 to index
      %parallel_loop3A_806 = arith.constant 704 : index
      %parallel_loop3A_807 = tpu.vector_load %arg12[%parallel_loop3A_805, %parallel_loop3A_806] {strides = array<i32>} : memref<64x768xf32, #tpu.memory_space<vmem>>, vector<1x16xf32>,
      %parallel_loop3A_808 = vector.shape_cast %parallel_loop3A_807 : vector<1x16xf32> to vector<16xf32>
      %parallel_loop3A_809 = arith.mulf %parallel_loop3A_808, %parallel_loop3A_96 : vector<16xf32>
      %parallel_loop3A_810 = arith.index_cast %parallel_loop3A_92 : i32 to index
      %parallel_loop3A_811 = arith.constant 704 : index
      %parallel_loop3A_812 = tpu.vector_load %arg13[%parallel_loop3A_810, %parallel_loop3A_811] {strides = array<i32>} : memref<64x768xf32, #tpu.memory_space<vmem>>, vector<1x16xf32>,
      %parallel_loop3A_813 = vector.shape_cast %parallel_loop3A_812 : vector<1x16xf32> to vector<16xf32>
      %parallel_loop3A_814 = arith.mulf %parallel_loop3A_813, %parallel_loop3A_100 : vector<16xf32>
      %parallel_loop3A_815 = arith.addf %parallel_loop3A_809, %parallel_loop3A_814 : vector<16xf32>
      %parallel_loop3A_816 = arith.index_cast %parallel_loop3A_92 : i32 to index
      %parallel_loop3A_817 = arith.constant 704 : index
      %parallel_loop3A_818 = tpu.vector_load %arg12[%parallel_loop3A_816, %parallel_loop3A_817] {strides = array<i32>} : memref<64x768xf32, #tpu.memory_space<vmem>>, vector<1x16xf32>,
      %parallel_loop3A_819 = vector.shape_cast %parallel_loop3A_818 : vector<1x16xf32> to vector<16xf32>
      %parallel_loop3A_820 = vector.shape_cast %parallel_loop3A_815 : vector<16xf32> to vector<1x16xf32>
      tpu.vector_store %arg12[%parallel_loop3A_816, %parallel_loop3A_817], %parallel_loop3A_820 {strides = array<i32>} : memref<64x768xf32, #tpu.memory_space<vmem>>, vector<1x16xf32>,
      %parallel_loop3A_821 = arith.index_cast %parallel_loop3A_92 : i32 to index
      %parallel_loop3A_822 = arith.constant 720 : index
      %parallel_loop3A_823 = tpu.vector_load %arg12[%parallel_loop3A_821, %parallel_loop3A_822] {strides = array<i32>} : memref<64x768xf32, #tpu.memory_space<vmem>>, vector<1x16xf32>,
      %parallel_loop3A_824 = vector.shape_cast %parallel_loop3A_823 : vector<1x16xf32> to vector<16xf32>
      %parallel_loop3A_825 = arith.mulf %parallel_loop3A_824, %parallel_loop3A_96 : vector<16xf32>
      %parallel_loop3A_826 = arith.index_cast %parallel_loop3A_92 : i32 to index
      %parallel_loop3A_827 = arith.constant 720 : index
      %parallel_loop3A_828 = tpu.vector_load %arg13[%parallel_loop3A_826, %parallel_loop3A_827] {strides = array<i32>} : memref<64x768xf32, #tpu.memory_space<vmem>>, vector<1x16xf32>,
      %parallel_loop3A_829 = vector.shape_cast %parallel_loop3A_828 : vector<1x16xf32> to vector<16xf32>
      %parallel_loop3A_830 = arith.mulf %parallel_loop3A_829, %parallel_loop3A_100 : vector<16xf32>
      %parallel_loop3A_831 = arith.addf %parallel_loop3A_825, %parallel_loop3A_830 : vector<16xf32>
      %parallel_loop3A_832 = arith.index_cast %parallel_loop3A_92 : i32 to index
      %parallel_loop3A_833 = arith.constant 720 : index
      %parallel_loop3A_834 = tpu.vector_load %arg12[%parallel_loop3A_832, %parallel_loop3A_833] {strides = array<i32>} : memref<64x768xf32, #tpu.memory_space<vmem>>, vector<1x16xf32>,
      %parallel_loop3A_835 = vector.shape_cast %parallel_loop3A_834 : vector<1x16xf32> to vector<16xf32>
      %parallel_loop3A_836 = vector.shape_cast %parallel_loop3A_831 : vector<16xf32> to vector<1x16xf32>
      tpu.vector_store %arg12[%parallel_loop3A_832, %parallel_loop3A_833], %parallel_loop3A_836 {strides = array<i32>} : memref<64x768xf32, #tpu.memory_space<vmem>>, vector<1x16xf32>,
      %parallel_loop3A_837 = arith.index_cast %parallel_loop3A_92 : i32 to index
      %parallel_loop3A_838 = arith.constant 736 : index
      %parallel_loop3A_839 = tpu.vector_load %arg12[%parallel_loop3A_837, %parallel_loop3A_838] {strides = array<i32>} : memref<64x768xf32, #tpu.memory_space<vmem>>, vector<1x16xf32>,
      %parallel_loop3A_840 = vector.shape_cast %parallel_loop3A_839 : vector<1x16xf32> to vector<16xf32>
      %parallel_loop3A_841 = arith.mulf %parallel_loop3A_840, %parallel_loop3A_96 : vector<16xf32>
      %parallel_loop3A_842 = arith.index_cast %parallel_loop3A_92 : i32 to index
      %parallel_loop3A_843 = arith.constant 736 : index
      %parallel_loop3A_844 = tpu.vector_load %arg13[%parallel_loop3A_842, %parallel_loop3A_843] {strides = array<i32>} : memref<64x768xf32, #tpu.memory_space<vmem>>, vector<1x16xf32>,
      %parallel_loop3A_845 = vector.shape_cast %parallel_loop3A_844 : vector<1x16xf32> to vector<16xf32>
      %parallel_loop3A_846 = arith.mulf %parallel_loop3A_845, %parallel_loop3A_100 : vector<16xf32>
      %parallel_loop3A_847 = arith.addf %parallel_loop3A_841, %parallel_loop3A_846 : vector<16xf32>
      %parallel_loop3A_848 = arith.index_cast %parallel_loop3A_92 : i32 to index
      %parallel_loop3A_849 = arith.constant 736 : index
      %parallel_loop3A_850 = tpu.vector_load %arg12[%parallel_loop3A_848, %parallel_loop3A_849] {strides = array<i32>} : memref<64x768xf32, #tpu.memory_space<vmem>>, vector<1x16xf32>,
      %parallel_loop3A_851 = vector.shape_cast %parallel_loop3A_850 : vector<1x16xf32> to vector<16xf32>
      %parallel_loop3A_852 = vector.shape_cast %parallel_loop3A_847 : vector<16xf32> to vector<1x16xf32>
      tpu.vector_store %arg12[%parallel_loop3A_848, %parallel_loop3A_849], %parallel_loop3A_852 {strides = array<i32>} : memref<64x768xf32, #tpu.memory_space<vmem>>, vector<1x16xf32>,
      %parallel_loop3A_853 = arith.index_cast %parallel_loop3A_92 : i32 to index
      %parallel_loop3A_854 = arith.constant 752 : index
      %parallel_loop3A_855 = tpu.vector_load %arg12[%parallel_loop3A_853, %parallel_loop3A_854] {strides = array<i32>} : memref<64x768xf32, #tpu.memory_space<vmem>>, vector<1x16xf32>,
      %parallel_loop3A_856 = vector.shape_cast %parallel_loop3A_855 : vector<1x16xf32> to vector<16xf32>
      %parallel_loop3A_857 = arith.mulf %parallel_loop3A_856, %parallel_loop3A_96 : vector<16xf32>
      %parallel_loop3A_858 = arith.index_cast %parallel_loop3A_92 : i32 to index
      %parallel_loop3A_859 = arith.constant 752 : index
      %parallel_loop3A_860 = tpu.vector_load %arg13[%parallel_loop3A_858, %parallel_loop3A_859] {strides = array<i32>} : memref<64x768xf32, #tpu.memory_space<vmem>>, vector<1x16xf32>,
      %parallel_loop3A_861 = vector.shape_cast %parallel_loop3A_860 : vector<1x16xf32> to vector<16xf32>
      %parallel_loop3A_862 = arith.mulf %parallel_loop3A_861, %parallel_loop3A_100 : vector<16xf32>
      %parallel_loop3A_863 = arith.addf %parallel_loop3A_857, %parallel_loop3A_862 : vector<16xf32>
      %parallel_loop3A_864 = arith.index_cast %parallel_loop3A_92 : i32 to index
      %parallel_loop3A_865 = arith.constant 752 : index
      %parallel_loop3A_866 = tpu.vector_load %arg12[%parallel_loop3A_864, %parallel_loop3A_865] {strides = array<i32>} : memref<64x768xf32, #tpu.memory_space<vmem>>, vector<1x16xf32>,
      %parallel_loop3A_867 = vector.shape_cast %parallel_loop3A_866 : vector<1x16xf32> to vector<16xf32>
      %parallel_loop3A_868 = vector.shape_cast %parallel_loop3A_863 : vector<16xf32> to vector<1x16xf32>
      tpu.vector_store %arg12[%parallel_loop3A_864, %parallel_loop3A_865], %parallel_loop3A_868 {strides = array<i32>} : memref<64x768xf32, #tpu.memory_space<vmem>>, vector<1x16xf32>,
    } {sc.loop_unroll_factor = 4 : i64, sc.parallel_access}
    %dma_start3A_51 = arith.constant 0 : i32
    %dma_start3A_52 = arith.constant 0 : i32
    %dma_start3A_53 = tpu.memref_slice %arg12[%dma_start3A_51, %dma_start3A_52] : memref<64x768xf32, #tpu.memory_space<vmem>> -> memref<32x768xf32, #tpu.memory_space<vmem>>
    %dma_start3A_54 = arith.constant 0 : i32
    %dma_start3A_55 = tpu.memref_slice %arg7[%mul3A_2, %dma_start3A_54] : memref<2048x768xf32, #tpu.memory_space<hbm>> -> memref<32x768xf32, #tpu.memory_space<hbm>>
    %dma_start3A_56 = arith.constant 0 : i32
    %dma_start3A_57 = tpu.memref_slice %arg7[%mul3A_2, %dma_start3A_56] : memref<2048x768xf32, #tpu.memory_space<hbm>> -> memref<32x768xf32, #tpu.memory_space<hbm>>
    %dma_start3A_58 = arith.constant 0 : i32
    %dma_start3A_59 = arith.constant 0 : i32
    %dma_start3A_60 = tpu.memref_slice %arg12[%dma_start3A_58, %dma_start3A_59] : memref<64x768xf32, #tpu.memory_space<vmem>> -> memref<32x768xf32, #tpu.memory_space<vmem>>
    tpu.enqueue_dma source(%dma_start3A_60 : memref<32x768xf32, #tpu.memory_space<vmem>>) target(%dma_start3A_57 : memref<32x768xf32, #tpu.memory_space<hbm>>) target_semaphore(%arg16 : memref<!tpu.dma_semaphore, #tpu.memory_space<semaphore_mem>>)
    %dma_wait3A_61 = arith.constant 32 : i32
    %dma_wait3A_62 = arith.constant 0 : i32
    %dma_wait3A_63 = tpu.memref_slice %arg12[%dma_wait3A_61, %dma_wait3A_62] : memref<64x768xf32, #tpu.memory_space<vmem>> -> memref<32x768xf32, #tpu.memory_space<vmem>>
    %dma_wait3A_64 = arith.constant 32 : i32
    %dma_wait3A_65 = tpu.memref_slice %arg8[%dma_wait3A_64] : memref<64xi32, #tpu.memory_space<vmem>> -> memref<32xi32, #tpu.memory_space<vmem>>
    %dma_wait3A_66 = arith.constant 0 : i32
    %dma_wait3A_67 = arith.constant 0 : i32
    %dma_wait3A_68 = tpu.memref_slice %arg2[%dma_wait3A_66, %dma_wait3A_67] : memref<5120x768xf32, #tpu.memory_space<hbm>> -> memref<5120x768xf32, #tpu.memory_space<hbm>>
    tpu.wait_indirect_dma semaphore(%arg14 : memref<!tpu.dma_semaphore, #tpu.memory_space<semaphore_mem>>) src(%dma_wait3A_68 : memref<5120x768xf32, #tpu.memory_space<hbm>>) dst(%dma_wait3A_63 : memref<32x768xf32, #tpu.memory_space<vmem>>)
    %dma_wait3A_69 = arith.constant 32 : i32
    %dma_wait3A_70 = arith.constant 0 : i32
    %dma_wait3A_71 = tpu.memref_slice %arg13[%dma_wait3A_69, %dma_wait3A_70] : memref<64x768xf32, #tpu.memory_space<vmem>> -> memref<32x768xf32, #tpu.memory_space<vmem>>
    %dma_wait3A_72 = arith.constant 32 : i32
    %dma_wait3A_73 = tpu.memref_slice %arg9[%dma_wait3A_72] : memref<64xi32, #tpu.memory_space<vmem>> -> memref<32xi32, #tpu.memory_space<vmem>>
    %dma_wait3A_74 = arith.constant 0 : i32
    %dma_wait3A_75 = arith.constant 0 : i32
    %dma_wait3A_76 = tpu.memref_slice %arg2[%dma_wait3A_74, %dma_wait3A_75] : memref<5120x768xf32, #tpu.memory_space<hbm>> -> memref<5120x768xf32, #tpu.memory_space<hbm>>
    tpu.wait_indirect_dma semaphore(%arg15 : memref<!tpu.dma_semaphore, #tpu.memory_space<semaphore_mem>>) src(%dma_wait3A_76 : memref<5120x768xf32, #tpu.memory_space<hbm>>) dst(%dma_wait3A_71 : memref<32x768xf32, #tpu.memory_space<vmem>>)
    %parallel_loop3A_77 = arith.constant 32 : i32
    %parallel_loop3A_78 = arith.constant 64 : i32
    %parallel_loop3A_79 = arith.constant 1 : i32
    scf.for %parallel_loop3A_92 = %parallel_loop3A_77 to %parallel_loop3A_78 step %parallel_loop3A_79  : i32 {
      %parallel_loop3A_93 = arith.index_cast %parallel_loop3A_92 : i32 to index
      %parallel_loop3A_94 = arith.constant 0 : index
      %parallel_loop3A_95 = tpu.vector_load %arg10[%parallel_loop3A_93, %parallel_loop3A_94] {strides = array<i32>} : memref<64x16xf32, #tpu.memory_space<vmem>>, vector<1x16xf32>,
      %parallel_loop3A_96 = vector.shape_cast %parallel_loop3A_95 : vector<1x16xf32> to vector<16xf32>
      %parallel_loop3A_97 = arith.index_cast %parallel_loop3A_92 : i32 to index
      %parallel_loop3A_98 = arith.constant 0 : index
      %parallel_loop3A_99 = tpu.vector_load %arg11[%parallel_loop3A_97, %parallel_loop3A_98] {strides = array<i32>} : memref<64x16xf32, #tpu.memory_space<vmem>>, vector<1x16xf32>,
      %parallel_loop3A_100 = vector.shape_cast %parallel_loop3A_99 : vector<1x16xf32> to vector<16xf32>
      %parallel_loop3A_101 = arith.index_cast %parallel_loop3A_92 : i32 to index
      %parallel_loop3A_102 = arith.constant 0 : index
      %parallel_loop3A_103 = tpu.vector_load %arg12[%parallel_loop3A_101, %parallel_loop3A_102] {strides = array<i32>} : memref<64x768xf32, #tpu.memory_space<vmem>>, vector<1x16xf32>,
      %parallel_loop3A_104 = vector.shape_cast %parallel_loop3A_103 : vector<1x16xf32> to vector<16xf32>
      %parallel_loop3A_105 = arith.mulf %parallel_loop3A_104, %parallel_loop3A_96 : vector<16xf32>
      %parallel_loop3A_106 = arith.index_cast %parallel_loop3A_92 : i32 to index
      %parallel_loop3A_107 = arith.constant 0 : index
      %parallel_loop3A_108 = tpu.vector_load %arg13[%parallel_loop3A_106, %parallel_loop3A_107] {strides = array<i32>} : memref<64x768xf32, #tpu.memory_space<vmem>>, vector<1x16xf32>,
      %parallel_loop3A_109 = vector.shape_cast %parallel_loop3A_108 : vector<1x16xf32> to vector<16xf32>
      %parallel_loop3A_110 = arith.mulf %parallel_loop3A_109, %parallel_loop3A_100 : vector<16xf32>
      %parallel_loop3A_111 = arith.addf %parallel_loop3A_105, %parallel_loop3A_110 : vector<16xf32>
      %parallel_loop3A_112 = arith.index_cast %parallel_loop3A_92 : i32 to index
      %parallel_loop3A_113 = arith.constant 0 : index
      %parallel_loop3A_114 = tpu.vector_load %arg12[%parallel_loop3A_112, %parallel_loop3A_113] {strides = array<i32>} : memref<64x768xf32, #tpu.memory_space<vmem>>, vector<1x16xf32>,
      %parallel_loop3A_115 = vector.shape_cast %parallel_loop3A_114 : vector<1x16xf32> to vector<16xf32>
      %parallel_loop3A_116 = vector.shape_cast %parallel_loop3A_111 : vector<16xf32> to vector<1x16xf32>
      tpu.vector_store %arg12[%parallel_loop3A_112, %parallel_loop3A_113], %parallel_loop3A_116 {strides = array<i32>} : memref<64x768xf32, #tpu.memory_space<vmem>>, vector<1x16xf32>,
      %parallel_loop3A_117 = arith.index_cast %parallel_loop3A_92 : i32 to index
      %parallel_loop3A_118 = arith.constant 16 : index
      %parallel_loop3A_119 = tpu.vector_load %arg12[%parallel_loop3A_117, %parallel_loop3A_118] {strides = array<i32>} : memref<64x768xf32, #tpu.memory_space<vmem>>, vector<1x16xf32>,
      %parallel_loop3A_120 = vector.shape_cast %parallel_loop3A_119 : vector<1x16xf32> to vector<16xf32>
      %parallel_loop3A_121 = arith.mulf %parallel_loop3A_120, %parallel_loop3A_96 : vector<16xf32>
      %parallel_loop3A_122 = arith.index_cast %parallel_loop3A_92 : i32 to index
      %parallel_loop3A_123 = arith.constant 16 : index
      %parallel_loop3A_124 = tpu.vector_load %arg13[%parallel_loop3A_122, %parallel_loop3A_123] {strides = array<i32>} : memref<64x768xf32, #tpu.memory_space<vmem>>, vector<1x16xf32>,
      %parallel_loop3A_125 = vector.shape_cast %parallel_loop3A_124 : vector<1x16xf32> to vector<16xf32>
      %parallel_loop3A_126 = arith.mulf %parallel_loop3A_125, %parallel_loop3A_100 : vector<16xf32>
      %parallel_loop3A_127 = arith.addf %parallel_loop3A_121, %parallel_loop3A_126 : vector<16xf32>
      %parallel_loop3A_128 = arith.index_cast %parallel_loop3A_92 : i32 to index
      %parallel_loop3A_129 = arith.constant 16 : index
      %parallel_loop3A_130 = tpu.vector_load %arg12[%parallel_loop3A_128, %parallel_loop3A_129] {strides = array<i32>} : memref<64x768xf32, #tpu.memory_space<vmem>>, vector<1x16xf32>,
      %parallel_loop3A_131 = vector.shape_cast %parallel_loop3A_130 : vector<1x16xf32> to vector<16xf32>
      %parallel_loop3A_132 = vector.shape_cast %parallel_loop3A_127 : vector<16xf32> to vector<1x16xf32>
      tpu.vector_store %arg12[%parallel_loop3A_128, %parallel_loop3A_129], %parallel_loop3A_132 {strides = array<i32>} : memref<64x768xf32, #tpu.memory_space<vmem>>, vector<1x16xf32>,
      %parallel_loop3A_133 = arith.index_cast %parallel_loop3A_92 : i32 to index
      %parallel_loop3A_134 = arith.constant 32 : index
      %parallel_loop3A_135 = tpu.vector_load %arg12[%parallel_loop3A_133, %parallel_loop3A_134] {strides = array<i32>} : memref<64x768xf32, #tpu.memory_space<vmem>>, vector<1x16xf32>,
      %parallel_loop3A_136 = vector.shape_cast %parallel_loop3A_135 : vector<1x16xf32> to vector<16xf32>
      %parallel_loop3A_137 = arith.mulf %parallel_loop3A_136, %parallel_loop3A_96 : vector<16xf32>
      %parallel_loop3A_138 = arith.index_cast %parallel_loop3A_92 : i32 to index
      %parallel_loop3A_139 = arith.constant 32 : index
      %parallel_loop3A_140 = tpu.vector_load %arg13[%parallel_loop3A_138, %parallel_loop3A_139] {strides = array<i32>} : memref<64x768xf32, #tpu.memory_space<vmem>>, vector<1x16xf32>,
      %parallel_loop3A_141 = vector.shape_cast %parallel_loop3A_140 : vector<1x16xf32> to vector<16xf32>
      %parallel_loop3A_142 = arith.mulf %parallel_loop3A_141, %parallel_loop3A_100 : vector<16xf32>
      %parallel_loop3A_143 = arith.addf %parallel_loop3A_137, %parallel_loop3A_142 : vector<16xf32>
      %parallel_loop3A_144 = arith.index_cast %parallel_loop3A_92 : i32 to index
      %parallel_loop3A_145 = arith.constant 32 : index
      %parallel_loop3A_146 = tpu.vector_load %arg12[%parallel_loop3A_144, %parallel_loop3A_145] {strides = array<i32>} : memref<64x768xf32, #tpu.memory_space<vmem>>, vector<1x16xf32>,
      %parallel_loop3A_147 = vector.shape_cast %parallel_loop3A_146 : vector<1x16xf32> to vector<16xf32>
      %parallel_loop3A_148 = vector.shape_cast %parallel_loop3A_143 : vector<16xf32> to vector<1x16xf32>
      tpu.vector_store %arg12[%parallel_loop3A_144, %parallel_loop3A_145], %parallel_loop3A_148 {strides = array<i32>} : memref<64x768xf32, #tpu.memory_space<vmem>>, vector<1x16xf32>,
      %parallel_loop3A_149 = arith.index_cast %parallel_loop3A_92 : i32 to index
      %parallel_loop3A_150 = arith.constant 48 : index
      %parallel_loop3A_151 = tpu.vector_load %arg12[%parallel_loop3A_149, %parallel_loop3A_150] {strides = array<i32>} : memref<64x768xf32, #tpu.memory_space<vmem>>, vector<1x16xf32>,
      %parallel_loop3A_152 = vector.shape_cast %parallel_loop3A_151 : vector<1x16xf32> to vector<16xf32>
      %parallel_loop3A_153 = arith.mulf %parallel_loop3A_152, %parallel_loop3A_96 : vector<16xf32>
      %parallel_loop3A_154 = arith.index_cast %parallel_loop3A_92 : i32 to index
      %parallel_loop3A_155 = arith.constant 48 : index
      %parallel_loop3A_156 = tpu.vector_load %arg13[%parallel_loop3A_154, %parallel_loop3A_155] {strides = array<i32>} : memref<64x768xf32, #tpu.memory_space<vmem>>, vector<1x16xf32>,
      %parallel_loop3A_157 = vector.shape_cast %parallel_loop3A_156 : vector<1x16xf32> to vector<16xf32>
      %parallel_loop3A_158 = arith.mulf %parallel_loop3A_157, %parallel_loop3A_100 : vector<16xf32>
      %parallel_loop3A_159 = arith.addf %parallel_loop3A_153, %parallel_loop3A_158 : vector<16xf32>
      %parallel_loop3A_160 = arith.index_cast %parallel_loop3A_92 : i32 to index
      %parallel_loop3A_161 = arith.constant 48 : index
      %parallel_loop3A_162 = tpu.vector_load %arg12[%parallel_loop3A_160, %parallel_loop3A_161] {strides = array<i32>} : memref<64x768xf32, #tpu.memory_space<vmem>>, vector<1x16xf32>,
      %parallel_loop3A_163 = vector.shape_cast %parallel_loop3A_162 : vector<1x16xf32> to vector<16xf32>
      %parallel_loop3A_164 = vector.shape_cast %parallel_loop3A_159 : vector<16xf32> to vector<1x16xf32>
      tpu.vector_store %arg12[%parallel_loop3A_160, %parallel_loop3A_161], %parallel_loop3A_164 {strides = array<i32>} : memref<64x768xf32, #tpu.memory_space<vmem>>, vector<1x16xf32>,
      %parallel_loop3A_165 = arith.index_cast %parallel_loop3A_92 : i32 to index
      %parallel_loop3A_166 = arith.constant 64 : index
      %parallel_loop3A_167 = tpu.vector_load %arg12[%parallel_loop3A_165, %parallel_loop3A_166] {strides = array<i32>} : memref<64x768xf32, #tpu.memory_space<vmem>>, vector<1x16xf32>,
      %parallel_loop3A_168 = vector.shape_cast %parallel_loop3A_167 : vector<1x16xf32> to vector<16xf32>
      %parallel_loop3A_169 = arith.mulf %parallel_loop3A_168, %parallel_loop3A_96 : vector<16xf32>
      %parallel_loop3A_170 = arith.index_cast %parallel_loop3A_92 : i32 to index
      %parallel_loop3A_171 = arith.constant 64 : index
      %parallel_loop3A_172 = tpu.vector_load %arg13[%parallel_loop3A_170, %parallel_loop3A_171] {strides = array<i32>} : memref<64x768xf32, #tpu.memory_space<vmem>>, vector<1x16xf32>,
      %parallel_loop3A_173 = vector.shape_cast %parallel_loop3A_172 : vector<1x16xf32> to vector<16xf32>
      %parallel_loop3A_174 = arith.mulf %parallel_loop3A_173, %parallel_loop3A_100 : vector<16xf32>
      %parallel_loop3A_175 = arith.addf %parallel_loop3A_169, %parallel_loop3A_174 : vector<16xf32>
      %parallel_loop3A_176 = arith.index_cast %parallel_loop3A_92 : i32 to index
      %parallel_loop3A_177 = arith.constant 64 : index
      %parallel_loop3A_178 = tpu.vector_load %arg12[%parallel_loop3A_176, %parallel_loop3A_177] {strides = array<i32>} : memref<64x768xf32, #tpu.memory_space<vmem>>, vector<1x16xf32>,
      %parallel_loop3A_179 = vector.shape_cast %parallel_loop3A_178 : vector<1x16xf32> to vector<16xf32>
      %parallel_loop3A_180 = vector.shape_cast %parallel_loop3A_175 : vector<16xf32> to vector<1x16xf32>
      tpu.vector_store %arg12[%parallel_loop3A_176, %parallel_loop3A_177], %parallel_loop3A_180 {strides = array<i32>} : memref<64x768xf32, #tpu.memory_space<vmem>>, vector<1x16xf32>,
      %parallel_loop3A_181 = arith.index_cast %parallel_loop3A_92 : i32 to index
      %parallel_loop3A_182 = arith.constant 80 : index
      %parallel_loop3A_183 = tpu.vector_load %arg12[%parallel_loop3A_181, %parallel_loop3A_182] {strides = array<i32>} : memref<64x768xf32, #tpu.memory_space<vmem>>, vector<1x16xf32>,
      %parallel_loop3A_184 = vector.shape_cast %parallel_loop3A_183 : vector<1x16xf32> to vector<16xf32>
      %parallel_loop3A_185 = arith.mulf %parallel_loop3A_184, %parallel_loop3A_96 : vector<16xf32>
      %parallel_loop3A_186 = arith.index_cast %parallel_loop3A_92 : i32 to index
      %parallel_loop3A_187 = arith.constant 80 : index
      %parallel_loop3A_188 = tpu.vector_load %arg13[%parallel_loop3A_186, %parallel_loop3A_187] {strides = array<i32>} : memref<64x768xf32, #tpu.memory_space<vmem>>, vector<1x16xf32>,
      %parallel_loop3A_189 = vector.shape_cast %parallel_loop3A_188 : vector<1x16xf32> to vector<16xf32>
      %parallel_loop3A_190 = arith.mulf %parallel_loop3A_189, %parallel_loop3A_100 : vector<16xf32>
      %parallel_loop3A_191 = arith.addf %parallel_loop3A_185, %parallel_loop3A_190 : vector<16xf32>
      %parallel_loop3A_192 = arith.index_cast %parallel_loop3A_92 : i32 to index
      %parallel_loop3A_193 = arith.constant 80 : index
      %parallel_loop3A_194 = tpu.vector_load %arg12[%parallel_loop3A_192, %parallel_loop3A_193] {strides = array<i32>} : memref<64x768xf32, #tpu.memory_space<vmem>>, vector<1x16xf32>,
      %parallel_loop3A_195 = vector.shape_cast %parallel_loop3A_194 : vector<1x16xf32> to vector<16xf32>
      %parallel_loop3A_196 = vector.shape_cast %parallel_loop3A_191 : vector<16xf32> to vector<1x16xf32>
      tpu.vector_store %arg12[%parallel_loop3A_192, %parallel_loop3A_193], %parallel_loop3A_196 {strides = array<i32>} : memref<64x768xf32, #tpu.memory_space<vmem>>, vector<1x16xf32>,
      %parallel_loop3A_197 = arith.index_cast %parallel_loop3A_92 : i32 to index
      %parallel_loop3A_198 = arith.constant 96 : index
      %parallel_loop3A_199 = tpu.vector_load %arg12[%parallel_loop3A_197, %parallel_loop3A_198] {strides = array<i32>} : memref<64x768xf32, #tpu.memory_space<vmem>>, vector<1x16xf32>,
      %parallel_loop3A_200 = vector.shape_cast %parallel_loop3A_199 : vector<1x16xf32> to vector<16xf32>
      %parallel_loop3A_201 = arith.mulf %parallel_loop3A_200, %parallel_loop3A_96 : vector<16xf32>
      %parallel_loop3A_202 = arith.index_cast %parallel_loop3A_92 : i32 to index
      %parallel_loop3A_203 = arith.constant 96 : index
      %parallel_loop3A_204 = tpu.vector_load %arg13[%parallel_loop3A_202, %parallel_loop3A_203] {strides = array<i32>} : memref<64x768xf32, #tpu.memory_space<vmem>>, vector<1x16xf32>,
      %parallel_loop3A_205 = vector.shape_cast %parallel_loop3A_204 : vector<1x16xf32> to vector<16xf32>
      %parallel_loop3A_206 = arith.mulf %parallel_loop3A_205, %parallel_loop3A_100 : vector<16xf32>
      %parallel_loop3A_207 = arith.addf %parallel_loop3A_201, %parallel_loop3A_206 : vector<16xf32>
      %parallel_loop3A_208 = arith.index_cast %parallel_loop3A_92 : i32 to index
      %parallel_loop3A_209 = arith.constant 96 : index
      %parallel_loop3A_210 = tpu.vector_load %arg12[%parallel_loop3A_208, %parallel_loop3A_209] {strides = array<i32>} : memref<64x768xf32, #tpu.memory_space<vmem>>, vector<1x16xf32>,
      %parallel_loop3A_211 = vector.shape_cast %parallel_loop3A_210 : vector<1x16xf32> to vector<16xf32>
      %parallel_loop3A_212 = vector.shape_cast %parallel_loop3A_207 : vector<16xf32> to vector<1x16xf32>
      tpu.vector_store %arg12[%parallel_loop3A_208, %parallel_loop3A_209], %parallel_loop3A_212 {strides = array<i32>} : memref<64x768xf32, #tpu.memory_space<vmem>>, vector<1x16xf32>,
      %parallel_loop3A_213 = arith.index_cast %parallel_loop3A_92 : i32 to index
      %parallel_loop3A_214 = arith.constant 112 : index
      %parallel_loop3A_215 = tpu.vector_load %arg12[%parallel_loop3A_213, %parallel_loop3A_214] {strides = array<i32>} : memref<64x768xf32, #tpu.memory_space<vmem>>, vector<1x16xf32>,
      %parallel_loop3A_216 = vector.shape_cast %parallel_loop3A_215 : vector<1x16xf32> to vector<16xf32>
      %parallel_loop3A_217 = arith.mulf %parallel_loop3A_216, %parallel_loop3A_96 : vector<16xf32>
      %parallel_loop3A_218 = arith.index_cast %parallel_loop3A_92 : i32 to index
      %parallel_loop3A_219 = arith.constant 112 : index
      %parallel_loop3A_220 = tpu.vector_load %arg13[%parallel_loop3A_218, %parallel_loop3A_219] {strides = array<i32>} : memref<64x768xf32, #tpu.memory_space<vmem>>, vector<1x16xf32>,
      %parallel_loop3A_221 = vector.shape_cast %parallel_loop3A_220 : vector<1x16xf32> to vector<16xf32>
      %parallel_loop3A_222 = arith.mulf %parallel_loop3A_221, %parallel_loop3A_100 : vector<16xf32>
      %parallel_loop3A_223 = arith.addf %parallel_loop3A_217, %parallel_loop3A_222 : vector<16xf32>
      %parallel_loop3A_224 = arith.index_cast %parallel_loop3A_92 : i32 to index
      %parallel_loop3A_225 = arith.constant 112 : index
      %parallel_loop3A_226 = tpu.vector_load %arg12[%parallel_loop3A_224, %parallel_loop3A_225] {strides = array<i32>} : memref<64x768xf32, #tpu.memory_space<vmem>>, vector<1x16xf32>,
      %parallel_loop3A_227 = vector.shape_cast %parallel_loop3A_226 : vector<1x16xf32> to vector<16xf32>
      %parallel_loop3A_228 = vector.shape_cast %parallel_loop3A_223 : vector<16xf32> to vector<1x16xf32>
      tpu.vector_store %arg12[%parallel_loop3A_224, %parallel_loop3A_225], %parallel_loop3A_228 {strides = array<i32>} : memref<64x768xf32, #tpu.memory_space<vmem>>, vector<1x16xf32>,
      %parallel_loop3A_229 = arith.index_cast %parallel_loop3A_92 : i32 to index
      %parallel_loop3A_230 = arith.constant 128 : index
      %parallel_loop3A_231 = tpu.vector_load %arg12[%parallel_loop3A_229, %parallel_loop3A_230] {strides = array<i32>} : memref<64x768xf32, #tpu.memory_space<vmem>>, vector<1x16xf32>,
      %parallel_loop3A_232 = vector.shape_cast %parallel_loop3A_231 : vector<1x16xf32> to vector<16xf32>
      %parallel_loop3A_233 = arith.mulf %parallel_loop3A_232, %parallel_loop3A_96 : vector<16xf32>
      %parallel_loop3A_234 = arith.index_cast %parallel_loop3A_92 : i32 to index
      %parallel_loop3A_235 = arith.constant 128 : index
      %parallel_loop3A_236 = tpu.vector_load %arg13[%parallel_loop3A_234, %parallel_loop3A_235] {strides = array<i32>} : memref<64x768xf32, #tpu.memory_space<vmem>>, vector<1x16xf32>,
      %parallel_loop3A_237 = vector.shape_cast %parallel_loop3A_236 : vector<1x16xf32> to vector<16xf32>
      %parallel_loop3A_238 = arith.mulf %parallel_loop3A_237, %parallel_loop3A_100 : vector<16xf32>
      %parallel_loop3A_239 = arith.addf %parallel_loop3A_233, %parallel_loop3A_238 : vector<16xf32>
      %parallel_loop3A_240 = arith.index_cast %parallel_loop3A_92 : i32 to index
      %parallel_loop3A_241 = arith.constant 128 : index
      %parallel_loop3A_242 = tpu.vector_load %arg12[%parallel_loop3A_240, %parallel_loop3A_241] {strides = array<i32>} : memref<64x768xf32, #tpu.memory_space<vmem>>, vector<1x16xf32>,
      %parallel_loop3A_243 = vector.shape_cast %parallel_loop3A_242 : vector<1x16xf32> to vector<16xf32>
      %parallel_loop3A_244 = vector.shape_cast %parallel_loop3A_239 : vector<16xf32> to vector<1x16xf32>
      tpu.vector_store %arg12[%parallel_loop3A_240, %parallel_loop3A_241], %parallel_loop3A_244 {strides = array<i32>} : memref<64x768xf32, #tpu.memory_space<vmem>>, vector<1x16xf32>,
      %parallel_loop3A_245 = arith.index_cast %parallel_loop3A_92 : i32 to index
      %parallel_loop3A_246 = arith.constant 144 : index
      %parallel_loop3A_247 = tpu.vector_load %arg12[%parallel_loop3A_245, %parallel_loop3A_246] {strides = array<i32>} : memref<64x768xf32, #tpu.memory_space<vmem>>, vector<1x16xf32>,
      %parallel_loop3A_248 = vector.shape_cast %parallel_loop3A_247 : vector<1x16xf32> to vector<16xf32>
      %parallel_loop3A_249 = arith.mulf %parallel_loop3A_248, %parallel_loop3A_96 : vector<16xf32>
      %parallel_loop3A_250 = arith.index_cast %parallel_loop3A_92 : i32 to index
      %parallel_loop3A_251 = arith.constant 144 : index
      %parallel_loop3A_252 = tpu.vector_load %arg13[%parallel_loop3A_250, %parallel_loop3A_251] {strides = array<i32>} : memref<64x768xf32, #tpu.memory_space<vmem>>, vector<1x16xf32>,
      %parallel_loop3A_253 = vector.shape_cast %parallel_loop3A_252 : vector<1x16xf32> to vector<16xf32>
      %parallel_loop3A_254 = arith.mulf %parallel_loop3A_253, %parallel_loop3A_100 : vector<16xf32>
      %parallel_loop3A_255 = arith.addf %parallel_loop3A_249, %parallel_loop3A_254 : vector<16xf32>
      %parallel_loop3A_256 = arith.index_cast %parallel_loop3A_92 : i32 to index
      %parallel_loop3A_257 = arith.constant 144 : index
      %parallel_loop3A_258 = tpu.vector_load %arg12[%parallel_loop3A_256, %parallel_loop3A_257] {strides = array<i32>} : memref<64x768xf32, #tpu.memory_space<vmem>>, vector<1x16xf32>,
      %parallel_loop3A_259 = vector.shape_cast %parallel_loop3A_258 : vector<1x16xf32> to vector<16xf32>
      %parallel_loop3A_260 = vector.shape_cast %parallel_loop3A_255 : vector<16xf32> to vector<1x16xf32>
      tpu.vector_store %arg12[%parallel_loop3A_256, %parallel_loop3A_257], %parallel_loop3A_260 {strides = array<i32>} : memref<64x768xf32, #tpu.memory_space<vmem>>, vector<1x16xf32>,
      %parallel_loop3A_261 = arith.index_cast %parallel_loop3A_92 : i32 to index
      %parallel_loop3A_262 = arith.constant 160 : index
      %parallel_loop3A_263 = tpu.vector_load %arg12[%parallel_loop3A_261, %parallel_loop3A_262] {strides = array<i32>} : memref<64x768xf32, #tpu.memory_space<vmem>>, vector<1x16xf32>,
      %parallel_loop3A_264 = vector.shape_cast %parallel_loop3A_263 : vector<1x16xf32> to vector<16xf32>
      %parallel_loop3A_265 = arith.mulf %parallel_loop3A_264, %parallel_loop3A_96 : vector<16xf32>
      %parallel_loop3A_266 = arith.index_cast %parallel_loop3A_92 : i32 to index
      %parallel_loop3A_267 = arith.constant 160 : index
      %parallel_loop3A_268 = tpu.vector_load %arg13[%parallel_loop3A_266, %parallel_loop3A_267] {strides = array<i32>} : memref<64x768xf32, #tpu.memory_space<vmem>>, vector<1x16xf32>,
      %parallel_loop3A_269 = vector.shape_cast %parallel_loop3A_268 : vector<1x16xf32> to vector<16xf32>
      %parallel_loop3A_270 = arith.mulf %parallel_loop3A_269, %parallel_loop3A_100 : vector<16xf32>
      %parallel_loop3A_271 = arith.addf %parallel_loop3A_265, %parallel_loop3A_270 : vector<16xf32>
      %parallel_loop3A_272 = arith.index_cast %parallel_loop3A_92 : i32 to index
      %parallel_loop3A_273 = arith.constant 160 : index
      %parallel_loop3A_274 = tpu.vector_load %arg12[%parallel_loop3A_272, %parallel_loop3A_273] {strides = array<i32>} : memref<64x768xf32, #tpu.memory_space<vmem>>, vector<1x16xf32>,
      %parallel_loop3A_275 = vector.shape_cast %parallel_loop3A_274 : vector<1x16xf32> to vector<16xf32>
      %parallel_loop3A_276 = vector.shape_cast %parallel_loop3A_271 : vector<16xf32> to vector<1x16xf32>
      tpu.vector_store %arg12[%parallel_loop3A_272, %parallel_loop3A_273], %parallel_loop3A_276 {strides = array<i32>} : memref<64x768xf32, #tpu.memory_space<vmem>>, vector<1x16xf32>,
      %parallel_loop3A_277 = arith.index_cast %parallel_loop3A_92 : i32 to index
      %parallel_loop3A_278 = arith.constant 176 : index
      %parallel_loop3A_279 = tpu.vector_load %arg12[%parallel_loop3A_277, %parallel_loop3A_278] {strides = array<i32>} : memref<64x768xf32, #tpu.memory_space<vmem>>, vector<1x16xf32>,
      %parallel_loop3A_280 = vector.shape_cast %parallel_loop3A_279 : vector<1x16xf32> to vector<16xf32>
      %parallel_loop3A_281 = arith.mulf %parallel_loop3A_280, %parallel_loop3A_96 : vector<16xf32>
      %parallel_loop3A_282 = arith.index_cast %parallel_loop3A_92 : i32 to index
      %parallel_loop3A_283 = arith.constant 176 : index
      %parallel_loop3A_284 = tpu.vector_load %arg13[%parallel_loop3A_282, %parallel_loop3A_283] {strides = array<i32>} : memref<64x768xf32, #tpu.memory_space<vmem>>, vector<1x16xf32>,
      %parallel_loop3A_285 = vector.shape_cast %parallel_loop3A_284 : vector<1x16xf32> to vector<16xf32>
      %parallel_loop3A_286 = arith.mulf %parallel_loop3A_285, %parallel_loop3A_100 : vector<16xf32>
      %parallel_loop3A_287 = arith.addf %parallel_loop3A_281, %parallel_loop3A_286 : vector<16xf32>
      %parallel_loop3A_288 = arith.index_cast %parallel_loop3A_92 : i32 to index
      %parallel_loop3A_289 = arith.constant 176 : index
      %parallel_loop3A_290 = tpu.vector_load %arg12[%parallel_loop3A_288, %parallel_loop3A_289] {strides = array<i32>} : memref<64x768xf32, #tpu.memory_space<vmem>>, vector<1x16xf32>,
      %parallel_loop3A_291 = vector.shape_cast %parallel_loop3A_290 : vector<1x16xf32> to vector<16xf32>
      %parallel_loop3A_292 = vector.shape_cast %parallel_loop3A_287 : vector<16xf32> to vector<1x16xf32>
      tpu.vector_store %arg12[%parallel_loop3A_288, %parallel_loop3A_289], %parallel_loop3A_292 {strides = array<i32>} : memref<64x768xf32, #tpu.memory_space<vmem>>, vector<1x16xf32>,
      %parallel_loop3A_293 = arith.index_cast %parallel_loop3A_92 : i32 to index
      %parallel_loop3A_294 = arith.constant 192 : index
      %parallel_loop3A_295 = tpu.vector_load %arg12[%parallel_loop3A_293, %parallel_loop3A_294] {strides = array<i32>} : memref<64x768xf32, #tpu.memory_space<vmem>>, vector<1x16xf32>,
      %parallel_loop3A_296 = vector.shape_cast %parallel_loop3A_295 : vector<1x16xf32> to vector<16xf32>
      %parallel_loop3A_297 = arith.mulf %parallel_loop3A_296, %parallel_loop3A_96 : vector<16xf32>
      %parallel_loop3A_298 = arith.index_cast %parallel_loop3A_92 : i32 to index
      %parallel_loop3A_299 = arith.constant 192 : index
      %parallel_loop3A_300 = tpu.vector_load %arg13[%parallel_loop3A_298, %parallel_loop3A_299] {strides = array<i32>} : memref<64x768xf32, #tpu.memory_space<vmem>>, vector<1x16xf32>,
      %parallel_loop3A_301 = vector.shape_cast %parallel_loop3A_300 : vector<1x16xf32> to vector<16xf32>
      %parallel_loop3A_302 = arith.mulf %parallel_loop3A_301, %parallel_loop3A_100 : vector<16xf32>
      %parallel_loop3A_303 = arith.addf %parallel_loop3A_297, %parallel_loop3A_302 : vector<16xf32>
      %parallel_loop3A_304 = arith.index_cast %parallel_loop3A_92 : i32 to index
      %parallel_loop3A_305 = arith.constant 192 : index
      %parallel_loop3A_306 = tpu.vector_load %arg12[%parallel_loop3A_304, %parallel_loop3A_305] {strides = array<i32>} : memref<64x768xf32, #tpu.memory_space<vmem>>, vector<1x16xf32>,
      %parallel_loop3A_307 = vector.shape_cast %parallel_loop3A_306 : vector<1x16xf32> to vector<16xf32>
      %parallel_loop3A_308 = vector.shape_cast %parallel_loop3A_303 : vector<16xf32> to vector<1x16xf32>
      tpu.vector_store %arg12[%parallel_loop3A_304, %parallel_loop3A_305], %parallel_loop3A_308 {strides = array<i32>} : memref<64x768xf32, #tpu.memory_space<vmem>>, vector<1x16xf32>,
      %parallel_loop3A_309 = arith.index_cast %parallel_loop3A_92 : i32 to index
      %parallel_loop3A_310 = arith.constant 208 : index
      %parallel_loop3A_311 = tpu.vector_load %arg12[%parallel_loop3A_309, %parallel_loop3A_310] {strides = array<i32>} : memref<64x768xf32, #tpu.memory_space<vmem>>, vector<1x16xf32>,
      %parallel_loop3A_312 = vector.shape_cast %parallel_loop3A_311 : vector<1x16xf32> to vector<16xf32>
      %parallel_loop3A_313 = arith.mulf %parallel_loop3A_312, %parallel_loop3A_96 : vector<16xf32>
      %parallel_loop3A_314 = arith.index_cast %parallel_loop3A_92 : i32 to index
      %parallel_loop3A_315 = arith.constant 208 : index
      %parallel_loop3A_316 = tpu.vector_load %arg13[%parallel_loop3A_314, %parallel_loop3A_315] {strides = array<i32>} : memref<64x768xf32, #tpu.memory_space<vmem>>, vector<1x16xf32>,
      %parallel_loop3A_317 = vector.shape_cast %parallel_loop3A_316 : vector<1x16xf32> to vector<16xf32>
      %parallel_loop3A_318 = arith.mulf %parallel_loop3A_317, %parallel_loop3A_100 : vector<16xf32>
      %parallel_loop3A_319 = arith.addf %parallel_loop3A_313, %parallel_loop3A_318 : vector<16xf32>
      %parallel_loop3A_320 = arith.index_cast %parallel_loop3A_92 : i32 to index
      %parallel_loop3A_321 = arith.constant 208 : index
      %parallel_loop3A_322 = tpu.vector_load %arg12[%parallel_loop3A_320, %parallel_loop3A_321] {strides = array<i32>} : memref<64x768xf32, #tpu.memory_space<vmem>>, vector<1x16xf32>,
      %parallel_loop3A_323 = vector.shape_cast %parallel_loop3A_322 : vector<1x16xf32> to vector<16xf32>
      %parallel_loop3A_324 = vector.shape_cast %parallel_loop3A_319 : vector<16xf32> to vector<1x16xf32>
      tpu.vector_store %arg12[%parallel_loop3A_320, %parallel_loop3A_321], %parallel_loop3A_324 {strides = array<i32>} : memref<64x768xf32, #tpu.memory_space<vmem>>, vector<1x16xf32>,
      %parallel_loop3A_325 = arith.index_cast %parallel_loop3A_92 : i32 to index
      %parallel_loop3A_326 = arith.constant 224 : index
      %parallel_loop3A_327 = tpu.vector_load %arg12[%parallel_loop3A_325, %parallel_loop3A_326] {strides = array<i32>} : memref<64x768xf32, #tpu.memory_space<vmem>>, vector<1x16xf32>,
      %parallel_loop3A_328 = vector.shape_cast %parallel_loop3A_327 : vector<1x16xf32> to vector<16xf32>
      %parallel_loop3A_329 = arith.mulf %parallel_loop3A_328, %parallel_loop3A_96 : vector<16xf32>
      %parallel_loop3A_330 = arith.index_cast %parallel_loop3A_92 : i32 to index
      %parallel_loop3A_331 = arith.constant 224 : index
      %parallel_loop3A_332 = tpu.vector_load %arg13[%parallel_loop3A_330, %parallel_loop3A_331] {strides = array<i32>} : memref<64x768xf32, #tpu.memory_space<vmem>>, vector<1x16xf32>,
      %parallel_loop3A_333 = vector.shape_cast %parallel_loop3A_332 : vector<1x16xf32> to vector<16xf32>
      %parallel_loop3A_334 = arith.mulf %parallel_loop3A_333, %parallel_loop3A_100 : vector<16xf32>
      %parallel_loop3A_335 = arith.addf %parallel_loop3A_329, %parallel_loop3A_334 : vector<16xf32>
      %parallel_loop3A_336 = arith.index_cast %parallel_loop3A_92 : i32 to index
      %parallel_loop3A_337 = arith.constant 224 : index
      %parallel_loop3A_338 = tpu.vector_load %arg12[%parallel_loop3A_336, %parallel_loop3A_337] {strides = array<i32>} : memref<64x768xf32, #tpu.memory_space<vmem>>, vector<1x16xf32>,
      %parallel_loop3A_339 = vector.shape_cast %parallel_loop3A_338 : vector<1x16xf32> to vector<16xf32>
      %parallel_loop3A_340 = vector.shape_cast %parallel_loop3A_335 : vector<16xf32> to vector<1x16xf32>
      tpu.vector_store %arg12[%parallel_loop3A_336, %parallel_loop3A_337], %parallel_loop3A_340 {strides = array<i32>} : memref<64x768xf32, #tpu.memory_space<vmem>>, vector<1x16xf32>,
      %parallel_loop3A_341 = arith.index_cast %parallel_loop3A_92 : i32 to index
      %parallel_loop3A_342 = arith.constant 240 : index
      %parallel_loop3A_343 = tpu.vector_load %arg12[%parallel_loop3A_341, %parallel_loop3A_342] {strides = array<i32>} : memref<64x768xf32, #tpu.memory_space<vmem>>, vector<1x16xf32>,
      %parallel_loop3A_344 = vector.shape_cast %parallel_loop3A_343 : vector<1x16xf32> to vector<16xf32>
      %parallel_loop3A_345 = arith.mulf %parallel_loop3A_344, %parallel_loop3A_96 : vector<16xf32>
      %parallel_loop3A_346 = arith.index_cast %parallel_loop3A_92 : i32 to index
      %parallel_loop3A_347 = arith.constant 240 : index
      %parallel_loop3A_348 = tpu.vector_load %arg13[%parallel_loop3A_346, %parallel_loop3A_347] {strides = array<i32>} : memref<64x768xf32, #tpu.memory_space<vmem>>, vector<1x16xf32>,
      %parallel_loop3A_349 = vector.shape_cast %parallel_loop3A_348 : vector<1x16xf32> to vector<16xf32>
      %parallel_loop3A_350 = arith.mulf %parallel_loop3A_349, %parallel_loop3A_100 : vector<16xf32>
      %parallel_loop3A_351 = arith.addf %parallel_loop3A_345, %parallel_loop3A_350 : vector<16xf32>
      %parallel_loop3A_352 = arith.index_cast %parallel_loop3A_92 : i32 to index
      %parallel_loop3A_353 = arith.constant 240 : index
      %parallel_loop3A_354 = tpu.vector_load %arg12[%parallel_loop3A_352, %parallel_loop3A_353] {strides = array<i32>} : memref<64x768xf32, #tpu.memory_space<vmem>>, vector<1x16xf32>,
      %parallel_loop3A_355 = vector.shape_cast %parallel_loop3A_354 : vector<1x16xf32> to vector<16xf32>
      %parallel_loop3A_356 = vector.shape_cast %parallel_loop3A_351 : vector<16xf32> to vector<1x16xf32>
      tpu.vector_store %arg12[%parallel_loop3A_352, %parallel_loop3A_353], %parallel_loop3A_356 {strides = array<i32>} : memref<64x768xf32, #tpu.memory_space<vmem>>, vector<1x16xf32>,
      %parallel_loop3A_357 = arith.index_cast %parallel_loop3A_92 : i32 to index
      %parallel_loop3A_358 = arith.constant 256 : index
      %parallel_loop3A_359 = tpu.vector_load %arg12[%parallel_loop3A_357, %parallel_loop3A_358] {strides = array<i32>} : memref<64x768xf32, #tpu.memory_space<vmem>>, vector<1x16xf32>,
      %parallel_loop3A_360 = vector.shape_cast %parallel_loop3A_359 : vector<1x16xf32> to vector<16xf32>
      %parallel_loop3A_361 = arith.mulf %parallel_loop3A_360, %parallel_loop3A_96 : vector<16xf32>
      %parallel_loop3A_362 = arith.index_cast %parallel_loop3A_92 : i32 to index
      %parallel_loop3A_363 = arith.constant 256 : index
      %parallel_loop3A_364 = tpu.vector_load %arg13[%parallel_loop3A_362, %parallel_loop3A_363] {strides = array<i32>} : memref<64x768xf32, #tpu.memory_space<vmem>>, vector<1x16xf32>,
      %parallel_loop3A_365 = vector.shape_cast %parallel_loop3A_364 : vector<1x16xf32> to vector<16xf32>
      %parallel_loop3A_366 = arith.mulf %parallel_loop3A_365, %parallel_loop3A_100 : vector<16xf32>
      %parallel_loop3A_367 = arith.addf %parallel_loop3A_361, %parallel_loop3A_366 : vector<16xf32>
      %parallel_loop3A_368 = arith.index_cast %parallel_loop3A_92 : i32 to index
      %parallel_loop3A_369 = arith.constant 256 : index
      %parallel_loop3A_370 = tpu.vector_load %arg12[%parallel_loop3A_368, %parallel_loop3A_369] {strides = array<i32>} : memref<64x768xf32, #tpu.memory_space<vmem>>, vector<1x16xf32>,
      %parallel_loop3A_371 = vector.shape_cast %parallel_loop3A_370 : vector<1x16xf32> to vector<16xf32>
      %parallel_loop3A_372 = vector.shape_cast %parallel_loop3A_367 : vector<16xf32> to vector<1x16xf32>
      tpu.vector_store %arg12[%parallel_loop3A_368, %parallel_loop3A_369], %parallel_loop3A_372 {strides = array<i32>} : memref<64x768xf32, #tpu.memory_space<vmem>>, vector<1x16xf32>,
      %parallel_loop3A_373 = arith.index_cast %parallel_loop3A_92 : i32 to index
      %parallel_loop3A_374 = arith.constant 272 : index
      %parallel_loop3A_375 = tpu.vector_load %arg12[%parallel_loop3A_373, %parallel_loop3A_374] {strides = array<i32>} : memref<64x768xf32, #tpu.memory_space<vmem>>, vector<1x16xf32>,
      %parallel_loop3A_376 = vector.shape_cast %parallel_loop3A_375 : vector<1x16xf32> to vector<16xf32>
      %parallel_loop3A_377 = arith.mulf %parallel_loop3A_376, %parallel_loop3A_96 : vector<16xf32>
      %parallel_loop3A_378 = arith.index_cast %parallel_loop3A_92 : i32 to index
      %parallel_loop3A_379 = arith.constant 272 : index
      %parallel_loop3A_380 = tpu.vector_load %arg13[%parallel_loop3A_378, %parallel_loop3A_379] {strides = array<i32>} : memref<64x768xf32, #tpu.memory_space<vmem>>, vector<1x16xf32>,
      %parallel_loop3A_381 = vector.shape_cast %parallel_loop3A_380 : vector<1x16xf32> to vector<16xf32>
      %parallel_loop3A_382 = arith.mulf %parallel_loop3A_381, %parallel_loop3A_100 : vector<16xf32>
      %parallel_loop3A_383 = arith.addf %parallel_loop3A_377, %parallel_loop3A_382 : vector<16xf32>
      %parallel_loop3A_384 = arith.index_cast %parallel_loop3A_92 : i32 to index
      %parallel_loop3A_385 = arith.constant 272 : index
      %parallel_loop3A_386 = tpu.vector_load %arg12[%parallel_loop3A_384, %parallel_loop3A_385] {strides = array<i32>} : memref<64x768xf32, #tpu.memory_space<vmem>>, vector<1x16xf32>,
      %parallel_loop3A_387 = vector.shape_cast %parallel_loop3A_386 : vector<1x16xf32> to vector<16xf32>
      %parallel_loop3A_388 = vector.shape_cast %parallel_loop3A_383 : vector<16xf32> to vector<1x16xf32>
      tpu.vector_store %arg12[%parallel_loop3A_384, %parallel_loop3A_385], %parallel_loop3A_388 {strides = array<i32>} : memref<64x768xf32, #tpu.memory_space<vmem>>, vector<1x16xf32>,
      %parallel_loop3A_389 = arith.index_cast %parallel_loop3A_92 : i32 to index
      %parallel_loop3A_390 = arith.constant 288 : index
      %parallel_loop3A_391 = tpu.vector_load %arg12[%parallel_loop3A_389, %parallel_loop3A_390] {strides = array<i32>} : memref<64x768xf32, #tpu.memory_space<vmem>>, vector<1x16xf32>,
      %parallel_loop3A_392 = vector.shape_cast %parallel_loop3A_391 : vector<1x16xf32> to vector<16xf32>
      %parallel_loop3A_393 = arith.mulf %parallel_loop3A_392, %parallel_loop3A_96 : vector<16xf32>
      %parallel_loop3A_394 = arith.index_cast %parallel_loop3A_92 : i32 to index
      %parallel_loop3A_395 = arith.constant 288 : index
      %parallel_loop3A_396 = tpu.vector_load %arg13[%parallel_loop3A_394, %parallel_loop3A_395] {strides = array<i32>} : memref<64x768xf32, #tpu.memory_space<vmem>>, vector<1x16xf32>,
      %parallel_loop3A_397 = vector.shape_cast %parallel_loop3A_396 : vector<1x16xf32> to vector<16xf32>
      %parallel_loop3A_398 = arith.mulf %parallel_loop3A_397, %parallel_loop3A_100 : vector<16xf32>
      %parallel_loop3A_399 = arith.addf %parallel_loop3A_393, %parallel_loop3A_398 : vector<16xf32>
      %parallel_loop3A_400 = arith.index_cast %parallel_loop3A_92 : i32 to index
      %parallel_loop3A_401 = arith.constant 288 : index
      %parallel_loop3A_402 = tpu.vector_load %arg12[%parallel_loop3A_400, %parallel_loop3A_401] {strides = array<i32>} : memref<64x768xf32, #tpu.memory_space<vmem>>, vector<1x16xf32>,
      %parallel_loop3A_403 = vector.shape_cast %parallel_loop3A_402 : vector<1x16xf32> to vector<16xf32>
      %parallel_loop3A_404 = vector.shape_cast %parallel_loop3A_399 : vector<16xf32> to vector<1x16xf32>
      tpu.vector_store %arg12[%parallel_loop3A_400, %parallel_loop3A_401], %parallel_loop3A_404 {strides = array<i32>} : memref<64x768xf32, #tpu.memory_space<vmem>>, vector<1x16xf32>,
      %parallel_loop3A_405 = arith.index_cast %parallel_loop3A_92 : i32 to index
      %parallel_loop3A_406 = arith.constant 304 : index
      %parallel_loop3A_407 = tpu.vector_load %arg12[%parallel_loop3A_405, %parallel_loop3A_406] {strides = array<i32>} : memref<64x768xf32, #tpu.memory_space<vmem>>, vector<1x16xf32>,
      %parallel_loop3A_408 = vector.shape_cast %parallel_loop3A_407 : vector<1x16xf32> to vector<16xf32>
      %parallel_loop3A_409 = arith.mulf %parallel_loop3A_408, %parallel_loop3A_96 : vector<16xf32>
      %parallel_loop3A_410 = arith.index_cast %parallel_loop3A_92 : i32 to index
      %parallel_loop3A_411 = arith.constant 304 : index
      %parallel_loop3A_412 = tpu.vector_load %arg13[%parallel_loop3A_410, %parallel_loop3A_411] {strides = array<i32>} : memref<64x768xf32, #tpu.memory_space<vmem>>, vector<1x16xf32>,
      %parallel_loop3A_413 = vector.shape_cast %parallel_loop3A_412 : vector<1x16xf32> to vector<16xf32>
      %parallel_loop3A_414 = arith.mulf %parallel_loop3A_413, %parallel_loop3A_100 : vector<16xf32>
      %parallel_loop3A_415 = arith.addf %parallel_loop3A_409, %parallel_loop3A_414 : vector<16xf32>
      %parallel_loop3A_416 = arith.index_cast %parallel_loop3A_92 : i32 to index
      %parallel_loop3A_417 = arith.constant 304 : index
      %parallel_loop3A_418 = tpu.vector_load %arg12[%parallel_loop3A_416, %parallel_loop3A_417] {strides = array<i32>} : memref<64x768xf32, #tpu.memory_space<vmem>>, vector<1x16xf32>,
      %parallel_loop3A_419 = vector.shape_cast %parallel_loop3A_418 : vector<1x16xf32> to vector<16xf32>
      %parallel_loop3A_420 = vector.shape_cast %parallel_loop3A_415 : vector<16xf32> to vector<1x16xf32>
      tpu.vector_store %arg12[%parallel_loop3A_416, %parallel_loop3A_417], %parallel_loop3A_420 {strides = array<i32>} : memref<64x768xf32, #tpu.memory_space<vmem>>, vector<1x16xf32>,
      %parallel_loop3A_421 = arith.index_cast %parallel_loop3A_92 : i32 to index
      %parallel_loop3A_422 = arith.constant 320 : index
      %parallel_loop3A_423 = tpu.vector_load %arg12[%parallel_loop3A_421, %parallel_loop3A_422] {strides = array<i32>} : memref<64x768xf32, #tpu.memory_space<vmem>>, vector<1x16xf32>,
      %parallel_loop3A_424 = vector.shape_cast %parallel_loop3A_423 : vector<1x16xf32> to vector<16xf32>
      %parallel_loop3A_425 = arith.mulf %parallel_loop3A_424, %parallel_loop3A_96 : vector<16xf32>
      %parallel_loop3A_426 = arith.index_cast %parallel_loop3A_92 : i32 to index
      %parallel_loop3A_427 = arith.constant 320 : index
      %parallel_loop3A_428 = tpu.vector_load %arg13[%parallel_loop3A_426, %parallel_loop3A_427] {strides = array<i32>} : memref<64x768xf32, #tpu.memory_space<vmem>>, vector<1x16xf32>,
      %parallel_loop3A_429 = vector.shape_cast %parallel_loop3A_428 : vector<1x16xf32> to vector<16xf32>
      %parallel_loop3A_430 = arith.mulf %parallel_loop3A_429, %parallel_loop3A_100 : vector<16xf32>
      %parallel_loop3A_431 = arith.addf %parallel_loop3A_425, %parallel_loop3A_430 : vector<16xf32>
      %parallel_loop3A_432 = arith.index_cast %parallel_loop3A_92 : i32 to index
      %parallel_loop3A_433 = arith.constant 320 : index
      %parallel_loop3A_434 = tpu.vector_load %arg12[%parallel_loop3A_432, %parallel_loop3A_433] {strides = array<i32>} : memref<64x768xf32, #tpu.memory_space<vmem>>, vector<1x16xf32>,
      %parallel_loop3A_435 = vector.shape_cast %parallel_loop3A_434 : vector<1x16xf32> to vector<16xf32>
      %parallel_loop3A_436 = vector.shape_cast %parallel_loop3A_431 : vector<16xf32> to vector<1x16xf32>
      tpu.vector_store %arg12[%parallel_loop3A_432, %parallel_loop3A_433], %parallel_loop3A_436 {strides = array<i32>} : memref<64x768xf32, #tpu.memory_space<vmem>>, vector<1x16xf32>,
      %parallel_loop3A_437 = arith.index_cast %parallel_loop3A_92 : i32 to index
      %parallel_loop3A_438 = arith.constant 336 : index
      %parallel_loop3A_439 = tpu.vector_load %arg12[%parallel_loop3A_437, %parallel_loop3A_438] {strides = array<i32>} : memref<64x768xf32, #tpu.memory_space<vmem>>, vector<1x16xf32>,
      %parallel_loop3A_440 = vector.shape_cast %parallel_loop3A_439 : vector<1x16xf32> to vector<16xf32>
      %parallel_loop3A_441 = arith.mulf %parallel_loop3A_440, %parallel_loop3A_96 : vector<16xf32>
      %parallel_loop3A_442 = arith.index_cast %parallel_loop3A_92 : i32 to index
      %parallel_loop3A_443 = arith.constant 336 : index
      %parallel_loop3A_444 = tpu.vector_load %arg13[%parallel_loop3A_442, %parallel_loop3A_443] {strides = array<i32>} : memref<64x768xf32, #tpu.memory_space<vmem>>, vector<1x16xf32>,
      %parallel_loop3A_445 = vector.shape_cast %parallel_loop3A_444 : vector<1x16xf32> to vector<16xf32>
      %parallel_loop3A_446 = arith.mulf %parallel_loop3A_445, %parallel_loop3A_100 : vector<16xf32>
      %parallel_loop3A_447 = arith.addf %parallel_loop3A_441, %parallel_loop3A_446 : vector<16xf32>
      %parallel_loop3A_448 = arith.index_cast %parallel_loop3A_92 : i32 to index
      %parallel_loop3A_449 = arith.constant 336 : index
      %parallel_loop3A_450 = tpu.vector_load %arg12[%parallel_loop3A_448, %parallel_loop3A_449] {strides = array<i32>} : memref<64x768xf32, #tpu.memory_space<vmem>>, vector<1x16xf32>,
      %parallel_loop3A_451 = vector.shape_cast %parallel_loop3A_450 : vector<1x16xf32> to vector<16xf32>
      %parallel_loop3A_452 = vector.shape_cast %parallel_loop3A_447 : vector<16xf32> to vector<1x16xf32>
      tpu.vector_store %arg12[%parallel_loop3A_448, %parallel_loop3A_449], %parallel_loop3A_452 {strides = array<i32>} : memref<64x768xf32, #tpu.memory_space<vmem>>, vector<1x16xf32>,
      %parallel_loop3A_453 = arith.index_cast %parallel_loop3A_92 : i32 to index
      %parallel_loop3A_454 = arith.constant 352 : index
      %parallel_loop3A_455 = tpu.vector_load %arg12[%parallel_loop3A_453, %parallel_loop3A_454] {strides = array<i32>} : memref<64x768xf32, #tpu.memory_space<vmem>>, vector<1x16xf32>,
      %parallel_loop3A_456 = vector.shape_cast %parallel_loop3A_455 : vector<1x16xf32> to vector<16xf32>
      %parallel_loop3A_457 = arith.mulf %parallel_loop3A_456, %parallel_loop3A_96 : vector<16xf32>
      %parallel_loop3A_458 = arith.index_cast %parallel_loop3A_92 : i32 to index
      %parallel_loop3A_459 = arith.constant 352 : index
      %parallel_loop3A_460 = tpu.vector_load %arg13[%parallel_loop3A_458, %parallel_loop3A_459] {strides = array<i32>} : memref<64x768xf32, #tpu.memory_space<vmem>>, vector<1x16xf32>,
      %parallel_loop3A_461 = vector.shape_cast %parallel_loop3A_460 : vector<1x16xf32> to vector<16xf32>
      %parallel_loop3A_462 = arith.mulf %parallel_loop3A_461, %parallel_loop3A_100 : vector<16xf32>
      %parallel_loop3A_463 = arith.addf %parallel_loop3A_457, %parallel_loop3A_462 : vector<16xf32>
      %parallel_loop3A_464 = arith.index_cast %parallel_loop3A_92 : i32 to index
      %parallel_loop3A_465 = arith.constant 352 : index
      %parallel_loop3A_466 = tpu.vector_load %arg12[%parallel_loop3A_464, %parallel_loop3A_465] {strides = array<i32>} : memref<64x768xf32, #tpu.memory_space<vmem>>, vector<1x16xf32>,
      %parallel_loop3A_467 = vector.shape_cast %parallel_loop3A_466 : vector<1x16xf32> to vector<16xf32>
      %parallel_loop3A_468 = vector.shape_cast %parallel_loop3A_463 : vector<16xf32> to vector<1x16xf32>
      tpu.vector_store %arg12[%parallel_loop3A_464, %parallel_loop3A_465], %parallel_loop3A_468 {strides = array<i32>} : memref<64x768xf32, #tpu.memory_space<vmem>>, vector<1x16xf32>,
      %parallel_loop3A_469 = arith.index_cast %parallel_loop3A_92 : i32 to index
      %parallel_loop3A_470 = arith.constant 368 : index
      %parallel_loop3A_471 = tpu.vector_load %arg12[%parallel_loop3A_469, %parallel_loop3A_470] {strides = array<i32>} : memref<64x768xf32, #tpu.memory_space<vmem>>, vector<1x16xf32>,
      %parallel_loop3A_472 = vector.shape_cast %parallel_loop3A_471 : vector<1x16xf32> to vector<16xf32>
      %parallel_loop3A_473 = arith.mulf %parallel_loop3A_472, %parallel_loop3A_96 : vector<16xf32>
      %parallel_loop3A_474 = arith.index_cast %parallel_loop3A_92 : i32 to index
      %parallel_loop3A_475 = arith.constant 368 : index
      %parallel_loop3A_476 = tpu.vector_load %arg13[%parallel_loop3A_474, %parallel_loop3A_475] {strides = array<i32>} : memref<64x768xf32, #tpu.memory_space<vmem>>, vector<1x16xf32>,
      %parallel_loop3A_477 = vector.shape_cast %parallel_loop3A_476 : vector<1x16xf32> to vector<16xf32>
      %parallel_loop3A_478 = arith.mulf %parallel_loop3A_477, %parallel_loop3A_100 : vector<16xf32>
      %parallel_loop3A_479 = arith.addf %parallel_loop3A_473, %parallel_loop3A_478 : vector<16xf32>
      %parallel_loop3A_480 = arith.index_cast %parallel_loop3A_92 : i32 to index
      %parallel_loop3A_481 = arith.constant 368 : index
      %parallel_loop3A_482 = tpu.vector_load %arg12[%parallel_loop3A_480, %parallel_loop3A_481] {strides = array<i32>} : memref<64x768xf32, #tpu.memory_space<vmem>>, vector<1x16xf32>,
      %parallel_loop3A_483 = vector.shape_cast %parallel_loop3A_482 : vector<1x16xf32> to vector<16xf32>
      %parallel_loop3A_484 = vector.shape_cast %parallel_loop3A_479 : vector<16xf32> to vector<1x16xf32>
      tpu.vector_store %arg12[%parallel_loop3A_480, %parallel_loop3A_481], %parallel_loop3A_484 {strides = array<i32>} : memref<64x768xf32, #tpu.memory_space<vmem>>, vector<1x16xf32>,
      %parallel_loop3A_485 = arith.index_cast %parallel_loop3A_92 : i32 to index
      %parallel_loop3A_486 = arith.constant 384 : index
      %parallel_loop3A_487 = tpu.vector_load %arg12[%parallel_loop3A_485, %parallel_loop3A_486] {strides = array<i32>} : memref<64x768xf32, #tpu.memory_space<vmem>>, vector<1x16xf32>,
      %parallel_loop3A_488 = vector.shape_cast %parallel_loop3A_487 : vector<1x16xf32> to vector<16xf32>
      %parallel_loop3A_489 = arith.mulf %parallel_loop3A_488, %parallel_loop3A_96 : vector<16xf32>
      %parallel_loop3A_490 = arith.index_cast %parallel_loop3A_92 : i32 to index
      %parallel_loop3A_491 = arith.constant 384 : index
      %parallel_loop3A_492 = tpu.vector_load %arg13[%parallel_loop3A_490, %parallel_loop3A_491] {strides = array<i32>} : memref<64x768xf32, #tpu.memory_space<vmem>>, vector<1x16xf32>,
      %parallel_loop3A_493 = vector.shape_cast %parallel_loop3A_492 : vector<1x16xf32> to vector<16xf32>
      %parallel_loop3A_494 = arith.mulf %parallel_loop3A_493, %parallel_loop3A_100 : vector<16xf32>
      %parallel_loop3A_495 = arith.addf %parallel_loop3A_489, %parallel_loop3A_494 : vector<16xf32>
      %parallel_loop3A_496 = arith.index_cast %parallel_loop3A_92 : i32 to index
      %parallel_loop3A_497 = arith.constant 384 : index
      %parallel_loop3A_498 = tpu.vector_load %arg12[%parallel_loop3A_496, %parallel_loop3A_497] {strides = array<i32>} : memref<64x768xf32, #tpu.memory_space<vmem>>, vector<1x16xf32>,
      %parallel_loop3A_499 = vector.shape_cast %parallel_loop3A_498 : vector<1x16xf32> to vector<16xf32>
      %parallel_loop3A_500 = vector.shape_cast %parallel_loop3A_495 : vector<16xf32> to vector<1x16xf32>
      tpu.vector_store %arg12[%parallel_loop3A_496, %parallel_loop3A_497], %parallel_loop3A_500 {strides = array<i32>} : memref<64x768xf32, #tpu.memory_space<vmem>>, vector<1x16xf32>,
      %parallel_loop3A_501 = arith.index_cast %parallel_loop3A_92 : i32 to index
      %parallel_loop3A_502 = arith.constant 400 : index
      %parallel_loop3A_503 = tpu.vector_load %arg12[%parallel_loop3A_501, %parallel_loop3A_502] {strides = array<i32>} : memref<64x768xf32, #tpu.memory_space<vmem>>, vector<1x16xf32>,
      %parallel_loop3A_504 = vector.shape_cast %parallel_loop3A_503 : vector<1x16xf32> to vector<16xf32>
      %parallel_loop3A_505 = arith.mulf %parallel_loop3A_504, %parallel_loop3A_96 : vector<16xf32>
      %parallel_loop3A_506 = arith.index_cast %parallel_loop3A_92 : i32 to index
      %parallel_loop3A_507 = arith.constant 400 : index
      %parallel_loop3A_508 = tpu.vector_load %arg13[%parallel_loop3A_506, %parallel_loop3A_507] {strides = array<i32>} : memref<64x768xf32, #tpu.memory_space<vmem>>, vector<1x16xf32>,
      %parallel_loop3A_509 = vector.shape_cast %parallel_loop3A_508 : vector<1x16xf32> to vector<16xf32>
      %parallel_loop3A_510 = arith.mulf %parallel_loop3A_509, %parallel_loop3A_100 : vector<16xf32>
      %parallel_loop3A_511 = arith.addf %parallel_loop3A_505, %parallel_loop3A_510 : vector<16xf32>
      %parallel_loop3A_512 = arith.index_cast %parallel_loop3A_92 : i32 to index
      %parallel_loop3A_513 = arith.constant 400 : index
      %parallel_loop3A_514 = tpu.vector_load %arg12[%parallel_loop3A_512, %parallel_loop3A_513] {strides = array<i32>} : memref<64x768xf32, #tpu.memory_space<vmem>>, vector<1x16xf32>,
      %parallel_loop3A_515 = vector.shape_cast %parallel_loop3A_514 : vector<1x16xf32> to vector<16xf32>
      %parallel_loop3A_516 = vector.shape_cast %parallel_loop3A_511 : vector<16xf32> to vector<1x16xf32>
      tpu.vector_store %arg12[%parallel_loop3A_512, %parallel_loop3A_513], %parallel_loop3A_516 {strides = array<i32>} : memref<64x768xf32, #tpu.memory_space<vmem>>, vector<1x16xf32>,
      %parallel_loop3A_517 = arith.index_cast %parallel_loop3A_92 : i32 to index
      %parallel_loop3A_518 = arith.constant 416 : index
      %parallel_loop3A_519 = tpu.vector_load %arg12[%parallel_loop3A_517, %parallel_loop3A_518] {strides = array<i32>} : memref<64x768xf32, #tpu.memory_space<vmem>>, vector<1x16xf32>,
      %parallel_loop3A_520 = vector.shape_cast %parallel_loop3A_519 : vector<1x16xf32> to vector<16xf32>
      %parallel_loop3A_521 = arith.mulf %parallel_loop3A_520, %parallel_loop3A_96 : vector<16xf32>
      %parallel_loop3A_522 = arith.index_cast %parallel_loop3A_92 : i32 to index
      %parallel_loop3A_523 = arith.constant 416 : index
      %parallel_loop3A_524 = tpu.vector_load %arg13[%parallel_loop3A_522, %parallel_loop3A_523] {strides = array<i32>} : memref<64x768xf32, #tpu.memory_space<vmem>>, vector<1x16xf32>,
      %parallel_loop3A_525 = vector.shape_cast %parallel_loop3A_524 : vector<1x16xf32> to vector<16xf32>
      %parallel_loop3A_526 = arith.mulf %parallel_loop3A_525, %parallel_loop3A_100 : vector<16xf32>
      %parallel_loop3A_527 = arith.addf %parallel_loop3A_521, %parallel_loop3A_526 : vector<16xf32>
      %parallel_loop3A_528 = arith.index_cast %parallel_loop3A_92 : i32 to index
      %parallel_loop3A_529 = arith.constant 416 : index
      %parallel_loop3A_530 = tpu.vector_load %arg12[%parallel_loop3A_528, %parallel_loop3A_529] {strides = array<i32>} : memref<64x768xf32, #tpu.memory_space<vmem>>, vector<1x16xf32>,
      %parallel_loop3A_531 = vector.shape_cast %parallel_loop3A_530 : vector<1x16xf32> to vector<16xf32>
      %parallel_loop3A_532 = vector.shape_cast %parallel_loop3A_527 : vector<16xf32> to vector<1x16xf32>
      tpu.vector_store %arg12[%parallel_loop3A_528, %parallel_loop3A_529], %parallel_loop3A_532 {strides = array<i32>} : memref<64x768xf32, #tpu.memory_space<vmem>>, vector<1x16xf32>,
      %parallel_loop3A_533 = arith.index_cast %parallel_loop3A_92 : i32 to index
      %parallel_loop3A_534 = arith.constant 432 : index
      %parallel_loop3A_535 = tpu.vector_load %arg12[%parallel_loop3A_533, %parallel_loop3A_534] {strides = array<i32>} : memref<64x768xf32, #tpu.memory_space<vmem>>, vector<1x16xf32>,
      %parallel_loop3A_536 = vector.shape_cast %parallel_loop3A_535 : vector<1x16xf32> to vector<16xf32>
      %parallel_loop3A_537 = arith.mulf %parallel_loop3A_536, %parallel_loop3A_96 : vector<16xf32>
      %parallel_loop3A_538 = arith.index_cast %parallel_loop3A_92 : i32 to index
      %parallel_loop3A_539 = arith.constant 432 : index
      %parallel_loop3A_540 = tpu.vector_load %arg13[%parallel_loop3A_538, %parallel_loop3A_539] {strides = array<i32>} : memref<64x768xf32, #tpu.memory_space<vmem>>, vector<1x16xf32>,
      %parallel_loop3A_541 = vector.shape_cast %parallel_loop3A_540 : vector<1x16xf32> to vector<16xf32>
      %parallel_loop3A_542 = arith.mulf %parallel_loop3A_541, %parallel_loop3A_100 : vector<16xf32>
      %parallel_loop3A_543 = arith.addf %parallel_loop3A_537, %parallel_loop3A_542 : vector<16xf32>
      %parallel_loop3A_544 = arith.index_cast %parallel_loop3A_92 : i32 to index
      %parallel_loop3A_545 = arith.constant 432 : index
      %parallel_loop3A_546 = tpu.vector_load %arg12[%parallel_loop3A_544, %parallel_loop3A_545] {strides = array<i32>} : memref<64x768xf32, #tpu.memory_space<vmem>>, vector<1x16xf32>,
      %parallel_loop3A_547 = vector.shape_cast %parallel_loop3A_546 : vector<1x16xf32> to vector<16xf32>
      %parallel_loop3A_548 = vector.shape_cast %parallel_loop3A_543 : vector<16xf32> to vector<1x16xf32>
      tpu.vector_store %arg12[%parallel_loop3A_544, %parallel_loop3A_545], %parallel_loop3A_548 {strides = array<i32>} : memref<64x768xf32, #tpu.memory_space<vmem>>, vector<1x16xf32>,
      %parallel_loop3A_549 = arith.index_cast %parallel_loop3A_92 : i32 to index
      %parallel_loop3A_550 = arith.constant 448 : index
      %parallel_loop3A_551 = tpu.vector_load %arg12[%parallel_loop3A_549, %parallel_loop3A_550] {strides = array<i32>} : memref<64x768xf32, #tpu.memory_space<vmem>>, vector<1x16xf32>,
      %parallel_loop3A_552 = vector.shape_cast %parallel_loop3A_551 : vector<1x16xf32> to vector<16xf32>
      %parallel_loop3A_553 = arith.mulf %parallel_loop3A_552, %parallel_loop3A_96 : vector<16xf32>
      %parallel_loop3A_554 = arith.index_cast %parallel_loop3A_92 : i32 to index
      %parallel_loop3A_555 = arith.constant 448 : index
      %parallel_loop3A_556 = tpu.vector_load %arg13[%parallel_loop3A_554, %parallel_loop3A_555] {strides = array<i32>} : memref<64x768xf32, #tpu.memory_space<vmem>>, vector<1x16xf32>,
      %parallel_loop3A_557 = vector.shape_cast %parallel_loop3A_556 : vector<1x16xf32> to vector<16xf32>
      %parallel_loop3A_558 = arith.mulf %parallel_loop3A_557, %parallel_loop3A_100 : vector<16xf32>
      %parallel_loop3A_559 = arith.addf %parallel_loop3A_553, %parallel_loop3A_558 : vector<16xf32>
      %parallel_loop3A_560 = arith.index_cast %parallel_loop3A_92 : i32 to index
      %parallel_loop3A_561 = arith.constant 448 : index
      %parallel_loop3A_562 = tpu.vector_load %arg12[%parallel_loop3A_560, %parallel_loop3A_561] {strides = array<i32>} : memref<64x768xf32, #tpu.memory_space<vmem>>, vector<1x16xf32>,
      %parallel_loop3A_563 = vector.shape_cast %parallel_loop3A_562 : vector<1x16xf32> to vector<16xf32>
      %parallel_loop3A_564 = vector.shape_cast %parallel_loop3A_559 : vector<16xf32> to vector<1x16xf32>
      tpu.vector_store %arg12[%parallel_loop3A_560, %parallel_loop3A_561], %parallel_loop3A_564 {strides = array<i32>} : memref<64x768xf32, #tpu.memory_space<vmem>>, vector<1x16xf32>,
      %parallel_loop3A_565 = arith.index_cast %parallel_loop3A_92 : i32 to index
      %parallel_loop3A_566 = arith.constant 464 : index
      %parallel_loop3A_567 = tpu.vector_load %arg12[%parallel_loop3A_565, %parallel_loop3A_566] {strides = array<i32>} : memref<64x768xf32, #tpu.memory_space<vmem>>, vector<1x16xf32>,
      %parallel_loop3A_568 = vector.shape_cast %parallel_loop3A_567 : vector<1x16xf32> to vector<16xf32>
      %parallel_loop3A_569 = arith.mulf %parallel_loop3A_568, %parallel_loop3A_96 : vector<16xf32>
      %parallel_loop3A_570 = arith.index_cast %parallel_loop3A_92 : i32 to index
      %parallel_loop3A_571 = arith.constant 464 : index
      %parallel_loop3A_572 = tpu.vector_load %arg13[%parallel_loop3A_570, %parallel_loop3A_571] {strides = array<i32>} : memref<64x768xf32, #tpu.memory_space<vmem>>, vector<1x16xf32>,
      %parallel_loop3A_573 = vector.shape_cast %parallel_loop3A_572 : vector<1x16xf32> to vector<16xf32>
      %parallel_loop3A_574 = arith.mulf %parallel_loop3A_573, %parallel_loop3A_100 : vector<16xf32>
      %parallel_loop3A_575 = arith.addf %parallel_loop3A_569, %parallel_loop3A_574 : vector<16xf32>
      %parallel_loop3A_576 = arith.index_cast %parallel_loop3A_92 : i32 to index
      %parallel_loop3A_577 = arith.constant 464 : index
      %parallel_loop3A_578 = tpu.vector_load %arg12[%parallel_loop3A_576, %parallel_loop3A_577] {strides = array<i32>} : memref<64x768xf32, #tpu.memory_space<vmem>>, vector<1x16xf32>,
      %parallel_loop3A_579 = vector.shape_cast %parallel_loop3A_578 : vector<1x16xf32> to vector<16xf32>
      %parallel_loop3A_580 = vector.shape_cast %parallel_loop3A_575 : vector<16xf32> to vector<1x16xf32>
      tpu.vector_store %arg12[%parallel_loop3A_576, %parallel_loop3A_577], %parallel_loop3A_580 {strides = array<i32>} : memref<64x768xf32, #tpu.memory_space<vmem>>, vector<1x16xf32>,
      %parallel_loop3A_581 = arith.index_cast %parallel_loop3A_92 : i32 to index
      %parallel_loop3A_582 = arith.constant 480 : index
      %parallel_loop3A_583 = tpu.vector_load %arg12[%parallel_loop3A_581, %parallel_loop3A_582] {strides = array<i32>} : memref<64x768xf32, #tpu.memory_space<vmem>>, vector<1x16xf32>,
      %parallel_loop3A_584 = vector.shape_cast %parallel_loop3A_583 : vector<1x16xf32> to vector<16xf32>
      %parallel_loop3A_585 = arith.mulf %parallel_loop3A_584, %parallel_loop3A_96 : vector<16xf32>
      %parallel_loop3A_586 = arith.index_cast %parallel_loop3A_92 : i32 to index
      %parallel_loop3A_587 = arith.constant 480 : index
      %parallel_loop3A_588 = tpu.vector_load %arg13[%parallel_loop3A_586, %parallel_loop3A_587] {strides = array<i32>} : memref<64x768xf32, #tpu.memory_space<vmem>>, vector<1x16xf32>,
      %parallel_loop3A_589 = vector.shape_cast %parallel_loop3A_588 : vector<1x16xf32> to vector<16xf32>
      %parallel_loop3A_590 = arith.mulf %parallel_loop3A_589, %parallel_loop3A_100 : vector<16xf32>
      %parallel_loop3A_591 = arith.addf %parallel_loop3A_585, %parallel_loop3A_590 : vector<16xf32>
      %parallel_loop3A_592 = arith.index_cast %parallel_loop3A_92 : i32 to index
      %parallel_loop3A_593 = arith.constant 480 : index
      %parallel_loop3A_594 = tpu.vector_load %arg12[%parallel_loop3A_592, %parallel_loop3A_593] {strides = array<i32>} : memref<64x768xf32, #tpu.memory_space<vmem>>, vector<1x16xf32>,
      %parallel_loop3A_595 = vector.shape_cast %parallel_loop3A_594 : vector<1x16xf32> to vector<16xf32>
      %parallel_loop3A_596 = vector.shape_cast %parallel_loop3A_591 : vector<16xf32> to vector<1x16xf32>
      tpu.vector_store %arg12[%parallel_loop3A_592, %parallel_loop3A_593], %parallel_loop3A_596 {strides = array<i32>} : memref<64x768xf32, #tpu.memory_space<vmem>>, vector<1x16xf32>,
      %parallel_loop3A_597 = arith.index_cast %parallel_loop3A_92 : i32 to index
      %parallel_loop3A_598 = arith.constant 496 : index
      %parallel_loop3A_599 = tpu.vector_load %arg12[%parallel_loop3A_597, %parallel_loop3A_598] {strides = array<i32>} : memref<64x768xf32, #tpu.memory_space<vmem>>, vector<1x16xf32>,
      %parallel_loop3A_600 = vector.shape_cast %parallel_loop3A_599 : vector<1x16xf32> to vector<16xf32>
      %parallel_loop3A_601 = arith.mulf %parallel_loop3A_600, %parallel_loop3A_96 : vector<16xf32>
      %parallel_loop3A_602 = arith.index_cast %parallel_loop3A_92 : i32 to index
      %parallel_loop3A_603 = arith.constant 496 : index
      %parallel_loop3A_604 = tpu.vector_load %arg13[%parallel_loop3A_602, %parallel_loop3A_603] {strides = array<i32>} : memref<64x768xf32, #tpu.memory_space<vmem>>, vector<1x16xf32>,
      %parallel_loop3A_605 = vector.shape_cast %parallel_loop3A_604 : vector<1x16xf32> to vector<16xf32>
      %parallel_loop3A_606 = arith.mulf %parallel_loop3A_605, %parallel_loop3A_100 : vector<16xf32>
      %parallel_loop3A_607 = arith.addf %parallel_loop3A_601, %parallel_loop3A_606 : vector<16xf32>
      %parallel_loop3A_608 = arith.index_cast %parallel_loop3A_92 : i32 to index
      %parallel_loop3A_609 = arith.constant 496 : index
      %parallel_loop3A_610 = tpu.vector_load %arg12[%parallel_loop3A_608, %parallel_loop3A_609] {strides = array<i32>} : memref<64x768xf32, #tpu.memory_space<vmem>>, vector<1x16xf32>,
      %parallel_loop3A_611 = vector.shape_cast %parallel_loop3A_610 : vector<1x16xf32> to vector<16xf32>
      %parallel_loop3A_612 = vector.shape_cast %parallel_loop3A_607 : vector<16xf32> to vector<1x16xf32>
      tpu.vector_store %arg12[%parallel_loop3A_608, %parallel_loop3A_609], %parallel_loop3A_612 {strides = array<i32>} : memref<64x768xf32, #tpu.memory_space<vmem>>, vector<1x16xf32>,
      %parallel_loop3A_613 = arith.index_cast %parallel_loop3A_92 : i32 to index
      %parallel_loop3A_614 = arith.constant 512 : index
      %parallel_loop3A_615 = tpu.vector_load %arg12[%parallel_loop3A_613, %parallel_loop3A_614] {strides = array<i32>} : memref<64x768xf32, #tpu.memory_space<vmem>>, vector<1x16xf32>,
      %parallel_loop3A_616 = vector.shape_cast %parallel_loop3A_615 : vector<1x16xf32> to vector<16xf32>
      %parallel_loop3A_617 = arith.mulf %parallel_loop3A_616, %parallel_loop3A_96 : vector<16xf32>
      %parallel_loop3A_618 = arith.index_cast %parallel_loop3A_92 : i32 to index
      %parallel_loop3A_619 = arith.constant 512 : index
      %parallel_loop3A_620 = tpu.vector_load %arg13[%parallel_loop3A_618, %parallel_loop3A_619] {strides = array<i32>} : memref<64x768xf32, #tpu.memory_space<vmem>>, vector<1x16xf32>,
      %parallel_loop3A_621 = vector.shape_cast %parallel_loop3A_620 : vector<1x16xf32> to vector<16xf32>
      %parallel_loop3A_622 = arith.mulf %parallel_loop3A_621, %parallel_loop3A_100 : vector<16xf32>
      %parallel_loop3A_623 = arith.addf %parallel_loop3A_617, %parallel_loop3A_622 : vector<16xf32>
      %parallel_loop3A_624 = arith.index_cast %parallel_loop3A_92 : i32 to index
      %parallel_loop3A_625 = arith.constant 512 : index
      %parallel_loop3A_626 = tpu.vector_load %arg12[%parallel_loop3A_624, %parallel_loop3A_625] {strides = array<i32>} : memref<64x768xf32, #tpu.memory_space<vmem>>, vector<1x16xf32>,
      %parallel_loop3A_627 = vector.shape_cast %parallel_loop3A_626 : vector<1x16xf32> to vector<16xf32>
      %parallel_loop3A_628 = vector.shape_cast %parallel_loop3A_623 : vector<16xf32> to vector<1x16xf32>
      tpu.vector_store %arg12[%parallel_loop3A_624, %parallel_loop3A_625], %parallel_loop3A_628 {strides = array<i32>} : memref<64x768xf32, #tpu.memory_space<vmem>>, vector<1x16xf32>,
      %parallel_loop3A_629 = arith.index_cast %parallel_loop3A_92 : i32 to index
      %parallel_loop3A_630 = arith.constant 528 : index
      %parallel_loop3A_631 = tpu.vector_load %arg12[%parallel_loop3A_629, %parallel_loop3A_630] {strides = array<i32>} : memref<64x768xf32, #tpu.memory_space<vmem>>, vector<1x16xf32>,
      %parallel_loop3A_632 = vector.shape_cast %parallel_loop3A_631 : vector<1x16xf32> to vector<16xf32>
      %parallel_loop3A_633 = arith.mulf %parallel_loop3A_632, %parallel_loop3A_96 : vector<16xf32>
      %parallel_loop3A_634 = arith.index_cast %parallel_loop3A_92 : i32 to index
      %parallel_loop3A_635 = arith.constant 528 : index
      %parallel_loop3A_636 = tpu.vector_load %arg13[%parallel_loop3A_634, %parallel_loop3A_635] {strides = array<i32>} : memref<64x768xf32, #tpu.memory_space<vmem>>, vector<1x16xf32>,
      %parallel_loop3A_637 = vector.shape_cast %parallel_loop3A_636 : vector<1x16xf32> to vector<16xf32>
      %parallel_loop3A_638 = arith.mulf %parallel_loop3A_637, %parallel_loop3A_100 : vector<16xf32>
      %parallel_loop3A_639 = arith.addf %parallel_loop3A_633, %parallel_loop3A_638 : vector<16xf32>
      %parallel_loop3A_640 = arith.index_cast %parallel_loop3A_92 : i32 to index
      %parallel_loop3A_641 = arith.constant 528 : index
      %parallel_loop3A_642 = tpu.vector_load %arg12[%parallel_loop3A_640, %parallel_loop3A_641] {strides = array<i32>} : memref<64x768xf32, #tpu.memory_space<vmem>>, vector<1x16xf32>,
      %parallel_loop3A_643 = vector.shape_cast %parallel_loop3A_642 : vector<1x16xf32> to vector<16xf32>
      %parallel_loop3A_644 = vector.shape_cast %parallel_loop3A_639 : vector<16xf32> to vector<1x16xf32>
      tpu.vector_store %arg12[%parallel_loop3A_640, %parallel_loop3A_641], %parallel_loop3A_644 {strides = array<i32>} : memref<64x768xf32, #tpu.memory_space<vmem>>, vector<1x16xf32>,
      %parallel_loop3A_645 = arith.index_cast %parallel_loop3A_92 : i32 to index
      %parallel_loop3A_646 = arith.constant 544 : index
      %parallel_loop3A_647 = tpu.vector_load %arg12[%parallel_loop3A_645, %parallel_loop3A_646] {strides = array<i32>} : memref<64x768xf32, #tpu.memory_space<vmem>>, vector<1x16xf32>,
      %parallel_loop3A_648 = vector.shape_cast %parallel_loop3A_647 : vector<1x16xf32> to vector<16xf32>
      %parallel_loop3A_649 = arith.mulf %parallel_loop3A_648, %parallel_loop3A_96 : vector<16xf32>
      %parallel_loop3A_650 = arith.index_cast %parallel_loop3A_92 : i32 to index
      %parallel_loop3A_651 = arith.constant 544 : index
      %parallel_loop3A_652 = tpu.vector_load %arg13[%parallel_loop3A_650, %parallel_loop3A_651] {strides = array<i32>} : memref<64x768xf32, #tpu.memory_space<vmem>>, vector<1x16xf32>,
      %parallel_loop3A_653 = vector.shape_cast %parallel_loop3A_652 : vector<1x16xf32> to vector<16xf32>
      %parallel_loop3A_654 = arith.mulf %parallel_loop3A_653, %parallel_loop3A_100 : vector<16xf32>
      %parallel_loop3A_655 = arith.addf %parallel_loop3A_649, %parallel_loop3A_654 : vector<16xf32>
      %parallel_loop3A_656 = arith.index_cast %parallel_loop3A_92 : i32 to index
      %parallel_loop3A_657 = arith.constant 544 : index
      %parallel_loop3A_658 = tpu.vector_load %arg12[%parallel_loop3A_656, %parallel_loop3A_657] {strides = array<i32>} : memref<64x768xf32, #tpu.memory_space<vmem>>, vector<1x16xf32>,
      %parallel_loop3A_659 = vector.shape_cast %parallel_loop3A_658 : vector<1x16xf32> to vector<16xf32>
      %parallel_loop3A_660 = vector.shape_cast %parallel_loop3A_655 : vector<16xf32> to vector<1x16xf32>
      tpu.vector_store %arg12[%parallel_loop3A_656, %parallel_loop3A_657], %parallel_loop3A_660 {strides = array<i32>} : memref<64x768xf32, #tpu.memory_space<vmem>>, vector<1x16xf32>,
      %parallel_loop3A_661 = arith.index_cast %parallel_loop3A_92 : i32 to index
      %parallel_loop3A_662 = arith.constant 560 : index
      %parallel_loop3A_663 = tpu.vector_load %arg12[%parallel_loop3A_661, %parallel_loop3A_662] {strides = array<i32>} : memref<64x768xf32, #tpu.memory_space<vmem>>, vector<1x16xf32>,
      %parallel_loop3A_664 = vector.shape_cast %parallel_loop3A_663 : vector<1x16xf32> to vector<16xf32>
      %parallel_loop3A_665 = arith.mulf %parallel_loop3A_664, %parallel_loop3A_96 : vector<16xf32>
      %parallel_loop3A_666 = arith.index_cast %parallel_loop3A_92 : i32 to index
      %parallel_loop3A_667 = arith.constant 560 : index
      %parallel_loop3A_668 = tpu.vector_load %arg13[%parallel_loop3A_666, %parallel_loop3A_667] {strides = array<i32>} : memref<64x768xf32, #tpu.memory_space<vmem>>, vector<1x16xf32>,
      %parallel_loop3A_669 = vector.shape_cast %parallel_loop3A_668 : vector<1x16xf32> to vector<16xf32>
      %parallel_loop3A_670 = arith.mulf %parallel_loop3A_669, %parallel_loop3A_100 : vector<16xf32>
      %parallel_loop3A_671 = arith.addf %parallel_loop3A_665, %parallel_loop3A_670 : vector<16xf32>
      %parallel_loop3A_672 = arith.index_cast %parallel_loop3A_92 : i32 to index
      %parallel_loop3A_673 = arith.constant 560 : index
      %parallel_loop3A_674 = tpu.vector_load %arg12[%parallel_loop3A_672, %parallel_loop3A_673] {strides = array<i32>} : memref<64x768xf32, #tpu.memory_space<vmem>>, vector<1x16xf32>,
      %parallel_loop3A_675 = vector.shape_cast %parallel_loop3A_674 : vector<1x16xf32> to vector<16xf32>
      %parallel_loop3A_676 = vector.shape_cast %parallel_loop3A_671 : vector<16xf32> to vector<1x16xf32>
      tpu.vector_store %arg12[%parallel_loop3A_672, %parallel_loop3A_673], %parallel_loop3A_676 {strides = array<i32>} : memref<64x768xf32, #tpu.memory_space<vmem>>, vector<1x16xf32>,
      %parallel_loop3A_677 = arith.index_cast %parallel_loop3A_92 : i32 to index
      %parallel_loop3A_678 = arith.constant 576 : index
      %parallel_loop3A_679 = tpu.vector_load %arg12[%parallel_loop3A_677, %parallel_loop3A_678] {strides = array<i32>} : memref<64x768xf32, #tpu.memory_space<vmem>>, vector<1x16xf32>,
      %parallel_loop3A_680 = vector.shape_cast %parallel_loop3A_679 : vector<1x16xf32> to vector<16xf32>
      %parallel_loop3A_681 = arith.mulf %parallel_loop3A_680, %parallel_loop3A_96 : vector<16xf32>
      %parallel_loop3A_682 = arith.index_cast %parallel_loop3A_92 : i32 to index
      %parallel_loop3A_683 = arith.constant 576 : index
      %parallel_loop3A_684 = tpu.vector_load %arg13[%parallel_loop3A_682, %parallel_loop3A_683] {strides = array<i32>} : memref<64x768xf32, #tpu.memory_space<vmem>>, vector<1x16xf32>,
      %parallel_loop3A_685 = vector.shape_cast %parallel_loop3A_684 : vector<1x16xf32> to vector<16xf32>
      %parallel_loop3A_686 = arith.mulf %parallel_loop3A_685, %parallel_loop3A_100 : vector<16xf32>
      %parallel_loop3A_687 = arith.addf %parallel_loop3A_681, %parallel_loop3A_686 : vector<16xf32>
      %parallel_loop3A_688 = arith.index_cast %parallel_loop3A_92 : i32 to index
      %parallel_loop3A_689 = arith.constant 576 : index
      %parallel_loop3A_690 = tpu.vector_load %arg12[%parallel_loop3A_688, %parallel_loop3A_689] {strides = array<i32>} : memref<64x768xf32, #tpu.memory_space<vmem>>, vector<1x16xf32>,
      %parallel_loop3A_691 = vector.shape_cast %parallel_loop3A_690 : vector<1x16xf32> to vector<16xf32>
      %parallel_loop3A_692 = vector.shape_cast %parallel_loop3A_687 : vector<16xf32> to vector<1x16xf32>
      tpu.vector_store %arg12[%parallel_loop3A_688, %parallel_loop3A_689], %parallel_loop3A_692 {strides = array<i32>} : memref<64x768xf32, #tpu.memory_space<vmem>>, vector<1x16xf32>,
      %parallel_loop3A_693 = arith.index_cast %parallel_loop3A_92 : i32 to index
      %parallel_loop3A_694 = arith.constant 592 : index
      %parallel_loop3A_695 = tpu.vector_load %arg12[%parallel_loop3A_693, %parallel_loop3A_694] {strides = array<i32>} : memref<64x768xf32, #tpu.memory_space<vmem>>, vector<1x16xf32>,
      %parallel_loop3A_696 = vector.shape_cast %parallel_loop3A_695 : vector<1x16xf32> to vector<16xf32>
      %parallel_loop3A_697 = arith.mulf %parallel_loop3A_696, %parallel_loop3A_96 : vector<16xf32>
      %parallel_loop3A_698 = arith.index_cast %parallel_loop3A_92 : i32 to index
      %parallel_loop3A_699 = arith.constant 592 : index
      %parallel_loop3A_700 = tpu.vector_load %arg13[%parallel_loop3A_698, %parallel_loop3A_699] {strides = array<i32>} : memref<64x768xf32, #tpu.memory_space<vmem>>, vector<1x16xf32>,
      %parallel_loop3A_701 = vector.shape_cast %parallel_loop3A_700 : vector<1x16xf32> to vector<16xf32>
      %parallel_loop3A_702 = arith.mulf %parallel_loop3A_701, %parallel_loop3A_100 : vector<16xf32>
      %parallel_loop3A_703 = arith.addf %parallel_loop3A_697, %parallel_loop3A_702 : vector<16xf32>
      %parallel_loop3A_704 = arith.index_cast %parallel_loop3A_92 : i32 to index
      %parallel_loop3A_705 = arith.constant 592 : index
      %parallel_loop3A_706 = tpu.vector_load %arg12[%parallel_loop3A_704, %parallel_loop3A_705] {strides = array<i32>} : memref<64x768xf32, #tpu.memory_space<vmem>>, vector<1x16xf32>,
      %parallel_loop3A_707 = vector.shape_cast %parallel_loop3A_706 : vector<1x16xf32> to vector<16xf32>
      %parallel_loop3A_708 = vector.shape_cast %parallel_loop3A_703 : vector<16xf32> to vector<1x16xf32>
      tpu.vector_store %arg12[%parallel_loop3A_704, %parallel_loop3A_705], %parallel_loop3A_708 {strides = array<i32>} : memref<64x768xf32, #tpu.memory_space<vmem>>, vector<1x16xf32>,
      %parallel_loop3A_709 = arith.index_cast %parallel_loop3A_92 : i32 to index
      %parallel_loop3A_710 = arith.constant 608 : index
      %parallel_loop3A_711 = tpu.vector_load %arg12[%parallel_loop3A_709, %parallel_loop3A_710] {strides = array<i32>} : memref<64x768xf32, #tpu.memory_space<vmem>>, vector<1x16xf32>,
      %parallel_loop3A_712 = vector.shape_cast %parallel_loop3A_711 : vector<1x16xf32> to vector<16xf32>
      %parallel_loop3A_713 = arith.mulf %parallel_loop3A_712, %parallel_loop3A_96 : vector<16xf32>
      %parallel_loop3A_714 = arith.index_cast %parallel_loop3A_92 : i32 to index
      %parallel_loop3A_715 = arith.constant 608 : index
      %parallel_loop3A_716 = tpu.vector_load %arg13[%parallel_loop3A_714, %parallel_loop3A_715] {strides = array<i32>} : memref<64x768xf32, #tpu.memory_space<vmem>>, vector<1x16xf32>,
      %parallel_loop3A_717 = vector.shape_cast %parallel_loop3A_716 : vector<1x16xf32> to vector<16xf32>
      %parallel_loop3A_718 = arith.mulf %parallel_loop3A_717, %parallel_loop3A_100 : vector<16xf32>
      %parallel_loop3A_719 = arith.addf %parallel_loop3A_713, %parallel_loop3A_718 : vector<16xf32>
      %parallel_loop3A_720 = arith.index_cast %parallel_loop3A_92 : i32 to index
      %parallel_loop3A_721 = arith.constant 608 : index
      %parallel_loop3A_722 = tpu.vector_load %arg12[%parallel_loop3A_720, %parallel_loop3A_721] {strides = array<i32>} : memref<64x768xf32, #tpu.memory_space<vmem>>, vector<1x16xf32>,
      %parallel_loop3A_723 = vector.shape_cast %parallel_loop3A_722 : vector<1x16xf32> to vector<16xf32>
      %parallel_loop3A_724 = vector.shape_cast %parallel_loop3A_719 : vector<16xf32> to vector<1x16xf32>
      tpu.vector_store %arg12[%parallel_loop3A_720, %parallel_loop3A_721], %parallel_loop3A_724 {strides = array<i32>} : memref<64x768xf32, #tpu.memory_space<vmem>>, vector<1x16xf32>,
      %parallel_loop3A_725 = arith.index_cast %parallel_loop3A_92 : i32 to index
      %parallel_loop3A_726 = arith.constant 624 : index
      %parallel_loop3A_727 = tpu.vector_load %arg12[%parallel_loop3A_725, %parallel_loop3A_726] {strides = array<i32>} : memref<64x768xf32, #tpu.memory_space<vmem>>, vector<1x16xf32>,
      %parallel_loop3A_728 = vector.shape_cast %parallel_loop3A_727 : vector<1x16xf32> to vector<16xf32>
      %parallel_loop3A_729 = arith.mulf %parallel_loop3A_728, %parallel_loop3A_96 : vector<16xf32>
      %parallel_loop3A_730 = arith.index_cast %parallel_loop3A_92 : i32 to index
      %parallel_loop3A_731 = arith.constant 624 : index
      %parallel_loop3A_732 = tpu.vector_load %arg13[%parallel_loop3A_730, %parallel_loop3A_731] {strides = array<i32>} : memref<64x768xf32, #tpu.memory_space<vmem>>, vector<1x16xf32>,
      %parallel_loop3A_733 = vector.shape_cast %parallel_loop3A_732 : vector<1x16xf32> to vector<16xf32>
      %parallel_loop3A_734 = arith.mulf %parallel_loop3A_733, %parallel_loop3A_100 : vector<16xf32>
      %parallel_loop3A_735 = arith.addf %parallel_loop3A_729, %parallel_loop3A_734 : vector<16xf32>
      %parallel_loop3A_736 = arith.index_cast %parallel_loop3A_92 : i32 to index
      %parallel_loop3A_737 = arith.constant 624 : index
      %parallel_loop3A_738 = tpu.vector_load %arg12[%parallel_loop3A_736, %parallel_loop3A_737] {strides = array<i32>} : memref<64x768xf32, #tpu.memory_space<vmem>>, vector<1x16xf32>,
      %parallel_loop3A_739 = vector.shape_cast %parallel_loop3A_738 : vector<1x16xf32> to vector<16xf32>
      %parallel_loop3A_740 = vector.shape_cast %parallel_loop3A_735 : vector<16xf32> to vector<1x16xf32>
      tpu.vector_store %arg12[%parallel_loop3A_736, %parallel_loop3A_737], %parallel_loop3A_740 {strides = array<i32>} : memref<64x768xf32, #tpu.memory_space<vmem>>, vector<1x16xf32>,
      %parallel_loop3A_741 = arith.index_cast %parallel_loop3A_92 : i32 to index
      %parallel_loop3A_742 = arith.constant 640 : index
      %parallel_loop3A_743 = tpu.vector_load %arg12[%parallel_loop3A_741, %parallel_loop3A_742] {strides = array<i32>} : memref<64x768xf32, #tpu.memory_space<vmem>>, vector<1x16xf32>,
      %parallel_loop3A_744 = vector.shape_cast %parallel_loop3A_743 : vector<1x16xf32> to vector<16xf32>
      %parallel_loop3A_745 = arith.mulf %parallel_loop3A_744, %parallel_loop3A_96 : vector<16xf32>
      %parallel_loop3A_746 = arith.index_cast %parallel_loop3A_92 : i32 to index
      %parallel_loop3A_747 = arith.constant 640 : index
      %parallel_loop3A_748 = tpu.vector_load %arg13[%parallel_loop3A_746, %parallel_loop3A_747] {strides = array<i32>} : memref<64x768xf32, #tpu.memory_space<vmem>>, vector<1x16xf32>,
      %parallel_loop3A_749 = vector.shape_cast %parallel_loop3A_748 : vector<1x16xf32> to vector<16xf32>
      %parallel_loop3A_750 = arith.mulf %parallel_loop3A_749, %parallel_loop3A_100 : vector<16xf32>
      %parallel_loop3A_751 = arith.addf %parallel_loop3A_745, %parallel_loop3A_750 : vector<16xf32>
      %parallel_loop3A_752 = arith.index_cast %parallel_loop3A_92 : i32 to index
      %parallel_loop3A_753 = arith.constant 640 : index
      %parallel_loop3A_754 = tpu.vector_load %arg12[%parallel_loop3A_752, %parallel_loop3A_753] {strides = array<i32>} : memref<64x768xf32, #tpu.memory_space<vmem>>, vector<1x16xf32>,
      %parallel_loop3A_755 = vector.shape_cast %parallel_loop3A_754 : vector<1x16xf32> to vector<16xf32>
      %parallel_loop3A_756 = vector.shape_cast %parallel_loop3A_751 : vector<16xf32> to vector<1x16xf32>
      tpu.vector_store %arg12[%parallel_loop3A_752, %parallel_loop3A_753], %parallel_loop3A_756 {strides = array<i32>} : memref<64x768xf32, #tpu.memory_space<vmem>>, vector<1x16xf32>,
      %parallel_loop3A_757 = arith.index_cast %parallel_loop3A_92 : i32 to index
      %parallel_loop3A_758 = arith.constant 656 : index
      %parallel_loop3A_759 = tpu.vector_load %arg12[%parallel_loop3A_757, %parallel_loop3A_758] {strides = array<i32>} : memref<64x768xf32, #tpu.memory_space<vmem>>, vector<1x16xf32>,
      %parallel_loop3A_760 = vector.shape_cast %parallel_loop3A_759 : vector<1x16xf32> to vector<16xf32>
      %parallel_loop3A_761 = arith.mulf %parallel_loop3A_760, %parallel_loop3A_96 : vector<16xf32>
      %parallel_loop3A_762 = arith.index_cast %parallel_loop3A_92 : i32 to index
      %parallel_loop3A_763 = arith.constant 656 : index
      %parallel_loop3A_764 = tpu.vector_load %arg13[%parallel_loop3A_762, %parallel_loop3A_763] {strides = array<i32>} : memref<64x768xf32, #tpu.memory_space<vmem>>, vector<1x16xf32>,
      %parallel_loop3A_765 = vector.shape_cast %parallel_loop3A_764 : vector<1x16xf32> to vector<16xf32>
      %parallel_loop3A_766 = arith.mulf %parallel_loop3A_765, %parallel_loop3A_100 : vector<16xf32>
      %parallel_loop3A_767 = arith.addf %parallel_loop3A_761, %parallel_loop3A_766 : vector<16xf32>
      %parallel_loop3A_768 = arith.index_cast %parallel_loop3A_92 : i32 to index
      %parallel_loop3A_769 = arith.constant 656 : index
      %parallel_loop3A_770 = tpu.vector_load %arg12[%parallel_loop3A_768, %parallel_loop3A_769] {strides = array<i32>} : memref<64x768xf32, #tpu.memory_space<vmem>>, vector<1x16xf32>,
      %parallel_loop3A_771 = vector.shape_cast %parallel_loop3A_770 : vector<1x16xf32> to vector<16xf32>
      %parallel_loop3A_772 = vector.shape_cast %parallel_loop3A_767 : vector<16xf32> to vector<1x16xf32>
      tpu.vector_store %arg12[%parallel_loop3A_768, %parallel_loop3A_769], %parallel_loop3A_772 {strides = array<i32>} : memref<64x768xf32, #tpu.memory_space<vmem>>, vector<1x16xf32>,
      %parallel_loop3A_773 = arith.index_cast %parallel_loop3A_92 : i32 to index
      %parallel_loop3A_774 = arith.constant 672 : index
      %parallel_loop3A_775 = tpu.vector_load %arg12[%parallel_loop3A_773, %parallel_loop3A_774] {strides = array<i32>} : memref<64x768xf32, #tpu.memory_space<vmem>>, vector<1x16xf32>,
      %parallel_loop3A_776 = vector.shape_cast %parallel_loop3A_775 : vector<1x16xf32> to vector<16xf32>
      %parallel_loop3A_777 = arith.mulf %parallel_loop3A_776, %parallel_loop3A_96 : vector<16xf32>
      %parallel_loop3A_778 = arith.index_cast %parallel_loop3A_92 : i32 to index
      %parallel_loop3A_779 = arith.constant 672 : index
      %parallel_loop3A_780 = tpu.vector_load %arg13[%parallel_loop3A_778, %parallel_loop3A_779] {strides = array<i32>} : memref<64x768xf32, #tpu.memory_space<vmem>>, vector<1x16xf32>,
      %parallel_loop3A_781 = vector.shape_cast %parallel_loop3A_780 : vector<1x16xf32> to vector<16xf32>
      %parallel_loop3A_782 = arith.mulf %parallel_loop3A_781, %parallel_loop3A_100 : vector<16xf32>
      %parallel_loop3A_783 = arith.addf %parallel_loop3A_777, %parallel_loop3A_782 : vector<16xf32>
      %parallel_loop3A_784 = arith.index_cast %parallel_loop3A_92 : i32 to index
      %parallel_loop3A_785 = arith.constant 672 : index
      %parallel_loop3A_786 = tpu.vector_load %arg12[%parallel_loop3A_784, %parallel_loop3A_785] {strides = array<i32>} : memref<64x768xf32, #tpu.memory_space<vmem>>, vector<1x16xf32>,
      %parallel_loop3A_787 = vector.shape_cast %parallel_loop3A_786 : vector<1x16xf32> to vector<16xf32>
      %parallel_loop3A_788 = vector.shape_cast %parallel_loop3A_783 : vector<16xf32> to vector<1x16xf32>
      tpu.vector_store %arg12[%parallel_loop3A_784, %parallel_loop3A_785], %parallel_loop3A_788 {strides = array<i32>} : memref<64x768xf32, #tpu.memory_space<vmem>>, vector<1x16xf32>,
      %parallel_loop3A_789 = arith.index_cast %parallel_loop3A_92 : i32 to index
      %parallel_loop3A_790 = arith.constant 688 : index
      %parallel_loop3A_791 = tpu.vector_load %arg12[%parallel_loop3A_789, %parallel_loop3A_790] {strides = array<i32>} : memref<64x768xf32, #tpu.memory_space<vmem>>, vector<1x16xf32>,
      %parallel_loop3A_792 = vector.shape_cast %parallel_loop3A_791 : vector<1x16xf32> to vector<16xf32>
      %parallel_loop3A_793 = arith.mulf %parallel_loop3A_792, %parallel_loop3A_96 : vector<16xf32>
      %parallel_loop3A_794 = arith.index_cast %parallel_loop3A_92 : i32 to index
      %parallel_loop3A_795 = arith.constant 688 : index
      %parallel_loop3A_796 = tpu.vector_load %arg13[%parallel_loop3A_794, %parallel_loop3A_795] {strides = array<i32>} : memref<64x768xf32, #tpu.memory_space<vmem>>, vector<1x16xf32>,
      %parallel_loop3A_797 = vector.shape_cast %parallel_loop3A_796 : vector<1x16xf32> to vector<16xf32>
      %parallel_loop3A_798 = arith.mulf %parallel_loop3A_797, %parallel_loop3A_100 : vector<16xf32>
      %parallel_loop3A_799 = arith.addf %parallel_loop3A_793, %parallel_loop3A_798 : vector<16xf32>
      %parallel_loop3A_800 = arith.index_cast %parallel_loop3A_92 : i32 to index
      %parallel_loop3A_801 = arith.constant 688 : index
      %parallel_loop3A_802 = tpu.vector_load %arg12[%parallel_loop3A_800, %parallel_loop3A_801] {strides = array<i32>} : memref<64x768xf32, #tpu.memory_space<vmem>>, vector<1x16xf32>,
      %parallel_loop3A_803 = vector.shape_cast %parallel_loop3A_802 : vector<1x16xf32> to vector<16xf32>
      %parallel_loop3A_804 = vector.shape_cast %parallel_loop3A_799 : vector<16xf32> to vector<1x16xf32>
      tpu.vector_store %arg12[%parallel_loop3A_800, %parallel_loop3A_801], %parallel_loop3A_804 {strides = array<i32>} : memref<64x768xf32, #tpu.memory_space<vmem>>, vector<1x16xf32>,
      %parallel_loop3A_805 = arith.index_cast %parallel_loop3A_92 : i32 to index
      %parallel_loop3A_806 = arith.constant 704 : index
      %parallel_loop3A_807 = tpu.vector_load %arg12[%parallel_loop3A_805, %parallel_loop3A_806] {strides = array<i32>} : memref<64x768xf32, #tpu.memory_space<vmem>>, vector<1x16xf32>,
      %parallel_loop3A_808 = vector.shape_cast %parallel_loop3A_807 : vector<1x16xf32> to vector<16xf32>
      %parallel_loop3A_809 = arith.mulf %parallel_loop3A_808, %parallel_loop3A_96 : vector<16xf32>
      %parallel_loop3A_810 = arith.index_cast %parallel_loop3A_92 : i32 to index
      %parallel_loop3A_811 = arith.constant 704 : index
      %parallel_loop3A_812 = tpu.vector_load %arg13[%parallel_loop3A_810, %parallel_loop3A_811] {strides = array<i32>} : memref<64x768xf32, #tpu.memory_space<vmem>>, vector<1x16xf32>,
      %parallel_loop3A_813 = vector.shape_cast %parallel_loop3A_812 : vector<1x16xf32> to vector<16xf32>
      %parallel_loop3A_814 = arith.mulf %parallel_loop3A_813, %parallel_loop3A_100 : vector<16xf32>
      %parallel_loop3A_815 = arith.addf %parallel_loop3A_809, %parallel_loop3A_814 : vector<16xf32>
      %parallel_loop3A_816 = arith.index_cast %parallel_loop3A_92 : i32 to index
      %parallel_loop3A_817 = arith.constant 704 : index
      %parallel_loop3A_818 = tpu.vector_load %arg12[%parallel_loop3A_816, %parallel_loop3A_817] {strides = array<i32>} : memref<64x768xf32, #tpu.memory_space<vmem>>, vector<1x16xf32>,
      %parallel_loop3A_819 = vector.shape_cast %parallel_loop3A_818 : vector<1x16xf32> to vector<16xf32>
      %parallel_loop3A_820 = vector.shape_cast %parallel_loop3A_815 : vector<16xf32> to vector<1x16xf32>
      tpu.vector_store %arg12[%parallel_loop3A_816, %parallel_loop3A_817], %parallel_loop3A_820 {strides = array<i32>} : memref<64x768xf32, #tpu.memory_space<vmem>>, vector<1x16xf32>,
      %parallel_loop3A_821 = arith.index_cast %parallel_loop3A_92 : i32 to index
      %parallel_loop3A_822 = arith.constant 720 : index
      %parallel_loop3A_823 = tpu.vector_load %arg12[%parallel_loop3A_821, %parallel_loop3A_822] {strides = array<i32>} : memref<64x768xf32, #tpu.memory_space<vmem>>, vector<1x16xf32>,
      %parallel_loop3A_824 = vector.shape_cast %parallel_loop3A_823 : vector<1x16xf32> to vector<16xf32>
      %parallel_loop3A_825 = arith.mulf %parallel_loop3A_824, %parallel_loop3A_96 : vector<16xf32>
      %parallel_loop3A_826 = arith.index_cast %parallel_loop3A_92 : i32 to index
      %parallel_loop3A_827 = arith.constant 720 : index
      %parallel_loop3A_828 = tpu.vector_load %arg13[%parallel_loop3A_826, %parallel_loop3A_827] {strides = array<i32>} : memref<64x768xf32, #tpu.memory_space<vmem>>, vector<1x16xf32>,
      %parallel_loop3A_829 = vector.shape_cast %parallel_loop3A_828 : vector<1x16xf32> to vector<16xf32>
      %parallel_loop3A_830 = arith.mulf %parallel_loop3A_829, %parallel_loop3A_100 : vector<16xf32>
      %parallel_loop3A_831 = arith.addf %parallel_loop3A_825, %parallel_loop3A_830 : vector<16xf32>
      %parallel_loop3A_832 = arith.index_cast %parallel_loop3A_92 : i32 to index
      %parallel_loop3A_833 = arith.constant 720 : index
      %parallel_loop3A_834 = tpu.vector_load %arg12[%parallel_loop3A_832, %parallel_loop3A_833] {strides = array<i32>} : memref<64x768xf32, #tpu.memory_space<vmem>>, vector<1x16xf32>,
      %parallel_loop3A_835 = vector.shape_cast %parallel_loop3A_834 : vector<1x16xf32> to vector<16xf32>
      %parallel_loop3A_836 = vector.shape_cast %parallel_loop3A_831 : vector<16xf32> to vector<1x16xf32>
      tpu.vector_store %arg12[%parallel_loop3A_832, %parallel_loop3A_833], %parallel_loop3A_836 {strides = array<i32>} : memref<64x768xf32, #tpu.memory_space<vmem>>, vector<1x16xf32>,
      %parallel_loop3A_837 = arith.index_cast %parallel_loop3A_92 : i32 to index
      %parallel_loop3A_838 = arith.constant 736 : index
      %parallel_loop3A_839 = tpu.vector_load %arg12[%parallel_loop3A_837, %parallel_loop3A_838] {strides = array<i32>} : memref<64x768xf32, #tpu.memory_space<vmem>>, vector<1x16xf32>,
      %parallel_loop3A_840 = vector.shape_cast %parallel_loop3A_839 : vector<1x16xf32> to vector<16xf32>
      %parallel_loop3A_841 = arith.mulf %parallel_loop3A_840, %parallel_loop3A_96 : vector<16xf32>
      %parallel_loop3A_842 = arith.index_cast %parallel_loop3A_92 : i32 to index
      %parallel_loop3A_843 = arith.constant 736 : index
      %parallel_loop3A_844 = tpu.vector_load %arg13[%parallel_loop3A_842, %parallel_loop3A_843] {strides = array<i32>} : memref<64x768xf32, #tpu.memory_space<vmem>>, vector<1x16xf32>,
      %parallel_loop3A_845 = vector.shape_cast %parallel_loop3A_844 : vector<1x16xf32> to vector<16xf32>
      %parallel_loop3A_846 = arith.mulf %parallel_loop3A_845, %parallel_loop3A_100 : vector<16xf32>
      %parallel_loop3A_847 = arith.addf %parallel_loop3A_841, %parallel_loop3A_846 : vector<16xf32>
      %parallel_loop3A_848 = arith.index_cast %parallel_loop3A_92 : i32 to index
      %parallel_loop3A_849 = arith.constant 736 : index
      %parallel_loop3A_850 = tpu.vector_load %arg12[%parallel_loop3A_848, %parallel_loop3A_849] {strides = array<i32>} : memref<64x768xf32, #tpu.memory_space<vmem>>, vector<1x16xf32>,
      %parallel_loop3A_851 = vector.shape_cast %parallel_loop3A_850 : vector<1x16xf32> to vector<16xf32>
      %parallel_loop3A_852 = vector.shape_cast %parallel_loop3A_847 : vector<16xf32> to vector<1x16xf32>
      tpu.vector_store %arg12[%parallel_loop3A_848, %parallel_loop3A_849], %parallel_loop3A_852 {strides = array<i32>} : memref<64x768xf32, #tpu.memory_space<vmem>>, vector<1x16xf32>,
      %parallel_loop3A_853 = arith.index_cast %parallel_loop3A_92 : i32 to index
      %parallel_loop3A_854 = arith.constant 752 : index
      %parallel_loop3A_855 = tpu.vector_load %arg12[%parallel_loop3A_853, %parallel_loop3A_854] {strides = array<i32>} : memref<64x768xf32, #tpu.memory_space<vmem>>, vector<1x16xf32>,
      %parallel_loop3A_856 = vector.shape_cast %parallel_loop3A_855 : vector<1x16xf32> to vector<16xf32>
      %parallel_loop3A_857 = arith.mulf %parallel_loop3A_856, %parallel_loop3A_96 : vector<16xf32>
      %parallel_loop3A_858 = arith.index_cast %parallel_loop3A_92 : i32 to index
      %parallel_loop3A_859 = arith.constant 752 : index
      %parallel_loop3A_860 = tpu.vector_load %arg13[%parallel_loop3A_858, %parallel_loop3A_859] {strides = array<i32>} : memref<64x768xf32, #tpu.memory_space<vmem>>, vector<1x16xf32>,
      %parallel_loop3A_861 = vector.shape_cast %parallel_loop3A_860 : vector<1x16xf32> to vector<16xf32>
      %parallel_loop3A_862 = arith.mulf %parallel_loop3A_861, %parallel_loop3A_100 : vector<16xf32>
      %parallel_loop3A_863 = arith.addf %parallel_loop3A_857, %parallel_loop3A_862 : vector<16xf32>
      %parallel_loop3A_864 = arith.index_cast %parallel_loop3A_92 : i32 to index
      %parallel_loop3A_865 = arith.constant 752 : index
      %parallel_loop3A_866 = tpu.vector_load %arg12[%parallel_loop3A_864, %parallel_loop3A_865] {strides = array<i32>} : memref<64x768xf32, #tpu.memory_space<vmem>>, vector<1x16xf32>,
      %parallel_loop3A_867 = vector.shape_cast %parallel_loop3A_866 : vector<1x16xf32> to vector<16xf32>
      %parallel_loop3A_868 = vector.shape_cast %parallel_loop3A_863 : vector<16xf32> to vector<1x16xf32>
      tpu.vector_store %arg12[%parallel_loop3A_864, %parallel_loop3A_865], %parallel_loop3A_868 {strides = array<i32>} : memref<64x768xf32, #tpu.memory_space<vmem>>, vector<1x16xf32>,
    } {sc.loop_unroll_factor = 4 : i64, sc.parallel_access}
    %add3A_80 = arith.constant 32 : i32
    %add3A_81 = arith.addi %mul3A_2, %add3A_80 : i32
    "tpu.region"() ({
      %run_scoped3A = tpu.sem_alloc : memref<!tpu.dma_semaphore, #tpu.memory_space<semaphore_mem>>
      %dma_start3A_92 = arith.constant 32 : i32
      %dma_start3A_93 = arith.constant 0 : i32
      %dma_start3A_94 = tpu.memref_slice %arg12[%dma_start3A_92, %dma_start3A_93] : memref<64x768xf32, #tpu.memory_space<vmem>> -> memref<32x768xf32, #tpu.memory_space<vmem>>
      %dma_start3A_95 = arith.constant 0 : i32
      %dma_start3A_96 = tpu.memref_slice %arg7[%add3A_81, %dma_start3A_95] : memref<2048x768xf32, #tpu.memory_space<hbm>> -> memref<32x768xf32, #tpu.memory_space<hbm>>
      %dma_start3A_97 = arith.constant 0 : i32
      %dma_start3A_98 = tpu.memref_slice %arg7[%add3A_81, %dma_start3A_97] : memref<2048x768xf32, #tpu.memory_space<hbm>> -> memref<32x768xf32, #tpu.memory_space<hbm>>
      %dma_start3A_99 = arith.constant 32 : i32
      %dma_start3A_100 = arith.constant 0 : i32
      %dma_start3A_101 = tpu.memref_slice %arg12[%dma_start3A_99, %dma_start3A_100] : memref<64x768xf32, #tpu.memory_space<vmem>> -> memref<32x768xf32, #tpu.memory_space<vmem>>
      tpu.enqueue_dma source(%dma_start3A_101 : memref<32x768xf32, #tpu.memory_space<vmem>>) target(%dma_start3A_98 : memref<32x768xf32, #tpu.memory_space<hbm>>) target_semaphore(%run_scoped3A : memref<!tpu.dma_semaphore, #tpu.memory_space<semaphore_mem>>)
      %dma_wait3A_102 = arith.constant 32 : i32
      %dma_wait3A_103 = arith.constant 0 : i32
      %dma_wait3A_104 = tpu.memref_slice %arg12[%dma_wait3A_102, %dma_wait3A_103] : memref<64x768xf32, #tpu.memory_space<vmem>> -> memref<32x768xf32, #tpu.memory_space<vmem>>
      %dma_wait3A_105 = arith.constant 0 : i32
      %dma_wait3A_106 = tpu.memref_slice %arg7[%add3A_81, %dma_wait3A_105] : memref<2048x768xf32, #tpu.memory_space<hbm>> -> memref<32x768xf32, #tpu.memory_space<hbm>>
      %dma_wait3A_107 = arith.constant 0 : i32
      %dma_wait3A_108 = tpu.memref_slice %arg7[%add3A_81, %dma_wait3A_107] : memref<2048x768xf32, #tpu.memory_space<hbm>> -> memref<32x768xf32, #tpu.memory_space<hbm>>
      %dma_wait3A_109 = arith.constant 32 : i32
      %dma_wait3A_110 = arith.constant 0 : i32
      %dma_wait3A_111 = tpu.memref_slice %arg12[%dma_wait3A_109, %dma_wait3A_110] : memref<64x768xf32, #tpu.memory_space<vmem>> -> memref<32x768xf32, #tpu.memory_space<vmem>>
      tpu.wait_dma2 semaphore(%run_scoped3A : memref<!tpu.dma_semaphore, #tpu.memory_space<semaphore_mem>>) src(%dma_wait3A_111 : memref<32x768xf32, #tpu.memory_space<vmem>>) dst(%dma_wait3A_108 : memref<32x768xf32, #tpu.memory_space<hbm>>)
      tpu.yield
    }) : () -> ()
    %dma_wait3A_82 = arith.constant 0 : i32
    %dma_wait3A_83 = arith.constant 0 : i32
    %dma_wait3A_84 = tpu.memref_slice %arg12[%dma_wait3A_82, %dma_wait3A_83] : memref<64x768xf32, #tpu.memory_space<vmem>> -> memref<32x768xf32, #tpu.memory_space<vmem>>
    %dma_wait3A_85 = arith.constant 0 : i32
    %dma_wait3A_86 = tpu.memref_slice %arg7[%mul3A_2, %dma_wait3A_85] : memref<2048x768xf32, #tpu.memory_space<hbm>> -> memref<32x768xf32, #tpu.memory_space<hbm>>
    %dma_wait3A_87 = arith.constant 0 : i32
    %dma_wait3A_88 = tpu.memref_slice %arg7[%mul3A_2, %dma_wait3A_87] : memref<2048x768xf32, #tpu.memory_space<hbm>> -> memref<32x768xf32, #tpu.memory_space<hbm>>
    %dma_wait3A_89 = arith.constant 0 : i32
    %dma_wait3A_90 = arith.constant 0 : i32
    %dma_wait3A_91 = tpu.memref_slice %arg12[%dma_wait3A_89, %dma_wait3A_90] : memref<64x768xf32, #tpu.memory_space<vmem>> -> memref<32x768xf32, #tpu.memory_space<vmem>>
    tpu.wait_dma2 semaphore(%arg16 : memref<!tpu.dma_semaphore, #tpu.memory_space<semaphore_mem>>) src(%dma_wait3A_91 : memref<32x768xf32, #tpu.memory_space<vmem>>) dst(%dma_wait3A_88 : memref<32x768xf32, #tpu.memory_space<hbm>>)
    return
  }
}

#map = affine_map<(d0, d1) -> (0, 0)>
module attributes {stable_mosaic.version = 14 : i64} {
  func.func @dispatch(%arg0: i32, %arg1: i32, %arg2: memref<2048x768xf32, #tpu.memory_space<hbm>>, %arg3: memref<32x64xi32, #tpu.memory_space<hbm>>, %arg4: memref<32x64xi32, #tpu.memory_space<hbm>>, %arg5: memref<5120x768xf32, #tpu.memory_space<hbm>>, %arg6: memref<64xi32, #tpu.memory_space<vmem>>, %arg7: memref<64xi32, #tpu.memory_space<vmem>>, %arg8: memref<64x768xf32, #tpu.memory_space<vmem>>, %arg9: memref<!tpu.dma_semaphore, #tpu.memory_space<semaphore_mem>>, %arg10: memref<!tpu.dma_semaphore, #tpu.memory_space<semaphore_mem>>, %arg11: memref<!tpu.dma_semaphore, #tpu.memory_space<semaphore_mem>>) attributes {dimension_semantics = [#tpu.dimension_semantics<core_parallel>, #tpu.dimension_semantics<subcore_parallel>], iteration_bounds = array<i64: 2, 16>, scalar_prefetch = 0 : i64, scratch_operands = 6 : i64, tpu.core_type = #tpu.core_type<sc_vector_subcore>, window_params = [{transform_indices = #map}, {transform_indices = #map}, {transform_indices = #map}, {transform_indices = #map}]} {
    %mul3A = arith.constant 2 : i32
    %mul3A_0 = arith.muli %arg1, %mul3A : i32
    %add3A = arith.addi %mul3A_0, %arg0 : i32
    %mul3A_1 = arith.constant 64 : i32
    %mul3A_2 = arith.muli %add3A, %mul3A_1 : i32
    "tpu.region"() ({
      %run_scoped3A = tpu.sem_alloc : memref<!tpu.dma_semaphore, #tpu.memory_space<semaphore_mem>>
      %dma_start3A_21 = arith.constant 0 : i32
      %dma_start3A_22 = tpu.memref_slice %arg3[%add3A, %dma_start3A_21] : memref<32x64xi32, #tpu.memory_space<hbm>> -> memref<1x64xi32, #tpu.memory_space<hbm>>
      %dma_start3A_23 = tpu.memref_squeeze %dma_start3A_22 : memref<1x64xi32, #tpu.memory_space<hbm>> -> memref<64xi32, #tpu.memory_space<hbm>>
      %dma_start3A_24 = arith.constant 0 : i32
      %dma_start3A_25 = tpu.memref_slice %arg3[%add3A, %dma_start3A_24] : memref<32x64xi32, #tpu.memory_space<hbm>> -> memref<1x64xi32, #tpu.memory_space<hbm>>
      %dma_start3A_26 = tpu.memref_squeeze %dma_start3A_25 : memref<1x64xi32, #tpu.memory_space<hbm>> -> memref<64xi32, #tpu.memory_space<hbm>>
      tpu.enqueue_dma source(%dma_start3A_26 : memref<64xi32, #tpu.memory_space<hbm>>) target(%arg6 : memref<64xi32, #tpu.memory_space<vmem>>) target_semaphore(%run_scoped3A : memref<!tpu.dma_semaphore, #tpu.memory_space<semaphore_mem>>)
      %dma_wait3A_27 = arith.constant 0 : i32
      %dma_wait3A_28 = tpu.memref_slice %arg3[%add3A, %dma_wait3A_27] : memref<32x64xi32, #tpu.memory_space<hbm>> -> memref<1x64xi32, #tpu.memory_space<hbm>>
      %dma_wait3A_29 = tpu.memref_squeeze %dma_wait3A_28 : memref<1x64xi32, #tpu.memory_space<hbm>> -> memref<64xi32, #tpu.memory_space<hbm>>
      %dma_wait3A_30 = arith.constant 0 : i32
      %dma_wait3A_31 = tpu.memref_slice %arg3[%add3A, %dma_wait3A_30] : memref<32x64xi32, #tpu.memory_space<hbm>> -> memref<1x64xi32, #tpu.memory_space<hbm>>
      %dma_wait3A_32 = tpu.memref_squeeze %dma_wait3A_31 : memref<1x64xi32, #tpu.memory_space<hbm>> -> memref<64xi32, #tpu.memory_space<hbm>>
      tpu.wait_dma2 semaphore(%run_scoped3A : memref<!tpu.dma_semaphore, #tpu.memory_space<semaphore_mem>>) src(%dma_wait3A_32 : memref<64xi32, #tpu.memory_space<hbm>>) dst(%arg6 : memref<64xi32, #tpu.memory_space<vmem>>)
      tpu.yield
    }) : () -> ()
    "tpu.region"() ({
      %run_scoped3A = tpu.sem_alloc : memref<!tpu.dma_semaphore, #tpu.memory_space<semaphore_mem>>
      %dma_start3A_21 = arith.constant 0 : i32
      %dma_start3A_22 = tpu.memref_slice %arg4[%add3A, %dma_start3A_21] : memref<32x64xi32, #tpu.memory_space<hbm>> -> memref<1x64xi32, #tpu.memory_space<hbm>>
      %dma_start3A_23 = tpu.memref_squeeze %dma_start3A_22 : memref<1x64xi32, #tpu.memory_space<hbm>> -> memref<64xi32, #tpu.memory_space<hbm>>
      %dma_start3A_24 = arith.constant 0 : i32
      %dma_start3A_25 = tpu.memref_slice %arg4[%add3A, %dma_start3A_24] : memref<32x64xi32, #tpu.memory_space<hbm>> -> memref<1x64xi32, #tpu.memory_space<hbm>>
      %dma_start3A_26 = tpu.memref_squeeze %dma_start3A_25 : memref<1x64xi32, #tpu.memory_space<hbm>> -> memref<64xi32, #tpu.memory_space<hbm>>
      tpu.enqueue_dma source(%dma_start3A_26 : memref<64xi32, #tpu.memory_space<hbm>>) target(%arg7 : memref<64xi32, #tpu.memory_space<vmem>>) target_semaphore(%run_scoped3A : memref<!tpu.dma_semaphore, #tpu.memory_space<semaphore_mem>>)
      %dma_wait3A_27 = arith.constant 0 : i32
      %dma_wait3A_28 = tpu.memref_slice %arg4[%add3A, %dma_wait3A_27] : memref<32x64xi32, #tpu.memory_space<hbm>> -> memref<1x64xi32, #tpu.memory_space<hbm>>
      %dma_wait3A_29 = tpu.memref_squeeze %dma_wait3A_28 : memref<1x64xi32, #tpu.memory_space<hbm>> -> memref<64xi32, #tpu.memory_space<hbm>>
      %dma_wait3A_30 = arith.constant 0 : i32
      %dma_wait3A_31 = tpu.memref_slice %arg4[%add3A, %dma_wait3A_30] : memref<32x64xi32, #tpu.memory_space<hbm>> -> memref<1x64xi32, #tpu.memory_space<hbm>>
      %dma_wait3A_32 = tpu.memref_squeeze %dma_wait3A_31 : memref<1x64xi32, #tpu.memory_space<hbm>> -> memref<64xi32, #tpu.memory_space<hbm>>
      tpu.wait_dma2 semaphore(%run_scoped3A : memref<!tpu.dma_semaphore, #tpu.memory_space<semaphore_mem>>) src(%dma_wait3A_32 : memref<64xi32, #tpu.memory_space<hbm>>) dst(%arg7 : memref<64xi32, #tpu.memory_space<vmem>>)
      tpu.yield
    }) : () -> ()
    %dma_start3A = arith.constant 0 : i32
    %dma_start3A_3 = tpu.memref_slice %arg2[%mul3A_2, %dma_start3A] : memref<2048x768xf32, #tpu.memory_space<hbm>> -> memref<64x768xf32, #tpu.memory_space<hbm>>
    %dma_start3A_4 = arith.constant 0 : i32
    %dma_start3A_5 = tpu.memref_slice %arg2[%mul3A_2, %dma_start3A_4] : memref<2048x768xf32, #tpu.memory_space<hbm>> -> memref<64x768xf32, #tpu.memory_space<hbm>>
    tpu.enqueue_dma source(%dma_start3A_5 : memref<64x768xf32, #tpu.memory_space<hbm>>) target(%arg8 : memref<64x768xf32, #tpu.memory_space<vmem>>) target_semaphore(%arg9 : memref<!tpu.dma_semaphore, #tpu.memory_space<semaphore_mem>>)
    %dma_wait3A = arith.constant 0 : i32
    %dma_wait3A_6 = tpu.memref_slice %arg2[%mul3A_2, %dma_wait3A] : memref<2048x768xf32, #tpu.memory_space<hbm>> -> memref<64x768xf32, #tpu.memory_space<hbm>>
    %dma_wait3A_7 = arith.constant 0 : i32
    %dma_wait3A_8 = tpu.memref_slice %arg2[%mul3A_2, %dma_wait3A_7] : memref<2048x768xf32, #tpu.memory_space<hbm>> -> memref<64x768xf32, #tpu.memory_space<hbm>>
    tpu.wait_dma2 semaphore(%arg9 : memref<!tpu.dma_semaphore, #tpu.memory_space<semaphore_mem>>) src(%dma_wait3A_8 : memref<64x768xf32, #tpu.memory_space<hbm>>) dst(%arg8 : memref<64x768xf32, #tpu.memory_space<vmem>>)
    %dma_start3A_9 = arith.constant 0 : i32
    %dma_start3A_10 = arith.constant 0 : i32
    %dma_start3A_11 = tpu.memref_slice %arg5[%dma_start3A_9, %dma_start3A_10] : memref<5120x768xf32, #tpu.memory_space<hbm>> -> memref<5120x768xf32, #tpu.memory_space<hbm>>
    tpu.enqueue_indirect_dma source(%arg8 : memref<64x768xf32, #tpu.memory_space<vmem>>) target(%dma_start3A_11 : memref<5120x768xf32, #tpu.memory_space<hbm>>) offsets(%arg6 : memref<64xi32, #tpu.memory_space<vmem>>) semaphore(%arg10 : memref<!tpu.dma_semaphore, #tpu.memory_space<semaphore_mem>>)
    %dma_start3A_12 = arith.constant 0 : i32
    %dma_start3A_13 = arith.constant 0 : i32
    %dma_start3A_14 = tpu.memref_slice %arg5[%dma_start3A_12, %dma_start3A_13] : memref<5120x768xf32, #tpu.memory_space<hbm>> -> memref<5120x768xf32, #tpu.memory_space<hbm>>
    tpu.enqueue_indirect_dma source(%arg8 : memref<64x768xf32, #tpu.memory_space<vmem>>) target(%dma_start3A_14 : memref<5120x768xf32, #tpu.memory_space<hbm>>) offsets(%arg7 : memref<64xi32, #tpu.memory_space<vmem>>) semaphore(%arg11 : memref<!tpu.dma_semaphore, #tpu.memory_space<semaphore_mem>>)
    %dma_wait3A_15 = arith.constant 0 : i32
    %dma_wait3A_16 = arith.constant 0 : i32
    %dma_wait3A_17 = tpu.memref_slice %arg5[%dma_wait3A_15, %dma_wait3A_16] : memref<5120x768xf32, #tpu.memory_space<hbm>> -> memref<5120x768xf32, #tpu.memory_space<hbm>>
    tpu.wait_indirect_dma semaphore(%arg10 : memref<!tpu.dma_semaphore, #tpu.memory_space<semaphore_mem>>) src(%arg8 : memref<64x768xf32, #tpu.memory_space<vmem>>) dst(%dma_wait3A_17 : memref<5120x768xf32, #tpu.memory_space<hbm>>)
    %dma_wait3A_18 = arith.constant 0 : i32
    %dma_wait3A_19 = arith.constant 0 : i32
    %dma_wait3A_20 = tpu.memref_slice %arg5[%dma_wait3A_18, %dma_wait3A_19] : memref<5120x768xf32, #tpu.memory_space<hbm>> -> memref<5120x768xf32, #tpu.memory_space<hbm>>
    tpu.wait_indirect_dma semaphore(%arg11 : memref<!tpu.dma_semaphore, #tpu.memory_space<semaphore_mem>>) src(%arg8 : memref<64x768xf32, #tpu.memory_space<vmem>>) dst(%dma_wait3A_20 : memref<5120x768xf32, #tpu.memory_space<hbm>>)
    return
  }
}

module attributes {stable_mosaic.version = 14 : i64} {
  func.func @_ffn_body(%arg0: i32, %arg1: memref<40x1xi32, #tpu.memory_space<smem>>, %arg2: memref<1x1xi32, #tpu.memory_space<smem>>, %arg3: memref<128x768xf32, #tpu.memory_space<vmem>>, %arg4: memref<1x2048x768xf32, #tpu.memory_space<vmem>>, %arg5: memref<1x768x2048xf32, #tpu.memory_space<vmem>>, %arg6: memref<128x768xf32, #tpu.memory_space<vmem>>, %arg7: memref<2048x768xbf16, #tpu.memory_space<vmem>>, %arg8: memref<768x2048xbf16, #tpu.memory_space<vmem>>) attributes {dimension_semantics = [#tpu.dimension_semantics<arbitrary>], iteration_bounds = array<i64: 40>, scalar_prefetch = 2 : i64, scratch_operands = 2 : i64, tpu.core_type = #tpu.core_type<tc>, window_params = [{transform_indices = @transform_0, window_bounds = array<i64: 128, 768>}, {transform_indices = @transform_1, window_bounds = array<i64: 1, 2048, 768>}, {transform_indices = @transform_2, window_bounds = array<i64: 1, 768, 2048>}, {transform_indices = @transform_3, window_bounds = array<i64: 128, 768>}]} {
    %get3A = arith.constant 0 : index
    %get3A_0 = arith.constant 0 : index
    %get3A_1 = memref.load %arg2[%get3A, %get3A_0] : memref<1x1xi32, #tpu.memory_space<smem>>
    %lt3A = arith.cmpi slt, %arg0, %get3A_1 : i32
    %eq3A = arith.constant 0 : i32
    %eq3A_2 = arith.cmpi eq, %arg0, %eq3A : i32
    %get3A_3 = arith.index_cast %arg0 : i32 to index
    %get3A_4 = arith.constant 0 : index
    %get3A_5 = memref.load %arg1[%get3A_3, %get3A_4] : memref<40x1xi32, #tpu.memory_space<smem>>
    %sub3A = arith.constant 1 : i32
    %sub3A_6 = arith.subi %arg0, %sub3A : i32
    %max3A = arith.constant 0 : i32
    %max3A_7 = arith.maxsi %sub3A_6, %max3A : i32
    %get3A_8 = arith.index_cast %max3A_7 : i32 to index
    %get3A_9 = arith.constant 0 : index
    %get3A_10 = memref.load %arg1[%get3A_8, %get3A_9] : memref<40x1xi32, #tpu.memory_space<smem>>
    %ne3A = arith.cmpi ne, %get3A_5, %get3A_10 : i32
    %or3A = arith.ori %eq3A_2, %ne3A : i1
    %and3A = arith.andi %lt3A, %or3A : i1
    %convert_element_type3A = arith.extui %and3A : i1 to i32
    %cond3A = arith.constant 0 : i32
    %cond3A_11 = arith.cmpi ne, %convert_element_type3A, %cond3A : i32
    scf.if %cond3A_11 {
      %get3A_15 = arith.constant 0 : index
      %get3A_16 = arith.constant 0 : index
      %get3A_17 = arith.constant 0 : index
      %get3A_18 = vector.load %arg4[%get3A_15, %get3A_16, %get3A_17] : memref<1x2048x768xf32, #tpu.memory_space<vmem>>, vector<1x2048x768xf32>
      %get3A_19 = vector.shape_cast %get3A_18 : vector<1x2048x768xf32> to vector<2048x768xf32>
      %convert_element_type3A_20 = arith.truncf %get3A_19 : vector<2048x768xf32> to vector<2048x768xbf16>
      %swap3A = arith.constant 0 : index
      %swap3A_21 = arith.constant 0 : index
      %swap3A_22 = vector.load %arg7[%swap3A, %swap3A_21] : memref<2048x768xbf16, #tpu.memory_space<vmem>>, vector<2048x768xbf16>
      tpu.vector_store %arg7[%swap3A, %swap3A_21], %convert_element_type3A_20 {strides = array<i32>} : memref<2048x768xbf16, #tpu.memory_space<vmem>>, vector<2048x768xbf16>,
      %get3A_23 = arith.constant 0 : index
      %get3A_24 = arith.constant 0 : index
      %get3A_25 = arith.constant 0 : index
      %get3A_26 = vector.load %arg5[%get3A_23, %get3A_24, %get3A_25] : memref<1x768x2048xf32, #tpu.memory_space<vmem>>, vector<1x768x2048xf32>
      %get3A_27 = vector.shape_cast %get3A_26 : vector<1x768x2048xf32> to vector<768x2048xf32>
      %convert_element_type3A_28 = arith.truncf %get3A_27 : vector<768x2048xf32> to vector<768x2048xbf16>
      %swap3A_29 = arith.constant 0 : index
      %swap3A_30 = arith.constant 0 : index
      %swap3A_31 = vector.load %arg8[%swap3A_29, %swap3A_30] : memref<768x2048xbf16, #tpu.memory_space<vmem>>, vector<768x2048xbf16>
      tpu.vector_store %arg8[%swap3A_29, %swap3A_30], %convert_element_type3A_28 {strides = array<i32>} : memref<768x2048xbf16, #tpu.memory_space<vmem>>, vector<768x2048xbf16>,
    } else {
    }
    %convert_element_type3A_12 = arith.extui %lt3A : i1 to i32
    %cond3A_13 = arith.constant 0 : i32
    %cond3A_14 = arith.cmpi ne, %convert_element_type3A_12, %cond3A_13 : i32
    scf.if %cond3A_14 {
      %get3A_15 = arith.constant 0 : index
      %get3A_16 = arith.constant 0 : index
      %get3A_17 = vector.load %arg3[%get3A_15, %get3A_16] : memref<128x768xf32, #tpu.memory_space<vmem>>, vector<128x768xf32>
      %convert_element_type3A_18 = arith.truncf %get3A_17 : vector<128x768xf32> to vector<128x768xbf16>
      %get3A_19 = arith.constant 0 : index
      %get3A_20 = arith.constant 0 : index
      %get3A_21 = vector.load %arg7[%get3A_19, %get3A_20] : memref<2048x768xbf16, #tpu.memory_space<vmem>>, vector<2048x768xbf16>
      %dot_general3A = arith.constant dense<0.000000e+00> : vector<128x2048xf32>
      %dot_general3A_22 = tpu.matmul %convert_element_type3A_18, %get3A_21, %dot_general3A {dimension_numbers = #tpu.dot_dimension_numbers<[1], [1], [0], [0], [0, 0, 1, 0], [], []>, transpose_lhs_hint = false} : vector<128x768xbf16>, vector<2048x768xbf16>, vector<128x2048xf32> -> vector<128x2048xf32>
      %mul3A = arith.constant 5.000000e-01 : f32
      %mul3A_23 = vector.broadcast %mul3A : f32 to vector<128x2048xf32>
      %mul3A_24 = arith.mulf %mul3A_23, %dot_general3A_22 : vector<128x2048xf32>
      %mul3A_25 = arith.constant 0.707106769 : f32
      %mul3A_26 = vector.broadcast %mul3A_25 : f32 to vector<128x2048xf32>
      %mul3A_27 = arith.mulf %dot_general3A_22, %mul3A_26 : vector<128x2048xf32>
      %erf3A = math.erf %mul3A_27 : vector<128x2048xf32>
      %add3A = arith.constant 1.000000e+00 : f32
      %add3A_28 = vector.broadcast %add3A : f32 to vector<128x2048xf32>
      %add3A_29 = arith.addf %add3A_28, %erf3A : vector<128x2048xf32>
      %mul3A_30 = arith.mulf %mul3A_24, %add3A_29 : vector<128x2048xf32>
      %convert_element_type3A_31 = arith.truncf %mul3A_30 : vector<128x2048xf32> to vector<128x2048xbf16>
      %get3A_32 = arith.constant 0 : index
      %get3A_33 = arith.constant 0 : index
      %get3A_34 = vector.load %arg8[%get3A_32, %get3A_33] : memref<768x2048xbf16, #tpu.memory_space<vmem>>, vector<768x2048xbf16>
      %dot_general3A_35 = arith.constant dense<0.000000e+00> : vector<128x768xf32>
      %dot_general3A_36 = tpu.matmul %convert_element_type3A_31, %get3A_34, %dot_general3A_35 {dimension_numbers = #tpu.dot_dimension_numbers<[1], [1], [0], [0], [0, 0, 1, 0], [], []>, transpose_lhs_hint = false} : vector<128x2048xbf16>, vector<768x2048xbf16>, vector<128x768xf32> -> vector<128x768xf32>
      %swap3A = arith.constant 0 : index
      %swap3A_37 = arith.constant 0 : index
      %swap3A_38 = vector.load %arg6[%swap3A, %swap3A_37] : memref<128x768xf32, #tpu.memory_space<vmem>>, vector<128x768xf32>
      tpu.vector_store %arg6[%swap3A, %swap3A_37], %dot_general3A_36 {strides = array<i32>} : memref<128x768xf32, #tpu.memory_space<vmem>>, vector<128x768xf32>,
    } else {
    }
    return
  }
  func.func @transform_0(%arg0: i32, %arg1: memref<40x1xi32, #tpu.memory_space<smem>>, %arg2: memref<1x1xi32, #tpu.memory_space<smem>>) -> (i32, i32) {
    %c0_i32 = arith.constant 0 : i32
    %c0_i32_0 = arith.constant 0 : i32
    return %arg0, %c0_i32 : i32, i32
  }
  func.func @transform_1(%arg0: i32, %arg1: memref<40x1xi32, #tpu.memory_space<smem>>, %arg2: memref<1x1xi32, #tpu.memory_space<smem>>) -> (i32, i32, i32) {
    %get3A = arith.index_cast %arg0 : i32 to index
    %get3A_0 = arith.constant 0 : index
    %get3A_1 = memref.load %arg1[%get3A, %get3A_0] : memref<40x1xi32, #tpu.memory_space<smem>>
    %c0_i32 = arith.constant 0 : i32
    %c0_i32_2 = arith.constant 0 : i32
    %c0_i32_3 = arith.constant 0 : i32
    return %get3A_1, %c0_i32, %c0_i32_2 : i32, i32, i32
  }
  func.func @transform_2(%arg0: i32, %arg1: memref<40x1xi32, #tpu.memory_space<smem>>, %arg2: memref<1x1xi32, #tpu.memory_space<smem>>) -> (i32, i32, i32) {
    %get3A = arith.index_cast %arg0 : i32 to index
    %get3A_0 = arith.constant 0 : index
    %get3A_1 = memref.load %arg1[%get3A, %get3A_0] : memref<40x1xi32, #tpu.memory_space<smem>>
    %c0_i32 = arith.constant 0 : i32
    %c0_i32_2 = arith.constant 0 : i32
    %c0_i32_3 = arith.constant 0 : i32
    return %get3A_1, %c0_i32, %c0_i32_2 : i32, i32, i32
  }
  func.func @transform_3(%arg0: i32, %arg1: memref<40x1xi32, #tpu.memory_space<smem>>, %arg2: memref<1x1xi32, #tpu.memory_space<smem>>) -> (i32, i32) {
    %c0_i32 = arith.constant 0 : i32
    %c0_i32_0 = arith.constant 0 : i32
    return %arg0, %c0_i32 : i32, i32
  }
}

module attributes {stable_mosaic.version = 14 : i64} {
  func.func @_router_body(%arg0: memref<2048x768xf32, #tpu.memory_space<vmem>>, %arg1: memref<8x768xf32, #tpu.memory_space<vmem>>, %arg2: memref<32x64xi32, #tpu.memory_space<vmem>>, %arg3: memref<32x64xi32, #tpu.memory_space<vmem>>, %arg4: memref<2048x16xf32, #tpu.memory_space<vmem>>, %arg5: memref<2048x16xf32, #tpu.memory_space<vmem>>, %arg6: memref<40x1xi32, #tpu.memory_space<vmem>>, %arg7: memref<1x1xi32, #tpu.memory_space<vmem>>) attributes {dimension_semantics = [], scalar_prefetch = 0 : i64, scratch_operands = 0 : i64, tpu.core_type = #tpu.core_type<tc>} {
    %get3A = arith.constant 0 : index
    %get3A_0 = arith.constant 0 : index
    %get3A_1 = vector.load %arg0[%get3A, %get3A_0] : memref<2048x768xf32, #tpu.memory_space<vmem>>, vector<2048x768xf32>
    %get3A_2 = arith.constant 0 : index
    %get3A_3 = arith.constant 0 : index
    %get3A_4 = vector.load %arg1[%get3A_2, %get3A_3] : memref<8x768xf32, #tpu.memory_space<vmem>>, vector<8x768xf32>
    %dot_general3A = arith.constant dense<0.000000e+00> : vector<2048x8xf32>
    %dot_general3A_5 = tpu.matmul %get3A_1, %get3A_4, %dot_general3A {dimension_numbers = #tpu.dot_dimension_numbers<[1], [1], [0], [0], [0, 0, 1, 0], [], []>, transpose_lhs_hint = false} : vector<2048x768xf32>, vector<8x768xf32>, vector<2048x8xf32> -> vector<2048x8xf32>
    %iota3A = tpu.iota {dimensions = array<i32: 1>} : vector<2048x8xi32>
    %reduce_max3A = arith.constant dense<0xFF800000> : vector<2048xf32>
    %reduce_max3A_6 = vector.multi_reduction <maximumf>, %dot_general3A_5, %reduce_max3A [1] : vector<2048x8xf32> to vector<2048xf32>
    %broadcast_in_dim3A = vector.shape_cast %reduce_max3A_6 : vector<2048xf32> to vector<2048x1xf32>
    %sub3A = vector.broadcast %broadcast_in_dim3A : vector<2048x1xf32> to vector<2048x8xf32>
    %sub3A_7 = arith.subf %dot_general3A_5, %sub3A : vector<2048x8xf32>
    %exp3A = math.exp %sub3A_7 : vector<2048x8xf32>
    %reduce_sum3A = arith.constant dense<0.000000e+00> : vector<2048xf32>
    %reduce_sum3A_8 = vector.multi_reduction <add>, %exp3A, %reduce_sum3A [1] : vector<2048x8xf32> to vector<2048xf32>
    %broadcast_in_dim3A_9 = vector.shape_cast %reduce_sum3A_8 : vector<2048xf32> to vector<2048x1xf32>
    %div3A = vector.broadcast %broadcast_in_dim3A_9 : vector<2048x1xf32> to vector<2048x8xf32>
    %div3A_10 = arith.divf %exp3A, %div3A : vector<2048x8xf32>
    %eq3A = vector.broadcast %broadcast_in_dim3A : vector<2048x1xf32> to vector<2048x8xf32>
    %eq3A_11 = arith.cmpf oeq, %dot_general3A_5, %eq3A : vector<2048x8xf32>
    %jit3A = arith.constant 8 : i32
    %broadcast_in_dim3A_12 = vector.broadcast %jit3A : i32 to vector<2048x8xi32>
    %select_n3A = arith.select %eq3A_11, %iota3A, %broadcast_in_dim3A_12 : vector<2048x8xi1>, vector<2048x8xi32>
    %reduce_min3A = arith.constant dense<2147483647> : vector<2048xi32>
    %reduce_min3A_13 = vector.multi_reduction <minsi>, %select_n3A, %reduce_min3A [1] : vector<2048x8xi32> to vector<2048xi32>
    %broadcast_in_dim3A_14 = vector.shape_cast %reduce_min3A_13 : vector<2048xi32> to vector<2048x1xi32>
    %eq3A_15 = vector.broadcast %broadcast_in_dim3A_14 : vector<2048x1xi32> to vector<2048x8xi32>
    %eq3A_16 = arith.cmpi eq, %iota3A, %eq3A_15 : vector<2048x8xi32>
    %jit3A_17 = arith.constant 0.000000e+00 : f32
    %broadcast_in_dim3A_18 = vector.broadcast %jit3A_17 : f32 to vector<2048x8xf32>
    %select_n3A_19 = arith.select %eq3A_16, %div3A_10, %broadcast_in_dim3A_18 : vector<2048x8xi1>, vector<2048x8xf32>
    %reduce_sum3A_20 = arith.constant dense<0.000000e+00> : vector<2048xf32>
    %reduce_sum3A_21 = vector.multi_reduction <add>, %select_n3A_19, %reduce_sum3A_20 [1] : vector<2048x8xf32> to vector<2048xf32>
    %broadcast_in_dim3A_22 = vector.shape_cast %reduce_sum3A_21 : vector<2048xf32> to vector<2048x1xf32>
    %eq3A_23 = vector.broadcast %broadcast_in_dim3A_14 : vector<2048x1xi32> to vector<2048x8xi32>
    %eq3A_24 = arith.cmpi eq, %iota3A, %eq3A_23 : vector<2048x8xi32>
    %jit3A_25 = arith.constant 0xFF800000 : f32
    %broadcast_in_dim3A_26 = vector.broadcast %jit3A_25 : f32 to vector<2048x8xf32>
    %select_n3A_27 = arith.select %eq3A_24, %broadcast_in_dim3A_26, %dot_general3A_5 : vector<2048x8xi1>, vector<2048x8xf32>
    %reduce_max3A_28 = arith.constant dense<0xFF800000> : vector<2048xf32>
    %reduce_max3A_29 = vector.multi_reduction <maximumf>, %select_n3A_27, %reduce_max3A_28 [1] : vector<2048x8xf32> to vector<2048xf32>
    %broadcast_in_dim3A_30 = vector.shape_cast %reduce_max3A_29 : vector<2048xf32> to vector<2048x1xf32>
    %eq3A_31 = vector.broadcast %broadcast_in_dim3A_30 : vector<2048x1xf32> to vector<2048x8xf32>
    %eq3A_32 = arith.cmpf oeq, %select_n3A_27, %eq3A_31 : vector<2048x8xf32>
    %jit3A_33 = arith.constant 8 : i32
    %broadcast_in_dim3A_34 = vector.broadcast %jit3A_33 : i32 to vector<2048x8xi32>
    %select_n3A_35 = arith.select %eq3A_32, %iota3A, %broadcast_in_dim3A_34 : vector<2048x8xi1>, vector<2048x8xi32>
    %reduce_min3A_36 = arith.constant dense<2147483647> : vector<2048xi32>
    %reduce_min3A_37 = vector.multi_reduction <minsi>, %select_n3A_35, %reduce_min3A_36 [1] : vector<2048x8xi32> to vector<2048xi32>
    %broadcast_in_dim3A_38 = vector.shape_cast %reduce_min3A_37 : vector<2048xi32> to vector<2048x1xi32>
    %eq3A_39 = vector.broadcast %broadcast_in_dim3A_38 : vector<2048x1xi32> to vector<2048x8xi32>
    %eq3A_40 = arith.cmpi eq, %iota3A, %eq3A_39 : vector<2048x8xi32>
    %jit3A_41 = arith.constant 0.000000e+00 : f32
    %broadcast_in_dim3A_42 = vector.broadcast %jit3A_41 : f32 to vector<2048x8xf32>
    %select_n3A_43 = arith.select %eq3A_40, %div3A_10, %broadcast_in_dim3A_42 : vector<2048x8xi1>, vector<2048x8xf32>
    %reduce_sum3A_44 = arith.constant dense<0.000000e+00> : vector<2048xf32>
    %reduce_sum3A_45 = vector.multi_reduction <add>, %select_n3A_43, %reduce_sum3A_44 [1] : vector<2048x8xf32> to vector<2048xf32>
    %broadcast_in_dim3A_46 = vector.shape_cast %reduce_sum3A_45 : vector<2048xf32> to vector<2048x1xf32>
    %add3A = arith.addf %broadcast_in_dim3A_22, %broadcast_in_dim3A_46 : vector<2048x1xf32>
    %eq3A_47 = vector.broadcast %broadcast_in_dim3A_14 : vector<2048x1xi32> to vector<2048x8xi32>
    %eq3A_48 = arith.cmpi eq, %iota3A, %eq3A_47 : vector<2048x8xi32>
    %convert_element_type3A = arith.extui %eq3A_48 : vector<2048x8xi1> to vector<2048x8xi32>
    %convert_element_type3A_49 = arith.sitofp %convert_element_type3A : vector<2048x8xi32> to vector<2048x8xf32>
    %eq3A_50 = vector.broadcast %broadcast_in_dim3A_38 : vector<2048x1xi32> to vector<2048x8xi32>
    %eq3A_51 = arith.cmpi eq, %iota3A, %eq3A_50 : vector<2048x8xi32>
    %convert_element_type3A_52 = arith.extui %eq3A_51 : vector<2048x8xi1> to vector<2048x8xi32>
    %convert_element_type3A_53 = arith.sitofp %convert_element_type3A_52 : vector<2048x8xi32> to vector<2048x8xf32>
    %reduce_sum3A_54 = arith.constant dense<0.000000e+00> : vector<8xf32>
    %reduce_sum3A_55 = vector.multi_reduction <add>, %convert_element_type3A_49, %reduce_sum3A_54 [0] : vector<2048x8xf32> to vector<8xf32>
    %broadcast_in_dim3A_56 = vector.shape_cast %reduce_sum3A_55 : vector<8xf32> to vector<1x8xf32>
    %reduce_sum3A_57 = arith.constant dense<0.000000e+00> : vector<8xf32>
    %reduce_sum3A_58 = vector.multi_reduction <add>, %convert_element_type3A_53, %reduce_sum3A_57 [0] : vector<2048x8xf32> to vector<8xf32>
    %broadcast_in_dim3A_59 = vector.shape_cast %reduce_sum3A_58 : vector<8xf32> to vector<1x8xf32>
    %add3A_60 = arith.addf %broadcast_in_dim3A_56, %broadcast_in_dim3A_59 : vector<1x8xf32>
    %broadcast_in_dim3A_61 = arith.constant 0.000000e+00 : f32
    %broadcast_in_dim3A_62 = vector.broadcast %broadcast_in_dim3A_61 : f32 to vector<1x8xf32>
    %slice3A = vector.extract_strided_slice %convert_element_type3A_49 {offsets = [0, 0], sizes = [2047, 8], strides = [1, 1]} : vector<2048x8xf32> to vector<2047x8xf32>
    %concatenate3A = tpu.concatenate %broadcast_in_dim3A_62, %slice3A in 0 : vector<1x8xf32>, vector<2047x8xf32> -> vector<2048x8xf32>
    %add3A_63 = arith.addf %convert_element_type3A_49, %concatenate3A : vector<2048x8xf32>
    %broadcast_in_dim3A_64 = arith.constant 0.000000e+00 : f32
    %broadcast_in_dim3A_65 = vector.broadcast %broadcast_in_dim3A_64 : f32 to vector<2x8xf32>
    %slice3A_66 = vector.extract_strided_slice %add3A_63 {offsets = [0, 0], sizes = [2046, 8], strides = [1, 1]} : vector<2048x8xf32> to vector<2046x8xf32>
    %concatenate3A_67 = tpu.concatenate %broadcast_in_dim3A_65, %slice3A_66 in 0 : vector<2x8xf32>, vector<2046x8xf32> -> vector<2048x8xf32>
    %add3A_68 = arith.addf %add3A_63, %concatenate3A_67 : vector<2048x8xf32>
    %broadcast_in_dim3A_69 = arith.constant 0.000000e+00 : f32
    %broadcast_in_dim3A_70 = vector.broadcast %broadcast_in_dim3A_69 : f32 to vector<4x8xf32>
    %slice3A_71 = vector.extract_strided_slice %add3A_68 {offsets = [0, 0], sizes = [2044, 8], strides = [1, 1]} : vector<2048x8xf32> to vector<2044x8xf32>
    %concatenate3A_72 = tpu.concatenate %broadcast_in_dim3A_70, %slice3A_71 in 0 : vector<4x8xf32>, vector<2044x8xf32> -> vector<2048x8xf32>
    %add3A_73 = arith.addf %add3A_68, %concatenate3A_72 : vector<2048x8xf32>
    %broadcast_in_dim3A_74 = arith.constant 0.000000e+00 : f32
    %broadcast_in_dim3A_75 = vector.broadcast %broadcast_in_dim3A_74 : f32 to vector<8x8xf32>
    %slice3A_76 = vector.extract_strided_slice %add3A_73 {offsets = [0, 0], sizes = [2040, 8], strides = [1, 1]} : vector<2048x8xf32> to vector<2040x8xf32>
    %concatenate3A_77 = tpu.concatenate %broadcast_in_dim3A_75, %slice3A_76 in 0 : vector<8x8xf32>, vector<2040x8xf32> -> vector<2048x8xf32>
    %add3A_78 = arith.addf %add3A_73, %concatenate3A_77 : vector<2048x8xf32>
    %broadcast_in_dim3A_79 = arith.constant 0.000000e+00 : f32
    %broadcast_in_dim3A_80 = vector.broadcast %broadcast_in_dim3A_79 : f32 to vector<16x8xf32>
    %slice3A_81 = vector.extract_strided_slice %add3A_78 {offsets = [0, 0], sizes = [2032, 8], strides = [1, 1]} : vector<2048x8xf32> to vector<2032x8xf32>
    %concatenate3A_82 = tpu.concatenate %broadcast_in_dim3A_80, %slice3A_81 in 0 : vector<16x8xf32>, vector<2032x8xf32> -> vector<2048x8xf32>
    %add3A_83 = arith.addf %add3A_78, %concatenate3A_82 : vector<2048x8xf32>
    %broadcast_in_dim3A_84 = arith.constant 0.000000e+00 : f32
    %broadcast_in_dim3A_85 = vector.broadcast %broadcast_in_dim3A_84 : f32 to vector<32x8xf32>
    %slice3A_86 = vector.extract_strided_slice %add3A_83 {offsets = [0, 0], sizes = [2016, 8], strides = [1, 1]} : vector<2048x8xf32> to vector<2016x8xf32>
    %concatenate3A_87 = tpu.concatenate %broadcast_in_dim3A_85, %slice3A_86 in 0 : vector<32x8xf32>, vector<2016x8xf32> -> vector<2048x8xf32>
    %add3A_88 = arith.addf %add3A_83, %concatenate3A_87 : vector<2048x8xf32>
    %broadcast_in_dim3A_89 = arith.constant 0.000000e+00 : f32
    %broadcast_in_dim3A_90 = vector.broadcast %broadcast_in_dim3A_89 : f32 to vector<64x8xf32>
    %slice3A_91 = vector.extract_strided_slice %add3A_88 {offsets = [0, 0], sizes = [1984, 8], strides = [1, 1]} : vector<2048x8xf32> to vector<1984x8xf32>
    %concatenate3A_92 = tpu.concatenate %broadcast_in_dim3A_90, %slice3A_91 in 0 : vector<64x8xf32>, vector<1984x8xf32> -> vector<2048x8xf32>
    %add3A_93 = arith.addf %add3A_88, %concatenate3A_92 : vector<2048x8xf32>
    %broadcast_in_dim3A_94 = arith.constant 0.000000e+00 : f32
    %broadcast_in_dim3A_95 = vector.broadcast %broadcast_in_dim3A_94 : f32 to vector<128x8xf32>
    %slice3A_96 = vector.extract_strided_slice %add3A_93 {offsets = [0, 0], sizes = [1920, 8], strides = [1, 1]} : vector<2048x8xf32> to vector<1920x8xf32>
    %concatenate3A_97 = tpu.concatenate %broadcast_in_dim3A_95, %slice3A_96 in 0 : vector<128x8xf32>, vector<1920x8xf32> -> vector<2048x8xf32>
    %add3A_98 = arith.addf %add3A_93, %concatenate3A_97 : vector<2048x8xf32>
    %broadcast_in_dim3A_99 = arith.constant 0.000000e+00 : f32
    %broadcast_in_dim3A_100 = vector.broadcast %broadcast_in_dim3A_99 : f32 to vector<256x8xf32>
    %slice3A_101 = vector.extract_strided_slice %add3A_98 {offsets = [0, 0], sizes = [1792, 8], strides = [1, 1]} : vector<2048x8xf32> to vector<1792x8xf32>
    %concatenate3A_102 = tpu.concatenate %broadcast_in_dim3A_100, %slice3A_101 in 0 : vector<256x8xf32>, vector<1792x8xf32> -> vector<2048x8xf32>
    %add3A_103 = arith.addf %add3A_98, %concatenate3A_102 : vector<2048x8xf32>
    %broadcast_in_dim3A_104 = arith.constant 0.000000e+00 : f32
    %broadcast_in_dim3A_105 = vector.broadcast %broadcast_in_dim3A_104 : f32 to vector<512x8xf32>
    %slice3A_106 = vector.extract_strided_slice %add3A_103 {offsets = [0, 0], sizes = [1536, 8], strides = [1, 1]} : vector<2048x8xf32> to vector<1536x8xf32>
    %concatenate3A_107 = tpu.concatenate %broadcast_in_dim3A_105, %slice3A_106 in 0 : vector<512x8xf32>, vector<1536x8xf32> -> vector<2048x8xf32>
    %add3A_108 = arith.addf %add3A_103, %concatenate3A_107 : vector<2048x8xf32>
    %broadcast_in_dim3A_109 = arith.constant 0.000000e+00 : f32
    %broadcast_in_dim3A_110 = vector.broadcast %broadcast_in_dim3A_109 : f32 to vector<1024x8xf32>
    %slice3A_111 = vector.extract_strided_slice %add3A_108 {offsets = [0, 0], sizes = [1024, 8], strides = [1, 1]} : vector<2048x8xf32> to vector<1024x8xf32>
    %concatenate3A_112 = tpu.concatenate %broadcast_in_dim3A_110, %slice3A_111 in 0 : vector<1024x8xf32>, vector<1024x8xf32> -> vector<2048x8xf32>
    %add3A_113 = arith.addf %add3A_108, %concatenate3A_112 : vector<2048x8xf32>
    %sub3A_114 = arith.subf %add3A_113, %convert_element_type3A_49 : vector<2048x8xf32>
    %broadcast_in_dim3A_115 = arith.constant 0.000000e+00 : f32
    %broadcast_in_dim3A_116 = vector.broadcast %broadcast_in_dim3A_115 : f32 to vector<1x8xf32>
    %slice3A_117 = vector.extract_strided_slice %convert_element_type3A_53 {offsets = [0, 0], sizes = [2047, 8], strides = [1, 1]} : vector<2048x8xf32> to vector<2047x8xf32>
    %concatenate3A_118 = tpu.concatenate %broadcast_in_dim3A_116, %slice3A_117 in 0 : vector<1x8xf32>, vector<2047x8xf32> -> vector<2048x8xf32>
    %add3A_119 = arith.addf %convert_element_type3A_53, %concatenate3A_118 : vector<2048x8xf32>
    %broadcast_in_dim3A_120 = arith.constant 0.000000e+00 : f32
    %broadcast_in_dim3A_121 = vector.broadcast %broadcast_in_dim3A_120 : f32 to vector<2x8xf32>
    %slice3A_122 = vector.extract_strided_slice %add3A_119 {offsets = [0, 0], sizes = [2046, 8], strides = [1, 1]} : vector<2048x8xf32> to vector<2046x8xf32>
    %concatenate3A_123 = tpu.concatenate %broadcast_in_dim3A_121, %slice3A_122 in 0 : vector<2x8xf32>, vector<2046x8xf32> -> vector<2048x8xf32>
    %add3A_124 = arith.addf %add3A_119, %concatenate3A_123 : vector<2048x8xf32>
    %broadcast_in_dim3A_125 = arith.constant 0.000000e+00 : f32
    %broadcast_in_dim3A_126 = vector.broadcast %broadcast_in_dim3A_125 : f32 to vector<4x8xf32>
    %slice3A_127 = vector.extract_strided_slice %add3A_124 {offsets = [0, 0], sizes = [2044, 8], strides = [1, 1]} : vector<2048x8xf32> to vector<2044x8xf32>
    %concatenate3A_128 = tpu.concatenate %broadcast_in_dim3A_126, %slice3A_127 in 0 : vector<4x8xf32>, vector<2044x8xf32> -> vector<2048x8xf32>
    %add3A_129 = arith.addf %add3A_124, %concatenate3A_128 : vector<2048x8xf32>
    %broadcast_in_dim3A_130 = arith.constant 0.000000e+00 : f32
    %broadcast_in_dim3A_131 = vector.broadcast %broadcast_in_dim3A_130 : f32 to vector<8x8xf32>
    %slice3A_132 = vector.extract_strided_slice %add3A_129 {offsets = [0, 0], sizes = [2040, 8], strides = [1, 1]} : vector<2048x8xf32> to vector<2040x8xf32>
    %concatenate3A_133 = tpu.concatenate %broadcast_in_dim3A_131, %slice3A_132 in 0 : vector<8x8xf32>, vector<2040x8xf32> -> vector<2048x8xf32>
    %add3A_134 = arith.addf %add3A_129, %concatenate3A_133 : vector<2048x8xf32>
    %broadcast_in_dim3A_135 = arith.constant 0.000000e+00 : f32
    %broadcast_in_dim3A_136 = vector.broadcast %broadcast_in_dim3A_135 : f32 to vector<16x8xf32>
    %slice3A_137 = vector.extract_strided_slice %add3A_134 {offsets = [0, 0], sizes = [2032, 8], strides = [1, 1]} : vector<2048x8xf32> to vector<2032x8xf32>
    %concatenate3A_138 = tpu.concatenate %broadcast_in_dim3A_136, %slice3A_137 in 0 : vector<16x8xf32>, vector<2032x8xf32> -> vector<2048x8xf32>
    %add3A_139 = arith.addf %add3A_134, %concatenate3A_138 : vector<2048x8xf32>
    %broadcast_in_dim3A_140 = arith.constant 0.000000e+00 : f32
    %broadcast_in_dim3A_141 = vector.broadcast %broadcast_in_dim3A_140 : f32 to vector<32x8xf32>
    %slice3A_142 = vector.extract_strided_slice %add3A_139 {offsets = [0, 0], sizes = [2016, 8], strides = [1, 1]} : vector<2048x8xf32> to vector<2016x8xf32>
    %concatenate3A_143 = tpu.concatenate %broadcast_in_dim3A_141, %slice3A_142 in 0 : vector<32x8xf32>, vector<2016x8xf32> -> vector<2048x8xf32>
    %add3A_144 = arith.addf %add3A_139, %concatenate3A_143 : vector<2048x8xf32>
    %broadcast_in_dim3A_145 = arith.constant 0.000000e+00 : f32
    %broadcast_in_dim3A_146 = vector.broadcast %broadcast_in_dim3A_145 : f32 to vector<64x8xf32>
    %slice3A_147 = vector.extract_strided_slice %add3A_144 {offsets = [0, 0], sizes = [1984, 8], strides = [1, 1]} : vector<2048x8xf32> to vector<1984x8xf32>
    %concatenate3A_148 = tpu.concatenate %broadcast_in_dim3A_146, %slice3A_147 in 0 : vector<64x8xf32>, vector<1984x8xf32> -> vector<2048x8xf32>
    %add3A_149 = arith.addf %add3A_144, %concatenate3A_148 : vector<2048x8xf32>
    %broadcast_in_dim3A_150 = arith.constant 0.000000e+00 : f32
    %broadcast_in_dim3A_151 = vector.broadcast %broadcast_in_dim3A_150 : f32 to vector<128x8xf32>
    %slice3A_152 = vector.extract_strided_slice %add3A_149 {offsets = [0, 0], sizes = [1920, 8], strides = [1, 1]} : vector<2048x8xf32> to vector<1920x8xf32>
    %concatenate3A_153 = tpu.concatenate %broadcast_in_dim3A_151, %slice3A_152 in 0 : vector<128x8xf32>, vector<1920x8xf32> -> vector<2048x8xf32>
    %add3A_154 = arith.addf %add3A_149, %concatenate3A_153 : vector<2048x8xf32>
    %broadcast_in_dim3A_155 = arith.constant 0.000000e+00 : f32
    %broadcast_in_dim3A_156 = vector.broadcast %broadcast_in_dim3A_155 : f32 to vector<256x8xf32>
    %slice3A_157 = vector.extract_strided_slice %add3A_154 {offsets = [0, 0], sizes = [1792, 8], strides = [1, 1]} : vector<2048x8xf32> to vector<1792x8xf32>
    %concatenate3A_158 = tpu.concatenate %broadcast_in_dim3A_156, %slice3A_157 in 0 : vector<256x8xf32>, vector<1792x8xf32> -> vector<2048x8xf32>
    %add3A_159 = arith.addf %add3A_154, %concatenate3A_158 : vector<2048x8xf32>
    %broadcast_in_dim3A_160 = arith.constant 0.000000e+00 : f32
    %broadcast_in_dim3A_161 = vector.broadcast %broadcast_in_dim3A_160 : f32 to vector<512x8xf32>
    %slice3A_162 = vector.extract_strided_slice %add3A_159 {offsets = [0, 0], sizes = [1536, 8], strides = [1, 1]} : vector<2048x8xf32> to vector<1536x8xf32>
    %concatenate3A_163 = tpu.concatenate %broadcast_in_dim3A_161, %slice3A_162 in 0 : vector<512x8xf32>, vector<1536x8xf32> -> vector<2048x8xf32>
    %add3A_164 = arith.addf %add3A_159, %concatenate3A_163 : vector<2048x8xf32>
    %broadcast_in_dim3A_165 = arith.constant 0.000000e+00 : f32
    %broadcast_in_dim3A_166 = vector.broadcast %broadcast_in_dim3A_165 : f32 to vector<1024x8xf32>
    %slice3A_167 = vector.extract_strided_slice %add3A_164 {offsets = [0, 0], sizes = [1024, 8], strides = [1, 1]} : vector<2048x8xf32> to vector<1024x8xf32>
    %concatenate3A_168 = tpu.concatenate %broadcast_in_dim3A_166, %slice3A_167 in 0 : vector<1024x8xf32>, vector<1024x8xf32> -> vector<2048x8xf32>
    %add3A_169 = arith.addf %add3A_164, %concatenate3A_168 : vector<2048x8xf32>
    %sub3A_170 = arith.subf %add3A_169, %convert_element_type3A_53 : vector<2048x8xf32>
    %add3A_171 = arith.constant 1.270000e+02 : f32
    %add3A_172 = vector.broadcast %add3A_171 : f32 to vector<1x8xf32>
    %add3A_173 = arith.addf %add3A_60, %add3A_172 : vector<1x8xf32>
    %mul3A = arith.constant 7.812500e-03 : f32
    %mul3A_174 = vector.broadcast %mul3A : f32 to vector<1x8xf32>
    %mul3A_175 = arith.mulf %add3A_173, %mul3A_174 : vector<1x8xf32>
    %floor3A = math.floor %mul3A_175 : vector<1x8xf32>
    %mul3A_176 = arith.constant 1.280000e+02 : f32
    %mul3A_177 = vector.broadcast %mul3A_176 : f32 to vector<1x8xf32>
    %mul3A_178 = arith.mulf %floor3A, %mul3A_177 : vector<1x8xf32>
    %iota3A_179 = tpu.iota {dimensions = array<i32: 0>} : vector<8x8xi32>
    %iota3A_180 = tpu.iota {dimensions = array<i32: 1>} : vector<8x8xi32>
    %le3A = arith.cmpi sle, %iota3A_179, %iota3A_180 : vector<8x8xi32>
    %convert_element_type3A_181 = arith.extui %le3A : vector<8x8xi1> to vector<8x8xi32>
    %convert_element_type3A_182 = arith.sitofp %convert_element_type3A_181 : vector<8x8xi32> to vector<8x8xf32>
    %dot_general3A_183 = arith.constant dense<0.000000e+00> : vector<1x8xf32>
    %dot_general3A_184 = tpu.matmul %mul3A_178, %convert_element_type3A_182, %dot_general3A_183 {dimension_numbers = #tpu.dot_dimension_numbers<[1], [0], [0], [1], [0, 0, 1, 1], [], []>, transpose_lhs_hint = false} : vector<1x8xf32>, vector<8x8xf32>, vector<1x8xf32> -> vector<1x8xf32>
    %sub3A_185 = arith.subf %dot_general3A_184, %mul3A_178 : vector<1x8xf32>
    %eq3A_186 = vector.broadcast %broadcast_in_dim3A_14 : vector<2048x1xi32> to vector<2048x8xi32>
    %eq3A_187 = arith.cmpi eq, %iota3A, %eq3A_186 : vector<2048x8xi32>
    %add3A_188 = vector.broadcast %sub3A_185 : vector<1x8xf32> to vector<2048x8xf32>
    %add3A_189 = arith.addf %add3A_188, %sub3A_114 : vector<2048x8xf32>
    %jit3A_190 = arith.constant 0.000000e+00 : f32
    %broadcast_in_dim3A_191 = vector.broadcast %jit3A_190 : f32 to vector<2048x8xf32>
    %select_n3A_192 = arith.select %eq3A_187, %add3A_189, %broadcast_in_dim3A_191 : vector<2048x8xi1>, vector<2048x8xf32>
    %reduce_sum3A_193 = arith.constant dense<0.000000e+00> : vector<2048xf32>
    %reduce_sum3A_194 = vector.multi_reduction <add>, %select_n3A_192, %reduce_sum3A_193 [1] : vector<2048x8xf32> to vector<2048xf32>
    %broadcast_in_dim3A_195 = vector.shape_cast %reduce_sum3A_194 : vector<2048xf32> to vector<2048x1xf32>
    %eq3A_196 = vector.broadcast %broadcast_in_dim3A_38 : vector<2048x1xi32> to vector<2048x8xi32>
    %eq3A_197 = arith.cmpi eq, %iota3A, %eq3A_196 : vector<2048x8xi32>
    %add3A_198 = arith.addf %sub3A_185, %broadcast_in_dim3A_56 : vector<1x8xf32>
    %add3A_199 = vector.broadcast %add3A_198 : vector<1x8xf32> to vector<2048x8xf32>
    %add3A_200 = arith.addf %add3A_199, %sub3A_170 : vector<2048x8xf32>
    %jit3A_201 = arith.constant 0.000000e+00 : f32
    %broadcast_in_dim3A_202 = vector.broadcast %jit3A_201 : f32 to vector<2048x8xf32>
    %select_n3A_203 = arith.select %eq3A_197, %add3A_200, %broadcast_in_dim3A_202 : vector<2048x8xi1>, vector<2048x8xf32>
    %reduce_sum3A_204 = arith.constant dense<0.000000e+00> : vector<2048xf32>
    %reduce_sum3A_205 = vector.multi_reduction <add>, %select_n3A_203, %reduce_sum3A_204 [1] : vector<2048x8xf32> to vector<2048xf32>
    %broadcast_in_dim3A_206 = vector.shape_cast %reduce_sum3A_205 : vector<2048xf32> to vector<2048x1xf32>
    %convert_element_type3A_207 = arith.fptosi %broadcast_in_dim3A_195 : vector<2048x1xf32> to vector<2048x1xi32>
    %reshape3A = vector.shape_cast %convert_element_type3A_207 : vector<2048x1xi32> to vector<32x64xi32>
    %swap3A = arith.constant 0 : index
    %swap3A_208 = arith.constant 0 : index
    %swap3A_209 = vector.load %arg2[%swap3A, %swap3A_208] : memref<32x64xi32, #tpu.memory_space<vmem>>, vector<32x64xi32>
    tpu.vector_store %arg2[%swap3A, %swap3A_208], %reshape3A {strides = array<i32>} : memref<32x64xi32, #tpu.memory_space<vmem>>, vector<32x64xi32>,
    %convert_element_type3A_210 = arith.fptosi %broadcast_in_dim3A_206 : vector<2048x1xf32> to vector<2048x1xi32>
    %reshape3A_211 = vector.shape_cast %convert_element_type3A_210 : vector<2048x1xi32> to vector<32x64xi32>
    %swap3A_212 = arith.constant 0 : index
    %swap3A_213 = arith.constant 0 : index
    %swap3A_214 = vector.load %arg3[%swap3A_212, %swap3A_213] : memref<32x64xi32, #tpu.memory_space<vmem>>, vector<32x64xi32>
    tpu.vector_store %arg3[%swap3A_212, %swap3A_213], %reshape3A_211 {strides = array<i32>} : memref<32x64xi32, #tpu.memory_space<vmem>>, vector<32x64xi32>,
    %div3A_215 = arith.divf %broadcast_in_dim3A_22, %add3A : vector<2048x1xf32>
    %broadcast_in_dim3A_216 = vector.shape_cast %div3A_215 : vector<2048x1xf32> to vector<2048x1xf32>
    %broadcast_in_dim3A_217 = vector.broadcast %broadcast_in_dim3A_216 : vector<2048x1xf32> to vector<2048x16xf32>
    %swap3A_218 = arith.constant 0 : index
    %swap3A_219 = arith.constant 0 : index
    %swap3A_220 = vector.load %arg4[%swap3A_218, %swap3A_219] : memref<2048x16xf32, #tpu.memory_space<vmem>>, vector<2048x16xf32>
    tpu.vector_store %arg4[%swap3A_218, %swap3A_219], %broadcast_in_dim3A_217 {strides = array<i32>} : memref<2048x16xf32, #tpu.memory_space<vmem>>, vector<2048x16xf32>,
    %div3A_221 = arith.divf %broadcast_in_dim3A_46, %add3A : vector<2048x1xf32>
    %broadcast_in_dim3A_222 = vector.shape_cast %div3A_221 : vector<2048x1xf32> to vector<2048x1xf32>
    %broadcast_in_dim3A_223 = vector.broadcast %broadcast_in_dim3A_222 : vector<2048x1xf32> to vector<2048x16xf32>
    %swap3A_224 = arith.constant 0 : index
    %swap3A_225 = arith.constant 0 : index
    %swap3A_226 = vector.load %arg5[%swap3A_224, %swap3A_225] : memref<2048x16xf32, #tpu.memory_space<vmem>>, vector<2048x16xf32>
    tpu.vector_store %arg5[%swap3A_224, %swap3A_225], %broadcast_in_dim3A_223 {strides = array<i32>} : memref<2048x16xf32, #tpu.memory_space<vmem>>, vector<2048x16xf32>,
    %iota3A_227 = tpu.iota {dimensions = array<i32: 0>} : vector<40x8xi32>
    %mul3A_228 = arith.constant 128 : i32
    %mul3A_229 = vector.broadcast %mul3A_228 : i32 to vector<40x8xi32>
    %mul3A_230 = arith.muli %iota3A_227, %mul3A_229 : vector<40x8xi32>
    %convert_element_type3A_231 = arith.fptosi %dot_general3A_184 : vector<1x8xf32> to vector<1x8xi32>
    %ge3A = vector.broadcast %convert_element_type3A_231 : vector<1x8xi32> to vector<40x8xi32>
    %ge3A_232 = arith.cmpi sge, %mul3A_230, %ge3A : vector<40x8xi32>
    %convert_element_type3A_233 = arith.extui %ge3A_232 : vector<40x8xi1> to vector<40x8xi32>
    %reduce_sum3A_234 = arith.constant dense<0> : vector<40xi32>
    %reduce_sum3A_235 = vector.multi_reduction <add>, %convert_element_type3A_233, %reduce_sum3A_234 [1] : vector<40x8xi32> to vector<40xi32>
    %broadcast_in_dim3A_236 = vector.shape_cast %reduce_sum3A_235 : vector<40xi32> to vector<40x1xi32>
    %min3A = arith.constant 7 : i32
    %min3A_237 = vector.broadcast %min3A : i32 to vector<40x1xi32>
    %min3A_238 = arith.minsi %broadcast_in_dim3A_236, %min3A_237 : vector<40x1xi32>
    %swap3A_239 = arith.constant 0 : index
    %swap3A_240 = arith.constant 0 : index
    %swap3A_241 = vector.load %arg6[%swap3A_239, %swap3A_240] : memref<40x1xi32, #tpu.memory_space<vmem>>, vector<40x1xi32>
    tpu.vector_store %arg6[%swap3A_239, %swap3A_240], %min3A_238 {strides = array<i32>} : memref<40x1xi32, #tpu.memory_space<vmem>>, vector<40x1xi32>,
    %iota3A_242 = tpu.iota {dimensions = array<i32: 1>} : vector<1x8xi32>
    %eq3A_243 = arith.constant 7 : i32
    %eq3A_244 = vector.broadcast %eq3A_243 : i32 to vector<1x8xi32>
    %eq3A_245 = arith.cmpi eq, %iota3A_242, %eq3A_244 : vector<1x8xi32>
    %jit3A_246 = arith.constant 0.000000e+00 : f32
    %broadcast_in_dim3A_247 = vector.broadcast %jit3A_246 : f32 to vector<1x8xf32>
    %select_n3A_248 = arith.select %eq3A_245, %dot_general3A_184, %broadcast_in_dim3A_247 : vector<1x8xi1>, vector<1x8xf32>
    %reduce_sum3A_249 = arith.constant dense<0.000000e+00> : vector<1xf32>
    %reduce_sum3A_250 = vector.multi_reduction <add>, %select_n3A_248, %reduce_sum3A_249 [1] : vector<1x8xf32> to vector<1xf32>
    %broadcast_in_dim3A_251 = vector.shape_cast %reduce_sum3A_250 : vector<1xf32> to vector<1x1xf32>
    %mul3A_252 = arith.constant 7.812500e-03 : f32
    %mul3A_253 = vector.broadcast %mul3A_252 : f32 to vector<1x1xf32>
    %mul3A_254 = arith.mulf %broadcast_in_dim3A_251, %mul3A_253 : vector<1x1xf32>
    %convert_element_type3A_255 = arith.fptosi %mul3A_254 : vector<1x1xf32> to vector<1x1xi32>
    %swap3A_256 = arith.constant 0 : index
    %swap3A_257 = arith.constant 0 : index
    %swap3A_258 = vector.load %arg7[%swap3A_256, %swap3A_257] : memref<1x1xi32, #tpu.memory_space<vmem>>, vector<1x1xi32>
    tpu.vector_store %arg7[%swap3A_256, %swap3A_257], %convert_element_type3A_255 {strides = array<i32>} : memref<1x1xi32, #tpu.memory_space<vmem>>, vector<1x1xi32>,
    return
  }
}

</mosaic_0001>

<sc_bundles>
// kernel: kernel.6.cloned.1.call-start
scs
__scs_entry_jumppad:
0x0: {  	(pc) =	sbr.rel $0x88, $3  }
0x1: {  	(tag) =	ssettag $0x0;
	lr =	simm.s32 $0x1  }
0x2: {  	[smem:$0x3F9D] =	sst lr;
	_ =	strace $0xD0000000  }
0x3: {  	_ = 	snop  }
0x4: {  	_ = 	snop  }
0x5: {  	_ = 	snop  }
0x6: {  	_ = 	snop  }
0x7: {  	_ = 	snop  }
__scs_overlays_trampoline_lowered:
0x8: {  	[smem:$0x3FAC] =	sst s0  }
0x9: {  	[smem:$0x3FAD] =	sst s1  }
0xa: {  	[smem:$0x3FAE] =	sst s2  }
0xb: {  	[smem:$0x3FAF] =	sst s3  }
0xc: {  	[smem:$0x3FB0] =	sst s4  }
0xd: {  	[smem:$0x3FB1] =	sst s5  }
0xe: {  	[smem:$0x3FB2] =	sst s6  }
0xf: {  	[smem:$0x3FB3] =	sst s7  }
0x10: {  	[smem:$0x3FB4] =	sst s8  }
0x11: {  	[smem:$0x3FB5] =	sst s9;
	s0 =	simm.s32 @!p0 $0x0  }
0x12: {  	s1 =	sld [smem:$0x3F9B];
	s0 =	simm.s32 @p0 $0x1  }
0x13: {  	[smem:$0x3FB6] =	sst s0;
	s0 =	simm.s32 @!p1 $0x0  }
0x14: {  	s2 =	sld [smem:$0x3F9A];
	s0 =	simm.s32 @p1 $0x1  }
0x15: {  	[smem:$0x3FB7] =	sst s0;
	s0 =	simm.s32 @!p2 $0x0  }
0x16: {  	s3 =	sld [smem:$0x3FDB];
	s0 =	simm.s32 @p2 $0x1  }
0x17: {  	s4 =	simm.s32 $0x1BF5;
	[smem:$0x3FB9] =	sst s0  }
0x18: {  	s0 =	sld [smem:$0x3F9C];
	_ =	swait.ge [sflag:s4], $0x0  }
0x19: {  	s7 =	sld [smem:$0x3F9D]  }
0x1a: {  	s8 =	sadd.s32 $0xFFFFE003, lr  }
0x1b: {  	s9 =	sadd.s32 $0xFFFFFEF7, lr;
	s5 =	simm.s32 $0xFFFFFFFF;
	p2 =	slt.u32 s8, $0xFFFFF086  }
0x1c: {  	p1 =	slt.u32 s9, $0xF7A;
	s5 =	simm.s32 @!p2 $0x0  }
0x1d: {  	s5 =	simm.s32 @p1 $0x1;
	p0 =	seq.s32 s7, s2  }
0x1e: {  	s7 =	smul.u32 @!p0 $0xF7A, s2;
	p2 =	seq.s32 @!p0 s5, $0x0  }
0x1f: {  	s9 =	smul.u32 $0xF7A, s1;
	s8 =	simm.s32 @!p0 $0x1BF5;
	p2 =	por !p2, p0  }
0x20: {  	[sflag:s8] =	ssyncset.s32 @!p0 $0xFFFFF086;
	s6 =	sadd.s32 @!p0 s3, s7;
	s7 =	simm.s32 @!p0 $0x108  }
0x21: {  	s3 =	sadd.s32 s3, s9;
	s6 =	sadd.s32 @!p0 $0x88, s6;
	s7 =	simm.s32 @p2 $0x1082  }
0x22: {  	[simem:s7], [sflag:s8] =	dma.local @!p0 [hbm:s6], $0xF7A  }
0x23: {  	s9 =	sor.u32 $0xD0000000, s2;
	s6 =	simm.s32 $0x108;
	_ =	swait.ge @!p0 [sflag:s8], $0x0  }
0x24: {  	s3 =	sadd.s32 $0x88, s3;
	s6 =	simm.s32 @!p1 $0x1082;
	[sflag:s4] =	ssyncset.s32 $0xFFFFF086  }
0x25: {  	[simem:s6], [sflag:s4] =	dma.local [hbm:s3], $0xF7A  }
0x26: {  	[smem:$0x3F9D] =	sst s1;
	(tag) =	ssettag s2;
	_ =	strace s9  }
0x27: {  	s1 =	sld [smem:$0x3FAD]  }
0x28: {  	s2 =	sld [smem:$0x3FAE]  }
0x29: {  	s4 =	sld [smem:$0x3FB0]  }
0x2a: {  	p0 =	seq.s32 s5, $0x0;
	s5 =	sld [smem:$0x3FB1]  }
0x2b: {  	s6 =	sld [smem:$0x3FB2]  }
0x2c: {  	s7 =	sld [smem:$0x3FB3]  }
0x2d: {  	s3 =	simm.s32 $0x108;
	s8 =	sld [smem:$0x3FB4]  }
0x2e: {  	s3 =	simm.s32 @!p0 $0x1082;
	s9 =	sld [smem:$0x3FB5]  }
0x2f: {  	lr =	sadd.s32 s0, s3;
	s0 =	sld [smem:$0x3FAC]  }
0x30: {  	s3 =	sld [smem:$0x3FAF]  }
0x31: {  	[smem:$0x3FB8] =	sst s10  }
0x32: {  	s10 =	sld [smem:$0x3FB6];
	_ =	sdelay $0x3  }
0x33: {  	p0 =	seq.s32 s10, $0x1;
	s10 =	sld [smem:$0x3FB8];
	_ =	sdelay $0x3  }
0x34: {  	[smem:$0x3FB8] =	sst s10  }
0x35: {  	s10 =	sld [smem:$0x3FB7];
	_ =	sdelay $0x3  }
0x36: {  	p1 =	seq.s32 s10, $0x1;
	s10 =	sld [smem:$0x3FB8];
	_ =	sdelay $0x3  }
0x37: {  	[smem:$0x3FB8] =	sst s10  }
0x38: {  	s10 =	sld [smem:$0x3FB9]  }
0x39: {  	_ = 	snop;
	(pc) =	sbr.ind lr, $3  }
0x3a: {  	_ = 	snop  }
0x3b: {  	_ = 	snop  }
0x3c: {  	p2 =	seq.s32 s10, $0x1;
	s10 =	sld [smem:$0x3FB8]  }
0x3d: {  	_ =	shalt  }
0x3e: {  	_ =	shalt  }
0x3f: {  	_ =	shalt  }
0x40: {  	_ =	shalt  }
0x41: {  	_ =	shalt  }
0x42: {  	_ =	shalt  }
0x43: {  	_ =	shalt  }
0x44: {  	_ =	shalt  }
0x45: {  	_ =	shalt  }
0x46: {  	_ =	shalt  }
0x47: {  	_ =	shalt  }
0x48: {  	_ =	shalt  }
0x49: {  	_ =	shalt  }
0x4a: {  	_ =	shalt  }
0x4b: {  	_ =	shalt  }
0x4c: {  	_ =	shalt  }
0x4d: {  	_ =	shalt  }
0x4e: {  	_ =	shalt  }
0x4f: {  	_ =	shalt  }
0x50: {  	_ =	shalt  }
0x51: {  	_ =	shalt  }
0x52: {  	_ =	shalt  }
0x53: {  	_ =	shalt  }
0x54: {  	_ =	shalt  }
0x55: {  	_ =	shalt  }
0x56: {  	_ =	shalt  }
0x57: {  	_ =	shalt  }
0x58: {  	_ =	shalt  }
0x59: {  	_ =	shalt  }
0x5a: {  	_ =	shalt  }
0x5b: {  	_ =	shalt  }
0x5c: {  	_ =	shalt  }
0x5d: {  	_ =	shalt  }
0x5e: {  	_ =	shalt  }
0x5f: {  	_ =	shalt  }
0x60: {  	_ =	shalt  }
0x61: {  	_ =	shalt  }
0x62: {  	_ =	shalt  }
0x63: {  	_ =	shalt  }
0x64: {  	_ =	shalt  }
0x65: {  	_ =	shalt  }
0x66: {  	_ =	shalt  }
0x67: {  	_ =	shalt  }
0x68: {  	_ =	shalt  }
0x69: {  	_ =	shalt  }
0x6a: {  	_ =	shalt  }
0x6b: {  	_ =	shalt  }
0x6c: {  	_ =	shalt  }
0x6d: {  	_ =	shalt  }
0x6e: {  	_ =	shalt  }
0x6f: {  	_ =	shalt  }
0x70: {  	_ =	shalt  }
0x71: {  	_ =	shalt  }
0x72: {  	_ =	shalt  }
0x73: {  	_ =	shalt  }
0x74: {  	_ =	shalt  }
0x75: {  	_ =	shalt  }
0x76: {  	_ =	shalt  }
0x77: {  	_ =	shalt  }
0x78: {  	_ =	shalt  }
0x79: {  	_ =	shalt  }
0x7a: {  	_ =	shalt  }
0x7b: {  	_ =	shalt  }
0x7c: {  	_ =	shalt  }
0x7d: {  	_ =	shalt  }
0x7e: {  	_ =	shalt  }
0x7f: {  	_ =	shalt  }
0x80: {  	_ =	shalt  }
0x81: {  	_ =	shalt  }
0x82: {  	_ =	shalt  }
0x83: {  	_ =	shalt  }
0x84: {  	_ =	shalt  }
0x85: {  	_ =	shalt  }
0x86: {  	_ =	shalt  }
0x87: {  	_ =	shalt  }
.Lfunc_end0:
.L_simem_size_0:
called_computation_lowered:
.L_overlay_start_0:
0x88: {  	s2 =	sld [smem:$0x3FD9]  }
0x89: {  	s3 =	sld [smem:$0x3FFE];
	_ =	sdelay $0x1  }
0x8a: {  	s1 =	srdreg.scid  }
0x8b: {  	s0 =	sand.u32 $0x1, s1  }
0x8c: {  	s17 =	sshll.u32 s0, $0xA;
	s2 =	sadd.s32 s3, s2  }
0x8d: {  	s2 =	sadd.s32 s2, s17  }
0x8e: {  	[smem:$0x3FC4] =	sst s2  }
0x8f: {  	_ = 	snop  }
0x90: {  	s2 =	sld [smem:$0x3FC9];
	(tm) =	ssettm $0x1  }
0x91: {  	s18 =	sld [smem:$0x3FFB];
	_ =	sdelay $0x3  }
0x92: {  	_ =	strace s18  }
0x93: {  	s3 =	sld [smem:$0x3FFC];
	_ =	sdelay $0x3  }
0x94: {  	_ =	strace s3  }
0x95: {  	s3 =	sld [smem:$0x3FFD];
	_ =	sdelay $0x3  }
0x96: {  	_ =	strace s3  }
0x97: {  	_ =	strace $0x8FFFFFFF  }
0x98: {  	s19 =	sld [smem:$0x3FDB];
	_ =	sdelay $0x1  }
0x99: {  	s4 =	simm.s32 $_scs_section_size  }
0x9a: {  	s5 =	simm.s32 $_size__tile_overlayer_lowered;
	s6 =	simm.s32 $_tile_overlayer_lowered  }
0x9b: {  	s22 =	simm.s32 $0x1BFF;
	s21 =	sshll.u32 s6, $0x1;
	s3 =	sadd.s32 s4, s19  }
0x9c: {  	s7 =	simm.s32 $0x0;
	s20 =	sshll.u32 s5, $0x1;
	s5 =	sadd.s32 s21, s3  }
0x9d: {  	[timem:s7], [sflag:s22] =	dma.local [hbm:s5], s20  }
0x9e: {  	_ =	swait.ge [sflag:s22], s20  }
0x9f: {  	s4 =	ssub.s32 $0x0, s20;
	[sflag:s22] =	ssyncset.done $0x0  }
0xa0: {  	[sflag:s22] =	ssyncadd.s32 s4;
	_ =	sdelay $0x1  }
0xa1: {  	s23 =	simm.s32 $0x1B8B  }
0xa2: {  	_ =	swait.ge [sflag:s23], $0x1  }
0xa3: {  	[sflag:s23] =	ssyncset.done $0x0  }
0xa4: {  	s25 =	simm.s32 $0x1B8E;
	s24 =	sld [smem:$0x3FFE];
	[sflag:s23] =	ssyncadd.s32 $0xFFFFFFFF  }
0xa5: {  	s26 =	simm.s32 $execute0_lowered;
	[smem:$0x3FD2] =	sst s25  }
0xa6: {  	s5 =	sshll.u32 s26, $0x1;
	_ =	strace $0x80000046;
	[dreg:$0x1] =	wrdreg $0xFFFFFFFF  }
0xa7: {  	s28 =	simm.s32 $_size_execute0_lowered;
	s3 =	sadd.s32 s3, s5;
	[dreg:$0x0] =	wrdreg $0x0  }
0xa8: {  	s5 =	sshll.u32 s28, $0x1;
	[dreg:$0x2] =	wrdreg s3  }
0xa9: {  	[dreg:$0x3] =	wrdreg s5  }
0xaa: {  	[dreg:$0x4] =	wrdreg $0xC0  }
0xab: {  	_ =	task [dreg:s7], $0x5FFFF  }
0xac: {  	[dreg:$0x1] =	wrdreg $0xFFFFFFFF  }
0xad: {  	[dreg:$0x0] =	wrdreg $0x60  }
0xae: {  	[dreg:$0x2] =	wrdreg s2  }
0xaf: {  	[dreg:$0x3] =	wrdreg s24  }
0xb0: {  	[dreg:$0x4] =	wrdreg $0x9  }
0xb1: {  	_ =	task.clear_ibuf [dreg:s7], $0x5FFFF;
	_ =	strace $0x90000046  }
0xb2: {  	s29 =	simm.s32 $0x9;
	_ =	strace $0x80000048  }
0xb3: {  	_ =	swait.ge [sflag:s29], $0x1  }
0xb4: {  	[sflag:s29] =	ssyncadd.s32 $0xFFFFFFFF  }
0xb5: {  	_ =	strace $0x90000048  }
0xb6: {  	_ =	sfence  }
0xb7: {  	s30 =	sld [smem:$0x0];
	_ =	sdelay $0x2  }
0xb8: {  	s31 =	sshll.u32 s1, $0xD;
	s1 =	sshrl.u32 s1, $0x2  }
0xb9: {  	s3 =	sand.u32 $0x4000, s31;
	s1 =	sadd.s32 s1, s30  }
0xba: {  	s0 =	sor.u32 s3, s0;
	s1 =	sshll.u32 s1, $0x11  }
0xbb: {  	s0 =	sor.u32 s1, s0  }
0xbc: {  	s0 =	sadd.s32 $0x8F2B, s0  }
0xbd: {  	[sflag:s0] =	ssyncadd.remote.s32 $0x1  }
0xbe: {  	_ =	sfence.sel $0xFFFF  }
0xbf: {  	[dreg:$0x0] =	wrdreg $0xFFFFFFFF;
	(pc) =	sbr.abs _section_cstart, $3  }
0xc0: {  	[dreg:$0x1] =	wrdreg $0xFFFFFFFF  }
0xc1: {  	_ =	task.clear_ibuf [dreg:s7], $0x2FFFF;
	_ =	strace $0x9FFFFFFF  }
0xc2: {  	(tm) =	ssettm $0x7FFFFFFF  }
0xc3: {  	_ =	shalt  }
tec
execute0_lowered:
.L_overlay_start_1:
0x0: {  	(tag) =	ssettag $0x1  }
0x1: {  	s0 =	srdreg.scid  }
0x2: {  	s2 =	stileid.u32;
	s1 =	rddreg [dreg:$0x0]  }
0x3: {  	s5 =	rddreg [dreg:$0x1];
	s26 =	simm.s32 $0x80;
	s7 =	simm.s32 $0x4  }
0x4: {  	s11 =	simm.s32 $0x3;
	s9 =	simm.s32 $0x100;
	s14 =	simm.s32 $0x1900  }
0x5: {  	s15 =	simm.s32 $0x2100;
	s16 =	simm.s32 $0x2900;
	s17 =	simm.s32 $0x3100  }
0x6: {  	s18 =	simm.s32 $0x3900;
	s19 =	simm.s32 $0x4100;
	s20 =	simm.s32 $0x4900  }
0x7: {  	s21 =	simm.s32 $0x5100;
	s22 =	simm.s32 $0x5900;
	s23 =	simm.s32 $0x6100  }
0x8: {  	s24 =	simm.s32 $0x6900;
	s28 =	simm.s32 $0x8100;
	s29 =	simm.s32 $0x8900  }
0x9: {  	s30 =	simm.s32 $0x9100;
	s31 =	simm.s32 $0x9900;
	s8 =	simm.s32 $0xB100  }
0xa: {  	s10 =	simm.s32 $0xB900;
	s0 =	sand.u32 $0x1, s0;
	s2 =	sshll.u32 s2, $0x1  }
0xb: {  	s3 =	sor.u32 s0, s2;
	s2 =	simm.s32 $0x0;
	s0 =	ssub.s32 $0x2, s0  }
0xc: {  	s4 =	sshll.u32 s3, $0x4;
	[smem:$0x7FF] =	sst s2;
	s3 =	smul.u32 $0x1800, s3  }
0xd: {  	s25 =	sshrl.u32 s0, $0x1;
	s4 =	sadd.s32 s4, s5;
	_ =	strace $0x80000047  }
0xe: {  	s0 =	ssub.s32 s0, s25;
	[dreg:$0x6] =	wrdreg s26;
	s6 =	sadd.s32 $0x1800, s4  }
0xf: {  	s25 =	simm.s32 $0x7100;
	s4 =	sadd.s32 $0x1A00, s4;
	[dreg:$0x3] =	wrdreg s6  }
0x10: {  	v2 =	vlaneseq.u32;
	s26 =	simm.s32 $0x7900;
	s1 =	sadd.s32 s1, s3;
	[dreg:$0x4] =	wrdreg s4  }
0x11: {  	vm0 =	vmmov $0xffff;
	v1 =	vshrl.u32 v2, $0x3;
	s3 =	sadd.s32 $0x11C00, s5;
	[dreg:$0x5] =	wrdreg s1;
	s4 =	sadd.s32 $0x11D00, s5  }
0x12: {  	v0 =	vand.u32 $0x7, v2;
	v2 =	vor.u32 $0x8, v2;
	v1 =	vmul.u32 $0x8, v1;
	s5 =	sadd.s32 $0x11E00, s5;
	s6 =	smax.u32 s0, $0x1;
	s1 =	simm.s32 $0xA100  }
.LBB2_1:
0x13: {  	s12 =	rddreg [dreg:$0x3]  }
0x14: {  	[tilespmem:s2], [sflag:$0x4] =	stream.linear.gather [hbm4b:s12+s2], $0x80, $0x38;
	[tilespmem:$0xC100] =	vst v63  }
0x15: {  	_ =	swait.ge [sflag:s7], $0x80  }
0x16: {  	s0 =	rddreg [dreg:$0x4];
	[sflag:s7] =	ssyncset.done $0x0  }
0x17: {  	s13 =	rddreg [dreg:$0x6];
	[sflag:s7] =	ssyncadd.s32 $0xFFFFFF80  }
0x18: {  	[tilespmem:s13], [sflag:$0x4] =	stream.linear.gather [hbm4b:s0+s2], $0x80, $0x38;
	[tilespmem:$0xC100] =	vst v63  }
0x19: {  	_ =	swait.ge [sflag:s7], $0x80  }
0x1a: {  	[sflag:s7] =	ssyncset.done $0x0  }
0x1b: {  	s0 =	rddreg [dreg:$0x5];
	[sflag:s7] =	ssyncadd.s32 $0xFFFFFF80  }
0x1c: {  	[tilespmem:s9], [sflag:$0x1] =	stream.linear.gather [hbm4b:s0+s2], $0xC000, $0x38;
	[tilespmem:$0xC100] =	vst v63  }
0x1d: {  	s0 =	simm.s32 $0x1  }
0x1e: {  	_ =	swait.ge [sflag:s0], $0xC000  }
0x1f: {  	[sflag:s0] =	ssyncset.done $0x0  }
0x20: {  	[sflag:s0] =	ssyncadd.s32 $0xFFFF4000  }
0x21: {  	v3 =	vld [tilespmem:$0x0];
	_ =	sdelay $0x4  }
0x22: {  	v4 =	vshrl.u32 v3, $0x3  }
0x23: {  	v4 =	vmul.u32 $0x30, v4  }
0x24: {  	v3 =	vand.u32 $0x7, v3  }
0x25: {  	v3 =	vor.u32 v3, v4  }
0x26: {  	v4 =	vperm.xlane v3, v0;
	_ =	sdelay $0x1  }
0x27: {  	v4 =	vadd.s32 v1, v4;
	_ =	sdelay $0x3  }
0x28: {  	v3 =	vperm.xlane v3, v2  }
0x29: {  	[hbm4b:s3+s2] =	stream.indirect_vreg.scatter [tilespmem:s9], [sflag:$0x2], $0x80, v4, vm0, $0xb8;
	[tilespmem:$0xC100] =	vst v63  }
0x2a: {  	s12 =	simm.s32 $0x900;
	v3 =	vadd.s32 v1, v3  }
0x2b: {  	[hbm4b:s4+s2] =	stream.indirect_vreg.scatter [tilespmem:s12], [sflag:$0x2], $0x80, v4, vm0, $0xb8;
	[tilespmem:$0xC100] =	vst v63  }
0x2c: {  	s13 =	simm.s32 $0x1100  }
0x2d: {  	[hbm4b:s5+s2] =	stream.indirect_vreg.scatter [tilespmem:s13], [sflag:$0x2], $0x80, v4, vm0, $0xb8;
	[tilespmem:$0xC100] =	vst v63  }
0x2e: {  	_ = 	snop  }
0x2f: {  	[hbm4b:s3+s2] =	stream.indirect_vreg.scatter [tilespmem:s14], [sflag:$0x2], $0x80, v3, vm0, $0xb8;
	[tilespmem:$0xC100] =	vst v63  }
0x30: {  	_ = 	snop  }
0x31: {  	[hbm4b:s4+s2] =	stream.indirect_vreg.scatter [tilespmem:s15], [sflag:$0x2], $0x80, v3, vm0, $0xb8;
	[tilespmem:$0xC100] =	vst v63  }
0x32: {  	_ = 	snop  }
0x33: {  	[hbm4b:s5+s2] =	stream.indirect_vreg.scatter [tilespmem:s16], [sflag:$0x2], $0x80, v3, vm0, $0xb8;
	[tilespmem:$0xC100] =	vst v63  }
0x34: {  	v3 =	vld [tilespmem:$0x10];
	_ =	sdelay $0x4  }
0x35: {  	v57 =	vshrl.u32 v3, $0x3  }
0x36: {  	v4 =	vmul.u32 $0x30, v57  }
0x37: {  	v3 =	vand.u32 $0x7, v3  }
0x38: {  	v3 =	vor.u32 v3, v4  }
0x39: {  	v4 =	vperm.xlane v3, v0;
	_ =	sdelay $0x1  }
0x3a: {  	v4 =	vadd.s32 v1, v4;
	_ =	sdelay $0x3  }
0x3b: {  	v3 =	vperm.xlane v3, v2  }
0x3c: {  	[hbm4b:s3+s2] =	stream.indirect_vreg.scatter [tilespmem:s17], [sflag:$0x2], $0x80, v4, vm0, $0xb8;
	[tilespmem:$0xC100] =	vst v63  }
0x3d: {  	v3 =	vadd.s32 v1, v3  }
0x3e: {  	[hbm4b:s4+s2] =	stream.indirect_vreg.scatter [tilespmem:s18], [sflag:$0x2], $0x80, v4, vm0, $0xb8;
	[tilespmem:$0xC100] =	vst v63  }
0x3f: {  	_ = 	snop  }
0x40: {  	[hbm4b:s5+s2] =	stream.indirect_vreg.scatter [tilespmem:s19], [sflag:$0x2], $0x80, v4, vm0, $0xb8;
	[tilespmem:$0xC100] =	vst v63  }
0x41: {  	_ = 	snop  }
0x42: {  	[hbm4b:s3+s2] =	stream.indirect_vreg.scatter [tilespmem:s20], [sflag:$0x2], $0x80, v3, vm0, $0xb8;
	[tilespmem:$0xC100] =	vst v63  }
0x43: {  	_ = 	snop  }
0x44: {  	[hbm4b:s4+s2] =	stream.indirect_vreg.scatter [tilespmem:s21], [sflag:$0x2], $0x80, v3, vm0, $0xb8;
	[tilespmem:$0xC100] =	vst v63  }
0x45: {  	_ = 	snop  }
0x46: {  	[hbm4b:s5+s2] =	stream.indirect_vreg.scatter [tilespmem:s22], [sflag:$0x2], $0x80, v3, vm0, $0xb8;
	[tilespmem:$0xC100] =	vst v63  }
0x47: {  	v3 =	vld [tilespmem:$0x20];
	_ =	sdelay $0x4  }
0x48: {  	v58 =	vshrl.u32 v3, $0x3  }
0x49: {  	v4 =	vmul.u32 $0x30, v58  }
0x4a: {  	v3 =	vand.u32 $0x7, v3  }
0x4b: {  	v3 =	vor.u32 v3, v4  }
0x4c: {  	v4 =	vperm.xlane v3, v0;
	_ =	sdelay $0x1  }
0x4d: {  	v4 =	vadd.s32 v1, v4;
	_ =	sdelay $0x3  }
0x4e: {  	v3 =	vperm.xlane v3, v2  }
0x4f: {  	[hbm4b:s3+s2] =	stream.indirect_vreg.scatter [tilespmem:s23], [sflag:$0x2], $0x80, v4, vm0, $0xb8;
	[tilespmem:$0xC100] =	vst v63  }
0x50: {  	v3 =	vadd.s32 v1, v3  }
0x51: {  	[hbm4b:s4+s2] =	stream.indirect_vreg.scatter [tilespmem:s24], [sflag:$0x2], $0x80, v4, vm0, $0xb8;
	[tilespmem:$0xC100] =	vst v63  }
0x52: {  	_ = 	snop  }
0x53: {  	[hbm4b:s5+s2] =	stream.indirect_vreg.scatter [tilespmem:s25], [sflag:$0x2], $0x80, v4, vm0, $0xb8;
	[tilespmem:$0xC100] =	vst v63  }
0x54: {  	_ = 	snop  }
0x55: {  	[hbm4b:s3+s2] =	stream.indirect_vreg.scatter [tilespmem:s26], [sflag:$0x2], $0x80, v3, vm0, $0xb8;
	[tilespmem:$0xC100] =	vst v63  }
0x56: {  	_ = 	snop  }
0x57: {  	[hbm4b:s4+s2] =	stream.indirect_vreg.scatter [tilespmem:s28], [sflag:$0x2], $0x80, v3, vm0, $0xb8;
	[tilespmem:$0xC100] =	vst v63  }
0x58: {  	_ = 	snop  }
0x59: {  	[hbm4b:s5+s2] =	stream.indirect_vreg.scatter [tilespmem:s29], [sflag:$0x2], $0x80, v3, vm0, $0xb8;
	[tilespmem:$0xC100] =	vst v63  }
0x5a: {  	v3 =	vld [tilespmem:$0x30];
	_ =	sdelay $0x4  }
0x5b: {  	v59 =	vshrl.u32 v3, $0x3  }
0x5c: {  	v4 =	vmul.u32 $0x30, v59  }
0x5d: {  	v3 =	vand.u32 $0x7, v3  }
0x5e: {  	v3 =	vor.u32 v3, v4  }
0x5f: {  	v4 =	vperm.xlane v3, v0;
	_ =	sdelay $0x1  }
0x60: {  	v4 =	vadd.s32 v1, v4;
	_ =	sdelay $0x3  }
0x61: {  	v3 =	vperm.xlane v3, v2  }
0x62: {  	[hbm4b:s3+s2] =	stream.indirect_vreg.scatter [tilespmem:s30], [sflag:$0x2], $0x80, v4, vm0, $0xb8;
	[tilespmem:$0xC100] =	vst v63  }
0x63: {  	v3 =	vadd.s32 v1, v3  }
0x64: {  	[hbm4b:s4+s2] =	stream.indirect_vreg.scatter [tilespmem:s31], [sflag:$0x2], $0x80, v4, vm0, $0xb8;
	[tilespmem:$0xC100] =	vst v63  }
0x65: {  	_ = 	snop  }
0x66: {  	[hbm4b:s5+s2] =	stream.indirect_vreg.scatter [tilespmem:s1], [sflag:$0x2], $0x80, v4, vm0, $0xb8;
	[tilespmem:$0xC100] =	vst v63  }
0x67: {  	s0 =	simm.s32 $0xA900  }
0x68: {  	[hbm4b:s3+s2] =	stream.indirect_vreg.scatter [tilespmem:s0], [sflag:$0x2], $0x80, v3, vm0, $0xb8;
	[tilespmem:$0xC100] =	vst v63  }
0x69: {  	_ = 	snop  }
0x6a: {  	[hbm4b:s4+s2] =	stream.indirect_vreg.scatter [tilespmem:s8], [sflag:$0x2], $0x80, v3, vm0, $0xb8;
	[tilespmem:$0xC100] =	vst v63  }
0x6b: {  	_ = 	snop  }
0x6c: {  	[hbm4b:s5+s2] =	stream.indirect_vreg.scatter [tilespmem:s10], [sflag:$0x2], $0x80, v3, vm0, $0xb8;
	[tilespmem:$0xC100] =	vst v63  }
0x6d: {  	v3 =	vld [tilespmem:$0x80];
	_ =	sdelay $0x4  }
0x6e: {  	v60 =	vshrl.u32 v3, $0x3  }
0x6f: {  	v4 =	vmul.u32 $0x30, v60  }
0x70: {  	v3 =	vand.u32 $0x7, v3  }
0x71: {  	v3 =	vor.u32 v3, v4  }
0x72: {  	v4 =	vperm.xlane v3, v0;
	_ =	sdelay $0x1  }
0x73: {  	v4 =	vadd.s32 v1, v4;
	_ =	sdelay $0x3  }
0x74: {  	v3 =	vperm.xlane v3, v2  }
0x75: {  	[hbm4b:s3+s2] =	stream.indirect_vreg.scatter [tilespmem:s9], [sflag:$0x3], $0x80, v4, vm0, $0xb8;
	[tilespmem:$0xC100] =	vst v63  }
0x76: {  	v3 =	vadd.s32 v1, v3  }
0x77: {  	[hbm4b:s4+s2] =	stream.indirect_vreg.scatter [tilespmem:s12], [sflag:$0x3], $0x80, v4, vm0, $0xb8;
	[tilespmem:$0xC100] =	vst v63  }
0x78: {  	_ = 	snop  }
0x79: {  	[hbm4b:s5+s2] =	stream.indirect_vreg.scatter [tilespmem:s13], [sflag:$0x3], $0x80, v4, vm0, $0xb8;
	[tilespmem:$0xC100] =	vst v63  }
0x7a: {  	_ = 	snop  }
0x7b: {  	[hbm4b:s3+s2] =	stream.indirect_vreg.scatter [tilespmem:s14], [sflag:$0x3], $0x80, v3, vm0, $0xb8;
	[tilespmem:$0xC100] =	vst v63  }
0x7c: {  	_ = 	snop  }
0x7d: {  	[hbm4b:s4+s2] =	stream.indirect_vreg.scatter [tilespmem:s15], [sflag:$0x3], $0x80, v3, vm0, $0xb8;
	[tilespmem:$0xC100] =	vst v63  }
0x7e: {  	_ = 	snop  }
0x7f: {  	[hbm4b:s5+s2] =	stream.indirect_vreg.scatter [tilespmem:s16], [sflag:$0x3], $0x80, v3, vm0, $0xb8;
	[tilespmem:$0xC100] =	vst v63  }
0x80: {  	v3 =	vld [tilespmem:$0x90];
	_ =	sdelay $0x4  }
0x81: {  	v61 =	vshrl.u32 v3, $0x3  }
0x82: {  	v4 =	vmul.u32 $0x30, v61  }
0x83: {  	v3 =	vand.u32 $0x7, v3  }
0x84: {  	v3 =	vor.u32 v3, v4  }
0x85: {  	v4 =	vperm.xlane v3, v0;
	_ =	sdelay $0x1  }
0x86: {  	v4 =	vadd.s32 v1, v4;
	_ =	sdelay $0x3  }
0x87: {  	v3 =	vperm.xlane v3, v2  }
0x88: {  	[hbm4b:s3+s2] =	stream.indirect_vreg.scatter [tilespmem:s17], [sflag:$0x3], $0x80, v4, vm0, $0xb8;
	[tilespmem:$0xC100] =	vst v63  }
0x89: {  	v3 =	vadd.s32 v1, v3  }
0x8a: {  	[hbm4b:s4+s2] =	stream.indirect_vreg.scatter [tilespmem:s18], [sflag:$0x3], $0x80, v4, vm0, $0xb8;
	[tilespmem:$0xC100] =	vst v63  }
0x8b: {  	_ = 	snop  }
0x8c: {  	[hbm4b:s5+s2] =	stream.indirect_vreg.scatter [tilespmem:s19], [sflag:$0x3], $0x80, v4, vm0, $0xb8;
	[tilespmem:$0xC100] =	vst v63  }
0x8d: {  	_ = 	snop  }
0x8e: {  	[hbm4b:s3+s2] =	stream.indirect_vreg.scatter [tilespmem:s20], [sflag:$0x3], $0x80, v3, vm0, $0xb8;
	[tilespmem:$0xC100] =	vst v63  }
0x8f: {  	_ = 	snop  }
0x90: {  	[hbm4b:s4+s2] =	stream.indirect_vreg.scatter [tilespmem:s21], [sflag:$0x3], $0x80, v3, vm0, $0xb8;
	[tilespmem:$0xC100] =	vst v63  }
0x91: {  	_ = 	snop  }
0x92: {  	[hbm4b:s5+s2] =	stream.indirect_vreg.scatter [tilespmem:s22], [sflag:$0x3], $0x80, v3, vm0, $0xb8;
	[tilespmem:$0xC100] =	vst v63  }
0x93: {  	v3 =	vld [tilespmem:$0xA0];
	_ =	sdelay $0x4  }
0x94: {  	v62 =	vshrl.u32 v3, $0x3  }
0x95: {  	v4 =	vmul.u32 $0x30, v62  }
0x96: {  	v3 =	vand.u32 $0x7, v3  }
0x97: {  	v3 =	vor.u32 v3, v4  }
0x98: {  	v4 =	vperm.xlane v3, v0;
	_ =	sdelay $0x1  }
0x99: {  	v4 =	vadd.s32 v1, v4;
	_ =	sdelay $0x3  }
0x9a: {  	v3 =	vperm.xlane v3, v2  }
0x9b: {  	[hbm4b:s3+s2] =	stream.indirect_vreg.scatter [tilespmem:s23], [sflag:$0x3], $0x80, v4, vm0, $0xb8;
	[tilespmem:$0xC100] =	vst v63  }
0x9c: {  	v3 =	vadd.s32 v1, v3  }
0x9d: {  	[hbm4b:s4+s2] =	stream.indirect_vreg.scatter [tilespmem:s24], [sflag:$0x3], $0x80, v4, vm0, $0xb8;
	[tilespmem:$0xC100] =	vst v63  }
0x9e: {  	_ = 	snop  }
0x9f: {  	[hbm4b:s5+s2] =	stream.indirect_vreg.scatter [tilespmem:s25], [sflag:$0x3], $0x80, v4, vm0, $0xb8;
	[tilespmem:$0xC100] =	vst v63  }
0xa0: {  	_ = 	snop  }
0xa1: {  	[hbm4b:s3+s2] =	stream.indirect_vreg.scatter [tilespmem:s26], [sflag:$0x3], $0x80, v3, vm0, $0xb8;
	[tilespmem:$0xC100] =	vst v63  }
0xa2: {  	_ = 	snop  }
0xa3: {  	[hbm4b:s4+s2] =	stream.indirect_vreg.scatter [tilespmem:s28], [sflag:$0x3], $0x80, v3, vm0, $0xb8;
	[tilespmem:$0xC100] =	vst v63  }
0xa4: {  	_ = 	snop  }
0xa5: {  	[hbm4b:s5+s2] =	stream.indirect_vreg.scatter [tilespmem:s29], [sflag:$0x3], $0x80, v3, vm0, $0xb8;
	[tilespmem:$0xC100] =	vst v63  }
0xa6: {  	v3 =	vld [tilespmem:$0xB0];
	_ =	sdelay $0x4  }
0xa7: {  	v63 =	vshrl.u32 v3, $0x3  }
0xa8: {  	v4 =	vmul.u32 $0x30, v63  }
0xa9: {  	v3 =	vand.u32 $0x7, v3  }
0xaa: {  	v3 =	vor.u32 v3, v4  }
0xab: {  	v4 =	vperm.xlane v3, v0;
	_ =	sdelay $0x1  }
0xac: {  	v4 =	vadd.s32 v1, v4;
	_ =	sdelay $0x3  }
0xad: {  	v3 =	vperm.xlane v3, v2  }
0xae: {  	[hbm4b:s3+s2] =	stream.indirect_vreg.scatter [tilespmem:s30], [sflag:$0x3], $0x80, v4, vm0, $0xb8;
	[tilespmem:$0xC100] =	vst v63  }
0xaf: {  	v3 =	vadd.s32 v1, v3  }
0xb0: {  	[hbm4b:s4+s2] =	stream.indirect_vreg.scatter [tilespmem:s31], [sflag:$0x3], $0x80, v4, vm0, $0xb8;
	[tilespmem:$0xC100] =	vst v63  }
0xb1: {  	_ = 	snop  }
0xb2: {  	[hbm4b:s5+s2] =	stream.indirect_vreg.scatter [tilespmem:s1], [sflag:$0x3], $0x80, v4, vm0, $0xb8;
	[tilespmem:$0xC100] =	vst v63  }
0xb3: {  	_ = 	snop  }
0xb4: {  	[hbm4b:s3+s2] =	stream.indirect_vreg.scatter [tilespmem:s0], [sflag:$0x3], $0x80, v3, vm0, $0xb8;
	[tilespmem:$0xC100] =	vst v63  }
0xb5: {  	_ = 	snop  }
0xb6: {  	[hbm4b:s4+s2] =	stream.indirect_vreg.scatter [tilespmem:s8], [sflag:$0x3], $0x80, v3, vm0, $0xb8;
	[tilespmem:$0xC100] =	vst v63  }
0xb7: {  	s13 =	simm.s32 $0x2  }
0xb8: {  	[hbm4b:s5+s2] =	stream.indirect_vreg.scatter [tilespmem:s10], [sflag:$0x3], $0x80, v3, vm0, $0xb8;
	[tilespmem:$0xC100] =	vst v63  }
0xb9: {  	p0 =	sne.s32 s6, $0x1;
	_ =	swait.ge [sflag:s13], $0xC000  }
.Ltmp0:
0xba: {  	[sflag:s13] =	ssyncset.done $0x0;
	(pc) =	sbr.rel @p0 .LBB2_1-.Ltmp0, $4  }
0xbb: {  	[sflag:s13] =	ssyncadd.s32 $0xFFFF4000  }
0xbc: {  	_ =	swait.ge [sflag:s11], $0xC000  }
0xbd: {  	[sflag:s11] =	ssyncset.done $0x0  }
0xbe: {  	s6 =	sadd.s32 $0xFFFFFFFF, s6;
	[sflag:s11] =	ssyncadd.s32 $0xFFFF4000  }
0xbf: {  	_ =	sfence.sel $0x180000  }
0xc0: {  	[bflag:$0x0] =	sbarrier.arrive $0xFFFF  }
0xc1: {  	_ =	strace $0x90000047  }
0xc2: {  	s0 =	stileid.u32;
	[bflag:$0x2] =	sbarrier.arrive $0xFFFF  }
0xc3: {  	p0 =	sne.s32 s0, $0x0;
	s0 =	rddreg [dreg:$0x2]  }
0xc4: {  	s0 =	sadd.s32 @!p0 $0x100000, s0  }
0xc5: {  	[sflag:s0] =	ssyncadd.tile.s32 @!p0 $0x1;
	_ =	shalt  }
.Lfunc_end2:
_tile_overlayer_lowered:
.L_overlay_start_2:
0xc6: {  	(tag) =	ssettag $0x2  }
0xc7: {  	s0 =	rddreg [dreg:$0x0];
	s2 =	stileid.u32  }
0xc8: {  	s1 =	rddreg [dreg:$0x1];
	p0 =	sne.s32 s2, $0x0  }
0xc9: {  	s3 =	rddreg [dreg:$0x2];
	[bflag:$0x3] =	sbarrier.arrive $0xFFFF;
	s2 =	simm.s32 @!p0 $0x1C04  }
0xca: {  	[timem:s3], [sflag:s2] =	dma.local @!p0 [hbm:s0], s1  }
0xcb: {  	s0 =	simm.s32 @!p0 $0x4  }
0xcc: {  	_ =	swait.ge @!p0 [sflag:s0], s1  }
0xcd: {  	s1 =	ssub.s32 @!p0 $0x0, s1;
	[sflag:s0] =	ssyncset.done @!p0 $0x0  }
0xce: {  	[sflag:s0] =	ssyncadd.s32 @!p0 s1  }
0xcf: {  	[bflag:$0x3] =	sbarrier.arrive $0xFFFF  }
0xd0: {  	_ =	shalt  }

// kernel: kernel.9.cloned.1.call-start
scs
__scs_entry_jumppad:
0x0: {  	(pc) =	sbr.rel $0x88, $3  }
0x1: {  	(tag) =	ssettag $0x0;
	lr =	simm.s32 $0x1  }
0x2: {  	[smem:$0x3F9D] =	sst lr;
	_ =	strace $0xD0000000  }
0x3: {  	_ = 	snop  }
0x4: {  	_ = 	snop  }
0x5: {  	_ = 	snop  }
0x6: {  	_ = 	snop  }
0x7: {  	_ = 	snop  }
__scs_overlays_trampoline_lowered:
0x8: {  	[smem:$0x3FAC] =	sst s0  }
0x9: {  	[smem:$0x3FAD] =	sst s1  }
0xa: {  	[smem:$0x3FAE] =	sst s2  }
0xb: {  	[smem:$0x3FAF] =	sst s3  }
0xc: {  	[smem:$0x3FB0] =	sst s4  }
0xd: {  	[smem:$0x3FB1] =	sst s5  }
0xe: {  	[smem:$0x3FB2] =	sst s6  }
0xf: {  	[smem:$0x3FB3] =	sst s7  }
0x10: {  	[smem:$0x3FB4] =	sst s8  }
0x11: {  	[smem:$0x3FB5] =	sst s9;
	s0 =	simm.s32 @!p0 $0x0  }
0x12: {  	s1 =	sld [smem:$0x3F9B];
	s0 =	simm.s32 @p0 $0x1  }
0x13: {  	[smem:$0x3FB6] =	sst s0;
	s0 =	simm.s32 @!p1 $0x0  }
0x14: {  	s2 =	sld [smem:$0x3F9A];
	s0 =	simm.s32 @p1 $0x1  }
0x15: {  	[smem:$0x3FB7] =	sst s0;
	s0 =	simm.s32 @!p2 $0x0  }
0x16: {  	s3 =	sld [smem:$0x3FDB];
	s0 =	simm.s32 @p2 $0x1  }
0x17: {  	s4 =	simm.s32 $0x1BF5;
	[smem:$0x3FB9] =	sst s0  }
0x18: {  	s0 =	sld [smem:$0x3F9C];
	_ =	swait.ge [sflag:s4], $0x0  }
0x19: {  	s7 =	sld [smem:$0x3F9D]  }
0x1a: {  	s8 =	sadd.s32 $0xFFFFE003, lr  }
0x1b: {  	s9 =	sadd.s32 $0xFFFFFEF7, lr;
	s5 =	simm.s32 $0xFFFFFFFF;
	p2 =	slt.u32 s8, $0xFFFFF086  }
0x1c: {  	p1 =	slt.u32 s9, $0xF7A;
	s5 =	simm.s32 @!p2 $0x0  }
0x1d: {  	s5 =	simm.s32 @p1 $0x1;
	p0 =	seq.s32 s7, s2  }
0x1e: {  	s7 =	smul.u32 @!p0 $0xF7A, s2;
	p2 =	seq.s32 @!p0 s5, $0x0  }
0x1f: {  	s9 =	smul.u32 $0xF7A, s1;
	s8 =	simm.s32 @!p0 $0x1BF5;
	p2 =	por !p2, p0  }
0x20: {  	[sflag:s8] =	ssyncset.s32 @!p0 $0xFFFFF086;
	s6 =	sadd.s32 @!p0 s3, s7;
	s7 =	simm.s32 @!p0 $0x108  }
0x21: {  	s3 =	sadd.s32 s3, s9;
	s6 =	sadd.s32 @!p0 $0x88, s6;
	s7 =	simm.s32 @p2 $0x1082  }
0x22: {  	[simem:s7], [sflag:s8] =	dma.local @!p0 [hbm:s6], $0xF7A  }
0x23: {  	s9 =	sor.u32 $0xD0000000, s2;
	s6 =	simm.s32 $0x108;
	_ =	swait.ge @!p0 [sflag:s8], $0x0  }
0x24: {  	s3 =	sadd.s32 $0x88, s3;
	s6 =	simm.s32 @!p1 $0x1082;
	[sflag:s4] =	ssyncset.s32 $0xFFFFF086  }
0x25: {  	[simem:s6], [sflag:s4] =	dma.local [hbm:s3], $0xF7A  }
0x26: {  	[smem:$0x3F9D] =	sst s1;
	(tag) =	ssettag s2;
	_ =	strace s9  }
0x27: {  	s1 =	sld [smem:$0x3FAD]  }
0x28: {  	s2 =	sld [smem:$0x3FAE]  }
0x29: {  	s4 =	sld [smem:$0x3FB0]  }
0x2a: {  	p0 =	seq.s32 s5, $0x0;
	s5 =	sld [smem:$0x3FB1]  }
0x2b: {  	s6 =	sld [smem:$0x3FB2]  }
0x2c: {  	s7 =	sld [smem:$0x3FB3]  }
0x2d: {  	s3 =	simm.s32 $0x108;
	s8 =	sld [smem:$0x3FB4]  }
0x2e: {  	s3 =	simm.s32 @!p0 $0x1082;
	s9 =	sld [smem:$0x3FB5]  }
0x2f: {  	lr =	sadd.s32 s0, s3;
	s0 =	sld [smem:$0x3FAC]  }
0x30: {  	s3 =	sld [smem:$0x3FAF]  }
0x31: {  	[smem:$0x3FB8] =	sst s10  }
0x32: {  	s10 =	sld [smem:$0x3FB6];
	_ =	sdelay $0x3  }
0x33: {  	p0 =	seq.s32 s10, $0x1;
	s10 =	sld [smem:$0x3FB8];
	_ =	sdelay $0x3  }
0x34: {  	[smem:$0x3FB8] =	sst s10  }
0x35: {  	s10 =	sld [smem:$0x3FB7];
	_ =	sdelay $0x3  }
0x36: {  	p1 =	seq.s32 s10, $0x1;
	s10 =	sld [smem:$0x3FB8];
	_ =	sdelay $0x3  }
0x37: {  	[smem:$0x3FB8] =	sst s10  }
0x38: {  	s10 =	sld [smem:$0x3FB9]  }
0x39: {  	_ = 	snop;
	(pc) =	sbr.ind lr, $3  }
0x3a: {  	_ = 	snop  }
0x3b: {  	_ = 	snop  }
0x3c: {  	p2 =	seq.s32 s10, $0x1;
	s10 =	sld [smem:$0x3FB8]  }
0x3d: {  	_ =	shalt  }
0x3e: {  	_ =	shalt  }
0x3f: {  	_ =	shalt  }
0x40: {  	_ =	shalt  }
0x41: {  	_ =	shalt  }
0x42: {  	_ =	shalt  }
0x43: {  	_ =	shalt  }
0x44: {  	_ =	shalt  }
0x45: {  	_ =	shalt  }
0x46: {  	_ =	shalt  }
0x47: {  	_ =	shalt  }
0x48: {  	_ =	shalt  }
0x49: {  	_ =	shalt  }
0x4a: {  	_ =	shalt  }
0x4b: {  	_ =	shalt  }
0x4c: {  	_ =	shalt  }
0x4d: {  	_ =	shalt  }
0x4e: {  	_ =	shalt  }
0x4f: {  	_ =	shalt  }
0x50: {  	_ =	shalt  }
0x51: {  	_ =	shalt  }
0x52: {  	_ =	shalt  }
0x53: {  	_ =	shalt  }
0x54: {  	_ =	shalt  }
0x55: {  	_ =	shalt  }
0x56: {  	_ =	shalt  }
0x57: {  	_ =	shalt  }
0x58: {  	_ =	shalt  }
0x59: {  	_ =	shalt  }
0x5a: {  	_ =	shalt  }
0x5b: {  	_ =	shalt  }
0x5c: {  	_ =	shalt  }
0x5d: {  	_ =	shalt  }
0x5e: {  	_ =	shalt  }
0x5f: {  	_ =	shalt  }
0x60: {  	_ =	shalt  }
0x61: {  	_ =	shalt  }
0x62: {  	_ =	shalt  }
0x63: {  	_ =	shalt  }
0x64: {  	_ =	shalt  }
0x65: {  	_ =	shalt  }
0x66: {  	_ =	shalt  }
0x67: {  	_ =	shalt  }
0x68: {  	_ =	shalt  }
0x69: {  	_ =	shalt  }
0x6a: {  	_ =	shalt  }
0x6b: {  	_ =	shalt  }
0x6c: {  	_ =	shalt  }
0x6d: {  	_ =	shalt  }
0x6e: {  	_ =	shalt  }
0x6f: {  	_ =	shalt  }
0x70: {  	_ =	shalt  }
0x71: {  	_ =	shalt  }
0x72: {  	_ =	shalt  }
0x73: {  	_ =	shalt  }
0x74: {  	_ =	shalt  }
0x75: {  	_ =	shalt  }
0x76: {  	_ =	shalt  }
0x77: {  	_ =	shalt  }
0x78: {  	_ =	shalt  }
0x79: {  	_ =	shalt  }
0x7a: {  	_ =	shalt  }
0x7b: {  	_ =	shalt  }
0x7c: {  	_ =	shalt  }
0x7d: {  	_ =	shalt  }
0x7e: {  	_ =	shalt  }
0x7f: {  	_ =	shalt  }
0x80: {  	_ =	shalt  }
0x81: {  	_ =	shalt  }
0x82: {  	_ =	shalt  }
0x83: {  	_ =	shalt  }
0x84: {  	_ =	shalt  }
0x85: {  	_ =	shalt  }
0x86: {  	_ =	shalt  }
0x87: {  	_ =	shalt  }
.Lfunc_end0:
.L_simem_size_0:
called_computation.1_lowered:
.L_overlay_start_0:
0x88: {  	s2 =	sld [smem:$0x3FD9]  }
0x89: {  	s3 =	sld [smem:$0x3FFE];
	_ =	sdelay $0x1  }
0x8a: {  	s1 =	srdreg.scid  }
0x8b: {  	s0 =	sand.u32 $0x1, s1  }
0x8c: {  	s17 =	sshll.u32 s0, $0xA;
	s2 =	sadd.s32 s3, s2  }
0x8d: {  	s2 =	sadd.s32 s2, s17  }
0x8e: {  	[smem:$0x3FC4] =	sst s2  }
0x8f: {  	_ = 	snop  }
0x90: {  	s2 =	sld [smem:$0x3FD0];
	(tm) =	ssettm $0x1  }
0x91: {  	s18 =	sld [smem:$0x3FFB];
	_ =	sdelay $0x3  }
0x92: {  	_ =	strace s18  }
0x93: {  	s3 =	sld [smem:$0x3FFC];
	_ =	sdelay $0x3  }
0x94: {  	_ =	strace s3  }
0x95: {  	s3 =	sld [smem:$0x3FFD];
	_ =	sdelay $0x3  }
0x96: {  	_ =	strace s3  }
0x97: {  	_ =	strace $0x8FFFFFFF  }
0x98: {  	s19 =	sld [smem:$0x3FDB];
	_ =	sdelay $0x1  }
0x99: {  	s4 =	simm.s32 $_scs_section_size  }
0x9a: {  	s5 =	simm.s32 $_size__tile_overlayer_lowered;
	s6 =	simm.s32 $_tile_overlayer_lowered  }
0x9b: {  	s22 =	simm.s32 $0x1BFF;
	s21 =	sshll.u32 s6, $0x1;
	s3 =	sadd.s32 s4, s19  }
0x9c: {  	s7 =	simm.s32 $0x0;
	s20 =	sshll.u32 s5, $0x1;
	s5 =	sadd.s32 s21, s3  }
0x9d: {  	[timem:s7], [sflag:s22] =	dma.local [hbm:s5], s20  }
0x9e: {  	_ =	swait.ge [sflag:s22], s20  }
0x9f: {  	s4 =	ssub.s32 $0x0, s20;
	[sflag:s22] =	ssyncset.done $0x0  }
0xa0: {  	[sflag:s22] =	ssyncadd.s32 s4;
	_ =	sdelay $0x1  }
0xa1: {  	s23 =	simm.s32 $0x1B8B  }
0xa2: {  	_ =	swait.ge [sflag:s23], $0x1  }
0xa3: {  	[sflag:s23] =	ssyncset.done $0x0  }
0xa4: {  	s25 =	simm.s32 $0x1B8E;
	s24 =	sld [smem:$0x3FFE];
	[sflag:s23] =	ssyncadd.s32 $0xFFFFFFFF  }
0xa5: {  	s26 =	simm.s32 $execute0_lowered;
	[smem:$0x3FD2] =	sst s25  }
0xa6: {  	s5 =	sshll.u32 s26, $0x1;
	_ =	strace $0x80000049;
	[dreg:$0x1] =	wrdreg $0xFFFFFFFF  }
0xa7: {  	s28 =	simm.s32 $_size_execute0_lowered;
	s3 =	sadd.s32 s3, s5;
	[dreg:$0x0] =	wrdreg $0x0  }
0xa8: {  	s5 =	sshll.u32 s28, $0x1;
	[dreg:$0x2] =	wrdreg s3  }
0xa9: {  	[dreg:$0x3] =	wrdreg s5  }
0xaa: {  	[dreg:$0x4] =	wrdreg $0xC0  }
0xab: {  	_ =	task [dreg:s7], $0x5FFFF  }
0xac: {  	[dreg:$0x1] =	wrdreg $0xFFFFFFFF  }
0xad: {  	[dreg:$0x0] =	wrdreg $0x60  }
0xae: {  	[dreg:$0x2] =	wrdreg s24  }
0xaf: {  	[dreg:$0x3] =	wrdreg s2  }
0xb0: {  	[dreg:$0x4] =	wrdreg $0x9  }
0xb1: {  	_ =	task.clear_ibuf [dreg:s7], $0x5FFFF;
	_ =	strace $0x90000049  }
0xb2: {  	s29 =	simm.s32 $0x9;
	_ =	strace $0x8000004B  }
0xb3: {  	_ =	swait.ge [sflag:s29], $0x1  }
0xb4: {  	[sflag:s29] =	ssyncadd.s32 $0xFFFFFFFF  }
0xb5: {  	_ =	strace $0x9000004B  }
0xb6: {  	_ =	sfence  }
0xb7: {  	s30 =	sld [smem:$0x0];
	_ =	sdelay $0x2  }
0xb8: {  	s31 =	sshll.u32 s1, $0xD;
	s1 =	sshrl.u32 s1, $0x2  }
0xb9: {  	s3 =	sand.u32 $0x4000, s31;
	s1 =	sadd.s32 s1, s30  }
0xba: {  	s0 =	sor.u32 s3, s0;
	s1 =	sshll.u32 s1, $0x11  }
0xbb: {  	s0 =	sor.u32 s1, s0  }
0xbc: {  	s0 =	sadd.s32 $0x8F2B, s0  }
0xbd: {  	[sflag:s0] =	ssyncadd.remote.s32 $0x1  }
0xbe: {  	_ =	sfence.sel $0xFFFF  }
0xbf: {  	[dreg:$0x0] =	wrdreg $0xFFFFFFFF;
	(pc) =	sbr.abs _section_cstart, $3  }
0xc0: {  	[dreg:$0x1] =	wrdreg $0xFFFFFFFF  }
0xc1: {  	_ =	task.clear_ibuf [dreg:s7], $0x2FFFF;
	_ =	strace $0x9FFFFFFF  }
0xc2: {  	(tm) =	ssettm $0x7FFFFFFF  }
0xc3: {  	_ =	shalt  }
tec
execute0_lowered:
.L_overlay_start_1:
0x0: {  	(tag) =	ssettag $0x1  }
0x1: {  	s0 =	rddreg [dreg:$0x0]  }
0x2: {  	s1 =	rddreg [dreg:$0x1]  }
0x3: {  	s3 =	srdreg.scid;
	s5 =	stileid.u32  }
0x4: {  	s2 =	simm.s32 $0x0;
	s13 =	simm.s32 $0x4;
	s16 =	simm.s32 $0xA100  }
0x5: {  	s31 =	simm.s32 $0x1;
	s14 =	simm.s32 $0x0;
	s4 =	sand.u32 $0x1, s3  }
0x6: {  	s28 =	sshll.u32 s5, $0x1;
	[smem:$0x7FF] =	sst s2;
	s3 =	sadd.s32 $0x11C00, s0  }
0x7: {  	s7 =	sor.u32 s4, s28;
	_ =	strace $0x8000004A;
	s4 =	ssub.s32 $0x2, s4  }
0x8: {  	s29 =	sshll.u32 s7, $0x4;
	s6 =	sshll.u32 s7, $0xA;
	s9 =	smul.u32 $0xC000, s7  }
0x9: {  	s30 =	sshrl.u32 s4, $0x1;
	s10 =	smul.u32 $0x1800, s7;
	s5 =	sadd.s32 s29, s0  }
0xa: {  	v2 =	vlaneseq.u32;
	s8 =	sadd.s32 s6, s0;
	s12 =	ssub.s32 s4, s30;
	s4 =	sadd.s32 $0x1800, s5  }
0xb: {  	v0 =	vand.u32 $0x7, v2;
	v1 =	vshrl.u32 v2, $0x3;
	s5 =	sadd.s32 $0x1A00, s5;
	s6 =	sadd.s32 $0x1C00, s8;
	s9 =	sshrl.u32 s9, $0x3  }
0xc: {  	v63 =	vor.u32 $0x8, v2;
	[tilespmem:$0x1FFD0] =	vst v0;
	v62 =	vmul.u32 $0x8, v1;
	s7 =	sadd.s32 $0x9C00, s8;
	s8 =	sadd.s32 $0x11D00, s0;
	s10 =	sadd.s32 s1, s10  }
0xd: {  	[tilespmem:$0x1FFF0] =	vst v63;
	s12 =	smax.u32 s12, $0x1;
	s11 =	sadd.s32 s1, s9;
	s9 =	sadd.s32 $0x11E00, s0  }
0xe: {  	vm0 =	vmmov $0xffff;
	[tilespmem:$0x1FFE0] =	vst v62;
	s0 =	simm.s32 $0x2;
	s1 =	simm.s32 $0x3;
	s11 =	sadd.s32 $0xC00, s11  }
.LBB2_1:
0xf: {  	[tilespmem:s2], [sflag:$0x4] =	stream.linear.gather [hbm4b:s4+s2], $0x80, $0x38;
	[tilespmem:$0x1C100] =	vst v63  }
0x10: {  	_ =	swait.ge [sflag:s13], $0x80  }
0x11: {  	[sflag:s13] =	ssyncset.done $0x0  }
0x12: {  	s15 =	simm.s32 $0x80;
	[sflag:s13] =	ssyncadd.s32 $0xFFFFFF80  }
0x13: {  	[tilespmem:s15], [sflag:$0x4] =	stream.linear.gather [hbm4b:s5+s2], $0x80, $0x38;
	[tilespmem:$0x1C100] =	vst v63  }
0x14: {  	_ =	swait.ge [sflag:s13], $0x80  }
0x15: {  	[sflag:s13] =	ssyncset.done $0x0  }
0x16: {  	s21 =	simm.s32 $0x100;
	[sflag:s13] =	ssyncadd.s32 $0xFFFFFF80  }
0x17: {  	[tilespmem:s21], [sflag:$0x4] =	stream.linear.gather [hbm4b:s6+s2], $0x2000, $0x38;
	[tilespmem:$0x1C100] =	vst v63  }
0x18: {  	_ =	swait.ge [sflag:s13], $0x2000  }
0x19: {  	[sflag:s13] =	ssyncset.done $0x0  }
0x1a: {  	s22 =	simm.s32 $0x2100;
	[sflag:s13] =	ssyncadd.s32 $0xFFFFE000  }
0x1b: {  	[tilespmem:s22], [sflag:$0x4] =	stream.linear.gather [hbm4b:s7+s2], $0x2000, $0x38;
	[tilespmem:$0x1C100] =	vst v63  }
0x1c: {  	_ =	swait.ge [sflag:s13], $0x2000  }
0x1d: {  	[sflag:s13] =	ssyncset.done $0x0  }
0x1e: {  	[sflag:s13] =	ssyncadd.s32 $0xFFFFE000  }
0x1f: {  	v3 =	vld [tilespmem:$0x0];
	_ =	sdelay $0x3  }
0x20: {  	v0 =	vld [tilespmem:$0x1FFD0]  }
0x21: {  	v4 =	vshrl.u32 v3, $0x3  }
0x22: {  	v1 =	vld [tilespmem:$0x1FFE0];
	v4 =	vmul.u32 $0x30, v4  }
0x23: {  	v3 =	vand.u32 $0x7, v3  }
0x24: {  	v3 =	vor.u32 v3, v4  }
0x25: {  	v4 =	vperm.xlane v3, v0  }
0x26: {  	v2 =	vld [tilespmem:$0x1FFF0]  }
0x27: {  	v4 =	vadd.s32 v1, v4;
	_ =	sdelay $0x3  }
0x28: {  	s23 =	simm.s32 $0x4100;
	v3 =	vperm.xlane v3, v2  }
0x29: {  	[tilespmem:s23], [sflag:$0x1] =	stream.indirect_vreg.gather [hbm4b:s3+s2], $0x80, v4, vm0, $0xb8;
	[tilespmem:$0x1C100] =	vst v63  }
0x2a: {  	s24 =	simm.s32 $0x4900;
	v3 =	vadd.s32 v1, v3  }
0x2b: {  	[tilespmem:s24], [sflag:$0x1] =	stream.indirect_vreg.gather [hbm4b:s8+s2], $0x80, v4, vm0, $0xb8;
	[tilespmem:$0x1C100] =	vst v63  }
0x2c: {  	s25 =	simm.s32 $0x5100  }
0x2d: {  	[tilespmem:s25], [sflag:$0x1] =	stream.indirect_vreg.gather [hbm4b:s9+s2], $0x80, v4, vm0, $0xb8;
	[tilespmem:$0x1C100] =	vst v63  }
0x2e: {  	s26 =	simm.s32 $0x5900  }
0x2f: {  	[tilespmem:s26], [sflag:$0x1] =	stream.indirect_vreg.gather [hbm4b:s3+s2], $0x80, v3, vm0, $0xb8;
	[tilespmem:$0x1C100] =	vst v63  }
0x30: {  	s28 =	simm.s32 $0x6100  }
0x31: {  	[tilespmem:s28], [sflag:$0x1] =	stream.indirect_vreg.gather [hbm4b:s8+s2], $0x80, v3, vm0, $0xb8;
	[tilespmem:$0x1C100] =	vst v63  }
0x32: {  	s29 =	simm.s32 $0x6900  }
0x33: {  	[tilespmem:s29], [sflag:$0x1] =	stream.indirect_vreg.gather [hbm4b:s9+s2], $0x80, v3, vm0, $0xb8;
	[tilespmem:$0x1C100] =	vst v63  }
0x34: {  	v3 =	vld [tilespmem:$0x10];
	_ =	sdelay $0x4  }
0x35: {  	v57 =	vshrl.u32 v3, $0x3  }
0x36: {  	v4 =	vmul.u32 $0x30, v57  }
0x37: {  	v3 =	vand.u32 $0x7, v3  }
0x38: {  	v3 =	vor.u32 v3, v4  }
0x39: {  	v4 =	vperm.xlane v3, v0;
	_ =	sdelay $0x1  }
0x3a: {  	v4 =	vadd.s32 v1, v4;
	_ =	sdelay $0x3  }
0x3b: {  	s30 =	simm.s32 $0x7100;
	v3 =	vperm.xlane v3, v2  }
0x3c: {  	[tilespmem:s30], [sflag:$0x1] =	stream.indirect_vreg.gather [hbm4b:s3+s2], $0x80, v4, vm0, $0xb8;
	[tilespmem:$0x1C100] =	vst v63  }
0x3d: {  	s17 =	simm.s32 $0x7900;
	v3 =	vadd.s32 v1, v3  }
0x3e: {  	[tilespmem:s17], [sflag:$0x1] =	stream.indirect_vreg.gather [hbm4b:s8+s2], $0x80, v4, vm0, $0xb8;
	[tilespmem:$0x1C100] =	vst v63  }
0x3f: {  	s18 =	simm.s32 $0x8100  }
0x40: {  	[tilespmem:s18], [sflag:$0x1] =	stream.indirect_vreg.gather [hbm4b:s9+s2], $0x80, v4, vm0, $0xb8;
	[tilespmem:$0x1C100] =	vst v63  }
0x41: {  	s19 =	simm.s32 $0x8900  }
0x42: {  	[tilespmem:s19], [sflag:$0x1] =	stream.indirect_vreg.gather [hbm4b:s3+s2], $0x80, v3, vm0, $0xb8;
	[tilespmem:$0x1C100] =	vst v63  }
0x43: {  	s20 =	simm.s32 $0x9100  }
0x44: {  	[tilespmem:s20], [sflag:$0x1] =	stream.indirect_vreg.gather [hbm4b:s8+s2], $0x80, v3, vm0, $0xb8;
	[tilespmem:$0x1C100] =	vst v63  }
0x45: {  	s21 =	simm.s32 $0x9900  }
0x46: {  	[tilespmem:s21], [sflag:$0x1] =	stream.indirect_vreg.gather [hbm4b:s9+s2], $0x80, v3, vm0, $0xb8;
	[tilespmem:$0x1C100] =	vst v63  }
0x47: {  	v3 =	vld [tilespmem:$0x80];
	_ =	sdelay $0x4  }
0x48: {  	v58 =	vshrl.u32 v3, $0x3  }
0x49: {  	v4 =	vmul.u32 $0x30, v58  }
0x4a: {  	v3 =	vand.u32 $0x7, v3  }
0x4b: {  	v3 =	vor.u32 v3, v4  }
0x4c: {  	v4 =	vperm.xlane v3, v0;
	_ =	sdelay $0x1  }
0x4d: {  	v4 =	vadd.s32 v1, v4;
	_ =	sdelay $0x3  }
0x4e: {  	s22 =	simm.s32 $0x10100;
	v3 =	vperm.xlane v3, v2  }
0x4f: {  	[tilespmem:s22], [sflag:$0x2] =	stream.indirect_vreg.gather [hbm4b:s3+s2], $0x80, v4, vm0, $0xb8;
	[tilespmem:$0x1C100] =	vst v63  }
0x50: {  	s23 =	simm.s32 $0x10900;
	v3 =	vadd.s32 v1, v3  }
0x51: {  	[tilespmem:s23], [sflag:$0x2] =	stream.indirect_vreg.gather [hbm4b:s8+s2], $0x80, v4, vm0, $0xb8;
	[tilespmem:$0x1C100] =	vst v63  }
0x52: {  	s24 =	simm.s32 $0x11100  }
0x53: {  	[tilespmem:s24], [sflag:$0x2] =	stream.indirect_vreg.gather [hbm4b:s9+s2], $0x80, v4, vm0, $0xb8;
	[tilespmem:$0x1C100] =	vst v63  }
0x54: {  	s25 =	simm.s32 $0x11900  }
0x55: {  	[tilespmem:s25], [sflag:$0x2] =	stream.indirect_vreg.gather [hbm4b:s3+s2], $0x80, v3, vm0, $0xb8;
	[tilespmem:$0x1C100] =	vst v63  }
0x56: {  	s26 =	simm.s32 $0x12100  }
0x57: {  	[tilespmem:s26], [sflag:$0x2] =	stream.indirect_vreg.gather [hbm4b:s8+s2], $0x80, v3, vm0, $0xb8;
	[tilespmem:$0x1C100] =	vst v63  }
0x58: {  	s28 =	simm.s32 $0x12900  }
0x59: {  	[tilespmem:s28], [sflag:$0x2] =	stream.indirect_vreg.gather [hbm4b:s9+s2], $0x80, v3, vm0, $0xb8;
	[tilespmem:$0x1C100] =	vst v63  }
0x5a: {  	v3 =	vld [tilespmem:$0x90];
	_ =	sdelay $0x4  }
0x5b: {  	v59 =	vshrl.u32 v3, $0x3  }
0x5c: {  	v4 =	vmul.u32 $0x30, v59  }
0x5d: {  	v3 =	vand.u32 $0x7, v3  }
0x5e: {  	v3 =	vor.u32 v3, v4  }
0x5f: {  	v4 =	vperm.xlane v3, v0;
	_ =	sdelay $0x1  }
0x60: {  	v4 =	vadd.s32 v1, v4;
	_ =	sdelay $0x3  }
0x61: {  	s29 =	simm.s32 $0x13100;
	v3 =	vperm.xlane v3, v2  }
0x62: {  	[tilespmem:s29], [sflag:$0x2] =	stream.indirect_vreg.gather [hbm4b:s3+s2], $0x80, v4, vm0, $0xb8;
	[tilespmem:$0x1C100] =	vst v63  }
0x63: {  	s30 =	simm.s32 $0x13900;
	v3 =	vadd.s32 v1, v3  }
0x64: {  	[tilespmem:s30], [sflag:$0x2] =	stream.indirect_vreg.gather [hbm4b:s8+s2], $0x80, v4, vm0, $0xb8;
	[tilespmem:$0x1C100] =	vst v63  }
0x65: {  	s17 =	simm.s32 $0x14100  }
0x66: {  	[tilespmem:s17], [sflag:$0x2] =	stream.indirect_vreg.gather [hbm4b:s9+s2], $0x80, v4, vm0, $0xb8;
	[tilespmem:$0x1C100] =	vst v63  }
0x67: {  	s18 =	simm.s32 $0x14900  }
0x68: {  	[tilespmem:s18], [sflag:$0x2] =	stream.indirect_vreg.gather [hbm4b:s3+s2], $0x80, v3, vm0, $0xb8;
	[tilespmem:$0x1C100] =	vst v63  }
0x69: {  	s19 =	simm.s32 $0x15100  }
0x6a: {  	[tilespmem:s19], [sflag:$0x2] =	stream.indirect_vreg.gather [hbm4b:s8+s2], $0x80, v3, vm0, $0xb8;
	[tilespmem:$0x1C100] =	vst v63  }
0x6b: {  	s20 =	simm.s32 $0x15900  }
0x6c: {  	[tilespmem:s20], [sflag:$0x2] =	stream.indirect_vreg.gather [hbm4b:s9+s2], $0x80, v3, vm0, $0xb8;
	[tilespmem:$0x1C100] =	vst v63  }
0x6d: {  	v3 =	vld [tilespmem:$0x20];
	_ =	sdelay $0x4  }
0x6e: {  	v60 =	vshrl.u32 v3, $0x3  }
0x6f: {  	v4 =	vmul.u32 $0x30, v60  }
0x70: {  	v3 =	vand.u32 $0x7, v3  }
0x71: {  	v3 =	vor.u32 v3, v4  }
0x72: {  	v4 =	vperm.xlane v3, v0;
	_ =	sdelay $0x1  }
0x73: {  	v4 =	vadd.s32 v1, v4;
	_ =	sdelay $0x3  }
0x74: {  	v3 =	vperm.xlane v3, v2  }
0x75: {  	[tilespmem:s16], [sflag:$0x1] =	stream.indirect_vreg.gather [hbm4b:s3+s2], $0x80, v4, vm0, $0xb8;
	[tilespmem:$0x1C100] =	vst v63  }
0x76: {  	s21 =	simm.s32 $0xA900;
	v3 =	vadd.s32 v1, v3  }
0x77: {  	[tilespmem:s21], [sflag:$0x1] =	stream.indirect_vreg.gather [hbm4b:s8+s2], $0x80, v4, vm0, $0xb8;
	[tilespmem:$0x1C100] =	vst v63  }
0x78: {  	s22 =	simm.s32 $0xB100  }
0x79: {  	[tilespmem:s22], [sflag:$0x1] =	stream.indirect_vreg.gather [hbm4b:s9+s2], $0x80, v4, vm0, $0xb8;
	[tilespmem:$0x1C100] =	vst v63  }
0x7a: {  	s23 =	simm.s32 $0xB900  }
0x7b: {  	[tilespmem:s23], [sflag:$0x1] =	stream.indirect_vreg.gather [hbm4b:s3+s2], $0x80, v3, vm0, $0xb8;
	[tilespmem:$0x1C100] =	vst v63  }
0x7c: {  	s24 =	simm.s32 $0xC100  }
0x7d: {  	[tilespmem:s24], [sflag:$0x1] =	stream.indirect_vreg.gather [hbm4b:s8+s2], $0x80, v3, vm0, $0xb8;
	[tilespmem:$0x1C100] =	vst v63  }
0x7e: {  	s25 =	simm.s32 $0xC900  }
0x7f: {  	[tilespmem:s25], [sflag:$0x1] =	stream.indirect_vreg.gather [hbm4b:s9+s2], $0x80, v3, vm0, $0xb8;
	[tilespmem:$0x1C100] =	vst v63  }
0x80: {  	v3 =	vld [tilespmem:$0x30];
	_ =	sdelay $0x4  }
0x81: {  	v61 =	vshrl.u32 v3, $0x3  }
0x82: {  	v4 =	vmul.u32 $0x30, v61  }
0x83: {  	v3 =	vand.u32 $0x7, v3  }
0x84: {  	v3 =	vor.u32 v3, v4  }
0x85: {  	v4 =	vperm.xlane v3, v0;
	_ =	sdelay $0x1  }
0x86: {  	v4 =	vadd.s32 v1, v4;
	_ =	sdelay $0x3  }
0x87: {  	s26 =	simm.s32 $0xD100;
	v3 =	vperm.xlane v3, v2  }
0x88: {  	[tilespmem:s26], [sflag:$0x1] =	stream.indirect_vreg.gather [hbm4b:s3+s2], $0x80, v4, vm0, $0xb8;
	[tilespmem:$0x1C100] =	vst v63  }
0x89: {  	s28 =	simm.s32 $0xD900;
	v3 =	vadd.s32 v1, v3  }
0x8a: {  	[tilespmem:s28], [sflag:$0x1] =	stream.indirect_vreg.gather [hbm4b:s8+s2], $0x80, v4, vm0, $0xb8;
	[tilespmem:$0x1C100] =	vst v63  }
0x8b: {  	s29 =	simm.s32 $0xE100  }
0x8c: {  	[tilespmem:s29], [sflag:$0x1] =	stream.indirect_vreg.gather [hbm4b:s9+s2], $0x80, v4, vm0, $0xb8;
	[tilespmem:$0x1C100] =	vst v63  }
0x8d: {  	s30 =	simm.s32 $0xE900  }
0x8e: {  	[tilespmem:s30], [sflag:$0x1] =	stream.indirect_vreg.gather [hbm4b:s3+s2], $0x80, v3, vm0, $0xb8;
	[tilespmem:$0x1C100] =	vst v63  }
0x8f: {  	s16 =	simm.s32 $0xF100  }
0x90: {  	[tilespmem:s16], [sflag:$0x1] =	stream.indirect_vreg.gather [hbm4b:s8+s2], $0x80, v3, vm0, $0xb8;
	[tilespmem:$0x1C100] =	vst v63  }
0x91: {  	s17 =	simm.s32 $0xF900  }
0x92: {  	[tilespmem:s17], [sflag:$0x1] =	stream.indirect_vreg.gather [hbm4b:s9+s2], $0x80, v3, vm0, $0xb8;
	[tilespmem:$0x1C100] =	vst v63  }
0x93: {  	v3 =	vld [tilespmem:$0xA0];
	_ =	sdelay $0x4  }
0x94: {  	v62 =	vshrl.u32 v3, $0x3  }
0x95: {  	v4 =	vmul.u32 $0x30, v62  }
0x96: {  	v3 =	vand.u32 $0x7, v3  }
0x97: {  	v3 =	vor.u32 v3, v4  }
0x98: {  	v4 =	vperm.xlane v3, v0;
	_ =	sdelay $0x1  }
0x99: {  	v4 =	vadd.s32 v1, v4;
	_ =	sdelay $0x3  }
0x9a: {  	s18 =	simm.s32 $0x16100;
	v3 =	vperm.xlane v3, v2  }
0x9b: {  	[tilespmem:s18], [sflag:$0x2] =	stream.indirect_vreg.gather [hbm4b:s3+s2], $0x80, v4, vm0, $0xb8;
	[tilespmem:$0x1C100] =	vst v63  }
0x9c: {  	s19 =	simm.s32 $0x16900;
	v3 =	vadd.s32 v1, v3  }
0x9d: {  	[tilespmem:s19], [sflag:$0x2] =	stream.indirect_vreg.gather [hbm4b:s8+s2], $0x80, v4, vm0, $0xb8;
	[tilespmem:$0x1C100] =	vst v63  }
0x9e: {  	s20 =	simm.s32 $0x17100  }
0x9f: {  	[tilespmem:s20], [sflag:$0x2] =	stream.indirect_vreg.gather [hbm4b:s9+s2], $0x80, v4, vm0, $0xb8;
	[tilespmem:$0x1C100] =	vst v63  }
0xa0: {  	s21 =	simm.s32 $0x17900  }
0xa1: {  	[tilespmem:s21], [sflag:$0x2] =	stream.indirect_vreg.gather [hbm4b:s3+s2], $0x80, v3, vm0, $0xb8;
	[tilespmem:$0x1C100] =	vst v63  }
0xa2: {  	s22 =	simm.s32 $0x18100  }
0xa3: {  	[tilespmem:s22], [sflag:$0x2] =	stream.indirect_vreg.gather [hbm4b:s8+s2], $0x80, v3, vm0, $0xb8;
	[tilespmem:$0x1C100] =	vst v63  }
0xa4: {  	s23 =	simm.s32 $0x18900  }
0xa5: {  	[tilespmem:s23], [sflag:$0x2] =	stream.indirect_vreg.gather [hbm4b:s9+s2], $0x80, v3, vm0, $0xb8;
	[tilespmem:$0x1C100] =	vst v63  }
0xa6: {  	v3 =	vld [tilespmem:$0xB0];
	_ =	sdelay $0x4  }
0xa7: {  	v63 =	vshrl.u32 v3, $0x3  }
0xa8: {  	v4 =	vmul.u32 $0x30, v63  }
0xa9: {  	v3 =	vand.u32 $0x7, v3  }
0xaa: {  	v3 =	vor.u32 v3, v4  }
0xab: {  	v4 =	vperm.xlane v3, v0;
	_ =	sdelay $0x1  }
0xac: {  	v4 =	vadd.s32 v1, v4;
	_ =	sdelay $0x3  }
0xad: {  	s24 =	simm.s32 $0x19100;
	v3 =	vperm.xlane v3, v2  }
0xae: {  	[tilespmem:s24], [sflag:$0x2] =	stream.indirect_vreg.gather [hbm4b:s3+s2], $0x80, v4, vm0, $0xb8;
	[tilespmem:$0x1C100] =	vst v63  }
0xaf: {  	s25 =	simm.s32 $0x19900;
	v3 =	vadd.s32 v1, v3  }
0xb0: {  	[tilespmem:s25], [sflag:$0x2] =	stream.indirect_vreg.gather [hbm4b:s8+s2], $0x80, v4, vm0, $0xb8;
	[tilespmem:$0x1C100] =	vst v63  }
0xb1: {  	s26 =	simm.s32 $0x1A100  }
0xb2: {  	[tilespmem:s26], [sflag:$0x2] =	stream.indirect_vreg.gather [hbm4b:s9+s2], $0x80, v4, vm0, $0xb8;
	[tilespmem:$0x1C100] =	vst v63  }
0xb3: {  	s28 =	simm.s32 $0x1A900  }
0xb4: {  	[tilespmem:s28], [sflag:$0x2] =	stream.indirect_vreg.gather [hbm4b:s3+s2], $0x80, v3, vm0, $0xb8;
	[tilespmem:$0x1C100] =	vst v63  }
0xb5: {  	s29 =	simm.s32 $0x1B100  }
0xb6: {  	[tilespmem:s29], [sflag:$0x2] =	stream.indirect_vreg.gather [hbm4b:s8+s2], $0x80, v3, vm0, $0xb8;
	[tilespmem:$0x1C100] =	vst v63  }
0xb7: {  	s30 =	simm.s32 $0x1B900  }
0xb8: {  	[tilespmem:s30], [sflag:$0x2] =	stream.indirect_vreg.gather [hbm4b:s9+s2], $0x80, v3, vm0, $0xb8;
	[tilespmem:$0x1C100] =	vst v63  }
0xb9: {  	_ =	swait.ge [sflag:s31], $0x6000  }
0xba: {  	[sflag:s31] =	ssyncset.done $0x0  }
0xbb: {  	[sflag:s31] =	ssyncadd.s32 $0xFFFFA000  }
0xbc: {  	_ =	swait.ge [sflag:s0], $0x6000  }
0xbd: {  	s15 =	simm.s32 $0xFFFFFFFC;
	s16 =	simm.s32 $0x2200;
	[sflag:s0] =	ssyncset.done $0x0  }
0xbe: {  	s18 =	simm.s32 $0x200;
	s19 =	simm.s32 $0x0;
	[sflag:s0] =	ssyncadd.s32 $0xFFFFA000  }
.LBB2_2:
0xbf: {  	s15 =	sadd.s32 $0x4, s15  }
0xc0: {  	s17 =	sshrl.u32 s15, $0x3  }
0xc1: {  	s25 =	smul.u32 $0x1800, s17  }
0xc2: {  	v3 =	vld [tilespmem:s18+$0xFFFFFF00];
	s26 =	sand.u32 $0x200, s19  }
0xc3: {  	v4 =	vld [tilespmem:s16+$0xFFFFFF00];
	s17 =	sor.u32 s26, s25  }
0xc4: {  	v5 =	vld [tilespmem:s17+$0x4100]  }
0xc5: {  	v6 =	vld [tilespmem:s17+$0x10100]  }
0xc6: {  	v7 =	vld [tilespmem:s17+$0x4110]  }
0xc7: {  	v8 =	vld [tilespmem:s17+$0x10110]  }
0xc8: {  	v9 =	vld [tilespmem:s17+$0x4120]  }
0xc9: {  	v10 =	vld [tilespmem:s17+$0x10120]  }
0xca: {  	v11 =	vld [tilespmem:s17+$0x4130]  }
0xcb: {  	v12 =	vld [tilespmem:s17+$0x10130]  }
0xcc: {  	v13 =	vld [tilespmem:s17+$0x4140]  }
0xcd: {  	v14 =	vld [tilespmem:s17+$0x10140]  }
0xce: {  	v15 =	vld [tilespmem:s17+$0x4150]  }
0xcf: {  	v16 =	vld [tilespmem:s17+$0x10150]  }
0xd0: {  	v17 =	vld [tilespmem:s17+$0x4160]  }
0xd1: {  	v18 =	vld [tilespmem:s17+$0x10160]  }
0xd2: {  	v19 =	vld [tilespmem:s17+$0x4170]  }
0xd3: {  	v20 =	vld [tilespmem:s17+$0x10170]  }
0xd4: {  	v21 =	vld [tilespmem:s17+$0x4500]  }
0xd5: {  	v22 =	vld [tilespmem:s17+$0x10500]  }
0xd6: {  	v23 =	vld [tilespmem:s17+$0x4510]  }
0xd7: {  	v24 =	vld [tilespmem:s17+$0x10510]  }
0xd8: {  	v25 =	vld [tilespmem:s17+$0x4520]  }
0xd9: {  	v26 =	vld [tilespmem:s17+$0x10520];
	v5 =	vmul.f32 v5, v3;
	v6 =	vmul.f32 v6, v4  }
0xda: {  	v27 =	vld [tilespmem:s17+$0x4530];
	v7 =	vmul.f32 v7, v3;
	v8 =	vmul.f32 v8, v4  }
0xdb: {  	v42 =	vld [tilespmem:s17+$0x10530];
	v40 =	vmul.f32 v9, v3;
	v41 =	vmul.f32 v10, v4;
	v5 =	vadd.f32 v6, v5  }
0xdc: {  	v45 =	vld [tilespmem:s17+$0x4540];
	v43 =	vmul.f32 v11, v3;
	v44 =	vmul.f32 v12, v4;
	v7 =	vadd.f32 v8, v7  }
0xdd: {  	v49 =	vld [tilespmem:s17+$0x10540];
	v47 =	vmul.f32 v13, v3;
	v48 =	vmul.f32 v14, v4;
	v46 =	vadd.f32 v41, v40;
	[tilespmem:s17+$0x4100] =	vst v5  }
0xde: {  	v53 =	vld [tilespmem:s17+$0x4550];
	v51 =	vmul.f32 v15, v3;
	v52 =	vmul.f32 v16, v4;
	v50 =	vadd.f32 v44, v43;
	[tilespmem:s17+$0x4110] =	vst v7  }
0xdf: {  	v57 =	vld [tilespmem:s17+$0x10550];
	v55 =	vmul.f32 v17, v3;
	v56 =	vmul.f32 v18, v4;
	v54 =	vadd.f32 v48, v47;
	[tilespmem:s17+$0x4120] =	vst v46  }
0xe0: {  	v61 =	vld [tilespmem:s17+$0x4560];
	v59 =	vmul.f32 v19, v3;
	v60 =	vmul.f32 v20, v4;
	v58 =	vadd.f32 v52, v51;
	[tilespmem:s17+$0x4130] =	vst v50  }
0xe1: {  	v1 =	vld [tilespmem:s17+$0x10560];
	v63 =	vmul.f32 v21, v3;
	v0 =	vmul.f32 v22, v4;
	v62 =	vadd.f32 v56, v55;
	[tilespmem:s17+$0x4140] =	vst v54  }
0xe2: {  	v29 =	vld [tilespmem:s17+$0x10570];
	v21 =	vmul.f32 v23, v3;
	v22 =	vmul.f32 v24, v4;
	v2 =	vadd.f32 v60, v59;
	[tilespmem:s17+$0x4150] =	vst v58  }
0xe3: {  	v23 =	vld [tilespmem:s17+$0x4570];
	v25 =	vmul.f32 v25, v3;
	v28 =	vmul.f32 v26, v4;
	v24 =	vadd.f32 v0, v63;
	[tilespmem:s17+$0x4160] =	vst v62  }
0xe4: {  	v31 =	vmul.f32 v27, v3;
	v10 =	vmul.f32 v42, v4;
	v30 =	vadd.f32 v22, v21;
	[tilespmem:s17+$0x4170] =	vst v2  }
0xe5: {  	v33 =	vmul.f32 v45, v3;
	v34 =	vmul.f32 v49, v4;
	v32 =	vadd.f32 v28, v25;
	[tilespmem:s17+$0x4500] =	vst v24  }
0xe6: {  	v36 =	vmul.f32 v53, v3;
	v37 =	vmul.f32 v57, v4;
	v35 =	vadd.f32 v10, v31;
	[tilespmem:s17+$0x4510] =	vst v30  }
0xe7: {  	s22 =	sadd.s32 $0x800, s25;
	v39 =	vmul.f32 v61, v3;
	v38 =	vadd.f32 v34, v33;
	v40 =	vmul.f32 v1, v4;
	[tilespmem:s17+$0x4520] =	vst v32  }
0xe8: {  	s20 =	sor.u32 s26, s22;
	v41 =	vadd.f32 v37, v36;
	v43 =	vmul.f32 v29, v4;
	[tilespmem:s17+$0x4530] =	vst v35;
	v42 =	vmul.f32 v23, v3  }
0xe9: {  	[tilespmem:s17+$0x4540] =	vst v38;
	v44 =	vadd.f32 v40, v39;
	v46 =	vld [tilespmem:s20+$0x4100]  }
0xea: {  	[tilespmem:s17+$0x4550] =	vst v41;
	v47 =	vld [tilespmem:s20+$0x4110];
	v45 =	vadd.f32 v43, v42  }
0xeb: {  	v49 =	vld [tilespmem:s20+$0x4120];
	[tilespmem:s17+$0x4560] =	vst v44  }
0xec: {  	v51 =	vld [tilespmem:s20+$0x4130];
	[tilespmem:s17+$0x4570] =	vst v45  }
0xed: {  	v6 =	vld [tilespmem:s20+$0x10100]  }
0xee: {  	v48 =	vld [tilespmem:s20+$0x10110]  }
0xef: {  	v50 =	vld [tilespmem:s20+$0x10120]  }
0xf0: {  	v52 =	vld [tilespmem:s20+$0x10130]  }
0xf1: {  	v53 =	vld [tilespmem:s20+$0x4140]  }
0xf2: {  	v54 =	vld [tilespmem:s20+$0x10140]  }
0xf3: {  	v55 =	vld [tilespmem:s20+$0x4150]  }
0xf4: {  	v56 =	vld [tilespmem:s20+$0x10150]  }
0xf5: {  	v57 =	vld [tilespmem:s20+$0x4160]  }
0xf6: {  	v5 =	vmul.f32 v46, v3;
	v58 =	vld [tilespmem:s20+$0x10160];
	v6 =	vmul.f32 v6, v4  }
0xf7: {  	v7 =	vmul.f32 v47, v3;
	v59 =	vld [tilespmem:s20+$0x4170];
	v8 =	vmul.f32 v48, v4  }
0xf8: {  	v60 =	vmul.f32 v49, v3;
	v62 =	vld [tilespmem:s20+$0x10170];
	v61 =	vmul.f32 v50, v4;
	v5 =	vadd.f32 v6, v5  }
0xf9: {  	v63 =	vmul.f32 v51, v3;
	v0 =	vmul.f32 v52, v4;
	v7 =	vadd.f32 v8, v7  }
0xfa: {  	v2 =	vmul.f32 v53, v3;
	v12 =	vmul.f32 v54, v4;
	v1 =	vadd.f32 v61, v60;
	[tilespmem:s20+$0x4100] =	vst v5  }
0xfb: {  	v14 =	vmul.f32 v55, v3;
	v15 =	vmul.f32 v56, v4;
	v13 =	vadd.f32 v0, v63;
	[tilespmem:s20+$0x4110] =	vst v7  }
0xfc: {  	v17 =	vmul.f32 v57, v3;
	v20 =	vmul.f32 v58, v4;
	v16 =	vadd.f32 v12, v2;
	[tilespmem:s20+$0x4120] =	vst v1  }
0xfd: {  	v22 =	vmul.f32 v59, v3;
	v10 =	vmul.f32 v62, v4;
	v21 =	vadd.f32 v15, v14;
	[tilespmem:s20+$0x4130] =	vst v13  }
0xfe: {  	v23 =	vadd.f32 v20, v17;
	[tilespmem:s20+$0x4140] =	vst v16  }
0xff: {  	s21 =	sadd.s32 $0xC00, s25;
	v24 =	vadd.f32 v10, v22;
	[tilespmem:s20+$0x4150] =	vst v21  }
0x100: {  	s24 =	sor.u32 s26, s21;
	[tilespmem:s20+$0x4160] =	vst v23  }
0x101: {  	[tilespmem:s20+$0x4170] =	vst v24;
	v25 =	vld [tilespmem:s24+$0x4100]  }
0x102: {  	v6 =	vld [tilespmem:s24+$0x10100]  }
0x103: {  	v26 =	vld [tilespmem:s24+$0x4110]  }
0x104: {  	v27 =	vld [tilespmem:s24+$0x10110]  }
0x105: {  	v28 =	vld [tilespmem:s24+$0x4120]  }
0x106: {  	v29 =	vld [tilespmem:s24+$0x10120]  }
0x107: {  	v33 =	vld [tilespmem:s24+$0x4130]  }
0x108: {  	v34 =	vld [tilespmem:s24+$0x10130]  }
0x109: {  	v37 =	vld [tilespmem:s24+$0x4150]  }
0x10a: {  	v38 =	vld [tilespmem:s24+$0x10150]  }
0x10b: {  	v39 =	vld [tilespmem:s24+$0x4160]  }
0x10c: {  	v40 =	vld [tilespmem:s24+$0x10160]  }
0x10d: {  	v41 =	vld [tilespmem:s24+$0x4170]  }
0x10e: {  	v42 =	vld [tilespmem:s24+$0x10170];
	v5 =	vmul.f32 v25, v3;
	v6 =	vmul.f32 v6, v4  }
0x10f: {  	v35 =	vld [tilespmem:s24+$0x4140];
	v7 =	vmul.f32 v26, v3;
	v8 =	vmul.f32 v27, v4  }
0x110: {  	v36 =	vld [tilespmem:s24+$0x10140];
	v30 =	vmul.f32 v28, v3;
	v31 =	vmul.f32 v29, v4;
	v5 =	vadd.f32 v6, v5  }
0x111: {  	v43 =	vmul.f32 v37, v3;
	v44 =	vmul.f32 v38, v4;
	v7 =	vadd.f32 v8, v7  }
0x112: {  	v45 =	vmul.f32 v39, v3;
	v46 =	vmul.f32 v40, v4;
	v32 =	vadd.f32 v31, v30;
	[tilespmem:s24+$0x4100] =	vst v5  }
0x113: {  	v48 =	vmul.f32 v41, v3;
	v49 =	vmul.f32 v42, v4;
	v47 =	vadd.f32 v44, v43;
	[tilespmem:s24+$0x4110] =	vst v7  }
0x114: {  	v6 =	vmul.f32 v34, v4;
	v50 =	vadd.f32 v46, v45;
	[tilespmem:s24+$0x4120] =	vst v32;
	v5 =	vmul.f32 v33, v3  }
0x115: {  	v8 =	vmul.f32 v36, v4;
	v51 =	vadd.f32 v49, v48;
	v7 =	vmul.f32 v35, v3;
	[tilespmem:s24+$0x4150] =	vst v47  }
0x116: {  	[tilespmem:s24+$0x4160] =	vst v50;
	v5 =	vadd.f32 v6, v5  }
0x117: {  	[tilespmem:s24+$0x4170] =	vst v51;
	v7 =	vadd.f32 v8, v7  }
0x118: {  	s20 =	sadd.s32 $0x1000, s25;
	[tilespmem:s24+$0x4130] =	vst v5  }
0x119: {  	s29 =	sor.u32 s26, s20;
	[tilespmem:s24+$0x4140] =	vst v7  }
0x11a: {  	v7 =	vld [tilespmem:s29+$0x4100]  }
0x11b: {  	v8 =	vld [tilespmem:s29+$0x10100]  }
0x11c: {  	v9 =	vld [tilespmem:s29+$0x4110]  }
0x11d: {  	v10 =	vld [tilespmem:s29+$0x10110]  }
0x11e: {  	v11 =	vld [tilespmem:s29+$0x4120]  }
0x11f: {  	v12 =	vld [tilespmem:s29+$0x10120]  }
0x120: {  	v13 =	vld [tilespmem:s29+$0x4130]  }
0x121: {  	s28 =	sadd.s32 $0x80, s19;
	v14 =	vld [tilespmem:s29+$0x10130]  }
0x122: {  	s28 =	sand.u32 $0x280, s28;
	v5 =	vld [tilespmem:s18+$0xFFFFFF80]  }
0x123: {  	s17 =	sor.u32 s25, s28;
	v6 =	vld [tilespmem:s16+$0xFFFFFF80]  }
0x124: {  	v52 =	vld [tilespmem:s17+$0x4100]  }
0x125: {  	v53 =	vld [tilespmem:s17+$0x10100]  }
0x126: {  	v54 =	vld [tilespmem:s17+$0x4110]  }
0x127: {  	v55 =	vld [tilespmem:s17+$0x10110]  }
0x128: {  	v56 =	vld [tilespmem:s17+$0x4120]  }
0x129: {  	v57 =	vld [tilespmem:s17+$0x10120]  }
0x12a: {  	v58 =	vld [tilespmem:s17+$0x4130]  }
0x12b: {  	v59 =	vld [tilespmem:s17+$0x10130]  }
0x12c: {  	v60 =	vld [tilespmem:s17+$0x4140]  }
0x12d: {  	v61 =	vld [tilespmem:s17+$0x10140]  }
0x12e: {  	v62 =	vld [tilespmem:s17+$0x4150]  }
0x12f: {  	v63 =	vld [tilespmem:s17+$0x10150]  }
0x130: {  	v0 =	vld [tilespmem:s17+$0x4160]  }
0x131: {  	v28 =	vld [tilespmem:s17+$0x10160]  }
0x132: {  	v29 =	vld [tilespmem:s17+$0x4170]  }
0x133: {  	v30 =	vld [tilespmem:s17+$0x10170]  }
0x134: {  	v31 =	vld [tilespmem:s17+$0x4500]  }
0x135: {  	v32 =	vld [tilespmem:s17+$0x10500];
	v15 =	vmul.f32 v52, v5  }
0x136: {  	v33 =	vld [tilespmem:s17+$0x4510];
	v16 =	vmul.f32 v53, v6;
	v17 =	vmul.f32 v54, v5  }
0x137: {  	v34 =	vld [tilespmem:s17+$0x10510];
	v18 =	vmul.f32 v55, v6;
	v1 =	vmul.f32 v56, v5  }
0x138: {  	v35 =	vld [tilespmem:s17+$0x4520];
	v2 =	vmul.f32 v57, v6;
	v38 =	vmul.f32 v58, v5;
	v15 =	vadd.f32 v16, v15  }
0x139: {  	v36 =	vld [tilespmem:s17+$0x10520];
	v39 =	vmul.f32 v59, v6;
	v41 =	vmul.f32 v60, v5;
	v17 =	vadd.f32 v18, v17  }
0x13a: {  	v37 =	vld [tilespmem:s17+$0x4530];
	v42 =	vmul.f32 v61, v6;
	v45 =	vmul.f32 v62, v5;
	v40 =	vadd.f32 v2, v1;
	[tilespmem:s17+$0x4100] =	vst v15  }
0x13b: {  	v20 =	vld [tilespmem:s17+$0x10530];
	v46 =	vmul.f32 v63, v6;
	v49 =	vmul.f32 v0, v5;
	v44 =	vadd.f32 v39, v38;
	[tilespmem:s17+$0x4110] =	vst v17  }
0x13c: {  	v22 =	vld [tilespmem:s17+$0x4540];
	v50 =	vmul.f32 v28, v6;
	v53 =	vmul.f32 v29, v5;
	v48 =	vadd.f32 v42, v41;
	[tilespmem:s17+$0x4120] =	vst v40  }
0x13d: {  	v43 =	vld [tilespmem:s17+$0x4550];
	v54 =	vmul.f32 v30, v6;
	v57 =	vmul.f32 v31, v5;
	v52 =	vadd.f32 v46, v45;
	[tilespmem:s17+$0x4130] =	vst v44  }
0x13e: {  	v47 =	vld [tilespmem:s17+$0x10550];
	v58 =	vmul.f32 v32, v6;
	v61 =	vmul.f32 v33, v5;
	v56 =	vadd.f32 v50, v49;
	[tilespmem:s17+$0x4140] =	vst v48  }
0x13f: {  	v51 =	vld [tilespmem:s17+$0x4560];
	v62 =	vmul.f32 v34, v6;
	v7 =	vmul.f32 v7, v3;
	v60 =	vadd.f32 v54, v53;
	[tilespmem:s17+$0x4150] =	vst v52  }
0x140: {  	v55 =	vld [tilespmem:s17+$0x10560];
	v8 =	vmul.f32 v8, v4;
	v9 =	vmul.f32 v9, v3;
	v0 =	vadd.f32 v58, v57;
	[tilespmem:s17+$0x4160] =	vst v56  }
0x141: {  	v59 =	vld [tilespmem:s17+$0x4570];
	v10 =	vmul.f32 v10, v4;
	v1 =	vmul.f32 v35, v5;
	v35 =	vadd.f32 v62, v61;
	[tilespmem:s17+$0x4170] =	vst v60  }
0x142: {  	v63 =	vld [tilespmem:s17+$0x10570];
	v2 =	vmul.f32 v36, v6;
	v7 =	vadd.f32 v8, v7;
	[tilespmem:s17+$0x4500] =	vst v0  }
0x143: {  	v33 =	vld [tilespmem:s17+$0x10540];
	v20 =	vmul.f32 v20, v6;
	v36 =	vmul.f32 v37, v5;
	v9 =	vadd.f32 v10, v9;
	[tilespmem:s17+$0x4510] =	vst v35  }
0x144: {  	v34 =	vld [tilespmem:s29+$0x4140];
	v61 =	vmul.f32 v11, v3;
	v62 =	vmul.f32 v12, v4;
	v38 =	vadd.f32 v2, v1;
	[tilespmem:s29+$0x4100] =	vst v7  }
0x145: {  	v37 =	vld [tilespmem:s29+$0x10140];
	v39 =	vmul.f32 v43, v5;
	v40 =	vmul.f32 v47, v6;
	v42 =	vadd.f32 v20, v36;
	[tilespmem:s29+$0x4110] =	vst v9  }
0x146: {  	v29 =	vmul.f32 v14, v4;
	v41 =	vld [tilespmem:s29+$0x4150];
	v2 =	vmul.f32 v13, v3;
	v32 =	vadd.f32 v62, v61;
	[tilespmem:s17+$0x4520] =	vst v38  }
0x147: {  	v43 =	vmul.f32 v51, v5;
	v45 =	vld [tilespmem:s29+$0x10150];
	v44 =	vmul.f32 v55, v6;
	v46 =	vadd.f32 v40, v39;
	[tilespmem:s17+$0x4530] =	vst v42  }
0x148: {  	v49 =	vld [tilespmem:s29+$0x4160];
	v47 =	vmul.f32 v59, v5;
	v48 =	vmul.f32 v63, v6;
	v36 =	vadd.f32 v29, v2;
	[tilespmem:s29+$0x4120] =	vst v32  }
0x149: {  	v50 =	vmul.f32 v22, v5;
	v54 =	vld [tilespmem:s29+$0x4170];
	v51 =	vmul.f32 v33, v6;
	v18 =	vadd.f32 v44, v43;
	[tilespmem:s17+$0x4550] =	vst v46  }
0x14a: {  	s24 =	sadd.s32 $0x1400, s25;
	v52 =	vld [tilespmem:s29+$0x10160];
	v53 =	vadd.f32 v48, v47;
	[tilespmem:s29+$0x4130] =	vst v36  }
0x14b: {  	s26 =	sor.u32 s26, s24;
	v55 =	vld [tilespmem:s29+$0x10170];
	v17 =	vadd.f32 v51, v50;
	[tilespmem:s17+$0x4560] =	vst v18  }
0x14c: {  	s30 =	sor.u32 s28, s22;
	[tilespmem:s17+$0x4570] =	vst v53;
	v0 =	vld [tilespmem:s26+$0x4100]  }
0x14d: {  	[tilespmem:s17+$0x4540] =	vst v17;
	v15 =	vld [tilespmem:s30+$0x4100]  }
0x14e: {  	v17 =	vld [tilespmem:s30+$0x10100]  }
0x14f: {  	v56 =	vld [tilespmem:s30+$0x4110]  }
0x150: {  	v57 =	vld [tilespmem:s30+$0x10110]  }
0x151: {  	v58 =	vld [tilespmem:s30+$0x4120]  }
0x152: {  	v59 =	vld [tilespmem:s30+$0x10120]  }
0x153: {  	v60 =	vld [tilespmem:s30+$0x4130]  }
0x154: {  	v63 =	vld [tilespmem:s30+$0x10130]  }
0x155: {  	v31 =	vld [tilespmem:s30+$0x4140]  }
0x156: {  	v35 =	vld [tilespmem:s30+$0x4150]  }
0x157: {  	v33 =	vmul.f32 v34, v3;
	v34 =	vmul.f32 v37, v4;
	v39 =	vld [tilespmem:s30+$0x10150]  }
0x158: {  	v37 =	vmul.f32 v41, v3;
	v38 =	vmul.f32 v45, v4;
	v43 =	vld [tilespmem:s30+$0x4160]  }
0x159: {  	v41 =	vmul.f32 v49, v3;
	v40 =	vadd.f32 v34, v33;
	v42 =	vmul.f32 v52, v4;
	v47 =	vld [tilespmem:s30+$0x10160]  }
0x15a: {  	v45 =	vmul.f32 v54, v3;
	v44 =	vadd.f32 v38, v37;
	v46 =	vmul.f32 v55, v4;
	v51 =	vld [tilespmem:s30+$0x4170]  }
0x15b: {  	v55 =	vld [tilespmem:s30+$0x10170];
	[tilespmem:s29+$0x4140] =	vst v40;
	v48 =	vadd.f32 v42, v41;
	v49 =	vmul.f32 v15, v5;
	v50 =	vmul.f32 v17, v6  }
0x15c: {  	[tilespmem:s29+$0x4150] =	vst v44;
	v52 =	vadd.f32 v46, v45;
	v25 =	vld [tilespmem:s26+$0x4110];
	v53 =	vmul.f32 v56, v5;
	v54 =	vmul.f32 v57, v6  }
0x15d: {  	[tilespmem:s29+$0x4160] =	vst v48;
	v57 =	vmul.f32 v58, v5;
	v58 =	vmul.f32 v59, v6;
	v59 =	vld [tilespmem:s30+$0x10140];
	v56 =	vadd.f32 v50, v49  }
0x15e: {  	v30 =	vld [tilespmem:s26+$0x4120];
	[tilespmem:s29+$0x4170] =	vst v52;
	v60 =	vmul.f32 v60, v5;
	v12 =	vmul.f32 v63, v6;
	v13 =	vadd.f32 v54, v53  }
0x15f: {  	v34 =	vld [tilespmem:s26+$0x4130];
	v63 =	vmul.f32 v35, v5;
	v24 =	vmul.f32 v39, v6;
	v62 =	vadd.f32 v58, v57;
	[tilespmem:s30+$0x4100] =	vst v56  }
0x160: {  	v61 =	vld [tilespmem:s26+$0x10100];
	v20 =	vmul.f32 v43, v5;
	v16 =	vmul.f32 v47, v6;
	v19 =	vadd.f32 v12, v60;
	[tilespmem:s30+$0x4110] =	vst v13  }
0x161: {  	v26 =	vld [tilespmem:s26+$0x10110];
	v28 =	vmul.f32 v51, v5;
	v29 =	vmul.f32 v55, v6;
	v27 =	vadd.f32 v24, v63;
	[tilespmem:s30+$0x4120] =	vst v62  }
0x162: {  	v31 =	vmul.f32 v31, v5;
	v32 =	vld [tilespmem:s26+$0x10120];
	v16 =	vadd.f32 v16, v20;
	[tilespmem:s30+$0x4130] =	vst v19;
	v18 =	vmul.f32 v59, v6  }
0x163: {  	v17 =	vld [tilespmem:s26+$0x4140];
	v33 =	vadd.f32 v29, v28;
	[tilespmem:s30+$0x4150] =	vst v27  }
0x164: {  	v23 =	vld [tilespmem:s26+$0x10160];
	[tilespmem:s30+$0x4160] =	vst v16;
	v35 =	vadd.f32 v18, v31  }
0x165: {  	s23 =	sor.u32 s28, s21;
	v20 =	vld [tilespmem:s26+$0x10150];
	[tilespmem:s30+$0x4170] =	vst v33  }
0x166: {  	v7 =	vld [tilespmem:s23+$0x4100];
	[tilespmem:s30+$0x4140] =	vst v35  }
0x167: {  	v8 =	vld [tilespmem:s23+$0x10100]  }
0x168: {  	v36 =	vld [tilespmem:s23+$0x4110]  }
0x169: {  	v37 =	vld [tilespmem:s23+$0x10110]  }
0x16a: {  	v19 =	vld [tilespmem:s23+$0x4120]  }
0x16b: {  	v38 =	vld [tilespmem:s23+$0x10120]  }
0x16c: {  	v39 =	vld [tilespmem:s23+$0x4130]  }
0x16d: {  	v40 =	vld [tilespmem:s23+$0x10130]  }
0x16e: {  	v41 =	vld [tilespmem:s23+$0x4140]  }
0x16f: {  	v42 =	vld [tilespmem:s23+$0x4150]  }
0x170: {  	v43 =	vld [tilespmem:s23+$0x10150]  }
0x171: {  	v44 =	vld [tilespmem:s23+$0x4160]  }
0x172: {  	v45 =	vld [tilespmem:s23+$0x10160]  }
0x173: {  	v7 =	vmul.f32 v7, v5;
	v46 =	vld [tilespmem:s23+$0x4170];
	v8 =	vmul.f32 v8, v6  }
0x174: {  	[tilespmem:$0x1FF60] =	vst v0;
	v48 =	vld [tilespmem:s23+$0x10170];
	v47 =	vmul.f32 v36, v5;
	v18 =	vmul.f32 v37, v6  }
0x175: {  	[tilespmem:$0x1FF80] =	vst v25;
	v51 =	vld [tilespmem:s23+$0x10140];
	v49 =	vmul.f32 v19, v5;
	v50 =	vmul.f32 v38, v6;
	v7 =	vadd.f32 v8, v7  }
0x176: {  	v24 =	vld [tilespmem:s26+$0x10170];
	[tilespmem:$0x1FF70] =	vst v61;
	v21 =	vmul.f32 v39, v5;
	v22 =	vmul.f32 v40, v6;
	v52 =	vadd.f32 v18, v47  }
0x177: {  	v16 =	vld [tilespmem:s26+$0x10130];
	v54 =	vmul.f32 v42, v5;
	v55 =	vmul.f32 v43, v6;
	v53 =	vadd.f32 v50, v49;
	[tilespmem:s23+$0x4100] =	vst v7  }
0x178: {  	v19 =	vld [tilespmem:s26+$0x4150];
	v56 =	vmul.f32 v44, v5;
	v57 =	vmul.f32 v45, v6;
	v22 =	vadd.f32 v22, v21;
	[tilespmem:s23+$0x4110] =	vst v52  }
0x179: {  	v59 =	vmul.f32 v46, v5;
	v60 =	vmul.f32 v48, v6;
	v18 =	vld [tilespmem:s26+$0x10140];
	v58 =	vadd.f32 v55, v54;
	[tilespmem:s23+$0x4120] =	vst v53  }
0x17a: {  	v61 =	vmul.f32 v41, v5;
	v62 =	vmul.f32 v51, v6;
	v21 =	vld [tilespmem:s26+$0x4160];
	v25 =	vadd.f32 v57, v56;
	[tilespmem:s23+$0x4130] =	vst v22  }
0x17b: {  	v63 =	vadd.f32 v60, v59;
	v8 =	vld [tilespmem:s16+$0x0];
	[tilespmem:s23+$0x4150] =	vst v58  }
0x17c: {  	v0 =	vadd.f32 v62, v61;
	v22 =	vld [tilespmem:s26+$0x4170];
	[tilespmem:s23+$0x4160] =	vst v25  }
0x17d: {  	s17 =	sor.u32 s28, s20;
	[tilespmem:s23+$0x4170] =	vst v63;
	v7 =	vld [tilespmem:s18+$0x0]  }
0x17e: {  	[tilespmem:s23+$0x4140] =	vst v0;
	v25 =	vld [tilespmem:s17+$0x4100]  }
0x17f: {  	v1 =	vld [tilespmem:s17+$0x10100]  }
0x180: {  	v2 =	vld [tilespmem:s17+$0x4110]  }
0x181: {  	v12 =	vld [tilespmem:s17+$0x10110]  }
0x182: {  	v13 =	vld [tilespmem:s17+$0x4120]  }
0x183: {  	v14 =	vld [tilespmem:s17+$0x10120]  }
0x184: {  	v15 =	vld [tilespmem:s17+$0x4130]  }
0x185: {  	v57 =	vld [tilespmem:s17+$0x10130]  }
0x186: {  	v58 =	vld [tilespmem:s17+$0x4140]  }
0x187: {  	v59 =	vld [tilespmem:s17+$0x10140]  }
0x188: {  	v60 =	vld [tilespmem:s17+$0x4150]  }
0x189: {  	v61 =	vld [tilespmem:s17+$0x10150]  }
0x18a: {  	v62 =	vld [tilespmem:s17+$0x4160]  }
0x18b: {  	s30 =	sadd.s32 $0x100, s19;
	v38 =	vld [tilespmem:s17+$0x10160]  }
0x18c: {  	s29 =	sand.u32 $0x300, s30;
	v39 =	vld [tilespmem:s17+$0x4170]  }
0x18d: {  	s23 =	sor.u32 s25, s29;
	v40 =	vld [tilespmem:s17+$0x10170]  }
0x18e: {  	v41 =	vld [tilespmem:s23+$0x4100]  }
0x18f: {  	v42 =	vld [tilespmem:s23+$0x10100]  }
0x190: {  	v43 =	vld [tilespmem:s23+$0x4110]  }
0x191: {  	v44 =	vld [tilespmem:s23+$0x10110]  }
0x192: {  	v45 =	vld [tilespmem:s23+$0x4120]  }
0x193: {  	v46 =	vld [tilespmem:s23+$0x10120]  }
0x194: {  	v47 =	vld [tilespmem:s23+$0x4130]  }
0x195: {  	v48 =	vld [tilespmem:s23+$0x10130]  }
0x196: {  	v49 =	vld [tilespmem:s23+$0x4140]  }
0x197: {  	v50 =	vld [tilespmem:s23+$0x10140]  }
0x198: {  	v51 =	vld [tilespmem:s23+$0x4150]  }
0x199: {  	v52 =	vld [tilespmem:s23+$0x10150]  }
0x19a: {  	v53 =	vld [tilespmem:s23+$0x4160]  }
0x19b: {  	v54 =	vld [tilespmem:s23+$0x10160]  }
0x19c: {  	[tilespmem:$0x1FFA0] =	vst v30;
	v55 =	vld [tilespmem:s23+$0x4170]  }
0x19d: {  	[tilespmem:$0x1FF90] =	vst v26;
	v30 =	vld [tilespmem:s23+$0x10170]  }
0x19e: {  	[tilespmem:$0x1FFB0] =	vst v32;
	v32 =	vld [tilespmem:s23+$0x4500];
	v25 =	vmul.f32 v25, v5;
	v26 =	vmul.f32 v1, v6  }
0x19f: {  	v33 =	vld [tilespmem:s23+$0x10500];
	v27 =	vmul.f32 v2, v5;
	v28 =	vmul.f32 v12, v6  }
0x1a0: {  	[tilespmem:$0x1FFC0] =	vst v34;
	v34 =	vld [tilespmem:s23+$0x4510];
	v63 =	vmul.f32 v13, v5;
	v0 =	vmul.f32 v14, v6  }
0x1a1: {  	v35 =	vld [tilespmem:s23+$0x10510];
	v1 =	vmul.f32 v15, v5;
	v2 =	vmul.f32 v57, v6  }
0x1a2: {  	v36 =	vld [tilespmem:s23+$0x4520];
	v10 =	vmul.f32 v58, v5;
	v11 =	vmul.f32 v59, v6;
	v25 =	vadd.f32 v26, v25  }
0x1a3: {  	v37 =	vld [tilespmem:s23+$0x10520];
	v13 =	vmul.f32 v60, v5;
	v14 =	vmul.f32 v61, v6;
	v27 =	vadd.f32 v28, v27  }
0x1a4: {  	v56 =	vmul.f32 v62, v5;
	v57 =	vmul.f32 v38, v6;
	v38 =	vld [tilespmem:s23+$0x4530];
	v9 =	vadd.f32 v0, v63;
	[tilespmem:s17+$0x4100] =	vst v25  }
0x1a5: {  	v59 =	vmul.f32 v39, v5;
	v60 =	vmul.f32 v40, v6;
	v39 =	vld [tilespmem:s23+$0x10530];
	v12 =	vadd.f32 v2, v1;
	[tilespmem:s17+$0x4110] =	vst v27  }
0x1a6: {  	v40 =	vld [tilespmem:s23+$0x4540];
	v53 =	vmul.f32 v53, v7;
	v54 =	vmul.f32 v54, v8;
	v15 =	vadd.f32 v11, v10;
	[tilespmem:s17+$0x4120] =	vst v9  }
0x1a7: {  	v58 =	vadd.f32 v14, v13;
	v10 =	vmul.f32 v45, v7;
	v13 =	vmul.f32 v47, v7;
	v47 =	vld [tilespmem:s23+$0x10540];
	[tilespmem:s17+$0x4130] =	vst v12  }
0x1a8: {  	v61 =	vadd.f32 v57, v56;
	v45 =	vmul.f32 v49, v7;
	v49 =	vmul.f32 v51, v7;
	v51 =	vld [tilespmem:s23+$0x4550];
	[tilespmem:s17+$0x4140] =	vst v15  }
0x1a9: {  	v62 =	vmul.f32 v41, v7;
	v63 =	vmul.f32 v42, v8;
	v0 =	vadd.f32 v60, v59;
	v56 =	vld [tilespmem:s23+$0x10550];
	[tilespmem:s17+$0x4150] =	vst v58  }
0x1aa: {  	v1 =	vmul.f32 v43, v7;
	v2 =	vmul.f32 v44, v8;
	v59 =	vld [tilespmem:s23+$0x4560];
	v60 =	vadd.f32 v54, v53;
	[tilespmem:s17+$0x4160] =	vst v61  }
0x1ab: {  	v11 =	vmul.f32 v46, v8;
	v9 =	vadd.f32 v63, v62;
	[tilespmem:s17+$0x4170] =	vst v0;
	v63 =	vld [tilespmem:s23+$0x10560]  }
0x1ac: {  	s28 =	sor.u32 s28, s24;
	v30 =	vmul.f32 v30, v8;
	v14 =	vmul.f32 v48, v8;
	v12 =	vadd.f32 v2, v1;
	v2 =	vld [tilespmem:s23+$0x4570];
	[tilespmem:s23+$0x4160] =	vst v60  }
0x1ad: {  	v46 =	vmul.f32 v50, v8;
	v50 =	vmul.f32 v52, v8;
	v15 =	vadd.f32 v11, v10;
	v27 =	vld [tilespmem:s28+$0x4100];
	[tilespmem:s23+$0x4100] =	vst v9  }
0x1ae: {  	v48 =	vadd.f32 v14, v13;
	v58 =	vmul.f32 v55, v7;
	v61 =	vmul.f32 v32, v7;
	v29 =	vld [tilespmem:s28+$0x4110];
	[tilespmem:s23+$0x4110] =	vst v12  }
0x1af: {  	v52 =	vadd.f32 v46, v45;
	v62 =	vmul.f32 v33, v8;
	v0 =	vmul.f32 v34, v7;
	v31 =	vld [tilespmem:s28+$0x4120];
	[tilespmem:s23+$0x4120] =	vst v15  }
0x1b0: {  	v1 =	vmul.f32 v35, v8;
	v11 =	vmul.f32 v37, v8;
	v37 =	vld [tilespmem:s28+$0x4150];
	[tilespmem:s23+$0x4130] =	vst v48;
	v28 =	vadd.f32 v30, v58  }
0x1b1: {  	v10 =	vmul.f32 v36, v7;
	v13 =	vmul.f32 v38, v7;
	v38 =	vld [tilespmem:s28+$0x10150];
	[tilespmem:s23+$0x4140] =	vst v52;
	v9 =	vadd.f32 v62, v61  }
0x1b2: {  	v14 =	vmul.f32 v39, v8;
	v12 =	vld [tilespmem:s23+$0x10570];
	v30 =	vadd.f32 v1, v0;
	[tilespmem:s23+$0x4170] =	vst v28  }
0x1b3: {  	v41 =	vld [tilespmem:s28+$0x10160];
	v15 =	vadd.f32 v11, v10;
	[tilespmem:s23+$0x4500] =	vst v9  }
0x1b4: {  	v40 =	vmul.f32 v40, v7;
	v44 =	vmul.f32 v47, v8;
	v33 =	vadd.f32 v14, v13;
	v28 =	vld [tilespmem:s28+$0x10100];
	[tilespmem:s23+$0x4510] =	vst v30  }
0x1b5: {  	v57 =	vadd.f32 v50, v49;
	v45 =	vmul.f32 v51, v7;
	v46 =	vmul.f32 v56, v8;
	v30 =	vld [tilespmem:s28+$0x10110];
	[tilespmem:s23+$0x4520] =	vst v15  }
0x1b6: {  	s17 =	sor.u32 s29, s22;
	v48 =	vmul.f32 v59, v7;
	v47 =	vadd.f32 v44, v40;
	v32 =	vmul.f32 v63, v8;
	[tilespmem:s23+$0x4530] =	vst v33;
	v33 =	vld [tilespmem:s28+$0x10120]  }
0x1b7: {  	[tilespmem:s23+$0x4150] =	vst v57;
	v36 =	vadd.f32 v46, v45;
	v34 =	vmul.f32 v2, v7;
	v51 =	vld [tilespmem:s17+$0x4100];
	v35 =	vmul.f32 v12, v8  }
0x1b8: {  	[tilespmem:s23+$0x4540] =	vst v47;
	v49 =	vadd.f32 v32, v48;
	v32 =	vld [tilespmem:s28+$0x4130]  }
0x1b9: {  	[tilespmem:s23+$0x4550] =	vst v36;
	v52 =	vld [tilespmem:s17+$0x4110];
	v50 =	vadd.f32 v35, v34  }
0x1ba: {  	v53 =	vld [tilespmem:s17+$0x4120];
	[tilespmem:s23+$0x4560] =	vst v49  }
0x1bb: {  	v55 =	vld [tilespmem:s17+$0x4130];
	[tilespmem:s23+$0x4570] =	vst v50  }
0x1bc: {  	v26 =	vld [tilespmem:s17+$0x10100]  }
0x1bd: {  	v36 =	vld [tilespmem:s17+$0x10110]  }
0x1be: {  	v54 =	vld [tilespmem:s17+$0x10120]  }
0x1bf: {  	v56 =	vld [tilespmem:s17+$0x10130]  }
0x1c0: {  	v57 =	vld [tilespmem:s17+$0x4140]  }
0x1c1: {  	v58 =	vld [tilespmem:s17+$0x10140]  }
0x1c2: {  	v59 =	vld [tilespmem:s17+$0x4150]  }
0x1c3: {  	v60 =	vld [tilespmem:s17+$0x10150]  }
0x1c4: {  	v61 =	vld [tilespmem:s17+$0x4160]  }
0x1c5: {  	v25 =	vmul.f32 v51, v7;
	v62 =	vld [tilespmem:s17+$0x10160];
	v26 =	vmul.f32 v26, v8  }
0x1c6: {  	v0 =	vld [tilespmem:s17+$0x4170];
	v63 =	vmul.f32 v52, v7;
	v36 =	vmul.f32 v36, v8  }
0x1c7: {  	v9 =	vld [tilespmem:s17+$0x10170];
	v1 =	vmul.f32 v53, v7;
	v2 =	vmul.f32 v54, v8;
	v25 =	vadd.f32 v26, v25  }
0x1c8: {  	v34 =	vld [tilespmem:s28+$0x10130];
	v39 =	vmul.f32 v55, v7;
	v40 =	vmul.f32 v56, v8;
	v10 =	vadd.f32 v36, v63  }
0x1c9: {  	v35 =	vld [tilespmem:s28+$0x4140];
	v12 =	vmul.f32 v57, v7;
	v13 =	vmul.f32 v58, v8;
	v11 =	vadd.f32 v2, v1;
	[tilespmem:s17+$0x4100] =	vst v25  }
0x1ca: {  	v14 =	vmul.f32 v59, v7;
	v15 =	vmul.f32 v60, v8;
	v36 =	vld [tilespmem:s28+$0x10140];
	v40 =	vadd.f32 v40, v39;
	[tilespmem:s17+$0x4110] =	vst v10  }
0x1cb: {  	v51 =	vmul.f32 v61, v7;
	v52 =	vmul.f32 v62, v8;
	v50 =	vadd.f32 v13, v12;
	v39 =	vld [tilespmem:s28+$0x4160];
	[tilespmem:s17+$0x4120] =	vst v11  }
0x1cc: {  	v53 =	vmul.f32 v0, v7;
	v54 =	vmul.f32 v9, v8;
	v42 =	vadd.f32 v15, v14;
	v26 =	vld [tilespmem:s16+$0x80];
	[tilespmem:s17+$0x4130] =	vst v40  }
0x1cd: {  	v55 =	vadd.f32 v52, v51;
	[tilespmem:s17+$0x4140] =	vst v50;
	v40 =	vld [tilespmem:s28+$0x4170]  }
0x1ce: {  	v56 =	vadd.f32 v54, v53;
	[tilespmem:s17+$0x4150] =	vst v42;
	v42 =	vld [tilespmem:s28+$0x10170]  }
0x1cf: {  	s23 =	sor.u32 s29, s21;
	[tilespmem:s17+$0x4160] =	vst v55;
	v25 =	vld [tilespmem:s18+$0x80]  }
0x1d0: {  	[tilespmem:s17+$0x4170] =	vst v56;
	v43 =	vld [tilespmem:s23+$0x4100]  }
0x1d1: {  	v44 =	vld [tilespmem:s23+$0x10100]  }
0x1d2: {  	v45 =	vld [tilespmem:s23+$0x4110]  }
0x1d3: {  	v46 =	vld [tilespmem:s23+$0x10110]  }
0x1d4: {  	v47 =	vld [tilespmem:s23+$0x4120]  }
0x1d5: {  	v48 =	vld [tilespmem:s23+$0x10120]  }
0x1d6: {  	v49 =	vld [tilespmem:s23+$0x4130]  }
0x1d7: {  	v50 =	vld [tilespmem:s23+$0x10130]  }
0x1d8: {  	v51 =	vld [tilespmem:s23+$0x4140]  }
0x1d9: {  	v52 =	vld [tilespmem:s23+$0x10140]  }
0x1da: {  	v53 =	vld [tilespmem:s23+$0x4150]  }
0x1db: {  	v54 =	vld [tilespmem:s23+$0x10150]  }
0x1dc: {  	v55 =	vld [tilespmem:s23+$0x4160]  }
0x1dd: {  	s30 =	sadd.s32 $0x180, s19;
	v56 =	vld [tilespmem:s23+$0x10160]  }
0x1de: {  	s30 =	sand.u32 $0x380, s30;
	v57 =	vld [tilespmem:s23+$0x4170]  }
0x1df: {  	s17 =	sor.u32 s25, s30;
	v58 =	vld [tilespmem:s23+$0x10170]  }
0x1e0: {  	v59 =	vld [tilespmem:s17+$0x4100]  }
0x1e1: {  	v60 =	vld [tilespmem:s17+$0x10100]  }
0x1e2: {  	v61 =	vld [tilespmem:s17+$0x4110]  }
0x1e3: {  	v62 =	vld [tilespmem:s17+$0x10110]  }
0x1e4: {  	v63 =	vld [tilespmem:s17+$0x4120]  }
0x1e5: {  	v0 =	vld [tilespmem:s17+$0x10120]  }
0x1e6: {  	v2 =	vld [tilespmem:s17+$0x4130]  }
0x1e7: {  	v1 =	vld [tilespmem:s17+$0x10130]  }
0x1e8: {  	v9 =	vld [tilespmem:s17+$0x4140]  }
0x1e9: {  	v10 =	vld [tilespmem:s17+$0x10140]  }
0x1ea: {  	v11 =	vld [tilespmem:s17+$0x4150]  }
0x1eb: {  	v12 =	vld [tilespmem:s17+$0x10150];
	v43 =	vmul.f32 v43, v7  }
0x1ec: {  	v15 =	vld [tilespmem:s17+$0x4160];
	v44 =	vmul.f32 v44, v8;
	v45 =	vmul.f32 v45, v7  }
0x1ed: {  	v13 =	vld [tilespmem:s17+$0x10160];
	v46 =	vmul.f32 v46, v8;
	v57 =	vmul.f32 v57, v7  }
0x1ee: {  	v14 =	vld [tilespmem:s17+$0x4170];
	v2 =	vmul.f32 v2, v25;
	v1 =	vmul.f32 v1, v26  }
0x1ef: {  	v43 =	vadd.f32 v44, v43;
	v44 =	vmul.f32 v47, v7;
	v47 =	vmul.f32 v48, v8;
	v48 =	vld [tilespmem:s17+$0x10170]  }
0x1f0: {  	v45 =	vadd.f32 v46, v45;
	v46 =	vmul.f32 v49, v7;
	v49 =	vmul.f32 v50, v8;
	v50 =	vld [tilespmem:s17+$0x4500]  }
0x1f1: {  	v1 =	vadd.f32 v1, v2;
	[tilespmem:s23+$0x4100] =	vst v43;
	v43 =	vadd.f32 v47, v44;
	v44 =	vmul.f32 v51, v7;
	v51 =	vld [tilespmem:s17+$0x10500]  }
0x1f2: {  	v58 =	vmul.f32 v58, v8;
	v47 =	vmul.f32 v52, v8;
	[tilespmem:s23+$0x4110] =	vst v45;
	v52 =	vld [tilespmem:s17+$0x4510]  }
0x1f3: {  	v45 =	vadd.f32 v49, v46;
	v46 =	vmul.f32 v53, v7;
	v49 =	vmul.f32 v54, v8;
	v53 =	vld [tilespmem:s17+$0x10510];
	[tilespmem:s17+$0x4130] =	vst v1  }
0x1f4: {  	v54 =	vld [tilespmem:s17+$0x4520];
	[tilespmem:s23+$0x4120] =	vst v43;
	v43 =	vadd.f32 v47, v44;
	v44 =	vmul.f32 v55, v7;
	v47 =	vmul.f32 v56, v8  }
0x1f5: {  	v61 =	vmul.f32 v61, v25;
	v62 =	vmul.f32 v62, v26;
	[tilespmem:s23+$0x4130] =	vst v45;
	v45 =	vadd.f32 v49, v46;
	v55 =	vld [tilespmem:s17+$0x10520]  }
0x1f6: {  	v9 =	vmul.f32 v9, v25;
	v10 =	vmul.f32 v10, v26;
	v56 =	vld [tilespmem:s17+$0x4530];
	[tilespmem:s23+$0x4140] =	vst v43;
	v43 =	vadd.f32 v47, v44  }
0x1f7: {  	v46 =	vld [tilespmem:s17+$0x4540];
	v44 =	vmul.f32 v59, v25;
	v47 =	vmul.f32 v60, v26;
	[tilespmem:s23+$0x4150] =	vst v45;
	v60 =	vadd.f32 v58, v57  }
0x1f8: {  	v59 =	vmul.f32 v63, v25;
	v63 =	vadd.f32 v10, v9;
	v45 =	vmul.f32 v13, v26;
	v13 =	vld [tilespmem:s17+$0x4560];
	[tilespmem:s23+$0x4160] =	vst v43  }
0x1f9: {  	v0 =	vmul.f32 v0, v26;
	v57 =	vmul.f32 v14, v25;
	v14 =	vld [tilespmem:s17+$0x10560];
	v58 =	vadd.f32 v47, v44;
	[tilespmem:s23+$0x4170] =	vst v60  }
0x1fa: {  	v47 =	vld [tilespmem:s17+$0x10530];
	v60 =	vadd.f32 v62, v61;
	v61 =	vmul.f32 v11, v25;
	v62 =	vmul.f32 v12, v26;
	[tilespmem:s17+$0x4140] =	vst v63  }
0x1fb: {  	v0 =	vadd.f32 v0, v59;
	v43 =	vld [tilespmem:s17+$0x4550];
	v44 =	vmul.f32 v15, v25;
	[tilespmem:s17+$0x4100] =	vst v58  }
0x1fc: {  	v12 =	vld [tilespmem:s17+$0x10550];
	[tilespmem:s17+$0x4110] =	vst v60;
	v49 =	vadd.f32 v62, v61;
	v58 =	vmul.f32 v48, v26  }
0x1fd: {  	v15 =	vld [tilespmem:s17+$0x4570];
	[tilespmem:s17+$0x4120] =	vst v0;
	v59 =	vadd.f32 v45, v44;
	v60 =	vmul.f32 v50, v25;
	v61 =	vmul.f32 v51, v26  }
0x1fe: {  	v63 =	vmul.f32 v52, v25;
	v52 =	vmul.f32 v53, v26;
	v44 =	vld [tilespmem:s17+$0x10570];
	[tilespmem:s17+$0x4150] =	vst v49;
	v62 =	vadd.f32 v58, v57  }
0x1ff: {  	s25 =	sor.u32 s29, s20;
	[tilespmem:s17+$0x4160] =	vst v59;
	v53 =	vadd.f32 v61, v60;
	v57 =	vmul.f32 v54, v25;
	v58 =	vmul.f32 v55, v26;
	v59 =	vld [tilespmem:s17+$0x10540]  }
0x200: {  	v11 =	vld [tilespmem:s25+$0x10120];
	v51 =	vmul.f32 v13, v25;
	v60 =	vadd.f32 v52, v63;
	v52 =	vmul.f32 v14, v26;
	[tilespmem:s17+$0x4170] =	vst v62  }
0x201: {  	v9 =	vld [tilespmem:s25+$0x4130];
	v43 =	vmul.f32 v43, v25;
	v49 =	vmul.f32 v12, v26;
	[tilespmem:s17+$0x4500] =	vst v53;
	v63 =	vadd.f32 v58, v57  }
0x202: {  	v48 =	vld [tilespmem:s25+$0x4100];
	v61 =	vmul.f32 v56, v25;
	v62 =	vmul.f32 v47, v26;
	[tilespmem:s17+$0x4510] =	vst v60;
	v2 =	vadd.f32 v52, v51  }
0x203: {  	v13 =	vld [tilespmem:s25+$0x10110];
	v54 =	vmul.f32 v15, v25;
	v53 =	vadd.f32 v49, v43;
	v55 =	vmul.f32 v44, v26;
	[tilespmem:s17+$0x4520] =	vst v63  }
0x204: {  	v14 =	vld [tilespmem:s25+$0x4120];
	v56 =	vmul.f32 v46, v25;
	v50 =	vadd.f32 v62, v61;
	[tilespmem:s17+$0x4560] =	vst v2;
	v57 =	vmul.f32 v59, v26  }
0x205: {  	v12 =	vld [tilespmem:s25+$0x4110];
	[tilespmem:s17+$0x4550] =	vst v53;
	v58 =	vadd.f32 v55, v54  }
0x206: {  	v47 =	vld [tilespmem:s25+$0x10100];
	[tilespmem:s17+$0x4530] =	vst v50;
	v1 =	vadd.f32 v57, v56  }
0x207: {  	s22 =	sor.u32 s30, s22;
	v51 =	vld [tilespmem:s25+$0x4150];
	[tilespmem:s17+$0x4570] =	vst v58  }
0x208: {  	v0 =	vld [tilespmem:s22+$0x4100];
	[tilespmem:s17+$0x4540] =	vst v1  }
0x209: {  	v1 =	vld [tilespmem:s22+$0x10100]  }
0x20a: {  	v10 =	vld [tilespmem:s22+$0x4110]  }
0x20b: {  	v15 =	vld [tilespmem:s22+$0x10110]  }
0x20c: {  	v59 =	vld [tilespmem:s22+$0x4120]  }
0x20d: {  	v60 =	vld [tilespmem:s22+$0x10120]  }
0x20e: {  	v45 =	vld [tilespmem:s22+$0x4130]  }
0x20f: {  	v61 =	vld [tilespmem:s22+$0x10130]  }
0x210: {  	v49 =	vld [tilespmem:s22+$0x4140]  }
0x211: {  	v62 =	vld [tilespmem:s22+$0x4150]  }
0x212: {  	v63 =	vld [tilespmem:s22+$0x10150]  }
0x213: {  	v57 =	vld [tilespmem:s22+$0x4160]  }
0x214: {  	v58 =	vld [tilespmem:s22+$0x10160]  }
0x215: {  	v54 =	vld [tilespmem:s22+$0x4170];
	v0 =	vmul.f32 v0, v25;
	v1 =	vmul.f32 v1, v26  }
0x216: {  	v55 =	vld [tilespmem:s22+$0x10170];
	v10 =	vmul.f32 v10, v25;
	v15 =	vmul.f32 v15, v26  }
0x217: {  	v44 =	vld [tilespmem:s22+$0x10140];
	v59 =	vmul.f32 v59, v25;
	v60 =	vmul.f32 v60, v26;
	v0 =	vadd.f32 v1, v0  }
0x218: {  	v52 =	vld [tilespmem:s25+$0x10150];
	v45 =	vmul.f32 v45, v25;
	v46 =	vmul.f32 v61, v26;
	v10 =	vadd.f32 v15, v10  }
0x219: {  	v43 =	vld [tilespmem:s25+$0x4170];
	v61 =	vmul.f32 v62, v25;
	v62 =	vmul.f32 v63, v26;
	v1 =	vadd.f32 v60, v59;
	[tilespmem:s22+$0x4100] =	vst v0  }
0x21a: {  	v2 =	vld [tilespmem:s25+$0x10130];
	v56 =	vmul.f32 v57, v25;
	v57 =	vmul.f32 v58, v26;
	v63 =	vadd.f32 v46, v45;
	[tilespmem:s22+$0x4110] =	vst v10  }
0x21b: {  	v15 =	vld [tilespmem:s25+$0x4140];
	v58 =	vadd.f32 v62, v61;
	v59 =	vmul.f32 v54, v25;
	v60 =	vmul.f32 v55, v26;
	[tilespmem:s22+$0x4120] =	vst v1  }
0x21c: {  	v44 =	vmul.f32 v44, v26;
	v61 =	vld [tilespmem:s25+$0x4160];
	v62 =	vmul.f32 v49, v25;
	v45 =	vadd.f32 v57, v56;
	[tilespmem:s22+$0x4130] =	vst v63  }
0x21d: {  	v57 =	vld [tilespmem:s25+$0x10170];
	[tilespmem:s22+$0x4150] =	vst v58;
	v56 =	vadd.f32 v60, v59  }
0x21e: {  	v0 =	vld [tilespmem:s25+$0x10140];
	v10 =	vadd.f32 v44, v62;
	[tilespmem:s22+$0x4160] =	vst v45  }
0x21f: {  	s23 =	sor.u32 s30, s21;
	v63 =	vld [tilespmem:s25+$0x10160];
	[tilespmem:s22+$0x4170] =	vst v56  }
0x220: {  	[tilespmem:s22+$0x4140] =	vst v10;
	v1 =	vld [tilespmem:s23+$0x4100]  }
0x221: {  	v10 =	vld [tilespmem:s23+$0x10100]  }
0x222: {  	v45 =	vld [tilespmem:s23+$0x4110]  }
0x223: {  	v49 =	vld [tilespmem:s23+$0x10110]  }
0x224: {  	v11 =	vmul.f32 v11, v8;
	v48 =	vmul.f32 v48, v7;
	v50 =	vld [tilespmem:s23+$0x4120]  }
0x225: {  	v14 =	vmul.f32 v14, v7;
	v47 =	vmul.f32 v47, v8;
	v54 =	vld [tilespmem:s23+$0x10120]  }
0x226: {  	v13 =	vmul.f32 v13, v8;
	v12 =	vmul.f32 v12, v7;
	v55 =	vld [tilespmem:s23+$0x4130]  }
0x227: {  	v9 =	vmul.f32 v9, v7;
	v11 =	vadd.f32 v11, v14;
	v47 =	vadd.f32 v47, v48;
	v48 =	vld [tilespmem:s23+$0x10130]  }
0x228: {  	v12 =	vadd.f32 v13, v12;
	v2 =	vmul.f32 v2, v8;
	v59 =	vmul.f32 v51, v7;
	v13 =	vld [tilespmem:s23+$0x4140]  }
0x229: {  	[tilespmem:s25+$0x4120] =	vst v11;
	v60 =	vmul.f32 v52, v8;
	v58 =	vmul.f32 v15, v7;
	v15 =	vld [tilespmem:s23+$0x4150]  }
0x22a: {  	[tilespmem:s25+$0x4100] =	vst v47;
	v2 =	vadd.f32 v2, v9;
	v47 =	vld [tilespmem:s23+$0x10150];
	v0 =	vmul.f32 v0, v8  }
0x22b: {  	[tilespmem:s25+$0x4110] =	vst v12;
	v61 =	vmul.f32 v61, v7;
	v46 =	vld [tilespmem:s23+$0x4160];
	v62 =	vmul.f32 v63, v8;
	v63 =	vadd.f32 v60, v59  }
0x22c: {  	v43 =	vmul.f32 v43, v7;
	[tilespmem:s25+$0x4130] =	vst v2;
	v56 =	vmul.f32 v57, v8;
	v51 =	vld [tilespmem:s23+$0x10160];
	v0 =	vadd.f32 v0, v58  }
0x22d: {  	v11 =	vld [tilespmem:s23+$0x4170];
	v57 =	vadd.f32 v62, v61;
	[tilespmem:s25+$0x4150] =	vst v63  }
0x22e: {  	v14 =	vld [tilespmem:s23+$0x10170];
	v58 =	vadd.f32 v56, v43;
	[tilespmem:s25+$0x4140] =	vst v0  }
0x22f: {  	s29 =	sor.u32 s29, s24;
	v52 =	vld [tilespmem:s23+$0x10140];
	[tilespmem:s25+$0x4160] =	vst v57  }
0x230: {  	v43 =	vld [tilespmem:s29+$0x4100];
	[tilespmem:s25+$0x4170] =	vst v58  }
0x231: {  	v59 =	vmul.f32 v45, v25;
	v60 =	vmul.f32 v49, v26;
	v44 =	vld [tilespmem:s29+$0x10100]  }
0x232: {  	v45 =	vld [tilespmem:s29+$0x4110]  }
0x233: {  	v1 =	vmul.f32 v1, v25;
	v53 =	vadd.f32 v60, v59;
	v60 =	vmul.f32 v46, v25;
	v46 =	vld [tilespmem:s29+$0x10110]  }
0x234: {  	v10 =	vmul.f32 v10, v26;
	v58 =	vmul.f32 v47, v26;
	v47 =	vld [tilespmem:s29+$0x4120]  }
0x235: {  	v62 =	vmul.f32 v50, v25;
	v63 =	vmul.f32 v54, v26;
	v49 =	vld [tilespmem:s29+$0x10120]  }
0x236: {  	v54 =	vmul.f32 v55, v25;
	v55 =	vmul.f32 v48, v26;
	v61 =	vadd.f32 v10, v1;
	v48 =	vld [tilespmem:s29+$0x4130]  }
0x237: {  	v57 =	vmul.f32 v15, v25;
	v50 =	vld [tilespmem:s29+$0x10130]  }
0x238: {  	v56 =	vadd.f32 v63, v62;
	v59 =	vadd.f32 v55, v54;
	v55 =	vld [tilespmem:$0x1FF60];
	[tilespmem:s23+$0x4100] =	vst v61  }
0x239: {  	v52 =	vmul.f32 v52, v26;
	v15 =	vmul.f32 v13, v25;
	v62 =	vadd.f32 v58, v57;
	v57 =	vld [tilespmem:$0x1FF80];
	[tilespmem:s23+$0x4110] =	vst v53  }
0x23a: {  	v14 =	vmul.f32 v14, v26;
	v63 =	vmul.f32 v11, v25;
	v58 =	vld [tilespmem:$0x1FF90];
	[tilespmem:s23+$0x4120] =	vst v56  }
0x23b: {  	v54 =	vadd.f32 v52, v15;
	v61 =	vmul.f32 v51, v26;
	[tilespmem:s23+$0x4130] =	vst v59;
	v56 =	vld [tilespmem:$0x1FF70]  }
0x23c: {  	v53 =	vadd.f32 v14, v63;
	v59 =	vld [tilespmem:$0x1FFA0];
	[tilespmem:s23+$0x4150] =	vst v62  }
0x23d: {  	[tilespmem:s23+$0x4140] =	vst v54;
	v9 =	vadd.f32 v61, v60;
	v60 =	vld [tilespmem:$0x1FFB0]  }
0x23e: {  	s20 =	sor.u32 s30, s20;
	[tilespmem:s23+$0x4170] =	vst v53;
	v61 =	vld [tilespmem:$0x1FFC0]  }
0x23f: {  	v10 =	vld [tilespmem:s20+$0x4120];
	[tilespmem:s23+$0x4160] =	vst v9  }
0x240: {  	v0 =	vld [tilespmem:s20+$0x4100]  }
0x241: {  	v1 =	vld [tilespmem:s20+$0x10100]  }
0x242: {  	v2 =	vld [tilespmem:s20+$0x4110]  }
0x243: {  	v16 =	vmul.f32 v16, v4;
	v9 =	vld [tilespmem:s20+$0x10110]  }
0x244: {  	v14 =	vmul.f32 v57, v3;
	v15 =	vmul.f32 v58, v4;
	v13 =	vld [tilespmem:s20+$0x10120]  }
0x245: {  	v11 =	vmul.f32 v55, v3;
	v12 =	vmul.f32 v56, v4;
	v51 =	vld [tilespmem:s20+$0x4130]  }
0x246: {  	v57 =	vmul.f32 v20, v4;
	v53 =	vld [tilespmem:s20+$0x10130];
	v56 =	vmul.f32 v19, v3;
	v14 =	vadd.f32 v15, v14  }
0x247: {  	v54 =	vld [tilespmem:s20+$0x4140];
	v11 =	vadd.f32 v12, v11;
	v12 =	vmul.f32 v59, v3;
	v52 =	vmul.f32 v60, v4  }
0x248: {  	v63 =	vmul.f32 v17, v3;
	v19 =	vld [tilespmem:s20+$0x10150];
	v15 =	vmul.f32 v61, v3;
	v61 =	vadd.f32 v57, v56;
	[tilespmem:s26+$0x4110] =	vst v14  }
0x249: {  	v20 =	vld [tilespmem:s20+$0x4160];
	v59 =	vmul.f32 v21, v3;
	[tilespmem:s26+$0x4100] =	vst v11;
	v62 =	vadd.f32 v52, v12;
	v52 =	vmul.f32 v18, v4  }
0x24a: {  	v60 =	vmul.f32 v23, v4;
	v3 =	vmul.f32 v22, v3;
	v22 =	vld [tilespmem:s20+$0x10170];
	v55 =	vadd.f32 v16, v15;
	[tilespmem:s26+$0x4150] =	vst v61  }
0x24b: {  	v18 =	vld [tilespmem:s20+$0x4150];
	v4 =	vmul.f32 v24, v4;
	[tilespmem:s26+$0x4120] =	vst v62;
	v58 =	vadd.f32 v52, v63  }
0x24c: {  	v15 =	vld [tilespmem:s20+$0x10160];
	v0 =	vmul.f32 v0, v25;
	v1 =	vmul.f32 v1, v26;
	[tilespmem:s26+$0x4130] =	vst v55;
	v62 =	vadd.f32 v60, v59  }
0x24d: {  	v2 =	vmul.f32 v2, v25;
	v21 =	vmul.f32 v9, v26;
	v63 =	vld [tilespmem:s20+$0x4170];
	v3 =	vadd.f32 v4, v3;
	[tilespmem:s26+$0x4140] =	vst v58  }
0x24e: {  	v23 =	vmul.f32 v10, v25;
	v24 =	vmul.f32 v13, v26;
	v52 =	vld [tilespmem:s20+$0x10140];
	v0 =	vadd.f32 v1, v0;
	[tilespmem:s26+$0x4160] =	vst v62  }
0x24f: {  	v10 =	vld [tilespmem:s29+$0x10150];
	v56 =	vmul.f32 v53, v26;
	v55 =	vmul.f32 v51, v25;
	v2 =	vadd.f32 v21, v2;
	[tilespmem:s26+$0x4170] =	vst v3  }
0x250: {  	v13 =	vld [tilespmem:s29+$0x4160];
	v59 =	vmul.f32 v19, v26;
	v57 =	vadd.f32 v24, v23;
	[tilespmem:s20+$0x4100] =	vst v0;
	v58 =	vmul.f32 v18, v25  }
0x251: {  	v61 =	vmul.f32 v20, v25;
	v4 =	vld [tilespmem:s29+$0x4150];
	v60 =	vadd.f32 v56, v55;
	[tilespmem:s20+$0x4110] =	vst v2;
	v15 =	vmul.f32 v15, v26  }
0x252: {  	v1 =	vld [tilespmem:s29+$0x10140];
	v9 =	vmul.f32 v22, v26;
	[tilespmem:s20+$0x4120] =	vst v57;
	v62 =	vadd.f32 v59, v58;
	v12 =	vmul.f32 v63, v25  }
0x253: {  	v20 =	vmul.f32 v54, v25;
	v3 =	vld [tilespmem:s29+$0x4140];
	[tilespmem:s20+$0x4130] =	vst v60;
	v63 =	vadd.f32 v15, v61;
	v11 =	vmul.f32 v52, v26  }
0x254: {  	v43 =	vmul.f32 v43, v7;
	v44 =	vmul.f32 v44, v8;
	v2 =	vld [tilespmem:s29+$0x4170];
	[tilespmem:s20+$0x4150] =	vst v62;
	v9 =	vadd.f32 v9, v12  }
0x255: {  	v21 =	vmul.f32 v27, v5;
	v22 =	vmul.f32 v28, v6;
	v12 =	vld [tilespmem:s29+$0x10160];
	v11 =	vadd.f32 v11, v20;
	[tilespmem:s20+$0x4160] =	vst v63  }
0x256: {  	s30 =	sor.u32 s30, s24;
	v54 =	vadd.f32 v44, v43;
	v23 =	vmul.f32 v29, v5;
	v24 =	vmul.f32 v30, v6;
	[tilespmem:s20+$0x4170] =	vst v9;
	v9 =	vld [tilespmem:s29+$0x10170]  }
0x257: {  	v27 =	vmul.f32 v31, v5;
	v28 =	vmul.f32 v33, v6;
	v0 =	vadd.f32 v22, v21;
	[tilespmem:s20+$0x4140] =	vst v11;
	v11 =	vld [tilespmem:s30+$0x4100]  }
0x258: {  	v29 =	vmul.f32 v32, v5;
	v30 =	vmul.f32 v34, v6;
	[tilespmem:s29+$0x4100] =	vst v54;
	v14 =	vadd.f32 v24, v23;
	v19 =	vld [tilespmem:s30+$0x10100]  }
0x259: {  	v32 =	vmul.f32 v35, v5;
	v33 =	vmul.f32 v36, v6;
	v31 =	vadd.f32 v28, v27;
	[tilespmem:s28+$0x4100] =	vst v0;
	v20 =	vld [tilespmem:s30+$0x4110]  }
0x25a: {  	v35 =	vmul.f32 v37, v5;
	v36 =	vmul.f32 v38, v6;
	v34 =	vadd.f32 v30, v29;
	[tilespmem:s28+$0x4110] =	vst v14;
	v21 =	vld [tilespmem:s30+$0x10110]  }
0x25b: {  	v38 =	vmul.f32 v39, v5;
	v39 =	vmul.f32 v41, v6;
	v37 =	vadd.f32 v33, v32;
	[tilespmem:s28+$0x4120] =	vst v31;
	v16 =	vld [tilespmem:s30+$0x4120]  }
0x25c: {  	v5 =	vmul.f32 v40, v5;
	v6 =	vmul.f32 v42, v6;
	v41 =	vadd.f32 v36, v35;
	[tilespmem:s28+$0x4130] =	vst v34;
	v18 =	vld [tilespmem:s30+$0x10120]  }
0x25d: {  	v51 =	vmul.f32 v45, v7;
	v42 =	vadd.f32 v39, v38;
	[tilespmem:s28+$0x4140] =	vst v37;
	v52 =	vmul.f32 v46, v8;
	v53 =	vld [tilespmem:s30+$0x4130]  }
0x25e: {  	v55 =	vmul.f32 v47, v7;
	v56 =	vmul.f32 v49, v8;
	v5 =	vadd.f32 v6, v5;
	[tilespmem:s28+$0x4150] =	vst v41;
	v57 =	vld [tilespmem:s30+$0x10130]  }
0x25f: {  	v60 =	vmul.f32 v50, v8;
	[tilespmem:s28+$0x4160] =	vst v42;
	v59 =	vmul.f32 v48, v7;
	v58 =	vadd.f32 v52, v51;
	v61 =	vld [tilespmem:s30+$0x4140]  }
0x260: {  	v28 =	vmul.f32 v10, v8;
	[tilespmem:s28+$0x4170] =	vst v5;
	v4 =	vmul.f32 v4, v7;
	v62 =	vadd.f32 v56, v55;
	v63 =	vld [tilespmem:s30+$0x10140]  }
0x261: {  	v1 =	vmul.f32 v1, v8;
	v3 =	vmul.f32 v3, v7;
	v27 =	vadd.f32 v60, v59;
	[tilespmem:s29+$0x4110] =	vst v58;
	v29 =	vld [tilespmem:s30+$0x4150]  }
0x262: {  	v31 =	vmul.f32 v13, v7;
	v4 =	vadd.f32 v28, v4;
	[tilespmem:s29+$0x4120] =	vst v62;
	v33 =	vld [tilespmem:s30+$0x10150];
	v32 =	vmul.f32 v12, v8  }
0x263: {  	v2 =	vmul.f32 v2, v7;
	v30 =	vadd.f32 v1, v3;
	[tilespmem:s29+$0x4130] =	vst v27;
	v35 =	vld [tilespmem:s30+$0x4160];
	v34 =	vmul.f32 v9, v8  }
0x264: {  	[tilespmem:s29+$0x4150] =	vst v4;
	v39 =	vld [tilespmem:s30+$0x10160];
	v36 =	vadd.f32 v32, v31;
	v37 =	vmul.f32 v11, v25;
	v38 =	vmul.f32 v19, v26  }
0x265: {  	v42 =	vld [tilespmem:s30+$0x4170];
	[tilespmem:s29+$0x4140] =	vst v30;
	v40 =	vmul.f32 v20, v25;
	v41 =	vmul.f32 v21, v26;
	v2 =	vadd.f32 v34, v2  }
0x266: {  	v46 =	vld [tilespmem:s30+$0x10170];
	v44 =	vmul.f32 v16, v25;
	v45 =	vmul.f32 v18, v26;
	[tilespmem:s29+$0x4160] =	vst v36;
	v43 =	vadd.f32 v38, v37  }
0x267: {  	v48 =	vmul.f32 v53, v25;
	v49 =	vmul.f32 v57, v26;
	v47 =	vadd.f32 v41, v40;
	[tilespmem:s29+$0x4170] =	vst v2  }
0x268: {  	v51 =	vmul.f32 v61, v25;
	v52 =	vmul.f32 v63, v26;
	v50 =	vadd.f32 v45, v44;
	[tilespmem:s30+$0x4100] =	vst v43  }
0x269: {  	v54 =	vmul.f32 v29, v25;
	v55 =	vmul.f32 v33, v26;
	v53 =	vadd.f32 v49, v48;
	[tilespmem:s30+$0x4110] =	vst v47  }
0x26a: {  	p0 =	slt.u32 s15, $0x1C;
	v57 =	vmul.f32 v35, v25;
	v58 =	vmul.f32 v39, v26;
	v56 =	vadd.f32 v52, v51;
	[tilespmem:s30+$0x4120] =	vst v50  }
.Ltmp0:
0x26b: {  	v60 =	vmul.f32 v42, v25;
	v61 =	vmul.f32 v46, v26;
	v59 =	vadd.f32 v55, v54;
	[tilespmem:s30+$0x4130] =	vst v53;
	(pc) =	sbr.rel @p0 .LBB2_2-.Ltmp0, $4  }
0x26c: {  	v62 =	vadd.f32 v58, v57;
	[tilespmem:s30+$0x4140] =	vst v56  }
0x26d: {  	v63 =	vadd.f32 v61, v60;
	[tilespmem:s30+$0x4150] =	vst v59  }
0x26e: {  	[tilespmem:s30+$0x4160] =	vst v62  }
0x26f: {  	s19 =	sadd.s32 $0x200, s19;
	s16 =	sadd.s32 $0x200, s16;
	s18 =	sadd.s32 $0x200, s18;
	[tilespmem:s30+$0x4170] =	vst v63  }
0x270: {  	s15 =	simm.s32 $0x4100  }
0x271: {  	[hbm4b:s10+s2] =	stream.linear.scatter [tilespmem:s15], [sflag:$0x3], $0x6000, $0x38;
	[tilespmem:$0x1C100] =	vst v63  }
0x272: {  	_ =	swait.ge [sflag:s31], $0x6000  }
0x273: {  	[sflag:s31] =	ssyncset.done $0x0  }
0x274: {  	[sflag:s31] =	ssyncadd.s32 $0xFFFFA000  }
0x275: {  	_ =	swait.ge [sflag:s0], $0x6000  }
0x276: {  	s16 =	simm.s32 $0x3280;
	s18 =	simm.s32 $0x1280;
	[sflag:s0] =	ssyncset.done $0x0  }
0x277: {  	s19 =	simm.s32 $0x1180;
	s15 =	simm.s32 $0x1C;
	[sflag:s0] =	ssyncadd.s32 $0xFFFFA000  }
.LBB2_4:
0x278: {  	s15 =	sadd.s32 $0x4, s15  }
0x279: {  	s17 =	sshrl.u32 s15, $0x3  }
0x27a: {  	s20 =	sadd.s32 $0xFFFFFE80, s19;
	s25 =	smul.u32 $0x1800, s17  }
0x27b: {  	v3 =	vld [tilespmem:s18+$0xFFFFFE80];
	s26 =	sand.u32 $0x200, s20  }
0x27c: {  	v4 =	vld [tilespmem:s16+$0xFFFFFE80];
	s17 =	sor.u32 s26, s25  }
0x27d: {  	v0 =	vld [tilespmem:s17+$0x4100]  }
0x27e: {  	v1 =	vld [tilespmem:s17+$0x10100]  }
0x27f: {  	v2 =	vld [tilespmem:s17+$0x4110]  }
0x280: {  	v5 =	vld [tilespmem:s17+$0x10110]  }
0x281: {  	v6 =	vld [tilespmem:s17+$0x4120]  }
0x282: {  	v7 =	vld [tilespmem:s17+$0x10120]  }
0x283: {  	v8 =	vld [tilespmem:s17+$0x4130]  }
0x284: {  	v9 =	vld [tilespmem:s17+$0x10130]  }
0x285: {  	v10 =	vld [tilespmem:s17+$0x4140]  }
0x286: {  	v11 =	vld [tilespmem:s17+$0x10140]  }
0x287: {  	v12 =	vld [tilespmem:s17+$0x4150]  }
0x288: {  	v13 =	vld [tilespmem:s17+$0x10150]  }
0x289: {  	v14 =	vld [tilespmem:s17+$0x4160]  }
0x28a: {  	v15 =	vld [tilespmem:s17+$0x10160]  }
0x28b: {  	v16 =	vld [tilespmem:s17+$0x4170]  }
0x28c: {  	v17 =	vld [tilespmem:s17+$0x10170]  }
0x28d: {  	v18 =	vld [tilespmem:s17+$0x4500]  }
0x28e: {  	v19 =	vld [tilespmem:s17+$0x10500]  }
0x28f: {  	v20 =	vld [tilespmem:s17+$0x4510]  }
0x290: {  	v21 =	vld [tilespmem:s17+$0x10510]  }
0x291: {  	v22 =	vld [tilespmem:s17+$0x4520]  }
0x292: {  	v23 =	vld [tilespmem:s17+$0x10520];
	v0 =	vmul.f32 v0, v3;
	v1 =	vmul.f32 v1, v4  }
0x293: {  	v24 =	vld [tilespmem:s17+$0x4530];
	v2 =	vmul.f32 v2, v3;
	v5 =	vmul.f32 v5, v4  }
0x294: {  	v35 =	vld [tilespmem:s17+$0x10530];
	v33 =	vmul.f32 v6, v3;
	v34 =	vmul.f32 v7, v4;
	v0 =	vadd.f32 v1, v0  }
0x295: {  	v38 =	vld [tilespmem:s17+$0x4540];
	v36 =	vmul.f32 v8, v3;
	v37 =	vmul.f32 v9, v4;
	v2 =	vadd.f32 v5, v2  }
0x296: {  	v42 =	vld [tilespmem:s17+$0x10540];
	v40 =	vmul.f32 v10, v3;
	v41 =	vmul.f32 v11, v4;
	v39 =	vadd.f32 v34, v33;
	[tilespmem:s17+$0x4100] =	vst v0  }
0x297: {  	v46 =	vld [tilespmem:s17+$0x4550];
	v44 =	vmul.f32 v12, v3;
	v45 =	vmul.f32 v13, v4;
	v43 =	vadd.f32 v37, v36;
	[tilespmem:s17+$0x4110] =	vst v2  }
0x298: {  	v50 =	vld [tilespmem:s17+$0x10550];
	v48 =	vmul.f32 v14, v3;
	v49 =	vmul.f32 v15, v4;
	v47 =	vadd.f32 v41, v40;
	[tilespmem:s17+$0x4120] =	vst v39  }
0x299: {  	v54 =	vld [tilespmem:s17+$0x4560];
	v52 =	vmul.f32 v16, v3;
	v53 =	vmul.f32 v17, v4;
	v51 =	vadd.f32 v45, v44;
	[tilespmem:s17+$0x4130] =	vst v43  }
0x29a: {  	v58 =	vld [tilespmem:s17+$0x10560];
	v56 =	vmul.f32 v18, v3;
	v57 =	vmul.f32 v19, v4;
	v55 =	vadd.f32 v49, v48;
	[tilespmem:s17+$0x4140] =	vst v47  }
0x29b: {  	v62 =	vld [tilespmem:s17+$0x4570];
	v60 =	vmul.f32 v20, v3;
	v61 =	vmul.f32 v21, v4;
	v59 =	vadd.f32 v53, v52;
	[tilespmem:s17+$0x4150] =	vst v51  }
0x29c: {  	v20 =	vmul.f32 v22, v3;
	v21 =	vmul.f32 v23, v4;
	v22 =	vld [tilespmem:s17+$0x10570];
	v63 =	vadd.f32 v57, v56;
	[tilespmem:s17+$0x4160] =	vst v55  }
0x29d: {  	v24 =	vmul.f32 v24, v3;
	v7 =	vmul.f32 v35, v4;
	v23 =	vadd.f32 v61, v60;
	[tilespmem:s17+$0x4170] =	vst v59  }
0x29e: {  	v26 =	vmul.f32 v38, v3;
	v27 =	vmul.f32 v42, v4;
	v25 =	vadd.f32 v21, v20;
	[tilespmem:s17+$0x4500] =	vst v63  }
0x29f: {  	v29 =	vmul.f32 v46, v3;
	v30 =	vmul.f32 v50, v4;
	v28 =	vadd.f32 v7, v24;
	[tilespmem:s17+$0x4510] =	vst v23  }
0x2a0: {  	s22 =	sadd.s32 $0x800, s25;
	v32 =	vmul.f32 v54, v3;
	v31 =	vadd.f32 v27, v26;
	v33 =	vmul.f32 v58, v4;
	[tilespmem:s17+$0x4520] =	vst v25  }
0x2a1: {  	s20 =	sor.u32 s26, s22;
	v35 =	vmul.f32 v62, v3;
	v34 =	vadd.f32 v30, v29;
	[tilespmem:s17+$0x4530] =	vst v28;
	v36 =	vmul.f32 v22, v4  }
0x2a2: {  	[tilespmem:s17+$0x4540] =	vst v31;
	v37 =	vadd.f32 v33, v32;
	v39 =	vld [tilespmem:s20+$0x4100]  }
0x2a3: {  	[tilespmem:s17+$0x4550] =	vst v34;
	v40 =	vld [tilespmem:s20+$0x4110];
	v38 =	vadd.f32 v36, v35  }
0x2a4: {  	v42 =	vld [tilespmem:s20+$0x4120];
	[tilespmem:s17+$0x4560] =	vst v37  }
0x2a5: {  	v44 =	vld [tilespmem:s20+$0x4130];
	[tilespmem:s17+$0x4570] =	vst v38  }
0x2a6: {  	v1 =	vld [tilespmem:s20+$0x10100]  }
0x2a7: {  	v41 =	vld [tilespmem:s20+$0x10110]  }
0x2a8: {  	v43 =	vld [tilespmem:s20+$0x10120]  }
0x2a9: {  	v45 =	vld [tilespmem:s20+$0x10130]  }
0x2aa: {  	v46 =	vld [tilespmem:s20+$0x4140]  }
0x2ab: {  	v47 =	vld [tilespmem:s20+$0x10140]  }
0x2ac: {  	v48 =	vld [tilespmem:s20+$0x4150]  }
0x2ad: {  	v49 =	vld [tilespmem:s20+$0x10150]  }
0x2ae: {  	v50 =	vld [tilespmem:s20+$0x4160]  }
0x2af: {  	v0 =	vmul.f32 v39, v3;
	v51 =	vld [tilespmem:s20+$0x10160];
	v1 =	vmul.f32 v1, v4  }
0x2b0: {  	v2 =	vmul.f32 v40, v3;
	v52 =	vld [tilespmem:s20+$0x4170];
	v5 =	vmul.f32 v41, v4  }
0x2b1: {  	v53 =	vmul.f32 v42, v3;
	v55 =	vld [tilespmem:s20+$0x10170];
	v54 =	vmul.f32 v43, v4;
	v0 =	vadd.f32 v1, v0  }
0x2b2: {  	v56 =	vmul.f32 v44, v3;
	v57 =	vmul.f32 v45, v4;
	v2 =	vadd.f32 v5, v2  }
0x2b3: {  	v59 =	vmul.f32 v46, v3;
	v60 =	vmul.f32 v47, v4;
	v58 =	vadd.f32 v54, v53;
	[tilespmem:s20+$0x4100] =	vst v0  }
0x2b4: {  	v62 =	vmul.f32 v48, v3;
	v63 =	vmul.f32 v49, v4;
	v61 =	vadd.f32 v57, v56;
	[tilespmem:s20+$0x4110] =	vst v2  }
0x2b5: {  	v12 =	vmul.f32 v50, v3;
	v13 =	vmul.f32 v51, v4;
	v11 =	vadd.f32 v60, v59;
	[tilespmem:s20+$0x4120] =	vst v58  }
0x2b6: {  	v15 =	vmul.f32 v52, v3;
	v7 =	vmul.f32 v55, v4;
	v14 =	vadd.f32 v63, v62;
	[tilespmem:s20+$0x4130] =	vst v61  }
0x2b7: {  	v16 =	vadd.f32 v13, v12;
	[tilespmem:s20+$0x4140] =	vst v11  }
0x2b8: {  	s21 =	sadd.s32 $0xC00, s25;
	v17 =	vadd.f32 v7, v15;
	[tilespmem:s20+$0x4150] =	vst v14  }
0x2b9: {  	s24 =	sor.u32 s26, s21;
	[tilespmem:s20+$0x4160] =	vst v16  }
0x2ba: {  	[tilespmem:s20+$0x4170] =	vst v17;
	v18 =	vld [tilespmem:s24+$0x4100]  }
0x2bb: {  	v1 =	vld [tilespmem:s24+$0x10100]  }
0x2bc: {  	v19 =	vld [tilespmem:s24+$0x4110]  }
0x2bd: {  	v20 =	vld [tilespmem:s24+$0x10110]  }
0x2be: {  	v21 =	vld [tilespmem:s24+$0x4120]  }
0x2bf: {  	v22 =	vld [tilespmem:s24+$0x10120]  }
0x2c0: {  	v26 =	vld [tilespmem:s24+$0x4130]  }
0x2c1: {  	v27 =	vld [tilespmem:s24+$0x10130]  }
0x2c2: {  	v30 =	vld [tilespmem:s24+$0x4150]  }
0x2c3: {  	v31 =	vld [tilespmem:s24+$0x10150]  }
0x2c4: {  	v32 =	vld [tilespmem:s24+$0x4160]  }
0x2c5: {  	v33 =	vld [tilespmem:s24+$0x10160]  }
0x2c6: {  	v34 =	vld [tilespmem:s24+$0x4170]  }
0x2c7: {  	v35 =	vld [tilespmem:s24+$0x10170];
	v0 =	vmul.f32 v18, v3;
	v1 =	vmul.f32 v1, v4  }
0x2c8: {  	v28 =	vld [tilespmem:s24+$0x4140];
	v2 =	vmul.f32 v19, v3;
	v5 =	vmul.f32 v20, v4  }
0x2c9: {  	v29 =	vld [tilespmem:s24+$0x10140];
	v23 =	vmul.f32 v21, v3;
	v24 =	vmul.f32 v22, v4;
	v0 =	vadd.f32 v1, v0  }
0x2ca: {  	v36 =	vmul.f32 v30, v3;
	v37 =	vmul.f32 v31, v4;
	v2 =	vadd.f32 v5, v2  }
0x2cb: {  	v38 =	vmul.f32 v32, v3;
	v39 =	vmul.f32 v33, v4;
	v25 =	vadd.f32 v24, v23;
	[tilespmem:s24+$0x4100] =	vst v0  }
0x2cc: {  	v41 =	vmul.f32 v34, v3;
	v42 =	vmul.f32 v35, v4;
	v40 =	vadd.f32 v37, v36;
	[tilespmem:s24+$0x4110] =	vst v2  }
0x2cd: {  	v1 =	vmul.f32 v27, v4;
	v43 =	vadd.f32 v39, v38;
	[tilespmem:s24+$0x4120] =	vst v25;
	v0 =	vmul.f32 v26, v3  }
0x2ce: {  	v5 =	vmul.f32 v29, v4;
	v44 =	vadd.f32 v42, v41;
	v2 =	vmul.f32 v28, v3;
	[tilespmem:s24+$0x4150] =	vst v40  }
0x2cf: {  	[tilespmem:s24+$0x4160] =	vst v43;
	v0 =	vadd.f32 v1, v0  }
0x2d0: {  	[tilespmem:s24+$0x4170] =	vst v44;
	v2 =	vadd.f32 v5, v2  }
0x2d1: {  	s20 =	sadd.s32 $0x1000, s25;
	[tilespmem:s24+$0x4130] =	vst v0  }
0x2d2: {  	s29 =	sor.u32 s26, s20;
	[tilespmem:s24+$0x4140] =	vst v2  }
0x2d3: {  	v0 =	vld [tilespmem:s29+$0x4100]  }
0x2d4: {  	v1 =	vld [tilespmem:s29+$0x10100]  }
0x2d5: {  	v2 =	vld [tilespmem:s29+$0x4110]  }
0x2d6: {  	v7 =	vld [tilespmem:s29+$0x10110]  }
0x2d7: {  	v8 =	vld [tilespmem:s29+$0x4120]  }
0x2d8: {  	v9 =	vld [tilespmem:s29+$0x10120]  }
0x2d9: {  	v10 =	vld [tilespmem:s29+$0x4130]  }
0x2da: {  	s28 =	sadd.s32 $0xFFFFFF00, s19;
	v11 =	vld [tilespmem:s29+$0x10130]  }
0x2db: {  	s28 =	sand.u32 $0x280, s28;
	v5 =	vld [tilespmem:s18+$0xFFFFFF00]  }
0x2dc: {  	s17 =	sor.u32 s25, s28;
	v6 =	vld [tilespmem:s16+$0xFFFFFF00]  }
0x2dd: {  	v45 =	vld [tilespmem:s17+$0x4100]  }
0x2de: {  	v46 =	vld [tilespmem:s17+$0x10100]  }
0x2df: {  	v47 =	vld [tilespmem:s17+$0x4110]  }
0x2e0: {  	v48 =	vld [tilespmem:s17+$0x10110]  }
0x2e1: {  	v49 =	vld [tilespmem:s17+$0x4120]  }
0x2e2: {  	v50 =	vld [tilespmem:s17+$0x10120]  }
0x2e3: {  	v51 =	vld [tilespmem:s17+$0x4130]  }
0x2e4: {  	v52 =	vld [tilespmem:s17+$0x10130]  }
0x2e5: {  	v53 =	vld [tilespmem:s17+$0x4140]  }
0x2e6: {  	v54 =	vld [tilespmem:s17+$0x10140]  }
0x2e7: {  	v55 =	vld [tilespmem:s17+$0x4150]  }
0x2e8: {  	v56 =	vld [tilespmem:s17+$0x10150]  }
0x2e9: {  	v57 =	vld [tilespmem:s17+$0x4160]  }
0x2ea: {  	v25 =	vld [tilespmem:s17+$0x10160]  }
0x2eb: {  	v26 =	vld [tilespmem:s17+$0x4170]  }
0x2ec: {  	v27 =	vld [tilespmem:s17+$0x10170]  }
0x2ed: {  	v28 =	vld [tilespmem:s17+$0x4500]  }
0x2ee: {  	v29 =	vld [tilespmem:s17+$0x10500]  }
0x2ef: {  	v30 =	vld [tilespmem:s17+$0x4510]  }
0x2f0: {  	v31 =	vld [tilespmem:s17+$0x10510]  }
0x2f1: {  	v32 =	vld [tilespmem:s17+$0x4520]  }
0x2f2: {  	v33 =	vld [tilespmem:s17+$0x10520]  }
0x2f3: {  	v34 =	vld [tilespmem:s17+$0x4530];
	v12 =	vmul.f32 v45, v5;
	v13 =	vmul.f32 v46, v6  }
0x2f4: {  	v17 =	vld [tilespmem:s17+$0x10530];
	v14 =	vmul.f32 v47, v5;
	v15 =	vmul.f32 v48, v6  }
0x2f5: {  	v19 =	vld [tilespmem:s17+$0x4540];
	v58 =	vmul.f32 v49, v5;
	v59 =	vmul.f32 v50, v6;
	v12 =	vadd.f32 v13, v12  }
0x2f6: {  	v36 =	vld [tilespmem:s17+$0x4550];
	v60 =	vmul.f32 v51, v5;
	v61 =	vmul.f32 v52, v6;
	v14 =	vadd.f32 v15, v14  }
0x2f7: {  	v40 =	vld [tilespmem:s17+$0x10550];
	v63 =	vmul.f32 v53, v5;
	v35 =	vmul.f32 v54, v6;
	v62 =	vadd.f32 v59, v58;
	[tilespmem:s17+$0x4100] =	vst v12  }
0x2f8: {  	v44 =	vld [tilespmem:s17+$0x4560];
	v38 =	vmul.f32 v55, v5;
	v39 =	vmul.f32 v56, v6;
	v37 =	vadd.f32 v61, v60;
	[tilespmem:s17+$0x4110] =	vst v14  }
0x2f9: {  	v42 =	vmul.f32 v57, v5;
	v43 =	vmul.f32 v25, v6;
	v48 =	vld [tilespmem:s17+$0x10560];
	v41 =	vadd.f32 v35, v63;
	[tilespmem:s17+$0x4120] =	vst v62  }
0x2fa: {  	v46 =	vmul.f32 v26, v5;
	v47 =	vmul.f32 v27, v6;
	v52 =	vld [tilespmem:s17+$0x4570];
	v45 =	vadd.f32 v39, v38;
	[tilespmem:s17+$0x4130] =	vst v37  }
0x2fb: {  	v50 =	vmul.f32 v28, v5;
	v51 =	vmul.f32 v29, v6;
	v56 =	vld [tilespmem:s17+$0x10570];
	v49 =	vadd.f32 v43, v42;
	[tilespmem:s17+$0x4140] =	vst v41  }
0x2fc: {  	v54 =	vmul.f32 v30, v5;
	v55 =	vmul.f32 v31, v6;
	v27 =	vld [tilespmem:s29+$0x4140];
	v53 =	vadd.f32 v47, v46;
	[tilespmem:s17+$0x4150] =	vst v45  }
0x2fd: {  	v57 =	vadd.f32 v51, v50;
	v58 =	vmul.f32 v32, v5;
	v59 =	vmul.f32 v33, v6;
	v60 =	vld [tilespmem:s17+$0x10540];
	[tilespmem:s17+$0x4160] =	vst v49  }
0x2fe: {  	v17 =	vmul.f32 v17, v6;
	v61 =	vadd.f32 v55, v54;
	v63 =	vld [tilespmem:s29+$0x10140];
	[tilespmem:s17+$0x4170] =	vst v53;
	v62 =	vmul.f32 v34, v5  }
0x2ff: {  	v33 =	vmul.f32 v36, v5;
	v35 =	vld [tilespmem:s29+$0x4150];
	[tilespmem:s17+$0x4500] =	vst v57;
	v32 =	vadd.f32 v59, v58;
	v34 =	vmul.f32 v40, v6  }
0x300: {  	v39 =	vld [tilespmem:s29+$0x10150];
	[tilespmem:s17+$0x4510] =	vst v61;
	v37 =	vmul.f32 v44, v5;
	v38 =	vmul.f32 v48, v6;
	v36 =	vadd.f32 v17, v62  }
0x301: {  	v43 =	vld [tilespmem:s29+$0x4160];
	v41 =	vmul.f32 v52, v5;
	v42 =	vmul.f32 v56, v6;
	[tilespmem:s17+$0x4520] =	vst v32;
	v40 =	vadd.f32 v34, v33  }
0x302: {  	v46 =	vld [tilespmem:s29+$0x10160];
	v44 =	vmul.f32 v19, v5;
	v45 =	vmul.f32 v60, v6;
	v15 =	vadd.f32 v38, v37;
	[tilespmem:s17+$0x4530] =	vst v36  }
0x303: {  	v55 =	vmul.f32 v8, v3;
	v8 =	vld [tilespmem:s16+$0xFFFFFF80];
	v47 =	vadd.f32 v42, v41;
	[tilespmem:s17+$0x4550] =	vst v40  }
0x304: {  	v49 =	vld [tilespmem:s29+$0x10170];
	v14 =	vadd.f32 v45, v44;
	[tilespmem:s17+$0x4560] =	vst v15  }
0x305: {  	s30 =	sor.u32 s28, s22;
	v48 =	vld [tilespmem:s29+$0x4170];
	[tilespmem:s17+$0x4570] =	vst v47  }
0x306: {  	v12 =	vld [tilespmem:s30+$0x4100];
	[tilespmem:s17+$0x4540] =	vst v14  }
0x307: {  	v14 =	vld [tilespmem:s30+$0x10100]  }
0x308: {  	v50 =	vld [tilespmem:s30+$0x4110]  }
0x309: {  	v51 =	vld [tilespmem:s30+$0x10110]  }
0x30a: {  	v52 =	vld [tilespmem:s30+$0x4120]  }
0x30b: {  	v53 =	vld [tilespmem:s30+$0x10120]  }
0x30c: {  	v0 =	vmul.f32 v0, v3;
	v1 =	vmul.f32 v1, v4;
	v54 =	vld [tilespmem:s30+$0x4130]  }
0x30d: {  	v2 =	vmul.f32 v2, v3;
	v7 =	vmul.f32 v7, v4;
	v57 =	vld [tilespmem:s30+$0x10130]  }
0x30e: {  	v0 =	vadd.f32 v1, v0;
	v58 =	vmul.f32 v10, v3;
	v59 =	vmul.f32 v11, v4;
	v28 =	vld [tilespmem:s30+$0x4140]  }
0x30f: {  	v2 =	vadd.f32 v7, v2;
	v56 =	vmul.f32 v9, v4;
	v62 =	vmul.f32 v63, v4;
	v63 =	vld [tilespmem:s30+$0x4150]  }
0x310: {  	[tilespmem:s29+$0x4100] =	vst v0;
	v61 =	vmul.f32 v27, v3;
	v27 =	vadd.f32 v59, v58;
	v31 =	vld [tilespmem:s30+$0x10150]  }
0x311: {  	[tilespmem:s29+$0x4110] =	vst v2;
	v60 =	vadd.f32 v56, v55;
	v29 =	vmul.f32 v35, v3;
	v30 =	vmul.f32 v39, v4;
	v35 =	vld [tilespmem:s30+$0x4160]  }
0x312: {  	[tilespmem:s29+$0x4130] =	vst v27;
	v32 =	vadd.f32 v62, v61;
	v39 =	vld [tilespmem:s30+$0x10160]  }
0x313: {  	s24 =	sadd.s32 $0x1400, s25;
	v33 =	vmul.f32 v43, v3;
	v34 =	vmul.f32 v46, v4;
	[tilespmem:s29+$0x4120] =	vst v60;
	v36 =	vadd.f32 v30, v29;
	v43 =	vld [tilespmem:s30+$0x4170]  }
0x314: {  	s26 =	sor.u32 s26, s24;
	v38 =	vmul.f32 v49, v4;
	v37 =	vmul.f32 v48, v3;
	[tilespmem:s29+$0x4140] =	vst v32;
	v47 =	vld [tilespmem:s30+$0x10170]  }
0x315: {  	v40 =	vadd.f32 v34, v33;
	[tilespmem:s29+$0x4150] =	vst v36;
	v60 =	vld [tilespmem:s26+$0x4110];
	v41 =	vmul.f32 v12, v5;
	v42 =	vmul.f32 v14, v6  }
0x316: {  	v44 =	vadd.f32 v38, v37;
	v22 =	vld [tilespmem:s26+$0x4120];
	v45 =	vmul.f32 v50, v5;
	v46 =	vmul.f32 v51, v6  }
0x317: {  	[tilespmem:s29+$0x4160] =	vst v40;
	v49 =	vmul.f32 v52, v5;
	v50 =	vmul.f32 v53, v6;
	v51 =	vld [tilespmem:s30+$0x10140];
	v48 =	vadd.f32 v42, v41  }
0x318: {  	v26 =	vld [tilespmem:s26+$0x4130];
	[tilespmem:s29+$0x4170] =	vst v44;
	v54 =	vmul.f32 v54, v5;
	v55 =	vmul.f32 v57, v6;
	v53 =	vadd.f32 v46, v45  }
0x319: {  	v56 =	vld [tilespmem:s26+$0x10100];
	v58 =	vmul.f32 v63, v5;
	v59 =	vmul.f32 v31, v6;
	v57 =	vadd.f32 v50, v49;
	[tilespmem:s30+$0x4100] =	vst v48  }
0x31a: {  	v12 =	vld [tilespmem:s26+$0x10110];
	v62 =	vmul.f32 v35, v5;
	v63 =	vmul.f32 v39, v6;
	v61 =	vadd.f32 v55, v54;
	[tilespmem:s30+$0x4110] =	vst v53  }
0x31b: {  	v24 =	vld [tilespmem:s26+$0x10120];
	v20 =	vmul.f32 v43, v5;
	v21 =	vmul.f32 v47, v6;
	v13 =	vadd.f32 v59, v58;
	[tilespmem:s30+$0x4120] =	vst v57  }
0x31c: {  	v17 =	vld [tilespmem:s26+$0x4140];
	v23 =	vmul.f32 v28, v5;
	v7 =	vadd.f32 v63, v62;
	[tilespmem:s30+$0x4130] =	vst v61;
	v16 =	vmul.f32 v51, v6  }
0x31d: {  	v18 =	vld [tilespmem:s26+$0x10140];
	v25 =	vadd.f32 v21, v20;
	[tilespmem:s30+$0x4150] =	vst v13  }
0x31e: {  	v19 =	vld [tilespmem:s26+$0x4150];
	[tilespmem:s30+$0x4160] =	vst v7;
	v27 =	vadd.f32 v16, v23  }
0x31f: {  	s29 =	sor.u32 s28, s21;
	v52 =	vld [tilespmem:s26+$0x4100];
	[tilespmem:s30+$0x4170] =	vst v25  }
0x320: {  	v0 =	vld [tilespmem:s29+$0x4100];
	[tilespmem:s30+$0x4140] =	vst v27  }
0x321: {  	v1 =	vld [tilespmem:s29+$0x10100]  }
0x322: {  	v28 =	vld [tilespmem:s29+$0x4110]  }
0x323: {  	v7 =	vld [tilespmem:s29+$0x10110]  }
0x324: {  	v29 =	vld [tilespmem:s29+$0x4120]  }
0x325: {  	v30 =	vld [tilespmem:s29+$0x10120]  }
0x326: {  	v31 =	vld [tilespmem:s29+$0x4130]  }
0x327: {  	v32 =	vld [tilespmem:s29+$0x10130]  }
0x328: {  	v33 =	vld [tilespmem:s29+$0x4140]  }
0x329: {  	v34 =	vld [tilespmem:s29+$0x4150]  }
0x32a: {  	v35 =	vld [tilespmem:s29+$0x10150]  }
0x32b: {  	v36 =	vld [tilespmem:s29+$0x4160]  }
0x32c: {  	[tilespmem:$0x1FF30] =	vst v22;
	v37 =	vld [tilespmem:s29+$0x10160]  }
0x32d: {  	[tilespmem:$0x1FF50] =	vst v26;
	v0 =	vmul.f32 v0, v5;
	v38 =	vld [tilespmem:s29+$0x4170];
	v1 =	vmul.f32 v1, v6  }
0x32e: {  	[tilespmem:$0x1FF00] =	vst v56;
	v39 =	vld [tilespmem:s29+$0x10170];
	v2 =	vmul.f32 v28, v5;
	v7 =	vmul.f32 v7, v6  }
0x32f: {  	[tilespmem:$0x1FF40] =	vst v24;
	v42 =	vld [tilespmem:s29+$0x10140];
	v40 =	vmul.f32 v29, v5;
	v41 =	vmul.f32 v30, v6;
	v0 =	vadd.f32 v1, v0  }
0x330: {  	v22 =	vld [tilespmem:s26+$0x4170];
	[tilespmem:$0x1FEF0] =	vst v52;
	v43 =	vmul.f32 v31, v5;
	v44 =	vmul.f32 v32, v6;
	v2 =	vadd.f32 v7, v2  }
0x331: {  	v26 =	vld [tilespmem:s16+$0x0];
	v46 =	vmul.f32 v34, v5;
	v47 =	vmul.f32 v35, v6;
	v45 =	vadd.f32 v41, v40;
	[tilespmem:s29+$0x4100] =	vst v0  }
0x332: {  	v20 =	vld [tilespmem:s26+$0x10150];
	v49 =	vmul.f32 v36, v5;
	v50 =	vmul.f32 v37, v6;
	v48 =	vadd.f32 v44, v43;
	[tilespmem:s29+$0x4110] =	vst v2  }
0x333: {  	v21 =	vld [tilespmem:s26+$0x4160];
	v52 =	vmul.f32 v38, v5;
	v53 =	vmul.f32 v39, v6;
	v51 =	vadd.f32 v47, v46;
	[tilespmem:s29+$0x4120] =	vst v45  }
0x334: {  	v24 =	vld [tilespmem:s26+$0x10170];
	v54 =	vmul.f32 v33, v5;
	v55 =	vmul.f32 v42, v6;
	v7 =	vadd.f32 v50, v49;
	[tilespmem:s29+$0x4130] =	vst v48  }
0x335: {  	v16 =	vld [tilespmem:s26+$0x10130];
	v56 =	vadd.f32 v53, v52;
	[tilespmem:s29+$0x4150] =	vst v51  }
0x336: {  	v23 =	vld [tilespmem:s26+$0x10160];
	v57 =	vadd.f32 v55, v54;
	[tilespmem:s29+$0x4160] =	vst v7  }
0x337: {  	s23 =	sor.u32 s28, s20;
	[tilespmem:s29+$0x4170] =	vst v56;
	v7 =	vld [tilespmem:s18+$0xFFFFFF80]  }
0x338: {  	[tilespmem:s29+$0x4140] =	vst v57;
	v0 =	vld [tilespmem:s23+$0x4100]  }
0x339: {  	v1 =	vld [tilespmem:s23+$0x10100]  }
0x33a: {  	v58 =	vld [tilespmem:s23+$0x4110]  }
0x33b: {  	v59 =	vld [tilespmem:s23+$0x10110]  }
0x33c: {  	[tilespmem:$0x1FF10] =	vst v60;
	v60 =	vld [tilespmem:s23+$0x4120]  }
0x33d: {  	v61 =	vld [tilespmem:s23+$0x10120]  }
0x33e: {  	v62 =	vld [tilespmem:s23+$0x4130]  }
0x33f: {  	v63 =	vld [tilespmem:s23+$0x10130]  }
0x340: {  	[tilespmem:$0x1FF20] =	vst v12;
	v12 =	vld [tilespmem:s23+$0x4140]  }
0x341: {  	v13 =	vld [tilespmem:s23+$0x10140]  }
0x342: {  	v14 =	vld [tilespmem:s23+$0x4150]  }
0x343: {  	v15 =	vld [tilespmem:s23+$0x10150]  }
0x344: {  	v56 =	vld [tilespmem:s23+$0x4160]  }
0x345: {  	s30 =	sadd.s32 $0xFFFFFF80, s19;
	v35 =	vld [tilespmem:s23+$0x10160]  }
0x346: {  	s29 =	sand.u32 $0x300, s30;
	v36 =	vld [tilespmem:s23+$0x4170]  }
0x347: {  	v37 =	vld [tilespmem:s23+$0x10170];
	s17 =	sor.u32 s25, s29  }
0x348: {  	v38 =	vld [tilespmem:s17+$0x4100]  }
0x349: {  	v39 =	vld [tilespmem:s17+$0x10100]  }
0x34a: {  	v40 =	vld [tilespmem:s17+$0x4110]  }
0x34b: {  	v41 =	vld [tilespmem:s17+$0x10110]  }
0x34c: {  	v42 =	vld [tilespmem:s17+$0x4120]  }
0x34d: {  	v43 =	vld [tilespmem:s17+$0x10120]  }
0x34e: {  	v44 =	vld [tilespmem:s17+$0x4130]  }
0x34f: {  	v45 =	vld [tilespmem:s17+$0x10130]  }
0x350: {  	v46 =	vld [tilespmem:s17+$0x4140]  }
0x351: {  	v47 =	vld [tilespmem:s17+$0x10140]  }
0x352: {  	v48 =	vld [tilespmem:s17+$0x4150]  }
0x353: {  	v49 =	vld [tilespmem:s17+$0x10150]  }
0x354: {  	v50 =	vld [tilespmem:s17+$0x4160]  }
0x355: {  	v51 =	vld [tilespmem:s17+$0x10160]  }
0x356: {  	v52 =	vld [tilespmem:s17+$0x4170]  }
0x357: {  	v27 =	vld [tilespmem:s17+$0x10170];
	v0 =	vmul.f32 v0, v5;
	v1 =	vmul.f32 v1, v6  }
0x358: {  	v29 =	vld [tilespmem:s17+$0x4500];
	v2 =	vmul.f32 v58, v5;
	v25 =	vmul.f32 v59, v6  }
0x359: {  	v30 =	vld [tilespmem:s17+$0x10500];
	v57 =	vmul.f32 v60, v5;
	v58 =	vmul.f32 v61, v6  }
0x35a: {  	v31 =	vld [tilespmem:s17+$0x4510];
	v59 =	vmul.f32 v62, v5;
	v60 =	vmul.f32 v63, v6  }
0x35b: {  	v32 =	vld [tilespmem:s17+$0x10510];
	v62 =	vmul.f32 v12, v5;
	v63 =	vmul.f32 v13, v6;
	v0 =	vadd.f32 v1, v0  }
0x35c: {  	v33 =	vld [tilespmem:s17+$0x4520];
	v10 =	vmul.f32 v14, v5;
	v11 =	vmul.f32 v15, v6;
	v2 =	vadd.f32 v25, v2  }
0x35d: {  	v34 =	vld [tilespmem:s17+$0x10520];
	v13 =	vmul.f32 v56, v5;
	v14 =	vmul.f32 v35, v6;
	v61 =	vadd.f32 v58, v57;
	[tilespmem:s23+$0x4100] =	vst v0  }
0x35e: {  	v53 =	vmul.f32 v36, v5;
	v54 =	vmul.f32 v37, v6;
	v35 =	vld [tilespmem:s17+$0x4530];
	v9 =	vadd.f32 v60, v59;
	[tilespmem:s23+$0x4110] =	vst v2  }
0x35f: {  	v36 =	vld [tilespmem:s17+$0x10530];
	v56 =	vmul.f32 v38, v7;
	v12 =	vadd.f32 v63, v62;
	v57 =	vmul.f32 v39, v8;
	[tilespmem:s23+$0x4120] =	vst v61  }
0x360: {  	v37 =	vld [tilespmem:s17+$0x4540];
	v15 =	vadd.f32 v11, v10;
	v59 =	vmul.f32 v40, v7;
	v60 =	vmul.f32 v41, v8;
	[tilespmem:s23+$0x4130] =	vst v9  }
0x361: {  	v38 =	vld [tilespmem:s17+$0x10540];
	v55 =	vadd.f32 v14, v13;
	v62 =	vmul.f32 v42, v7;
	v63 =	vmul.f32 v43, v8;
	[tilespmem:s23+$0x4140] =	vst v12  }
0x362: {  	v58 =	vadd.f32 v54, v53;
	v10 =	vmul.f32 v44, v7;
	v13 =	vmul.f32 v46, v7;
	v46 =	vld [tilespmem:s17+$0x4550];
	[tilespmem:s23+$0x4150] =	vst v15  }
0x363: {  	v44 =	vmul.f32 v48, v7;
	v48 =	vmul.f32 v50, v7;
	v50 =	vld [tilespmem:s17+$0x10550];
	[tilespmem:s23+$0x4160] =	vst v55;
	v61 =	vadd.f32 v57, v56  }
0x364: {  	v52 =	vmul.f32 v52, v7;
	v11 =	vmul.f32 v45, v8;
	v53 =	vld [tilespmem:s17+$0x4560];
	[tilespmem:s23+$0x4170] =	vst v58;
	v9 =	vadd.f32 v60, v59  }
0x365: {  	v27 =	vmul.f32 v27, v8;
	v14 =	vmul.f32 v47, v8;
	v12 =	vadd.f32 v63, v62;
	v57 =	vld [tilespmem:s17+$0x10560];
	[tilespmem:s17+$0x4100] =	vst v61  }
0x366: {  	s28 =	sor.u32 s28, s24;
	v45 =	vmul.f32 v49, v8;
	v15 =	vadd.f32 v11, v10;
	v10 =	vld [tilespmem:s17+$0x10570];
	[tilespmem:s17+$0x4110] =	vst v9  }
0x367: {  	v49 =	vmul.f32 v51, v8;
	v47 =	vadd.f32 v14, v13;
	v58 =	vadd.f32 v27, v52;
	v27 =	vld [tilespmem:s28+$0x4100];
	[tilespmem:s17+$0x4120] =	vst v12  }
0x368: {  	v51 =	vadd.f32 v45, v44;
	v28 =	vld [tilespmem:s28+$0x10100];
	[tilespmem:s17+$0x4130] =	vst v15  }
0x369: {  	v54 =	vadd.f32 v49, v48;
	v55 =	vmul.f32 v29, v7;
	v56 =	vmul.f32 v30, v8;
	v29 =	vld [tilespmem:s28+$0x4110];
	[tilespmem:s17+$0x4140] =	vst v47  }
0x36a: {  	v59 =	vmul.f32 v31, v7;
	v60 =	vmul.f32 v32, v8;
	v30 =	vld [tilespmem:s28+$0x10110];
	[tilespmem:s17+$0x4150] =	vst v51  }
0x36b: {  	v63 =	vmul.f32 v33, v7;
	v61 =	vld [tilespmem:s17+$0x4570];
	[tilespmem:s17+$0x4160] =	vst v54;
	v62 =	vadd.f32 v56, v55;
	v9 =	vmul.f32 v34, v8  }
0x36c: {  	v13 =	vmul.f32 v36, v8;
	v31 =	vld [tilespmem:s28+$0x4120];
	[tilespmem:s17+$0x4170] =	vst v58;
	v11 =	vadd.f32 v60, v59;
	v12 =	vmul.f32 v35, v7  }
0x36d: {  	v33 =	vld [tilespmem:s28+$0x10120];
	v15 =	vmul.f32 v37, v7;
	v36 =	vmul.f32 v38, v8;
	[tilespmem:s17+$0x4500] =	vst v62;
	v14 =	vadd.f32 v9, v63  }
0x36e: {  	v32 =	vld [tilespmem:s28+$0x4130];
	v38 =	vmul.f32 v46, v7;
	v39 =	vmul.f32 v50, v8;
	[tilespmem:s17+$0x4510] =	vst v11;
	v37 =	vadd.f32 v13, v12  }
0x36f: {  	v34 =	vld [tilespmem:s28+$0x10130];
	v41 =	vmul.f32 v53, v7;
	v40 =	vadd.f32 v36, v15;
	v42 =	vmul.f32 v57, v8;
	[tilespmem:s17+$0x4520] =	vst v14  }
0x370: {  	s30 =	sor.u32 s29, s22;
	v35 =	vld [tilespmem:s28+$0x4140];
	v43 =	vadd.f32 v39, v38;
	v45 =	vmul.f32 v10, v8;
	[tilespmem:s17+$0x4530] =	vst v37;
	v44 =	vmul.f32 v61, v7  }
0x371: {  	[tilespmem:s17+$0x4540] =	vst v40;
	v46 =	vadd.f32 v42, v41;
	v48 =	vld [tilespmem:s30+$0x4100]  }
0x372: {  	[tilespmem:s17+$0x4550] =	vst v43;
	v49 =	vld [tilespmem:s30+$0x4110];
	v47 =	vadd.f32 v45, v44  }
0x373: {  	v51 =	vld [tilespmem:s30+$0x4120];
	[tilespmem:s17+$0x4560] =	vst v46  }
0x374: {  	v53 =	vld [tilespmem:s30+$0x4130];
	[tilespmem:s17+$0x4570] =	vst v47  }
0x375: {  	v1 =	vld [tilespmem:s30+$0x10100]  }
0x376: {  	v50 =	vld [tilespmem:s30+$0x10110]  }
0x377: {  	v52 =	vld [tilespmem:s30+$0x10120]  }
0x378: {  	v54 =	vld [tilespmem:s30+$0x10130]  }
0x379: {  	v55 =	vld [tilespmem:s30+$0x4140]  }
0x37a: {  	v56 =	vld [tilespmem:s30+$0x10140]  }
0x37b: {  	v57 =	vld [tilespmem:s30+$0x4150]  }
0x37c: {  	v58 =	vld [tilespmem:s30+$0x10150]  }
0x37d: {  	v59 =	vld [tilespmem:s30+$0x4160]  }
0x37e: {  	v0 =	vmul.f32 v48, v7;
	v60 =	vld [tilespmem:s30+$0x10160];
	v1 =	vmul.f32 v1, v8  }
0x37f: {  	v2 =	vmul.f32 v49, v7;
	v61 =	vld [tilespmem:s30+$0x4170];
	v25 =	vmul.f32 v50, v8  }
0x380: {  	v9 =	vld [tilespmem:s30+$0x10170];
	v62 =	vmul.f32 v51, v7;
	v63 =	vmul.f32 v52, v8;
	v0 =	vadd.f32 v1, v0  }
0x381: {  	v36 =	vld [tilespmem:s28+$0x10140];
	v10 =	vmul.f32 v53, v7;
	v11 =	vmul.f32 v54, v8;
	v2 =	vadd.f32 v25, v2  }
0x382: {  	v38 =	vld [tilespmem:s28+$0x10150];
	v13 =	vmul.f32 v55, v7;
	v14 =	vmul.f32 v56, v8;
	v12 =	vadd.f32 v63, v62;
	[tilespmem:s30+$0x4100] =	vst v0  }
0x383: {  	v39 =	vld [tilespmem:s28+$0x4160];
	v46 =	vmul.f32 v57, v7;
	v47 =	vmul.f32 v58, v8;
	v15 =	vadd.f32 v11, v10;
	[tilespmem:s30+$0x4110] =	vst v2  }
0x384: {  	v37 =	vld [tilespmem:s28+$0x4150];
	v49 =	vmul.f32 v59, v7;
	v50 =	vmul.f32 v60, v8;
	v48 =	vadd.f32 v14, v13;
	[tilespmem:s30+$0x4120] =	vst v12  }
0x385: {  	v40 =	vld [tilespmem:s28+$0x4170];
	v52 =	vmul.f32 v61, v7;
	v53 =	vmul.f32 v9, v8;
	v51 =	vadd.f32 v47, v46;
	[tilespmem:s30+$0x4130] =	vst v15  }
0x386: {  	v41 =	vld [tilespmem:s28+$0x10160];
	v54 =	vadd.f32 v50, v49;
	[tilespmem:s30+$0x4140] =	vst v48  }
0x387: {  	v42 =	vld [tilespmem:s28+$0x10170];
	v55 =	vadd.f32 v53, v52;
	[tilespmem:s30+$0x4150] =	vst v51  }
0x388: {  	s23 =	sor.u32 s29, s21;
	v25 =	vld [tilespmem:s18+$0x0];
	[tilespmem:s30+$0x4160] =	vst v54  }
0x389: {  	[tilespmem:s30+$0x4170] =	vst v55;
	v0 =	vld [tilespmem:s23+$0x4100]  }
0x38a: {  	v1 =	vld [tilespmem:s23+$0x10100]  }
0x38b: {  	v2 =	vld [tilespmem:s23+$0x4110]  }
0x38c: {  	v43 =	vld [tilespmem:s23+$0x10110]  }
0x38d: {  	v44 =	vld [tilespmem:s23+$0x4120]  }
0x38e: {  	v45 =	vld [tilespmem:s23+$0x10120]  }
0x38f: {  	v46 =	vld [tilespmem:s23+$0x4130]  }
0x390: {  	v47 =	vld [tilespmem:s23+$0x10130]  }
0x391: {  	v48 =	vld [tilespmem:s23+$0x4140]  }
0x392: {  	v49 =	vld [tilespmem:s23+$0x10140]  }
0x393: {  	v50 =	vld [tilespmem:s23+$0x4150]  }
0x394: {  	v51 =	vld [tilespmem:s23+$0x10150]  }
0x395: {  	v52 =	vld [tilespmem:s23+$0x4160]  }
0x396: {  	v53 =	vld [tilespmem:s23+$0x10160]  }
0x397: {  	s30 =	sand.u32 $0x380, s19;
	v54 =	vld [tilespmem:s23+$0x4170]  }
0x398: {  	v55 =	vld [tilespmem:s23+$0x10170];
	s17 =	sor.u32 s25, s30  }
0x399: {  	v56 =	vld [tilespmem:s17+$0x4100]  }
0x39a: {  	v57 =	vld [tilespmem:s17+$0x10100]  }
0x39b: {  	v58 =	vld [tilespmem:s17+$0x4110]  }
0x39c: {  	v59 =	vld [tilespmem:s17+$0x10110]  }
0x39d: {  	v60 =	vld [tilespmem:s17+$0x4120]  }
0x39e: {  	v61 =	vld [tilespmem:s17+$0x10120]  }
0x39f: {  	v62 =	vld [tilespmem:s17+$0x4130]  }
0x3a0: {  	v63 =	vld [tilespmem:s17+$0x10130]  }
0x3a1: {  	v9 =	vld [tilespmem:s17+$0x4140]  }
0x3a2: {  	v10 =	vld [tilespmem:s17+$0x10140]  }
0x3a3: {  	v11 =	vld [tilespmem:s17+$0x4150]  }
0x3a4: {  	v12 =	vld [tilespmem:s17+$0x10150]  }
0x3a5: {  	v15 =	vld [tilespmem:s17+$0x4160];
	v0 =	vmul.f32 v0, v7;
	v1 =	vmul.f32 v1, v8  }
0x3a6: {  	v13 =	vld [tilespmem:s17+$0x10160];
	v2 =	vmul.f32 v2, v7;
	v43 =	vmul.f32 v43, v8  }
0x3a7: {  	v14 =	vld [tilespmem:s17+$0x4170];
	v60 =	vmul.f32 v60, v25;
	v61 =	vmul.f32 v61, v26;
	v0 =	vadd.f32 v1, v0  }
0x3a8: {  	v1 =	vmul.f32 v44, v7;
	v44 =	vmul.f32 v45, v8;
	v45 =	vld [tilespmem:s17+$0x10170];
	v2 =	vadd.f32 v43, v2  }
0x3a9: {  	v43 =	vmul.f32 v46, v7;
	v46 =	vmul.f32 v47, v8;
	v47 =	vld [tilespmem:s17+$0x4500];
	v60 =	vadd.f32 v61, v60  }
0x3aa: {  	[tilespmem:s23+$0x4100] =	vst v0;
	v0 =	vadd.f32 v44, v1;
	v1 =	vmul.f32 v48, v7;
	v44 =	vmul.f32 v49, v8;
	v48 =	vld [tilespmem:s17+$0x10500]  }
0x3ab: {  	[tilespmem:s23+$0x4110] =	vst v2;
	v2 =	vadd.f32 v46, v43;
	v43 =	vmul.f32 v50, v7;
	v46 =	vmul.f32 v51, v8;
	v49 =	vld [tilespmem:s17+$0x4510]  }
0x3ac: {  	v50 =	vld [tilespmem:s17+$0x10510];
	[tilespmem:s23+$0x4120] =	vst v0;
	v0 =	vadd.f32 v44, v1;
	v1 =	vmul.f32 v52, v7;
	v44 =	vmul.f32 v53, v8  }
0x3ad: {  	v51 =	vld [tilespmem:s17+$0x4520];
	[tilespmem:s23+$0x4130] =	vst v2;
	v2 =	vadd.f32 v46, v43;
	v43 =	vmul.f32 v54, v7;
	v46 =	vmul.f32 v55, v8  }
0x3ae: {  	v52 =	vld [tilespmem:s17+$0x10520];
	[tilespmem:s23+$0x4140] =	vst v0;
	v0 =	vadd.f32 v44, v1;
	v1 =	vmul.f32 v56, v25;
	v56 =	vmul.f32 v57, v26  }
0x3af: {  	v58 =	vmul.f32 v58, v25;
	v59 =	vmul.f32 v59, v26;
	[tilespmem:s17+$0x4120] =	vst v60;
	v53 =	vld [tilespmem:s17+$0x4530];
	v57 =	vadd.f32 v46, v43  }
0x3b0: {  	v11 =	vmul.f32 v11, v25;
	v54 =	vld [tilespmem:s17+$0x10530];
	[tilespmem:s23+$0x4160] =	vst v0;
	v0 =	vadd.f32 v56, v1  }
0x3b1: {  	v55 =	vld [tilespmem:s17+$0x4540];
	[tilespmem:s23+$0x4170] =	vst v57;
	v57 =	vadd.f32 v59, v58;
	v58 =	vmul.f32 v62, v25;
	v59 =	vmul.f32 v63, v26  }
0x3b2: {  	v61 =	vmul.f32 v9, v25;
	[tilespmem:s23+$0x4150] =	vst v2;
	v43 =	vld [tilespmem:s17+$0x10550];
	v62 =	vmul.f32 v10, v26  }
0x3b3: {  	v12 =	vmul.f32 v12, v26;
	v46 =	vmul.f32 v15, v25;
	v15 =	vld [tilespmem:s17+$0x4570];
	[tilespmem:s17+$0x4100] =	vst v0;
	v63 =	vadd.f32 v59, v58  }
0x3b4: {  	v10 =	vld [tilespmem:s17+$0x4550];
	v56 =	vmul.f32 v13, v26;
	[tilespmem:s17+$0x4110] =	vst v57;
	v44 =	vadd.f32 v62, v61  }
0x3b5: {  	v13 =	vld [tilespmem:s17+$0x4560];
	v57 =	vadd.f32 v12, v11;
	v58 =	vmul.f32 v14, v25;
	v59 =	vmul.f32 v45, v26;
	[tilespmem:s17+$0x4130] =	vst v63  }
0x3b6: {  	v14 =	vld [tilespmem:s17+$0x10560];
	v60 =	vadd.f32 v56, v46;
	v61 =	vmul.f32 v47, v25;
	v62 =	vmul.f32 v48, v26;
	[tilespmem:s17+$0x4140] =	vst v44  }
0x3b7: {  	v48 =	vmul.f32 v49, v25;
	v49 =	vmul.f32 v50, v26;
	[tilespmem:s17+$0x4150] =	vst v57;
	v63 =	vadd.f32 v59, v58;
	v44 =	vld [tilespmem:s17+$0x10570]  }
0x3b8: {  	s25 =	sor.u32 s29, s20;
	v56 =	vmul.f32 v51, v25;
	[tilespmem:s17+$0x4160] =	vst v60;
	v50 =	vadd.f32 v62, v61;
	v57 =	vmul.f32 v52, v26;
	v58 =	vld [tilespmem:s17+$0x10540]  }
0x3b9: {  	v1 =	vld [tilespmem:s25+$0x4130];
	v59 =	vadd.f32 v49, v48;
	v60 =	vmul.f32 v53, v25;
	v61 =	vmul.f32 v54, v26;
	[tilespmem:s17+$0x4170] =	vst v63  }
0x3ba: {  	v9 =	vld [tilespmem:s25+$0x10130];
	v48 =	vmul.f32 v43, v26;
	[tilespmem:s17+$0x4500] =	vst v50;
	v62 =	vadd.f32 v57, v56;
	v63 =	vmul.f32 v10, v25  }
0x3bb: {  	v46 =	vld [tilespmem:s25+$0x4100];
	[tilespmem:s17+$0x4510] =	vst v59;
	v49 =	vadd.f32 v61, v60;
	v50 =	vmul.f32 v13, v25;
	v51 =	vmul.f32 v14, v26  }
0x3bc: {  	v47 =	vld [tilespmem:s25+$0x10100];
	v53 =	vmul.f32 v15, v25;
	[tilespmem:s17+$0x4520] =	vst v62;
	v52 =	vadd.f32 v48, v63;
	v54 =	vmul.f32 v44, v26  }
0x3bd: {  	v12 =	vld [tilespmem:s25+$0x10120];
	v56 =	vmul.f32 v55, v25;
	[tilespmem:s17+$0x4530] =	vst v49;
	v57 =	vmul.f32 v58, v26;
	v11 =	vadd.f32 v51, v50  }
0x3be: {  	v43 =	vld [tilespmem:s25+$0x4170];
	[tilespmem:s17+$0x4550] =	vst v52;
	v58 =	vadd.f32 v54, v53  }
0x3bf: {  	v10 =	vld [tilespmem:s25+$0x4110];
	v2 =	vadd.f32 v57, v56;
	[tilespmem:s17+$0x4560] =	vst v11  }
0x3c0: {  	s22 =	sor.u32 s30, s22;
	v13 =	vld [tilespmem:s25+$0x10110];
	[tilespmem:s17+$0x4570] =	vst v58  }
0x3c1: {  	[tilespmem:s17+$0x4540] =	vst v2;
	v0 =	vld [tilespmem:s22+$0x4100]  }
0x3c2: {  	v2 =	vld [tilespmem:s22+$0x10100]  }
0x3c3: {  	v11 =	vld [tilespmem:s22+$0x4110]  }
0x3c4: {  	v15 =	vld [tilespmem:s22+$0x10110]  }
0x3c5: {  	v59 =	vld [tilespmem:s22+$0x4120]  }
0x3c6: {  	v60 =	vld [tilespmem:s22+$0x10120]  }
0x3c7: {  	v45 =	vld [tilespmem:s22+$0x4130]  }
0x3c8: {  	v61 =	vld [tilespmem:s22+$0x10130]  }
0x3c9: {  	v49 =	vld [tilespmem:s22+$0x4140]  }
0x3ca: {  	v62 =	vld [tilespmem:s22+$0x4150]  }
0x3cb: {  	v63 =	vld [tilespmem:s22+$0x10150]  }
0x3cc: {  	v57 =	vld [tilespmem:s22+$0x4160]  }
0x3cd: {  	v58 =	vld [tilespmem:s22+$0x10160]  }
0x3ce: {  	v54 =	vld [tilespmem:s22+$0x4170];
	v0 =	vmul.f32 v0, v25;
	v2 =	vmul.f32 v2, v26  }
0x3cf: {  	v55 =	vld [tilespmem:s22+$0x10170];
	v11 =	vmul.f32 v11, v25;
	v15 =	vmul.f32 v15, v26  }
0x3d0: {  	v44 =	vld [tilespmem:s22+$0x10140];
	v59 =	vmul.f32 v59, v25;
	v60 =	vmul.f32 v60, v26;
	v0 =	vadd.f32 v2, v0  }
0x3d1: {  	v14 =	vld [tilespmem:s25+$0x4120];
	v45 =	vmul.f32 v45, v25;
	v48 =	vmul.f32 v61, v26;
	v11 =	vadd.f32 v15, v11  }
0x3d2: {  	v51 =	vld [tilespmem:s25+$0x4150];
	v61 =	vmul.f32 v62, v25;
	v62 =	vmul.f32 v63, v26;
	v2 =	vadd.f32 v60, v59;
	[tilespmem:s22+$0x4100] =	vst v0  }
0x3d3: {  	v52 =	vld [tilespmem:s25+$0x10150];
	v56 =	vmul.f32 v57, v25;
	v57 =	vmul.f32 v58, v26;
	v63 =	vadd.f32 v48, v45;
	[tilespmem:s22+$0x4110] =	vst v11  }
0x3d4: {  	v15 =	vld [tilespmem:s25+$0x4140];
	v58 =	vadd.f32 v62, v61;
	v59 =	vmul.f32 v54, v25;
	v60 =	vmul.f32 v55, v26;
	[tilespmem:s22+$0x4120] =	vst v2  }
0x3d5: {  	v44 =	vmul.f32 v44, v26;
	v61 =	vld [tilespmem:s25+$0x4160];
	v62 =	vmul.f32 v49, v25;
	v45 =	vadd.f32 v57, v56;
	[tilespmem:s22+$0x4130] =	vst v63  }
0x3d6: {  	v57 =	vld [tilespmem:s25+$0x10170];
	[tilespmem:s22+$0x4150] =	vst v58;
	v56 =	vadd.f32 v60, v59  }
0x3d7: {  	v0 =	vld [tilespmem:s25+$0x10140];
	v11 =	vadd.f32 v44, v62;
	[tilespmem:s22+$0x4160] =	vst v45  }
0x3d8: {  	s23 =	sor.u32 s30, s21;
	v63 =	vld [tilespmem:s25+$0x10160];
	[tilespmem:s22+$0x4170] =	vst v56  }
0x3d9: {  	[tilespmem:s22+$0x4140] =	vst v11;
	v2 =	vld [tilespmem:s23+$0x4100]  }
0x3da: {  	v11 =	vld [tilespmem:s23+$0x10100]  }
0x3db: {  	v45 =	vld [tilespmem:s23+$0x4110]  }
0x3dc: {  	v49 =	vld [tilespmem:s23+$0x10110]  }
0x3dd: {  	v1 =	vmul.f32 v1, v7;
	v9 =	vmul.f32 v9, v8;
	v50 =	vld [tilespmem:s23+$0x4120]  }
0x3de: {  	v46 =	vmul.f32 v46, v7;
	v47 =	vmul.f32 v47, v8;
	v54 =	vld [tilespmem:s23+$0x10120]  }
0x3df: {  	v10 =	vmul.f32 v10, v7;
	v13 =	vmul.f32 v13, v8;
	v55 =	vld [tilespmem:s23+$0x4130]  }
0x3e0: {  	v12 =	vmul.f32 v12, v8;
	v1 =	vadd.f32 v9, v1;
	v46 =	vadd.f32 v47, v46;
	v47 =	vld [tilespmem:s23+$0x10130]  }
0x3e1: {  	v14 =	vmul.f32 v14, v7;
	v10 =	vadd.f32 v13, v10;
	v59 =	vmul.f32 v51, v7;
	v13 =	vld [tilespmem:s23+$0x4140]  }
0x3e2: {  	[tilespmem:s25+$0x4130] =	vst v1;
	v60 =	vmul.f32 v52, v8;
	v58 =	vmul.f32 v15, v7;
	v15 =	vld [tilespmem:s23+$0x4150]  }
0x3e3: {  	[tilespmem:s25+$0x4100] =	vst v46;
	v12 =	vadd.f32 v12, v14;
	v46 =	vld [tilespmem:s23+$0x10150];
	v0 =	vmul.f32 v0, v8  }
0x3e4: {  	[tilespmem:s25+$0x4110] =	vst v10;
	v61 =	vmul.f32 v61, v7;
	v48 =	vld [tilespmem:s23+$0x4160];
	v62 =	vmul.f32 v63, v8;
	v63 =	vadd.f32 v60, v59  }
0x3e5: {  	v43 =	vmul.f32 v43, v7;
	[tilespmem:s25+$0x4120] =	vst v12;
	v56 =	vmul.f32 v57, v8;
	v51 =	vld [tilespmem:s23+$0x10160];
	v0 =	vadd.f32 v0, v58  }
0x3e6: {  	v12 =	vld [tilespmem:s23+$0x4170];
	v57 =	vadd.f32 v62, v61;
	[tilespmem:s25+$0x4150] =	vst v63  }
0x3e7: {  	s29 =	sor.u32 s29, s24;
	v14 =	vld [tilespmem:s23+$0x10170];
	v58 =	vadd.f32 v56, v43;
	[tilespmem:s25+$0x4140] =	vst v0  }
0x3e8: {  	v43 =	vld [tilespmem:s29+$0x4100];
	[tilespmem:s25+$0x4160] =	vst v57  }
0x3e9: {  	v60 =	vmul.f32 v49, v26;
	v49 =	vld [tilespmem:s23+$0x10140];
	[tilespmem:s25+$0x4170] =	vst v58  }
0x3ea: {  	v2 =	vmul.f32 v2, v25;
	v11 =	vmul.f32 v11, v26;
	v44 =	vld [tilespmem:s29+$0x10100]  }
0x3eb: {  	v59 =	vmul.f32 v45, v25;
	v62 =	vmul.f32 v50, v25;
	v45 =	vld [tilespmem:s29+$0x4110]  }
0x3ec: {  	v63 =	vmul.f32 v54, v26;
	v57 =	vmul.f32 v46, v26;
	v46 =	vld [tilespmem:s29+$0x10110]  }
0x3ed: {  	v53 =	vmul.f32 v55, v25;
	v54 =	vmul.f32 v47, v26;
	v47 =	vld [tilespmem:s29+$0x4120]  }
0x3ee: {  	v52 =	vadd.f32 v60, v59;
	v55 =	vadd.f32 v63, v62;
	v59 =	vmul.f32 v48, v25;
	v48 =	vld [tilespmem:s29+$0x4130]  }
0x3ef: {  	v56 =	vmul.f32 v15, v25;
	v61 =	vadd.f32 v11, v2;
	v50 =	vld [tilespmem:s29+$0x10130]  }
0x3f0: {  	[tilespmem:s23+$0x4120] =	vst v55;
	v55 =	vld [tilespmem:$0x1FEF0]  }
0x3f1: {  	v58 =	vadd.f32 v54, v53;
	[tilespmem:s23+$0x4100] =	vst v61;
	v61 =	vadd.f32 v57, v56;
	v56 =	vld [tilespmem:$0x1FF00]  }
0x3f2: {  	v60 =	vmul.f32 v51, v26;
	v57 =	vld [tilespmem:$0x1FF10]  }
0x3f3: {  	v62 =	vmul.f32 v12, v25;
	v63 =	vmul.f32 v14, v26;
	[tilespmem:s23+$0x4130] =	vst v58;
	v58 =	vld [tilespmem:$0x1FF20]  }
0x3f4: {  	[tilespmem:s23+$0x4110] =	vst v52;
	v52 =	vmul.f32 v13, v25;
	v9 =	vadd.f32 v60, v59;
	v59 =	vld [tilespmem:$0x1FF30];
	v53 =	vmul.f32 v49, v26  }
0x3f5: {  	v54 =	vadd.f32 v63, v62;
	v60 =	vld [tilespmem:$0x1FF40];
	[tilespmem:s23+$0x4150] =	vst v61  }
0x3f6: {  	v49 =	vld [tilespmem:s29+$0x10120];
	[tilespmem:s23+$0x4160] =	vst v9;
	v1 =	vadd.f32 v53, v52  }
0x3f7: {  	s20 =	sor.u32 s30, s20;
	[tilespmem:s23+$0x4170] =	vst v54;
	v61 =	vld [tilespmem:$0x1FF50]  }
0x3f8: {  	v0 =	vld [tilespmem:s20+$0x4100];
	[tilespmem:s23+$0x4140] =	vst v1  }
0x3f9: {  	v1 =	vld [tilespmem:s20+$0x10100]  }
0x3fa: {  	v16 =	vmul.f32 v16, v4;
	v2 =	vld [tilespmem:s20+$0x4110]  }
0x3fb: {  	v63 =	vmul.f32 v17, v3;
	v43 =	vmul.f32 v43, v7;
	v9 =	vld [tilespmem:s20+$0x10110]  }
0x3fc: {  	v44 =	vmul.f32 v44, v8;
	v11 =	vmul.f32 v55, v3;
	v10 =	vld [tilespmem:s20+$0x4120]  }
0x3fd: {  	v12 =	vmul.f32 v56, v4;
	v14 =	vmul.f32 v57, v3;
	v13 =	vld [tilespmem:s20+$0x10120]  }
0x3fe: {  	v15 =	vmul.f32 v58, v4;
	v52 =	vmul.f32 v60, v4;
	v51 =	vld [tilespmem:s20+$0x4130]  }
0x3ff: {  	v56 =	vmul.f32 v19, v3;
	v57 =	vmul.f32 v20, v4;
	v53 =	vld [tilespmem:s20+$0x10130];
	v11 =	vadd.f32 v12, v11  }
0x400: {  	v60 =	vmul.f32 v23, v4;
	v54 =	vld [tilespmem:s20+$0x4140];
	v12 =	vmul.f32 v59, v3;
	v14 =	vadd.f32 v15, v14  }
0x401: {  	v19 =	vld [tilespmem:s20+$0x10150];
	v15 =	vmul.f32 v61, v3;
	v59 =	vmul.f32 v21, v3;
	v61 =	vadd.f32 v57, v56;
	[tilespmem:s26+$0x4100] =	vst v11  }
0x402: {  	v20 =	vld [tilespmem:s20+$0x4160];
	v3 =	vmul.f32 v22, v3;
	v62 =	vadd.f32 v52, v12;
	v52 =	vmul.f32 v18, v4;
	[tilespmem:s26+$0x4110] =	vst v14  }
0x403: {  	v22 =	vld [tilespmem:s20+$0x10170];
	v0 =	vmul.f32 v0, v25;
	v55 =	vadd.f32 v16, v15;
	v4 =	vmul.f32 v24, v4;
	[tilespmem:s26+$0x4150] =	vst v61  }
0x404: {  	v18 =	vld [tilespmem:s20+$0x4150];
	[tilespmem:s26+$0x4120] =	vst v62;
	v58 =	vadd.f32 v52, v63;
	v1 =	vmul.f32 v1, v26;
	v2 =	vmul.f32 v2, v25  }
0x405: {  	v15 =	vld [tilespmem:s20+$0x10160];
	[tilespmem:s26+$0x4130] =	vst v55;
	v62 =	vadd.f32 v60, v59;
	v21 =	vmul.f32 v9, v26;
	v23 =	vmul.f32 v10, v25  }
0x406: {  	v63 =	vld [tilespmem:s20+$0x4170];
	v3 =	vadd.f32 v4, v3;
	v24 =	vmul.f32 v13, v26;
	v55 =	vmul.f32 v51, v25;
	[tilespmem:s26+$0x4140] =	vst v58  }
0x407: {  	v52 =	vld [tilespmem:s20+$0x10140];
	v56 =	vmul.f32 v53, v26;
	v59 =	vmul.f32 v19, v26;
	[tilespmem:s26+$0x4160] =	vst v62;
	v0 =	vadd.f32 v1, v0  }
0x408: {  	v4 =	vld [tilespmem:s29+$0x4150];
	v61 =	vmul.f32 v20, v25;
	v20 =	vmul.f32 v54, v25;
	[tilespmem:s26+$0x4170] =	vst v3;
	v2 =	vadd.f32 v21, v2  }
0x409: {  	v10 =	vld [tilespmem:s29+$0x10150];
	v9 =	vmul.f32 v22, v26;
	v57 =	vadd.f32 v24, v23;
	v58 =	vmul.f32 v18, v25;
	[tilespmem:s20+$0x4100] =	vst v0  }
0x40a: {  	v13 =	vld [tilespmem:s29+$0x4160];
	v22 =	vmul.f32 v28, v6;
	v60 =	vadd.f32 v56, v55;
	v15 =	vmul.f32 v15, v26;
	[tilespmem:s20+$0x4110] =	vst v2  }
0x40b: {  	v28 =	vmul.f32 v33, v6;
	v3 =	vld [tilespmem:s29+$0x4140];
	[tilespmem:s20+$0x4120] =	vst v57;
	v62 =	vadd.f32 v59, v58;
	v12 =	vmul.f32 v63, v25  }
0x40c: {  	v33 =	vmul.f32 v36, v6;
	v1 =	vld [tilespmem:s29+$0x10140];
	[tilespmem:s20+$0x4130] =	vst v60;
	v63 =	vadd.f32 v15, v61;
	v11 =	vmul.f32 v52, v26  }
0x40d: {  	v36 =	vmul.f32 v38, v6;
	v38 =	vmul.f32 v39, v5;
	v2 =	vld [tilespmem:s29+$0x4170];
	[tilespmem:s20+$0x4150] =	vst v62;
	v9 =	vadd.f32 v9, v12  }
0x40e: {  	v39 =	vmul.f32 v41, v6;
	v21 =	vmul.f32 v27, v5;
	v12 =	vld [tilespmem:s29+$0x10160];
	v11 =	vadd.f32 v11, v20;
	[tilespmem:s20+$0x4160] =	vst v63  }
0x40f: {  	s30 =	sor.u32 s30, s24;
	v54 =	vadd.f32 v44, v43;
	v23 =	vmul.f32 v29, v5;
	v24 =	vmul.f32 v30, v6;
	[tilespmem:s20+$0x4170] =	vst v9;
	v9 =	vld [tilespmem:s29+$0x10170]  }
0x410: {  	v30 =	vmul.f32 v34, v6;
	v6 =	vmul.f32 v42, v6;
	v42 =	vadd.f32 v39, v38;
	[tilespmem:s20+$0x4140] =	vst v11;
	v11 =	vld [tilespmem:s30+$0x4100]  }
0x411: {  	v27 =	vmul.f32 v31, v5;
	[tilespmem:s29+$0x4100] =	vst v54;
	v0 =	vadd.f32 v22, v21;
	v19 =	vld [tilespmem:s30+$0x10100]  }
0x412: {  	v29 =	vmul.f32 v32, v5;
	v14 =	vadd.f32 v24, v23;
	[tilespmem:s28+$0x4160] =	vst v42;
	v20 =	vld [tilespmem:s30+$0x4110]  }
0x413: {  	v32 =	vmul.f32 v35, v5;
	v31 =	vadd.f32 v28, v27;
	[tilespmem:s28+$0x4100] =	vst v0;
	v21 =	vld [tilespmem:s30+$0x10110]  }
0x414: {  	v35 =	vmul.f32 v37, v5;
	v34 =	vadd.f32 v30, v29;
	[tilespmem:s28+$0x4110] =	vst v14;
	v16 =	vld [tilespmem:s30+$0x4120]  }
0x415: {  	v5 =	vmul.f32 v40, v5;
	v37 =	vadd.f32 v33, v32;
	[tilespmem:s28+$0x4120] =	vst v31;
	v18 =	vld [tilespmem:s30+$0x10120]  }
0x416: {  	v51 =	vmul.f32 v45, v7;
	v41 =	vadd.f32 v36, v35;
	v52 =	vmul.f32 v46, v8;
	[tilespmem:s28+$0x4130] =	vst v34;
	v53 =	vld [tilespmem:s30+$0x4130]  }
0x417: {  	v55 =	vmul.f32 v47, v7;
	v56 =	vmul.f32 v49, v8;
	v5 =	vadd.f32 v6, v5;
	[tilespmem:s28+$0x4140] =	vst v37;
	v57 =	vld [tilespmem:s30+$0x10130]  }
0x418: {  	v60 =	vmul.f32 v50, v8;
	v59 =	vmul.f32 v48, v7;
	[tilespmem:s28+$0x4150] =	vst v41;
	v58 =	vadd.f32 v52, v51;
	v61 =	vld [tilespmem:s30+$0x4140]  }
0x419: {  	v4 =	vmul.f32 v4, v7;
	v28 =	vmul.f32 v10, v8;
	[tilespmem:s28+$0x4170] =	vst v5;
	v62 =	vadd.f32 v56, v55;
	v63 =	vld [tilespmem:s30+$0x10140]  }
0x41a: {  	v3 =	vmul.f32 v3, v7;
	v1 =	vmul.f32 v1, v8;
	v27 =	vadd.f32 v60, v59;
	[tilespmem:s29+$0x4110] =	vst v58;
	v29 =	vld [tilespmem:s30+$0x4150]  }
0x41b: {  	v31 =	vmul.f32 v13, v7;
	v4 =	vadd.f32 v28, v4;
	[tilespmem:s29+$0x4120] =	vst v62;
	v33 =	vld [tilespmem:s30+$0x10150];
	v32 =	vmul.f32 v12, v8  }
0x41c: {  	v30 =	vadd.f32 v1, v3;
	[tilespmem:s29+$0x4130] =	vst v27;
	v2 =	vmul.f32 v2, v7;
	v35 =	vld [tilespmem:s30+$0x4160];
	v34 =	vmul.f32 v9, v8  }
0x41d: {  	[tilespmem:s29+$0x4150] =	vst v4;
	v39 =	vld [tilespmem:s30+$0x10160];
	v36 =	vadd.f32 v32, v31;
	v37 =	vmul.f32 v11, v25;
	v38 =	vmul.f32 v19, v26  }
0x41e: {  	v42 =	vld [tilespmem:s30+$0x4170];
	[tilespmem:s29+$0x4140] =	vst v30;
	v40 =	vmul.f32 v20, v25;
	v41 =	vmul.f32 v21, v26;
	v2 =	vadd.f32 v34, v2  }
0x41f: {  	v46 =	vld [tilespmem:s30+$0x10170];
	v44 =	vmul.f32 v16, v25;
	v45 =	vmul.f32 v18, v26;
	[tilespmem:s29+$0x4160] =	vst v36;
	v43 =	vadd.f32 v38, v37  }
0x420: {  	v48 =	vmul.f32 v53, v25;
	v49 =	vmul.f32 v57, v26;
	v47 =	vadd.f32 v41, v40;
	[tilespmem:s29+$0x4170] =	vst v2  }
0x421: {  	v51 =	vmul.f32 v61, v25;
	v52 =	vmul.f32 v63, v26;
	v50 =	vadd.f32 v45, v44;
	[tilespmem:s30+$0x4100] =	vst v43  }
0x422: {  	v54 =	vmul.f32 v29, v25;
	v55 =	vmul.f32 v33, v26;
	v53 =	vadd.f32 v49, v48;
	[tilespmem:s30+$0x4110] =	vst v47  }
0x423: {  	p0 =	slt.u32 s15, $0x3C;
	v57 =	vmul.f32 v35, v25;
	v58 =	vmul.f32 v39, v26;
	v56 =	vadd.f32 v52, v51;
	[tilespmem:s30+$0x4120] =	vst v50  }
.Ltmp1:
0x424: {  	v60 =	vmul.f32 v42, v25;
	v61 =	vmul.f32 v46, v26;
	v59 =	vadd.f32 v55, v54;
	[tilespmem:s30+$0x4130] =	vst v53;
	(pc) =	sbr.rel @p0 .LBB2_4-.Ltmp1, $4  }
0x425: {  	v62 =	vadd.f32 v58, v57;
	[tilespmem:s30+$0x4140] =	vst v56  }
0x426: {  	v63 =	vadd.f32 v61, v60;
	[tilespmem:s30+$0x4150] =	vst v59  }
0x427: {  	[tilespmem:s30+$0x4160] =	vst v62  }
0x428: {  	s16 =	sadd.s32 $0x200, s16;
	s18 =	sadd.s32 $0x200, s18;
	s19 =	sadd.s32 $0x200, s19;
	[tilespmem:s30+$0x4170] =	vst v63  }
0x429: {  	s16 =	simm.s32 $0xA100;
	s14 =	sadd.s32 $0x1, s14  }
0x42a: {  	[hbm4b:s11+s2] =	stream.linear.scatter [tilespmem:s16], [sflag:$0x4], $0x6000, $0x38;
	[tilespmem:$0x1C100] =	vst v63  }
0x42b: {  	p0 =	sne.s32 s14, s12;
	_ =	swait.ge [sflag:s13], $0x6000  }
.Ltmp2:
0x42c: {  	[sflag:s13] =	ssyncset.done $0x0;
	(pc) =	sbr.rel @p0 .LBB2_1-.Ltmp2, $4  }
0x42d: {  	[sflag:s13] =	ssyncadd.s32 $0xFFFFA000  }
0x42e: {  	_ =	swait.ge [sflag:s1], $0x6000  }
0x42f: {  	[sflag:s1] =	ssyncset.done $0x0  }
0x430: {  	[sflag:s1] =	ssyncadd.s32 $0xFFFFA000  }
0x431: {  	_ =	sfence.sel $0x180000  }
0x432: {  	[bflag:$0x0] =	sbarrier.arrive $0xFFFF  }
0x433: {  	_ =	strace $0x9000004A  }
0x434: {  	s0 =	stileid.u32;
	[bflag:$0x2] =	sbarrier.arrive $0xFFFF  }
0x435: {  	p0 =	sne.s32 s0, $0x0;
	s0 =	rddreg [dreg:$0x2]  }
0x436: {  	s0 =	sadd.s32 @!p0 $0x100000, s0  }
0x437: {  	[sflag:s0] =	ssyncadd.tile.s32 @!p0 $0x1;
	_ =	shalt  }
.Lfunc_end2:
_tile_overlayer_lowered:
.L_overlay_start_2:
0x438: {  	(tag) =	ssettag $0x2  }
0x439: {  	s0 =	rddreg [dreg:$0x0];
	s2 =	stileid.u32  }
0x43a: {  	s1 =	rddreg [dreg:$0x1];
	p0 =	sne.s32 s2, $0x0  }
0x43b: {  	s3 =	rddreg [dreg:$0x2];
	[bflag:$0x3] =	sbarrier.arrive $0xFFFF;
	s2 =	simm.s32 @!p0 $0x1C04  }
0x43c: {  	[timem:s3], [sflag:s2] =	dma.local @!p0 [hbm:s0], s1  }
0x43d: {  	s0 =	simm.s32 @!p0 $0x4  }
0x43e: {  	_ =	swait.ge @!p0 [sflag:s0], s1  }
0x43f: {  	s1 =	ssub.s32 @!p0 $0x0, s1;
	[sflag:s0] =	ssyncset.done @!p0 $0x0  }
0x440: {  	[sflag:s0] =	ssyncadd.s32 @!p0 s1  }
0x441: {  	[bflag:$0x3] =	sbarrier.arrive $0xFFFF  }
0x442: {  	_ =	shalt  }

</sc_bundles>
